<compile_context>
chip_gen: v7x
topology: tpu7x:2x2x1
jax: 0.10.2.dev20260603
libtpu: 0.0.44.dev20260713+nightly
codegen_flags: <defaults>
</compile_context>

<pallas_src>
import functools

import jax
import jax.numpy as jnp
from jax import lax
from jax.experimental import pallas as pl
from jax.experimental.pallas import tpu as pltpu
from jax.experimental.pallas import tpu_sc as plsc

_NC = 2
_NS = 16
_L = 16
_CH = 128


def _perm16(v, idx):
    dnums = lax.GatherDimensionNumbers(
        offset_dims=(), collapsed_slice_dims=(0,), start_index_map=(0,))
    return lax.gather(v, idx[:, None], dnums, (1,),
                      mode=lax.GatherScatterMode.PROMISE_IN_BOUNDS)


def _bsum16(v):
    idx = lax.iota(jnp.int32, _L)
    for k in (1, 2, 4, 8):
        v = v + _perm16(v, idx ^ k)
    return v


def _rsqrt16(v):
    i = lax.bitcast_convert_type(v, jnp.int32)
    y = lax.bitcast_convert_type(jnp.int32(0x5F3759DF) - (i >> 1),
                                 jnp.float32)
    for _ in range(3):
        y = y * (1.5 - 0.5 * v * y * y)
    return y


def _row_partition(N):
    rows = (N // _NS) & ~7
    rem = N - rows * _NS
    return rows, rem


def _edge_plan(E):
    NW = _NC * _NS
    ept = E // NW
    nfull = ept // _CH
    tail = ept - nfull * _CH
    return ept, nfull, tail


def _sc_edge_call(N, D, DE, E, src, dst, P, Q, C, ge, be):
    EPT, NFULL, TAIL = _edge_plan(E)
    ROWS, REM = _row_partition(N)

    mesh = plsc.VectorSubcoreMesh(core_axis_name="c", subcore_axis_name="s")

    scratch = [
        pltpu.VMEM((_CH,), jnp.int32),
        pltpu.VMEM((_CH,), jnp.int32),
        pltpu.VMEM((_CH, DE), jnp.float32),
        pltpu.VMEM((_CH, DE), jnp.float32),
        pltpu.VMEM((_CH, DE), jnp.float32),
        pltpu.VMEM((_CH, DE), jnp.float32),
        pltpu.VMEM((_CH, DE), jnp.float32),
        pltpu.VMEM((DE,), jnp.float32),
        pltpu.VMEM((DE,), jnp.float32),
        pltpu.VMEM_SHARED((N, DE), jnp.float32),
        pltpu.VMEM_SHARED((N, DE), jnp.float32),
        pltpu.SemaphoreType.DMA,
        pltpu.SemaphoreType.DMA,
        pltpu.SemaphoreType.DMA,
    ]
    if TAIL:
        scratch += [pltpu.VMEM((TAIL,), jnp.int32),
                    pltpu.VMEM((TAIL,), jnp.int32)]

    out_type = [
        jax.ShapeDtypeStruct((E, DE), jnp.float32),
        jax.ShapeDtypeStruct((_NC, N, DE), jnp.float32),
        jax.ShapeDtypeStruct((_NC, N, DE), jnp.float32),
    ]

    @functools.partial(
        pl.kernel, out_type=out_type, mesh=mesh, scratch_types=scratch,
        compiler_params=pltpu.CompilerParams(use_tc_tiling_on_sc=False))
    def body(src_hbm, dst_hbm, p_hbm, q_hbm, c_hbm, ge_hbm, be_hbm,
             eo_hbm, segE_hbm, cnt_hbm,
             srcv, dstv, bufP, bufQ, bufC, bufEO, onesv, gev, bev,
             sE, sC, s0, s1, s2, *tail_scratch):
        cid = lax.axis_index("c")
        sid = lax.axis_index("s")
        wid = sid * _NC + cid
        ebase0 = wid * EPT

        z16 = jnp.zeros((_L,), jnp.float32)
        one16 = jnp.full((_L,), 1.0, jnp.float32)

        def _zrow(i, carry):
            bufEO[i, :] = z16
            onesv[i, :] = one16
            return carry

        lax.fori_loop(0, _CH, _zrow, 0)
        pltpu.sync_copy(ge_hbm, gev)
        pltpu.sync_copy(be_hbm, bev)

        def _init_rows(base_r, nrows):
            off = 0
            while off < nrows:
                sz = min(_CH, nrows - off)
                zsrc = bufEO if sz == _CH else bufEO.at[pl.ds(0, sz)]
                pltpu.sync_copy(zsrc, sE.at[pl.ds(base_r + off, sz)])
                pltpu.sync_copy(zsrc, sC.at[pl.ds(base_r + off, sz)])
                off += sz

        _init_rows(sid * ROWS, ROWS)
        if REM:
            @pl.when(sid == _NS - 1)
            def _():
                _init_rows(_NS * ROWS, REM)
        plsc.subcore_barrier()

        def _sl(ref, ch):
            return ref if ch == _CH else ref.at[pl.ds(0, ch)]

        def _chunk(ebase, ch, srci, dsti):
            pltpu.sync_copy(src_hbm.at[pl.ds(ebase, ch)], srci)
            pltpu.sync_copy(dst_hbm.at[pl.ds(ebase, ch)], dsti)
            dP = pltpu.async_copy(p_hbm.at[srci], _sl(bufP, ch), s0)
            dQ = pltpu.async_copy(q_hbm.at[dsti], _sl(bufQ, ch), s1)
            dC = pltpu.async_copy(c_hbm.at[pl.ds(ebase, ch)],
                                  _sl(bufC, ch), s2)
            dP.wait(); dQ.wait(); dC.wait()

            gv = gev[:]
            bv = bev[:]

            def _edge(e):
                t = bufC[e, :] + bufP[e, :] + bufQ[e, :]
                mu = _bsum16(t) * (1.0 / _L)
                d = t - mu
                var = _bsum16(d * d) * (1.0 / _L)
                y = _rsqrt16(var + 1e-5)
                bufEO[e, :] = d * y * gv + bv

            U = 4
            def _ebody(i, carry):
                for u in range(U):
                    _edge(i * U + u)
                return carry

            lax.fori_loop(0, ch // U, _ebody, 0)

            pltpu.sync_copy(_sl(bufEO, ch), eo_hbm.at[pl.ds(ebase, ch)])
            pltpu.sync_copy(_sl(bufEO, ch), sE.at[dsti], add=True)
            pltpu.sync_copy(_sl(onesv, ch), sC.at[dsti], add=True)

        def _main(c, carry):
            _chunk(ebase0 + c * _CH, _CH, srcv, dstv)
            return carry

        lax.fori_loop(0, NFULL, _main, 0)
        if TAIL:
            srcv_t, dstv_t = tail_scratch
            _chunk(ebase0 + NFULL * _CH, TAIL, srcv_t, dstv_t)

        plsc.subcore_barrier()

        def _dump_rows(nb, nrows):
            pltpu.sync_copy(sE.at[pl.ds(nb, nrows)],
                            segE_hbm.at[cid, pl.ds(nb, nrows)])
            pltpu.sync_copy(sC.at[pl.ds(nb, nrows)],
                            cnt_hbm.at[cid, pl.ds(nb, nrows)])

        _dump_rows(sid * ROWS, ROWS)
        if REM:
            @pl.when(sid == _NS - 1)
            def _():
                _dump_rows(_NS * ROWS, REM)

    return body(src, dst, P, Q, C, ge, be)


def _sc_agg_call(N, D, E, src, dst, A):
    EPT, NFULL, TAIL = _edge_plan(E)
    ROWS, REM = _row_partition(N)

    mesh = plsc.VectorSubcoreMesh(core_axis_name="c", subcore_axis_name="s")

    scratch = [
        pltpu.VMEM((_CH,), jnp.int32),
        pltpu.VMEM((_CH,), jnp.int32),
        pltpu.VMEM((_CH, D), jnp.float32),
        pltpu.VMEM_SHARED((N, D), jnp.float32),
        pltpu.SemaphoreType.DMA,
    ]
    if TAIL:
        scratch += [pltpu.VMEM((TAIL,), jnp.int32),
                    pltpu.VMEM((TAIL,), jnp.int32)]

    out_type = [jax.ShapeDtypeStruct((_NC, N, D), jnp.float32)]

    @functools.partial(pl.kernel, out_type=out_type, mesh=mesh,
                       scratch_types=scratch)
    def body(src_hbm, dst_hbm, a_hbm, segA_hbm,
             srcv, dstv, bufA, sA, s0, *tail_scratch):
        cid = lax.axis_index("c")
        sid = lax.axis_index("s")
        wid = sid * _NC + cid
        ebase0 = wid * EPT

        z16 = jnp.zeros((_L,), jnp.float32)

        def _zrow(i, carry):
            for j in range(D // _L):
                bufA[i, pl.ds(_L * j, _L)] = z16
            return carry

        lax.fori_loop(0, _CH, _zrow, 0)

        def _zero_rows(base_r, nrows):
            off = 0
            while off < nrows:
                sz = min(_CH, nrows - off)
                zsrc = bufA if sz == _CH else bufA.at[pl.ds(0, sz)]
                pltpu.sync_copy(zsrc, sA.at[pl.ds(base_r + off, sz)])
                off += sz

        _zero_rows(sid * ROWS, ROWS)
        if REM:
            @pl.when(sid == _NS - 1)
            def _():
                _zero_rows(_NS * ROWS, REM)
        plsc.subcore_barrier()

        def _sl(ref, ch):
            return ref if ch == _CH else ref.at[pl.ds(0, ch)]

        def _chunk(ebase, ch, srci, dsti):
            pltpu.sync_copy(src_hbm.at[pl.ds(ebase, ch)], srci)
            pltpu.sync_copy(dst_hbm.at[pl.ds(ebase, ch)], dsti)
            pltpu.async_copy(a_hbm.at[srci], _sl(bufA, ch), s0).wait()
            pltpu.sync_copy(_sl(bufA, ch), sA.at[dsti], add=True)

        def _main(c, carry):
            _chunk(ebase0 + c * _CH, _CH, srcv, dstv)
            return carry

        lax.fori_loop(0, NFULL, _main, 0)
        if TAIL:
            srcv_t, dstv_t = tail_scratch
            _chunk(ebase0 + NFULL * _CH, TAIL, srcv_t, dstv_t)

        plsc.subcore_barrier()

        def _dump_rows(nb, nrows):
            pltpu.sync_copy(sA.at[pl.ds(nb, nrows)],
                            segA_hbm.at[cid, pl.ds(nb, nrows)])

        _dump_rows(sid * ROWS, ROWS)
        if REM:
            @pl.when(sid == _NS - 1)
            def _():
                _dump_rows(_NS * ROWS, REM)

    return body(src, dst, A)[0]


def kernel(x, edge_index, edge_attr, eW, eb, mW, mb, g0, b0, ge, be):
    N, D = x.shape
    E = edge_index.shape[1]
    DE = edge_attr.shape[1]
    f32 = jnp.float32

    eWs, eWe, eWd = eW[:D], eW[D:D + DE], eW[D + DE:]
    mWs, mWe, mWd = mW[:D], mW[D:D + DE], mW[D + DE:]
    src, dst = edge_index[0], edge_index[1]

    BN = 2000

    def _proj(x_ref, ws_ref, wd_ref, ms_ref, md_ref,
              p_ref, q_ref, a_ref, b_ref):
        xb = x_ref[...]
        p_ref[...] = jnp.dot(xb, ws_ref[...], preferred_element_type=f32)
        q_ref[...] = jnp.dot(xb, wd_ref[...], preferred_element_type=f32)
        a_ref[...] = jnp.dot(xb, ms_ref[...], preferred_element_type=f32)
        b_ref[...] = jnp.dot(xb, md_ref[...], preferred_element_type=f32)

    P, Q, A, B = pl.pallas_call(
        _proj,
        grid=(N // BN,),
        in_specs=[pl.BlockSpec((BN, D), lambda i: (i, 0)),
                  pl.BlockSpec((D, DE), lambda i: (0, 0)),
                  pl.BlockSpec((D, DE), lambda i: (0, 0)),
                  pl.BlockSpec((D, D), lambda i: (0, 0)),
                  pl.BlockSpec((D, D), lambda i: (0, 0))],
        out_specs=[pl.BlockSpec((BN, DE), lambda i: (i, 0)),
                   pl.BlockSpec((BN, DE), lambda i: (i, 0)),
                   pl.BlockSpec((BN, D), lambda i: (i, 0)),
                   pl.BlockSpec((BN, D), lambda i: (i, 0))],
        out_shape=[jax.ShapeDtypeStruct((N, DE), f32),
                   jax.ShapeDtypeStruct((N, DE), f32),
                   jax.ShapeDtypeStruct((N, D), f32),
                   jax.ShapeDtypeStruct((N, D), f32)],
    )(x, eWs, eWd, mWs, mWd)

    BE = 16000

    def _cker(ea_ref, we_ref, eb_ref, c_ref):
        ea = ea_ref[...]
        c_ref[...] = ea + jnp.dot(ea, we_ref[...],
                                  preferred_element_type=f32) + eb_ref[...]

    C = pl.pallas_call(
        _cker,
        grid=(E // BE,),
        in_specs=[pl.BlockSpec((BE, DE), lambda i: (i, 0)),
                  pl.BlockSpec((DE, DE), lambda i: (0, 0)),
                  pl.BlockSpec((1, DE), lambda i: (0, 0))],
        out_specs=pl.BlockSpec((BE, DE), lambda i: (i, 0)),
        out_shape=jax.ShapeDtypeStruct((E, DE), f32),
    )(edge_attr, eWe, eb.reshape(1, DE))

    eo, pE, pC = _sc_edge_call(N, D, DE, E, src, dst, P, Q, C, ge, be)
    pA = _sc_agg_call(N, D, E, src, dst, A)

    BN2 = 2000

    def _fin(x_ref, pa_ref, pe_ref, pc_ref, b_ref, mwe_ref, mb_ref,
             g0_ref, b0_ref, o_ref):
        segA = pa_ref[0] + pa_ref[1]
        segE = pe_ref[0] + pe_ref[1]
        cnt = (pc_ref[0] + pc_ref[1])[:, :1]
        sums = segA + jnp.dot(segE, mwe_ref[...], preferred_element_type=f32)
        sums = sums + cnt * (b_ref[...] + mb_ref[...])
        dh = sums / jnp.maximum(cnt, 1.0)
        h = x_ref[...] + dh
        mu = jnp.mean(h, axis=-1, keepdims=True)
        var = jnp.mean((h - mu) ** 2, axis=-1, keepdims=True)
        o_ref[...] = (h - mu) / jnp.sqrt(var + 1e-5) * g0_ref[...] + b0_ref[...]

    x_out = pl.pallas_call(
        _fin,
        grid=(N // BN2,),
        in_specs=[pl.BlockSpec((BN2, D), lambda i: (i, 0)),
                  pl.BlockSpec((_NC, BN2, D), lambda i: (0, i, 0)),
                  pl.BlockSpec((_NC, BN2, DE), lambda i: (0, i, 0)),
                  pl.BlockSpec((_NC, BN2, DE), lambda i: (0, i, 0)),
                  pl.BlockSpec((BN2, D), lambda i: (i, 0)),
                  pl.BlockSpec((DE, D), lambda i: (0, 0)),
                  pl.BlockSpec((1, D), lambda i: (0, 0)),
                  pl.BlockSpec((1, D), lambda i: (0, 0)),
                  pl.BlockSpec((1, D), lambda i: (0, 0))],
        out_specs=pl.BlockSpec((BN2, D), lambda i: (i, 0)),
        out_shape=jax.ShapeDtypeStruct((N, D), f32),
    )(x, pA, pE, pC, B, mWe, mb.reshape(1, D), g0.reshape(1, D),
      b0.reshape(1, D))

    return (x_out, eo)

# --- scband reference (transcript-rebuilt; emitter-appended) ---
"""Pipeline reference for scband-gene-conv-layer-26594437496992 (READ-ONLY COPY).

The authoritative reference and input builder live on the scoring server;
editing this copy changes nothing except your own understanding.
"""

import jax, jax.numpy as jnp
import numpy as np

N = 10000
E = 320000
D = 128
DE = 16


def layer_norm(h, g, b):
    mu = jnp.mean(h, axis=-1, keepdims=True)
    var = jnp.mean((h - mu) ** 2, axis=-1, keepdims=True)
    return (h - mu) / jnp.sqrt(var + 1e-5) * g + b


def setup_inputs(seed: int = 0) -> dict:
    key = jax.random.key(seed)
    ks = jax.random.split(key, 8)
    x = jax.random.normal(ks[0], (N, D), dtype=jnp.float32)
    edge_index = jax.random.randint(ks[1], (2, E), 0, N, dtype=jnp.int32)
    edge_attr = jax.random.normal(ks[2], (E, DE), dtype=jnp.float32)
    fan_in = 2 * D + DE
    eW = jax.random.normal(ks[3], (fan_in, DE), dtype=jnp.float32) / np.sqrt(fan_in)
    eb = jnp.zeros((DE,), dtype=jnp.float32)
    mW = jax.random.normal(ks[4], (fan_in, D), dtype=jnp.float32) / np.sqrt(fan_in)
    mb = jnp.zeros((D,), dtype=jnp.float32)
    g0 = jnp.ones((D,), dtype=jnp.float32)
    b0 = jnp.zeros((D,), dtype=jnp.float32)
    ge = jnp.ones((DE,), dtype=jnp.float32)
    be = jnp.zeros((DE,), dtype=jnp.float32)
    return {"x": x, "edge_index": edge_index, "edge_attr": edge_attr,
            "eW": eW, "eb": eb, "mW": mW, "mb": mb,
            "g0": g0, "b0": b0, "ge": ge, "be": be}


def reference(x, edge_index, edge_attr, eW, eb, mW, mb, g0, b0, ge, be):
    src = edge_index[0]
    dst = edge_index[1]
    # gather endpoint node features per edge
    x_src = jnp.take(x, src, axis=0)
    x_dst = jnp.take(x, dst, axis=0)
    # edge update: edge_message_func (n_edge_gvps=1 -> single Linear), residual + LayerNorm
    xe = jnp.concatenate([x_src, edge_attr, x_dst], axis=-1)
    edge_dh = xe @ eW + eb
    edge_out = layer_norm(edge_attr + edge_dh, ge, be)
    # GeneConv message: cat([x_j, edge_attr, x_i]) -> message_func (n_message=1 -> single Linear)
    mi = jnp.concatenate([x_src, edge_out, x_dst], axis=-1)
    msg = mi @ mW + mb
    # mean aggregation at destination nodes (aggr='mean')
    sums = jax.ops.segment_sum(msg, dst, num_segments=x.shape[0])
    cnt = jax.ops.segment_sum(jnp.ones((dst.shape[0],), dtype=x.dtype), dst, num_segments=x.shape[0])
    dh = sums / jnp.maximum(cnt, 1.0)[:, None]
    # residual node update + LayerNorm (dropout is identity in eval)
    x_out = layer_norm(x + dh, g0, b0)
    return (x_out, edge_out)

if __name__ == "__main__":
    import jax
    _d = setup_inputs()
    print(jax.jit(kernel)(*tuple(_d.values())))

</pallas_src>

<mosaic_0001>
#map = affine_map<(d0, d1) -> (0)>
#map1 = affine_map<(d0, d1) -> (0, 0)>
#map2 = affine_map<(d0, d1) -> (0, 0, 0)>
module attributes {stable_mosaic.version = 14 : i64} {
  func.func @body(%arg0: i32, %arg1: i32, %arg2: memref<320000xi32, #tpu.memory_space<hbm>>, %arg3: memref<320000xi32, #tpu.memory_space<hbm>>, %arg4: memref<10000x128xf32, #tpu.memory_space<hbm>>, %arg5: memref<2x10000x128xf32, #tpu.memory_space<hbm>>, %arg6: memref<128xi32, #tpu.memory_space<vmem>>, %arg7: memref<128xi32, #tpu.memory_space<vmem>>, %arg8: memref<128x128xf32, #tpu.memory_space<vmem>>, %arg9: memref<10000x128xf32, #tpu.memory_space<vmem_shared>>, %arg10: memref<!tpu.dma_semaphore, #tpu.memory_space<semaphore_mem>>, %arg11: memref<16xi32, #tpu.memory_space<vmem>>, %arg12: memref<16xi32, #tpu.memory_space<vmem>>) attributes {dimension_semantics = [#tpu.dimension_semantics<core_parallel>, #tpu.dimension_semantics<subcore_parallel>], iteration_bounds = array<i64: 2, 16>, scalar_prefetch = 0 : i64, scratch_operands = 7 : i64, tpu.core_type = #tpu.core_type<sc_vector_subcore>, window_params = [{transform_indices = #map}, {transform_indices = #map}, {transform_indices = #map1}, {transform_indices = #map2}]} {
    %mul3A = arith.constant 2 : i32
    %mul3A_0 = arith.muli %arg1, %mul3A : i32
    %add3A = arith.addi %mul3A_0, %arg0 : i32
    %mul3A_1 = arith.constant 10000 : i32
    %mul3A_2 = arith.muli %add3A, %mul3A_1 : i32
    %broadcast_in_dim3A = arith.constant 0.000000e+00 : f32
    %broadcast_in_dim3A_3 = vector.broadcast %broadcast_in_dim3A : f32 to vector<16xf32>
    %scan3A = arith.constant 0 : i32
    %scan3A_4 = arith.constant 0 : i32
    %scan3A_5 = arith.constant 128 : i32
    %scan3A_6 = arith.addi %scan3A_4, %scan3A_5 : i32
    %scan3A_7 = arith.constant 1 : i32
    scf.for %scan3A_49 = %scan3A_4 to %scan3A_6 step %scan3A_7  : i32 {
      %swap3A = arith.index_cast %scan3A_49 : i32 to index
      %swap3A_50 = arith.constant 0 : index
      %swap3A_51 = tpu.vector_load %arg8[%swap3A, %swap3A_50] {strides = array<i32>} : memref<128x128xf32, #tpu.memory_space<vmem>>, vector<1x16xf32>,
      %swap3A_52 = vector.shape_cast %swap3A_51 : vector<1x16xf32> to vector<16xf32>
      %swap3A_53 = vector.shape_cast %broadcast_in_dim3A_3 : vector<16xf32> to vector<1x16xf32>
      tpu.vector_store %arg8[%swap3A, %swap3A_50], %swap3A_53 {strides = array<i32>} : memref<128x128xf32, #tpu.memory_space<vmem>>, vector<1x16xf32>,
      %swap3A_54 = arith.index_cast %scan3A_49 : i32 to index
      %swap3A_55 = arith.constant 16 : index
      %swap3A_56 = tpu.vector_load %arg8[%swap3A_54, %swap3A_55] {strides = array<i32>} : memref<128x128xf32, #tpu.memory_space<vmem>>, vector<1x16xf32>,
      %swap3A_57 = vector.shape_cast %swap3A_56 : vector<1x16xf32> to vector<16xf32>
      %swap3A_58 = vector.shape_cast %broadcast_in_dim3A_3 : vector<16xf32> to vector<1x16xf32>
      tpu.vector_store %arg8[%swap3A_54, %swap3A_55], %swap3A_58 {strides = array<i32>} : memref<128x128xf32, #tpu.memory_space<vmem>>, vector<1x16xf32>,
      %swap3A_59 = arith.index_cast %scan3A_49 : i32 to index
      %swap3A_60 = arith.constant 32 : index
      %swap3A_61 = tpu.vector_load %arg8[%swap3A_59, %swap3A_60] {strides = array<i32>} : memref<128x128xf32, #tpu.memory_space<vmem>>, vector<1x16xf32>,
      %swap3A_62 = vector.shape_cast %swap3A_61 : vector<1x16xf32> to vector<16xf32>
      %swap3A_63 = vector.shape_cast %broadcast_in_dim3A_3 : vector<16xf32> to vector<1x16xf32>
      tpu.vector_store %arg8[%swap3A_59, %swap3A_60], %swap3A_63 {strides = array<i32>} : memref<128x128xf32, #tpu.memory_space<vmem>>, vector<1x16xf32>,
      %swap3A_64 = arith.index_cast %scan3A_49 : i32 to index
      %swap3A_65 = arith.constant 48 : index
      %swap3A_66 = tpu.vector_load %arg8[%swap3A_64, %swap3A_65] {strides = array<i32>} : memref<128x128xf32, #tpu.memory_space<vmem>>, vector<1x16xf32>,
      %swap3A_67 = vector.shape_cast %swap3A_66 : vector<1x16xf32> to vector<16xf32>
      %swap3A_68 = vector.shape_cast %broadcast_in_dim3A_3 : vector<16xf32> to vector<1x16xf32>
      tpu.vector_store %arg8[%swap3A_64, %swap3A_65], %swap3A_68 {strides = array<i32>} : memref<128x128xf32, #tpu.memory_space<vmem>>, vector<1x16xf32>,
      %swap3A_69 = arith.index_cast %scan3A_49 : i32 to index
      %swap3A_70 = arith.constant 64 : index
      %swap3A_71 = tpu.vector_load %arg8[%swap3A_69, %swap3A_70] {strides = array<i32>} : memref<128x128xf32, #tpu.memory_space<vmem>>, vector<1x16xf32>,
      %swap3A_72 = vector.shape_cast %swap3A_71 : vector<1x16xf32> to vector<16xf32>
      %swap3A_73 = vector.shape_cast %broadcast_in_dim3A_3 : vector<16xf32> to vector<1x16xf32>
      tpu.vector_store %arg8[%swap3A_69, %swap3A_70], %swap3A_73 {strides = array<i32>} : memref<128x128xf32, #tpu.memory_space<vmem>>, vector<1x16xf32>,
      %swap3A_74 = arith.index_cast %scan3A_49 : i32 to index
      %swap3A_75 = arith.constant 80 : index
      %swap3A_76 = tpu.vector_load %arg8[%swap3A_74, %swap3A_75] {strides = array<i32>} : memref<128x128xf32, #tpu.memory_space<vmem>>, vector<1x16xf32>,
      %swap3A_77 = vector.shape_cast %swap3A_76 : vector<1x16xf32> to vector<16xf32>
      %swap3A_78 = vector.shape_cast %broadcast_in_dim3A_3 : vector<16xf32> to vector<1x16xf32>
      tpu.vector_store %arg8[%swap3A_74, %swap3A_75], %swap3A_78 {strides = array<i32>} : memref<128x128xf32, #tpu.memory_space<vmem>>, vector<1x16xf32>,
      %swap3A_79 = arith.index_cast %scan3A_49 : i32 to index
      %swap3A_80 = arith.constant 96 : index
      %swap3A_81 = tpu.vector_load %arg8[%swap3A_79, %swap3A_80] {strides = array<i32>} : memref<128x128xf32, #tpu.memory_space<vmem>>, vector<1x16xf32>,
      %swap3A_82 = vector.shape_cast %swap3A_81 : vector<1x16xf32> to vector<16xf32>
      %swap3A_83 = vector.shape_cast %broadcast_in_dim3A_3 : vector<16xf32> to vector<1x16xf32>
      tpu.vector_store %arg8[%swap3A_79, %swap3A_80], %swap3A_83 {strides = array<i32>} : memref<128x128xf32, #tpu.memory_space<vmem>>, vector<1x16xf32>,
      %swap3A_84 = arith.index_cast %scan3A_49 : i32 to index
      %swap3A_85 = arith.constant 112 : index
      %swap3A_86 = tpu.vector_load %arg8[%swap3A_84, %swap3A_85] {strides = array<i32>} : memref<128x128xf32, #tpu.memory_space<vmem>>, vector<1x16xf32>,
      %swap3A_87 = vector.shape_cast %swap3A_86 : vector<1x16xf32> to vector<16xf32>
      %swap3A_88 = vector.shape_cast %broadcast_in_dim3A_3 : vector<16xf32> to vector<1x16xf32>
      tpu.vector_store %arg8[%swap3A_84, %swap3A_85], %swap3A_88 {strides = array<i32>} : memref<128x128xf32, #tpu.memory_space<vmem>>, vector<1x16xf32>,
    }
    %scan3A_8 = arith.constant 128 : i32
    %mul3A_9 = arith.constant 624 : i32
    %mul3A_10 = arith.muli %arg1, %mul3A_9 : i32
    %add3A_11 = arith.constant 0 : i32
    %add3A_12 = arith.addi %mul3A_10, %add3A_11 : i32
    "tpu.region"() ({
      %run_scoped3A = tpu.sem_alloc : memref<!tpu.dma_semaphore, #tpu.memory_space<semaphore_mem>>
      %dma_start3A_49 = arith.constant 0 : i32
      %dma_start3A_50 = tpu.memref_slice %arg9[%add3A_12, %dma_start3A_49] : memref<10000x128xf32, #tpu.memory_space<vmem_shared>> -> memref<128x128xf32, #tpu.memory_space<vmem_shared>>
      %dma_start3A_51 = arith.constant 0 : i32
      %dma_start3A_52 = tpu.memref_slice %arg9[%add3A_12, %dma_start3A_51] : memref<10000x128xf32, #tpu.memory_space<vmem_shared>> -> memref<128x128xf32, #tpu.memory_space<vmem_shared>>
      tpu.enqueue_dma source(%arg8 : memref<128x128xf32, #tpu.memory_space<vmem>>) target(%dma_start3A_52 : memref<128x128xf32, #tpu.memory_space<vmem_shared>>) target_semaphore(%run_scoped3A : memref<!tpu.dma_semaphore, #tpu.memory_space<semaphore_mem>>)
      %dma_wait3A_53 = arith.constant 0 : i32
      %dma_wait3A_54 = tpu.memref_slice %arg9[%add3A_12, %dma_wait3A_53] : memref<10000x128xf32, #tpu.memory_space<vmem_shared>> -> memref<128x128xf32, #tpu.memory_space<vmem_shared>>
      %dma_wait3A_55 = arith.constant 0 : i32
      %dma_wait3A_56 = tpu.memref_slice %arg9[%add3A_12, %dma_wait3A_55] : memref<10000x128xf32, #tpu.memory_space<vmem_shared>> -> memref<128x128xf32, #tpu.memory_space<vmem_shared>>
      tpu.wait_dma2 semaphore(%run_scoped3A : memref<!tpu.dma_semaphore, #tpu.memory_space<semaphore_mem>>) src(%arg8 : memref<128x128xf32, #tpu.memory_space<vmem>>) dst(%dma_wait3A_56 : memref<128x128xf32, #tpu.memory_space<vmem_shared>>)
      tpu.yield
    }) : () -> ()
    %add3A_13 = arith.constant 128 : i32
    %add3A_14 = arith.addi %mul3A_10, %add3A_13 : i32
    "tpu.region"() ({
      %run_scoped3A = tpu.sem_alloc : memref<!tpu.dma_semaphore, #tpu.memory_space<semaphore_mem>>
      %dma_start3A_49 = arith.constant 0 : i32
      %dma_start3A_50 = tpu.memref_slice %arg9[%add3A_14, %dma_start3A_49] : memref<10000x128xf32, #tpu.memory_space<vmem_shared>> -> memref<128x128xf32, #tpu.memory_space<vmem_shared>>
      %dma_start3A_51 = arith.constant 0 : i32
      %dma_start3A_52 = tpu.memref_slice %arg9[%add3A_14, %dma_start3A_51] : memref<10000x128xf32, #tpu.memory_space<vmem_shared>> -> memref<128x128xf32, #tpu.memory_space<vmem_shared>>
      tpu.enqueue_dma source(%arg8 : memref<128x128xf32, #tpu.memory_space<vmem>>) target(%dma_start3A_52 : memref<128x128xf32, #tpu.memory_space<vmem_shared>>) target_semaphore(%run_scoped3A : memref<!tpu.dma_semaphore, #tpu.memory_space<semaphore_mem>>)
      %dma_wait3A_53 = arith.constant 0 : i32
      %dma_wait3A_54 = tpu.memref_slice %arg9[%add3A_14, %dma_wait3A_53] : memref<10000x128xf32, #tpu.memory_space<vmem_shared>> -> memref<128x128xf32, #tpu.memory_space<vmem_shared>>
      %dma_wait3A_55 = arith.constant 0 : i32
      %dma_wait3A_56 = tpu.memref_slice %arg9[%add3A_14, %dma_wait3A_55] : memref<10000x128xf32, #tpu.memory_space<vmem_shared>> -> memref<128x128xf32, #tpu.memory_space<vmem_shared>>
      tpu.wait_dma2 semaphore(%run_scoped3A : memref<!tpu.dma_semaphore, #tpu.memory_space<semaphore_mem>>) src(%arg8 : memref<128x128xf32, #tpu.memory_space<vmem>>) dst(%dma_wait3A_56 : memref<128x128xf32, #tpu.memory_space<vmem_shared>>)
      tpu.yield
    }) : () -> ()
    %add3A_15 = arith.constant 256 : i32
    %add3A_16 = arith.addi %mul3A_10, %add3A_15 : i32
    "tpu.region"() ({
      %run_scoped3A = tpu.sem_alloc : memref<!tpu.dma_semaphore, #tpu.memory_space<semaphore_mem>>
      %dma_start3A_49 = arith.constant 0 : i32
      %dma_start3A_50 = tpu.memref_slice %arg9[%add3A_16, %dma_start3A_49] : memref<10000x128xf32, #tpu.memory_space<vmem_shared>> -> memref<128x128xf32, #tpu.memory_space<vmem_shared>>
      %dma_start3A_51 = arith.constant 0 : i32
      %dma_start3A_52 = tpu.memref_slice %arg9[%add3A_16, %dma_start3A_51] : memref<10000x128xf32, #tpu.memory_space<vmem_shared>> -> memref<128x128xf32, #tpu.memory_space<vmem_shared>>
      tpu.enqueue_dma source(%arg8 : memref<128x128xf32, #tpu.memory_space<vmem>>) target(%dma_start3A_52 : memref<128x128xf32, #tpu.memory_space<vmem_shared>>) target_semaphore(%run_scoped3A : memref<!tpu.dma_semaphore, #tpu.memory_space<semaphore_mem>>)
      %dma_wait3A_53 = arith.constant 0 : i32
      %dma_wait3A_54 = tpu.memref_slice %arg9[%add3A_16, %dma_wait3A_53] : memref<10000x128xf32, #tpu.memory_space<vmem_shared>> -> memref<128x128xf32, #tpu.memory_space<vmem_shared>>
      %dma_wait3A_55 = arith.constant 0 : i32
      %dma_wait3A_56 = tpu.memref_slice %arg9[%add3A_16, %dma_wait3A_55] : memref<10000x128xf32, #tpu.memory_space<vmem_shared>> -> memref<128x128xf32, #tpu.memory_space<vmem_shared>>
      tpu.wait_dma2 semaphore(%run_scoped3A : memref<!tpu.dma_semaphore, #tpu.memory_space<semaphore_mem>>) src(%arg8 : memref<128x128xf32, #tpu.memory_space<vmem>>) dst(%dma_wait3A_56 : memref<128x128xf32, #tpu.memory_space<vmem_shared>>)
      tpu.yield
    }) : () -> ()
    %add3A_17 = arith.constant 384 : i32
    %add3A_18 = arith.addi %mul3A_10, %add3A_17 : i32
    "tpu.region"() ({
      %run_scoped3A = tpu.sem_alloc : memref<!tpu.dma_semaphore, #tpu.memory_space<semaphore_mem>>
      %dma_start3A_49 = arith.constant 0 : i32
      %dma_start3A_50 = tpu.memref_slice %arg9[%add3A_18, %dma_start3A_49] : memref<10000x128xf32, #tpu.memory_space<vmem_shared>> -> memref<128x128xf32, #tpu.memory_space<vmem_shared>>
      %dma_start3A_51 = arith.constant 0 : i32
      %dma_start3A_52 = tpu.memref_slice %arg9[%add3A_18, %dma_start3A_51] : memref<10000x128xf32, #tpu.memory_space<vmem_shared>> -> memref<128x128xf32, #tpu.memory_space<vmem_shared>>
      tpu.enqueue_dma source(%arg8 : memref<128x128xf32, #tpu.memory_space<vmem>>) target(%dma_start3A_52 : memref<128x128xf32, #tpu.memory_space<vmem_shared>>) target_semaphore(%run_scoped3A : memref<!tpu.dma_semaphore, #tpu.memory_space<semaphore_mem>>)
      %dma_wait3A_53 = arith.constant 0 : i32
      %dma_wait3A_54 = tpu.memref_slice %arg9[%add3A_18, %dma_wait3A_53] : memref<10000x128xf32, #tpu.memory_space<vmem_shared>> -> memref<128x128xf32, #tpu.memory_space<vmem_shared>>
      %dma_wait3A_55 = arith.constant 0 : i32
      %dma_wait3A_56 = tpu.memref_slice %arg9[%add3A_18, %dma_wait3A_55] : memref<10000x128xf32, #tpu.memory_space<vmem_shared>> -> memref<128x128xf32, #tpu.memory_space<vmem_shared>>
      tpu.wait_dma2 semaphore(%run_scoped3A : memref<!tpu.dma_semaphore, #tpu.memory_space<semaphore_mem>>) src(%arg8 : memref<128x128xf32, #tpu.memory_space<vmem>>) dst(%dma_wait3A_56 : memref<128x128xf32, #tpu.memory_space<vmem_shared>>)
      tpu.yield
    }) : () -> ()
    %add3A_19 = arith.constant 512 : i32
    %add3A_20 = arith.addi %mul3A_10, %add3A_19 : i32
    "tpu.region"() ({
      %run_scoped3A = tpu.sem_alloc : memref<!tpu.dma_semaphore, #tpu.memory_space<semaphore_mem>>
      %dma_start3A_49 = arith.constant 0 : i32
      %dma_start3A_50 = arith.constant 0 : i32
      %dma_start3A_51 = tpu.memref_slice %arg8[%dma_start3A_49, %dma_start3A_50] : memref<128x128xf32, #tpu.memory_space<vmem>> -> memref<112x128xf32, #tpu.memory_space<vmem>>
      %dma_start3A_52 = arith.constant 0 : i32
      %dma_start3A_53 = tpu.memref_slice %arg9[%add3A_20, %dma_start3A_52] : memref<10000x128xf32, #tpu.memory_space<vmem_shared>> -> memref<112x128xf32, #tpu.memory_space<vmem_shared>>
      %dma_start3A_54 = arith.constant 0 : i32
      %dma_start3A_55 = tpu.memref_slice %arg9[%add3A_20, %dma_start3A_54] : memref<10000x128xf32, #tpu.memory_space<vmem_shared>> -> memref<112x128xf32, #tpu.memory_space<vmem_shared>>
      %dma_start3A_56 = arith.constant 0 : i32
      %dma_start3A_57 = arith.constant 0 : i32
      %dma_start3A_58 = tpu.memref_slice %arg8[%dma_start3A_56, %dma_start3A_57] : memref<128x128xf32, #tpu.memory_space<vmem>> -> memref<112x128xf32, #tpu.memory_space<vmem>>
      tpu.enqueue_dma source(%dma_start3A_58 : memref<112x128xf32, #tpu.memory_space<vmem>>) target(%dma_start3A_55 : memref<112x128xf32, #tpu.memory_space<vmem_shared>>) target_semaphore(%run_scoped3A : memref<!tpu.dma_semaphore, #tpu.memory_space<semaphore_mem>>)
      %dma_wait3A_59 = arith.constant 0 : i32
      %dma_wait3A_60 = arith.constant 0 : i32
      %dma_wait3A_61 = tpu.memref_slice %arg8[%dma_wait3A_59, %dma_wait3A_60] : memref<128x128xf32, #tpu.memory_space<vmem>> -> memref<112x128xf32, #tpu.memory_space<vmem>>
      %dma_wait3A_62 = arith.constant 0 : i32
      %dma_wait3A_63 = tpu.memref_slice %arg9[%add3A_20, %dma_wait3A_62] : memref<10000x128xf32, #tpu.memory_space<vmem_shared>> -> memref<112x128xf32, #tpu.memory_space<vmem_shared>>
      %dma_wait3A_64 = arith.constant 0 : i32
      %dma_wait3A_65 = tpu.memref_slice %arg9[%add3A_20, %dma_wait3A_64] : memref<10000x128xf32, #tpu.memory_space<vmem_shared>> -> memref<112x128xf32, #tpu.memory_space<vmem_shared>>
      %dma_wait3A_66 = arith.constant 0 : i32
      %dma_wait3A_67 = arith.constant 0 : i32
      %dma_wait3A_68 = tpu.memref_slice %arg8[%dma_wait3A_66, %dma_wait3A_67] : memref<128x128xf32, #tpu.memory_space<vmem>> -> memref<112x128xf32, #tpu.memory_space<vmem>>
      tpu.wait_dma2 semaphore(%run_scoped3A : memref<!tpu.dma_semaphore, #tpu.memory_space<semaphore_mem>>) src(%dma_wait3A_68 : memref<112x128xf32, #tpu.memory_space<vmem>>) dst(%dma_wait3A_65 : memref<112x128xf32, #tpu.memory_space<vmem_shared>>)
      tpu.yield
    }) : () -> ()
    %eq3A = arith.constant 15 : i32
    %eq3A_21 = arith.cmpi eq, %arg1, %eq3A : i32
    %convert_element_type3A = arith.extui %eq3A_21 : i1 to i32
    %cond3A = arith.constant 0 : i32
    %cond3A_22 = arith.cmpi ne, %convert_element_type3A, %cond3A : i32
    scf.if %cond3A_22 {
      "tpu.region"() ({
        %run_scoped3A = tpu.sem_alloc : memref<!tpu.dma_semaphore, #tpu.memory_space<semaphore_mem>>
        %dma_start3A_49 = arith.constant 0 : i32
        %dma_start3A_50 = arith.constant 0 : i32
        %dma_start3A_51 = tpu.memref_slice %arg8[%dma_start3A_49, %dma_start3A_50] : memref<128x128xf32, #tpu.memory_space<vmem>> -> memref<16x128xf32, #tpu.memory_space<vmem>>
        %dma_start3A_52 = arith.constant 9984 : i32
        %dma_start3A_53 = arith.constant 0 : i32
        %dma_start3A_54 = tpu.memref_slice %arg9[%dma_start3A_52, %dma_start3A_53] : memref<10000x128xf32, #tpu.memory_space<vmem_shared>> -> memref<16x128xf32, #tpu.memory_space<vmem_shared>>
        %dma_start3A_55 = arith.constant 9984 : i32
        %dma_start3A_56 = arith.constant 0 : i32
        %dma_start3A_57 = tpu.memref_slice %arg9[%dma_start3A_55, %dma_start3A_56] : memref<10000x128xf32, #tpu.memory_space<vmem_shared>> -> memref<16x128xf32, #tpu.memory_space<vmem_shared>>
        %dma_start3A_58 = arith.constant 0 : i32
        %dma_start3A_59 = arith.constant 0 : i32
        %dma_start3A_60 = tpu.memref_slice %arg8[%dma_start3A_58, %dma_start3A_59] : memref<128x128xf32, #tpu.memory_space<vmem>> -> memref<16x128xf32, #tpu.memory_space<vmem>>
        tpu.enqueue_dma source(%dma_start3A_60 : memref<16x128xf32, #tpu.memory_space<vmem>>) target(%dma_start3A_57 : memref<16x128xf32, #tpu.memory_space<vmem_shared>>) target_semaphore(%run_scoped3A : memref<!tpu.dma_semaphore, #tpu.memory_space<semaphore_mem>>)
        %dma_wait3A_61 = arith.constant 0 : i32
        %dma_wait3A_62 = arith.constant 0 : i32
        %dma_wait3A_63 = tpu.memref_slice %arg8[%dma_wait3A_61, %dma_wait3A_62] : memref<128x128xf32, #tpu.memory_space<vmem>> -> memref<16x128xf32, #tpu.memory_space<vmem>>
        %dma_wait3A_64 = arith.constant 9984 : i32
        %dma_wait3A_65 = arith.constant 0 : i32
        %dma_wait3A_66 = tpu.memref_slice %arg9[%dma_wait3A_64, %dma_wait3A_65] : memref<10000x128xf32, #tpu.memory_space<vmem_shared>> -> memref<16x128xf32, #tpu.memory_space<vmem_shared>>
        %dma_wait3A_67 = arith.constant 9984 : i32
        %dma_wait3A_68 = arith.constant 0 : i32
        %dma_wait3A_69 = tpu.memref_slice %arg9[%dma_wait3A_67, %dma_wait3A_68] : memref<10000x128xf32, #tpu.memory_space<vmem_shared>> -> memref<16x128xf32, #tpu.memory_space<vmem_shared>>
        %dma_wait3A_70 = arith.constant 0 : i32
        %dma_wait3A_71 = arith.constant 0 : i32
        %dma_wait3A_72 = tpu.memref_slice %arg8[%dma_wait3A_70, %dma_wait3A_71] : memref<128x128xf32, #tpu.memory_space<vmem>> -> memref<16x128xf32, #tpu.memory_space<vmem>>
        tpu.wait_dma2 semaphore(%run_scoped3A : memref<!tpu.dma_semaphore, #tpu.memory_space<semaphore_mem>>) src(%dma_wait3A_72 : memref<16x128xf32, #tpu.memory_space<vmem>>) dst(%dma_wait3A_69 : memref<16x128xf32, #tpu.memory_space<vmem_shared>>)
        tpu.yield
      }) : () -> ()
    } else {
    }
    %barrier3A = arith.constant 0 : index
    tpu.barrier barrier_id(%barrier3A)
    %scan3A_23 = arith.constant 0 : i32
    %scan3A_24 = arith.constant 0 : i32
    %scan3A_25 = arith.constant 78 : i32
    %scan3A_26 = arith.addi %scan3A_24, %scan3A_25 : i32
    %scan3A_27 = arith.constant 1 : i32
    scf.for %scan3A_49 = %scan3A_24 to %scan3A_26 step %scan3A_27  : i32 {
      %mul3A_50 = arith.constant 128 : i32
      %mul3A_51 = arith.muli %scan3A_49, %mul3A_50 : i32
      %add3A_52 = arith.addi %mul3A_2, %mul3A_51 : i32
      "tpu.region"() ({
        %run_scoped3A = tpu.sem_alloc : memref<!tpu.dma_semaphore, #tpu.memory_space<semaphore_mem>>
        %dma_start3A_59 = tpu.memref_slice %arg2[%add3A_52] : memref<320000xi32, #tpu.memory_space<hbm>> -> memref<128xi32, #tpu.memory_space<hbm>>
        %dma_start3A_60 = tpu.memref_slice %arg2[%add3A_52] : memref<320000xi32, #tpu.memory_space<hbm>> -> memref<128xi32, #tpu.memory_space<hbm>>
        tpu.enqueue_dma source(%dma_start3A_60 : memref<128xi32, #tpu.memory_space<hbm>>) target(%arg6 : memref<128xi32, #tpu.memory_space<vmem>>) target_semaphore(%run_scoped3A : memref<!tpu.dma_semaphore, #tpu.memory_space<semaphore_mem>>)
        %dma_wait3A_61 = tpu.memref_slice %arg2[%add3A_52] : memref<320000xi32, #tpu.memory_space<hbm>> -> memref<128xi32, #tpu.memory_space<hbm>>
        %dma_wait3A_62 = tpu.memref_slice %arg2[%add3A_52] : memref<320000xi32, #tpu.memory_space<hbm>> -> memref<128xi32, #tpu.memory_space<hbm>>
        tpu.wait_dma2 semaphore(%run_scoped3A : memref<!tpu.dma_semaphore, #tpu.memory_space<semaphore_mem>>) src(%dma_wait3A_62 : memref<128xi32, #tpu.memory_space<hbm>>) dst(%arg6 : memref<128xi32, #tpu.memory_space<vmem>>)
        tpu.yield
      }) : () -> ()
      "tpu.region"() ({
        %run_scoped3A = tpu.sem_alloc : memref<!tpu.dma_semaphore, #tpu.memory_space<semaphore_mem>>
        %dma_start3A_59 = tpu.memref_slice %arg3[%add3A_52] : memref<320000xi32, #tpu.memory_space<hbm>> -> memref<128xi32, #tpu.memory_space<hbm>>
        %dma_start3A_60 = tpu.memref_slice %arg3[%add3A_52] : memref<320000xi32, #tpu.memory_space<hbm>> -> memref<128xi32, #tpu.memory_space<hbm>>
        tpu.enqueue_dma source(%dma_start3A_60 : memref<128xi32, #tpu.memory_space<hbm>>) target(%arg7 : memref<128xi32, #tpu.memory_space<vmem>>) target_semaphore(%run_scoped3A : memref<!tpu.dma_semaphore, #tpu.memory_space<semaphore_mem>>)
        %dma_wait3A_61 = tpu.memref_slice %arg3[%add3A_52] : memref<320000xi32, #tpu.memory_space<hbm>> -> memref<128xi32, #tpu.memory_space<hbm>>
        %dma_wait3A_62 = tpu.memref_slice %arg3[%add3A_52] : memref<320000xi32, #tpu.memory_space<hbm>> -> memref<128xi32, #tpu.memory_space<hbm>>
        tpu.wait_dma2 semaphore(%run_scoped3A : memref<!tpu.dma_semaphore, #tpu.memory_space<semaphore_mem>>) src(%dma_wait3A_62 : memref<128xi32, #tpu.memory_space<hbm>>) dst(%arg7 : memref<128xi32, #tpu.memory_space<vmem>>)
        tpu.yield
      }) : () -> ()
      %dma_start3A_53 = arith.constant 0 : i32
      %dma_start3A_54 = arith.constant 0 : i32
      %dma_start3A_55 = tpu.memref_slice %arg4[%dma_start3A_53, %dma_start3A_54] : memref<10000x128xf32, #tpu.memory_space<hbm>> -> memref<10000x128xf32, #tpu.memory_space<hbm>>
      tpu.enqueue_indirect_dma source(%dma_start3A_55 : memref<10000x128xf32, #tpu.memory_space<hbm>>) target(%arg8 : memref<128x128xf32, #tpu.memory_space<vmem>>) offsets(%arg6 : memref<128xi32, #tpu.memory_space<vmem>>) semaphore(%arg10 : memref<!tpu.dma_semaphore, #tpu.memory_space<semaphore_mem>>)
      %dma_wait3A_56 = arith.constant 0 : i32
      %dma_wait3A_57 = arith.constant 0 : i32
      %dma_wait3A_58 = tpu.memref_slice %arg4[%dma_wait3A_56, %dma_wait3A_57] : memref<10000x128xf32, #tpu.memory_space<hbm>> -> memref<10000x128xf32, #tpu.memory_space<hbm>>
      tpu.wait_indirect_dma semaphore(%arg10 : memref<!tpu.dma_semaphore, #tpu.memory_space<semaphore_mem>>) src(%dma_wait3A_58 : memref<10000x128xf32, #tpu.memory_space<hbm>>) dst(%arg8 : memref<128x128xf32, #tpu.memory_space<vmem>>)
      "tpu.region"() ({
        %run_scoped3A = tpu.sem_alloc : memref<!tpu.dma_semaphore, #tpu.memory_space<semaphore_mem>>
        %dma_start3A_59 = arith.constant 0 : i32
        %dma_start3A_60 = arith.constant 0 : i32
        %dma_start3A_61 = tpu.memref_slice %arg9[%dma_start3A_59, %dma_start3A_60] : memref<10000x128xf32, #tpu.memory_space<vmem_shared>> -> memref<10000x128xf32, #tpu.memory_space<vmem_shared>>
        tpu.enqueue_indirect_dma source(%arg8 : memref<128x128xf32, #tpu.memory_space<vmem>>) target(%dma_start3A_61 : memref<10000x128xf32, #tpu.memory_space<vmem_shared>>) offsets(%arg7 : memref<128xi32, #tpu.memory_space<vmem>>) semaphore(%run_scoped3A : memref<!tpu.dma_semaphore, #tpu.memory_space<semaphore_mem>>) {add = true}
        %dma_wait3A_62 = arith.constant 0 : i32
        %dma_wait3A_63 = arith.constant 0 : i32
        %dma_wait3A_64 = tpu.memref_slice %arg9[%dma_wait3A_62, %dma_wait3A_63] : memref<10000x128xf32, #tpu.memory_space<vmem_shared>> -> memref<10000x128xf32, #tpu.memory_space<vmem_shared>>
        tpu.wait_indirect_dma semaphore(%run_scoped3A : memref<!tpu.dma_semaphore, #tpu.memory_space<semaphore_mem>>) src(%arg8 : memref<128x128xf32, #tpu.memory_space<vmem>>) dst(%dma_wait3A_64 : memref<10000x128xf32, #tpu.memory_space<vmem_shared>>)
        tpu.yield
      }) : () -> ()
    }
    %scan3A_28 = arith.constant 78 : i32
    %add3A_29 = arith.constant 9984 : i32
    %add3A_30 = arith.addi %mul3A_2, %add3A_29 : i32
    "tpu.region"() ({
      %run_scoped3A = tpu.sem_alloc : memref<!tpu.dma_semaphore, #tpu.memory_space<semaphore_mem>>
      %dma_start3A_49 = tpu.memref_slice %arg2[%add3A_30] : memref<320000xi32, #tpu.memory_space<hbm>> -> memref<16xi32, #tpu.memory_space<hbm>>
      %dma_start3A_50 = tpu.memref_slice %arg2[%add3A_30] : memref<320000xi32, #tpu.memory_space<hbm>> -> memref<16xi32, #tpu.memory_space<hbm>>
      tpu.enqueue_dma source(%dma_start3A_50 : memref<16xi32, #tpu.memory_space<hbm>>) target(%arg11 : memref<16xi32, #tpu.memory_space<vmem>>) target_semaphore(%run_scoped3A : memref<!tpu.dma_semaphore, #tpu.memory_space<semaphore_mem>>)
      %dma_wait3A_51 = tpu.memref_slice %arg2[%add3A_30] : memref<320000xi32, #tpu.memory_space<hbm>> -> memref<16xi32, #tpu.memory_space<hbm>>
      %dma_wait3A_52 = tpu.memref_slice %arg2[%add3A_30] : memref<320000xi32, #tpu.memory_space<hbm>> -> memref<16xi32, #tpu.memory_space<hbm>>
      tpu.wait_dma2 semaphore(%run_scoped3A : memref<!tpu.dma_semaphore, #tpu.memory_space<semaphore_mem>>) src(%dma_wait3A_52 : memref<16xi32, #tpu.memory_space<hbm>>) dst(%arg11 : memref<16xi32, #tpu.memory_space<vmem>>)
      tpu.yield
    }) : () -> ()
    "tpu.region"() ({
      %run_scoped3A = tpu.sem_alloc : memref<!tpu.dma_semaphore, #tpu.memory_space<semaphore_mem>>
      %dma_start3A_49 = tpu.memref_slice %arg3[%add3A_30] : memref<320000xi32, #tpu.memory_space<hbm>> -> memref<16xi32, #tpu.memory_space<hbm>>
      %dma_start3A_50 = tpu.memref_slice %arg3[%add3A_30] : memref<320000xi32, #tpu.memory_space<hbm>> -> memref<16xi32, #tpu.memory_space<hbm>>
      tpu.enqueue_dma source(%dma_start3A_50 : memref<16xi32, #tpu.memory_space<hbm>>) target(%arg12 : memref<16xi32, #tpu.memory_space<vmem>>) target_semaphore(%run_scoped3A : memref<!tpu.dma_semaphore, #tpu.memory_space<semaphore_mem>>)
      %dma_wait3A_51 = tpu.memref_slice %arg3[%add3A_30] : memref<320000xi32, #tpu.memory_space<hbm>> -> memref<16xi32, #tpu.memory_space<hbm>>
      %dma_wait3A_52 = tpu.memref_slice %arg3[%add3A_30] : memref<320000xi32, #tpu.memory_space<hbm>> -> memref<16xi32, #tpu.memory_space<hbm>>
      tpu.wait_dma2 semaphore(%run_scoped3A : memref<!tpu.dma_semaphore, #tpu.memory_space<semaphore_mem>>) src(%dma_wait3A_52 : memref<16xi32, #tpu.memory_space<hbm>>) dst(%arg12 : memref<16xi32, #tpu.memory_space<vmem>>)
      tpu.yield
    }) : () -> ()
    %dma_start3A = arith.constant 0 : i32
    %dma_start3A_31 = arith.constant 0 : i32
    %dma_start3A_32 = tpu.memref_slice %arg8[%dma_start3A, %dma_start3A_31] : memref<128x128xf32, #tpu.memory_space<vmem>> -> memref<16x128xf32, #tpu.memory_space<vmem>>
    %dma_start3A_33 = arith.constant 0 : i32
    %dma_start3A_34 = arith.constant 0 : i32
    %dma_start3A_35 = tpu.memref_slice %arg4[%dma_start3A_33, %dma_start3A_34] : memref<10000x128xf32, #tpu.memory_space<hbm>> -> memref<10000x128xf32, #tpu.memory_space<hbm>>
    tpu.enqueue_indirect_dma source(%dma_start3A_35 : memref<10000x128xf32, #tpu.memory_space<hbm>>) target(%dma_start3A_32 : memref<16x128xf32, #tpu.memory_space<vmem>>) offsets(%arg11 : memref<16xi32, #tpu.memory_space<vmem>>) semaphore(%arg10 : memref<!tpu.dma_semaphore, #tpu.memory_space<semaphore_mem>>)
    %dma_wait3A = arith.constant 0 : i32
    %dma_wait3A_36 = arith.constant 0 : i32
    %dma_wait3A_37 = tpu.memref_slice %arg8[%dma_wait3A, %dma_wait3A_36] : memref<128x128xf32, #tpu.memory_space<vmem>> -> memref<16x128xf32, #tpu.memory_space<vmem>>
    %dma_wait3A_38 = arith.constant 0 : i32
    %dma_wait3A_39 = arith.constant 0 : i32
    %dma_wait3A_40 = tpu.memref_slice %arg4[%dma_wait3A_38, %dma_wait3A_39] : memref<10000x128xf32, #tpu.memory_space<hbm>> -> memref<10000x128xf32, #tpu.memory_space<hbm>>
    tpu.wait_indirect_dma semaphore(%arg10 : memref<!tpu.dma_semaphore, #tpu.memory_space<semaphore_mem>>) src(%dma_wait3A_40 : memref<10000x128xf32, #tpu.memory_space<hbm>>) dst(%dma_wait3A_37 : memref<16x128xf32, #tpu.memory_space<vmem>>)
    "tpu.region"() ({
      %run_scoped3A = tpu.sem_alloc : memref<!tpu.dma_semaphore, #tpu.memory_space<semaphore_mem>>
      %dma_start3A_49 = arith.constant 0 : i32
      %dma_start3A_50 = arith.constant 0 : i32
      %dma_start3A_51 = tpu.memref_slice %arg8[%dma_start3A_49, %dma_start3A_50] : memref<128x128xf32, #tpu.memory_space<vmem>> -> memref<16x128xf32, #tpu.memory_space<vmem>>
      %dma_start3A_52 = arith.constant 0 : i32
      %dma_start3A_53 = arith.constant 0 : i32
      %dma_start3A_54 = tpu.memref_slice %arg9[%dma_start3A_52, %dma_start3A_53] : memref<10000x128xf32, #tpu.memory_space<vmem_shared>> -> memref<10000x128xf32, #tpu.memory_space<vmem_shared>>
      tpu.enqueue_indirect_dma source(%dma_start3A_51 : memref<16x128xf32, #tpu.memory_space<vmem>>) target(%dma_start3A_54 : memref<10000x128xf32, #tpu.memory_space<vmem_shared>>) offsets(%arg12 : memref<16xi32, #tpu.memory_space<vmem>>) semaphore(%run_scoped3A : memref<!tpu.dma_semaphore, #tpu.memory_space<semaphore_mem>>) {add = true}
      %dma_wait3A_55 = arith.constant 0 : i32
      %dma_wait3A_56 = arith.constant 0 : i32
      %dma_wait3A_57 = tpu.memref_slice %arg8[%dma_wait3A_55, %dma_wait3A_56] : memref<128x128xf32, #tpu.memory_space<vmem>> -> memref<16x128xf32, #tpu.memory_space<vmem>>
      %dma_wait3A_58 = arith.constant 0 : i32
      %dma_wait3A_59 = arith.constant 0 : i32
      %dma_wait3A_60 = tpu.memref_slice %arg9[%dma_wait3A_58, %dma_wait3A_59] : memref<10000x128xf32, #tpu.memory_space<vmem_shared>> -> memref<10000x128xf32, #tpu.memory_space<vmem_shared>>
      tpu.wait_indirect_dma semaphore(%run_scoped3A : memref<!tpu.dma_semaphore, #tpu.memory_space<semaphore_mem>>) src(%dma_wait3A_57 : memref<16x128xf32, #tpu.memory_space<vmem>>) dst(%dma_wait3A_60 : memref<10000x128xf32, #tpu.memory_space<vmem_shared>>)
      tpu.yield
    }) : () -> ()
    %barrier3A_41 = arith.constant 0 : index
    tpu.barrier barrier_id(%barrier3A_41)
    %mul3A_42 = arith.constant 624 : i32
    %mul3A_43 = arith.muli %arg1, %mul3A_42 : i32
    "tpu.region"() ({
      %run_scoped3A = tpu.sem_alloc : memref<!tpu.dma_semaphore, #tpu.memory_space<semaphore_mem>>
      %dma_start3A_49 = arith.constant 0 : i32
      %dma_start3A_50 = tpu.memref_slice %arg5[%arg0, %mul3A_43, %dma_start3A_49] : memref<2x10000x128xf32, #tpu.memory_space<hbm>> -> memref<1x624x128xf32, #tpu.memory_space<hbm>>
      %dma_start3A_51 = tpu.memref_squeeze %dma_start3A_50 : memref<1x624x128xf32, #tpu.memory_space<hbm>> -> memref<624x128xf32, #tpu.memory_space<hbm>>
      %dma_start3A_52 = arith.constant 0 : i32
      %dma_start3A_53 = tpu.memref_slice %arg9[%mul3A_43, %dma_start3A_52] : memref<10000x128xf32, #tpu.memory_space<vmem_shared>> -> memref<624x128xf32, #tpu.memory_space<vmem_shared>>
      tpu.enqueue_dma source(%dma_start3A_53 : memref<624x128xf32, #tpu.memory_space<vmem_shared>>) target(%dma_start3A_51 : memref<624x128xf32, #tpu.memory_space<hbm>>) target_semaphore(%run_scoped3A : memref<!tpu.dma_semaphore, #tpu.memory_space<semaphore_mem>>)
      %dma_wait3A_54 = arith.constant 0 : i32
      %dma_wait3A_55 = tpu.memref_slice %arg5[%arg0, %mul3A_43, %dma_wait3A_54] : memref<2x10000x128xf32, #tpu.memory_space<hbm>> -> memref<1x624x128xf32, #tpu.memory_space<hbm>>
      %dma_wait3A_56 = tpu.memref_squeeze %dma_wait3A_55 : memref<1x624x128xf32, #tpu.memory_space<hbm>> -> memref<624x128xf32, #tpu.memory_space<hbm>>
      %dma_wait3A_57 = arith.constant 0 : i32
      %dma_wait3A_58 = tpu.memref_slice %arg9[%mul3A_43, %dma_wait3A_57] : memref<10000x128xf32, #tpu.memory_space<vmem_shared>> -> memref<624x128xf32, #tpu.memory_space<vmem_shared>>
      tpu.wait_dma2 semaphore(%run_scoped3A : memref<!tpu.dma_semaphore, #tpu.memory_space<semaphore_mem>>) src(%dma_wait3A_58 : memref<624x128xf32, #tpu.memory_space<vmem_shared>>) dst(%dma_wait3A_56 : memref<624x128xf32, #tpu.memory_space<hbm>>)
      tpu.yield
    }) : () -> ()
    %eq3A_44 = arith.constant 15 : i32
    %eq3A_45 = arith.cmpi eq, %arg1, %eq3A_44 : i32
    %convert_element_type3A_46 = arith.extui %eq3A_45 : i1 to i32
    %cond3A_47 = arith.constant 0 : i32
    %cond3A_48 = arith.cmpi ne, %convert_element_type3A_46, %cond3A_47 : i32
    scf.if %cond3A_48 {
      "tpu.region"() ({
        %run_scoped3A = tpu.sem_alloc : memref<!tpu.dma_semaphore, #tpu.memory_space<semaphore_mem>>
        %dma_start3A_49 = arith.constant 9984 : i32
        %dma_start3A_50 = arith.constant 0 : i32
        %dma_start3A_51 = tpu.memref_slice %arg5[%arg0, %dma_start3A_49, %dma_start3A_50] : memref<2x10000x128xf32, #tpu.memory_space<hbm>> -> memref<1x16x128xf32, #tpu.memory_space<hbm>>
        %dma_start3A_52 = tpu.memref_squeeze %dma_start3A_51 : memref<1x16x128xf32, #tpu.memory_space<hbm>> -> memref<16x128xf32, #tpu.memory_space<hbm>>
        %dma_start3A_53 = arith.constant 9984 : i32
        %dma_start3A_54 = arith.constant 0 : i32
        %dma_start3A_55 = tpu.memref_slice %arg9[%dma_start3A_53, %dma_start3A_54] : memref<10000x128xf32, #tpu.memory_space<vmem_shared>> -> memref<16x128xf32, #tpu.memory_space<vmem_shared>>
        tpu.enqueue_dma source(%dma_start3A_55 : memref<16x128xf32, #tpu.memory_space<vmem_shared>>) target(%dma_start3A_52 : memref<16x128xf32, #tpu.memory_space<hbm>>) target_semaphore(%run_scoped3A : memref<!tpu.dma_semaphore, #tpu.memory_space<semaphore_mem>>)
        %dma_wait3A_56 = arith.constant 9984 : i32
        %dma_wait3A_57 = arith.constant 0 : i32
        %dma_wait3A_58 = tpu.memref_slice %arg5[%arg0, %dma_wait3A_56, %dma_wait3A_57] : memref<2x10000x128xf32, #tpu.memory_space<hbm>> -> memref<1x16x128xf32, #tpu.memory_space<hbm>>
        %dma_wait3A_59 = tpu.memref_squeeze %dma_wait3A_58 : memref<1x16x128xf32, #tpu.memory_space<hbm>> -> memref<16x128xf32, #tpu.memory_space<hbm>>
        %dma_wait3A_60 = arith.constant 9984 : i32
        %dma_wait3A_61 = arith.constant 0 : i32
        %dma_wait3A_62 = tpu.memref_slice %arg9[%dma_wait3A_60, %dma_wait3A_61] : memref<10000x128xf32, #tpu.memory_space<vmem_shared>> -> memref<16x128xf32, #tpu.memory_space<vmem_shared>>
        tpu.wait_dma2 semaphore(%run_scoped3A : memref<!tpu.dma_semaphore, #tpu.memory_space<semaphore_mem>>) src(%dma_wait3A_62 : memref<16x128xf32, #tpu.memory_space<vmem_shared>>) dst(%dma_wait3A_59 : memref<16x128xf32, #tpu.memory_space<hbm>>)
        tpu.yield
      }) : () -> ()
    } else {
    }
    return
  }
}

#map = affine_map<(d0, d1) -> (0)>
#map1 = affine_map<(d0, d1) -> (0, 0)>
#map2 = affine_map<(d0, d1) -> (0, 0, 0)>
module attributes {stable_mosaic.version = 14 : i64} {
  func.func @body(%arg0: i32, %arg1: i32, %arg2: memref<320000xi32, #tpu.memory_space<hbm>>, %arg3: memref<320000xi32, #tpu.memory_space<hbm>>, %arg4: memref<10000x16xf32, #tpu.memory_space<hbm>>, %arg5: memref<10000x16xf32, #tpu.memory_space<hbm>>, %arg6: memref<320000x16xf32, #tpu.memory_space<hbm>>, %arg7: memref<16xf32, #tpu.memory_space<hbm>>, %arg8: memref<16xf32, #tpu.memory_space<hbm>>, %arg9: memref<320000x16xf32, #tpu.memory_space<hbm>>, %arg10: memref<2x10000x16xf32, #tpu.memory_space<hbm>>, %arg11: memref<2x10000x16xf32, #tpu.memory_space<hbm>>, %arg12: memref<128xi32, #tpu.memory_space<vmem>>, %arg13: memref<128xi32, #tpu.memory_space<vmem>>, %arg14: memref<128x16xf32, #tpu.memory_space<vmem>>, %arg15: memref<128x16xf32, #tpu.memory_space<vmem>>, %arg16: memref<128x16xf32, #tpu.memory_space<vmem>>, %arg17: memref<128x16xf32, #tpu.memory_space<vmem>>, %arg18: memref<128x16xf32, #tpu.memory_space<vmem>>, %arg19: memref<16xf32, #tpu.memory_space<vmem>>, %arg20: memref<16xf32, #tpu.memory_space<vmem>>, %arg21: memref<10000x16xf32, #tpu.memory_space<vmem_shared>>, %arg22: memref<10000x16xf32, #tpu.memory_space<vmem_shared>>, %arg23: memref<!tpu.dma_semaphore, #tpu.memory_space<semaphore_mem>>, %arg24: memref<!tpu.dma_semaphore, #tpu.memory_space<semaphore_mem>>, %arg25: memref<!tpu.dma_semaphore, #tpu.memory_space<semaphore_mem>>, %arg26: memref<16xi32, #tpu.memory_space<vmem>>, %arg27: memref<16xi32, #tpu.memory_space<vmem>>) attributes {dimension_semantics = [#tpu.dimension_semantics<core_parallel>, #tpu.dimension_semantics<subcore_parallel>], iteration_bounds = array<i64: 2, 16>, scalar_prefetch = 0 : i64, scratch_operands = 16 : i64, tpu.core_type = #tpu.core_type<sc_vector_subcore>, window_params = [{transform_indices = #map}, {transform_indices = #map}, {transform_indices = #map1}, {transform_indices = #map1}, {transform_indices = #map1}, {transform_indices = #map}, {transform_indices = #map}, {transform_indices = #map1}, {transform_indices = #map2}, {transform_indices = #map2}]} {
    %mul3A = arith.constant 2 : i32
    %mul3A_0 = arith.muli %arg1, %mul3A : i32
    %add3A = arith.addi %mul3A_0, %arg0 : i32
    %mul3A_1 = arith.constant 10000 : i32
    %mul3A_2 = arith.muli %add3A, %mul3A_1 : i32
    %broadcast_in_dim3A = arith.constant 0.000000e+00 : f32
    %broadcast_in_dim3A_3 = vector.broadcast %broadcast_in_dim3A : f32 to vector<16xf32>
    %broadcast_in_dim3A_4 = arith.constant 1.000000e+00 : f32
    %broadcast_in_dim3A_5 = vector.broadcast %broadcast_in_dim3A_4 : f32 to vector<16xf32>
    %scan3A = arith.constant 0 : i32
    %scan3A_6 = arith.constant 0 : i32
    %scan3A_7 = arith.constant 128 : i32
    %scan3A_8 = arith.addi %scan3A_6, %scan3A_7 : i32
    %scan3A_9 = arith.constant 1 : i32
    scf.for %scan3A_104 = %scan3A_6 to %scan3A_8 step %scan3A_9  : i32 {
      %swap3A = arith.index_cast %scan3A_104 : i32 to index
      %swap3A_105 = arith.constant 0 : index
      %swap3A_106 = tpu.vector_load %arg17[%swap3A, %swap3A_105] {strides = array<i32>} : memref<128x16xf32, #tpu.memory_space<vmem>>, vector<1x16xf32>,
      %swap3A_107 = vector.shape_cast %swap3A_106 : vector<1x16xf32> to vector<16xf32>
      %swap3A_108 = vector.shape_cast %broadcast_in_dim3A_3 : vector<16xf32> to vector<1x16xf32>
      tpu.vector_store %arg17[%swap3A, %swap3A_105], %swap3A_108 {strides = array<i32>} : memref<128x16xf32, #tpu.memory_space<vmem>>, vector<1x16xf32>,
      %swap3A_109 = arith.index_cast %scan3A_104 : i32 to index
      %swap3A_110 = arith.constant 0 : index
      %swap3A_111 = tpu.vector_load %arg18[%swap3A_109, %swap3A_110] {strides = array<i32>} : memref<128x16xf32, #tpu.memory_space<vmem>>, vector<1x16xf32>,
      %swap3A_112 = vector.shape_cast %swap3A_111 : vector<1x16xf32> to vector<16xf32>
      %swap3A_113 = vector.shape_cast %broadcast_in_dim3A_5 : vector<16xf32> to vector<1x16xf32>
      tpu.vector_store %arg18[%swap3A_109, %swap3A_110], %swap3A_113 {strides = array<i32>} : memref<128x16xf32, #tpu.memory_space<vmem>>, vector<1x16xf32>,
    }
    %scan3A_10 = arith.constant 128 : i32
    "tpu.region"() ({
      %run_scoped3A = tpu.sem_alloc : memref<!tpu.dma_semaphore, #tpu.memory_space<semaphore_mem>>
      tpu.enqueue_dma source(%arg7 : memref<16xf32, #tpu.memory_space<hbm>>) target(%arg19 : memref<16xf32, #tpu.memory_space<vmem>>) target_semaphore(%run_scoped3A : memref<!tpu.dma_semaphore, #tpu.memory_space<semaphore_mem>>)
      tpu.wait_dma2 semaphore(%run_scoped3A : memref<!tpu.dma_semaphore, #tpu.memory_space<semaphore_mem>>) src(%arg7 : memref<16xf32, #tpu.memory_space<hbm>>) dst(%arg19 : memref<16xf32, #tpu.memory_space<vmem>>)
      tpu.yield
    }) : () -> ()
    "tpu.region"() ({
      %run_scoped3A = tpu.sem_alloc : memref<!tpu.dma_semaphore, #tpu.memory_space<semaphore_mem>>
      tpu.enqueue_dma source(%arg8 : memref<16xf32, #tpu.memory_space<hbm>>) target(%arg20 : memref<16xf32, #tpu.memory_space<vmem>>) target_semaphore(%run_scoped3A : memref<!tpu.dma_semaphore, #tpu.memory_space<semaphore_mem>>)
      tpu.wait_dma2 semaphore(%run_scoped3A : memref<!tpu.dma_semaphore, #tpu.memory_space<semaphore_mem>>) src(%arg8 : memref<16xf32, #tpu.memory_space<hbm>>) dst(%arg20 : memref<16xf32, #tpu.memory_space<vmem>>)
      tpu.yield
    }) : () -> ()
    %mul3A_11 = arith.constant 624 : i32
    %mul3A_12 = arith.muli %arg1, %mul3A_11 : i32
    %add3A_13 = arith.constant 0 : i32
    %add3A_14 = arith.addi %mul3A_12, %add3A_13 : i32
    "tpu.region"() ({
      %run_scoped3A = tpu.sem_alloc : memref<!tpu.dma_semaphore, #tpu.memory_space<semaphore_mem>>
      %dma_start3A_104 = arith.constant 0 : i32
      %dma_start3A_105 = tpu.memref_slice %arg21[%add3A_14, %dma_start3A_104] : memref<10000x16xf32, #tpu.memory_space<vmem_shared>> -> memref<128x16xf32, #tpu.memory_space<vmem_shared>>
      %dma_start3A_106 = arith.constant 0 : i32
      %dma_start3A_107 = tpu.memref_slice %arg21[%add3A_14, %dma_start3A_106] : memref<10000x16xf32, #tpu.memory_space<vmem_shared>> -> memref<128x16xf32, #tpu.memory_space<vmem_shared>>
      tpu.enqueue_dma source(%arg17 : memref<128x16xf32, #tpu.memory_space<vmem>>) target(%dma_start3A_107 : memref<128x16xf32, #tpu.memory_space<vmem_shared>>) target_semaphore(%run_scoped3A : memref<!tpu.dma_semaphore, #tpu.memory_space<semaphore_mem>>)
      %dma_wait3A_108 = arith.constant 0 : i32
      %dma_wait3A_109 = tpu.memref_slice %arg21[%add3A_14, %dma_wait3A_108] : memref<10000x16xf32, #tpu.memory_space<vmem_shared>> -> memref<128x16xf32, #tpu.memory_space<vmem_shared>>
      %dma_wait3A_110 = arith.constant 0 : i32
      %dma_wait3A_111 = tpu.memref_slice %arg21[%add3A_14, %dma_wait3A_110] : memref<10000x16xf32, #tpu.memory_space<vmem_shared>> -> memref<128x16xf32, #tpu.memory_space<vmem_shared>>
      tpu.wait_dma2 semaphore(%run_scoped3A : memref<!tpu.dma_semaphore, #tpu.memory_space<semaphore_mem>>) src(%arg17 : memref<128x16xf32, #tpu.memory_space<vmem>>) dst(%dma_wait3A_111 : memref<128x16xf32, #tpu.memory_space<vmem_shared>>)
      tpu.yield
    }) : () -> ()
    %add3A_15 = arith.constant 0 : i32
    %add3A_16 = arith.addi %mul3A_12, %add3A_15 : i32
    "tpu.region"() ({
      %run_scoped3A = tpu.sem_alloc : memref<!tpu.dma_semaphore, #tpu.memory_space<semaphore_mem>>
      %dma_start3A_104 = arith.constant 0 : i32
      %dma_start3A_105 = tpu.memref_slice %arg22[%add3A_16, %dma_start3A_104] : memref<10000x16xf32, #tpu.memory_space<vmem_shared>> -> memref<128x16xf32, #tpu.memory_space<vmem_shared>>
      %dma_start3A_106 = arith.constant 0 : i32
      %dma_start3A_107 = tpu.memref_slice %arg22[%add3A_16, %dma_start3A_106] : memref<10000x16xf32, #tpu.memory_space<vmem_shared>> -> memref<128x16xf32, #tpu.memory_space<vmem_shared>>
      tpu.enqueue_dma source(%arg17 : memref<128x16xf32, #tpu.memory_space<vmem>>) target(%dma_start3A_107 : memref<128x16xf32, #tpu.memory_space<vmem_shared>>) target_semaphore(%run_scoped3A : memref<!tpu.dma_semaphore, #tpu.memory_space<semaphore_mem>>)
      %dma_wait3A_108 = arith.constant 0 : i32
      %dma_wait3A_109 = tpu.memref_slice %arg22[%add3A_16, %dma_wait3A_108] : memref<10000x16xf32, #tpu.memory_space<vmem_shared>> -> memref<128x16xf32, #tpu.memory_space<vmem_shared>>
      %dma_wait3A_110 = arith.constant 0 : i32
      %dma_wait3A_111 = tpu.memref_slice %arg22[%add3A_16, %dma_wait3A_110] : memref<10000x16xf32, #tpu.memory_space<vmem_shared>> -> memref<128x16xf32, #tpu.memory_space<vmem_shared>>
      tpu.wait_dma2 semaphore(%run_scoped3A : memref<!tpu.dma_semaphore, #tpu.memory_space<semaphore_mem>>) src(%arg17 : memref<128x16xf32, #tpu.memory_space<vmem>>) dst(%dma_wait3A_111 : memref<128x16xf32, #tpu.memory_space<vmem_shared>>)
      tpu.yield
    }) : () -> ()
    %add3A_17 = arith.constant 128 : i32
    %add3A_18 = arith.addi %mul3A_12, %add3A_17 : i32
    "tpu.region"() ({
      %run_scoped3A = tpu.sem_alloc : memref<!tpu.dma_semaphore, #tpu.memory_space<semaphore_mem>>
      %dma_start3A_104 = arith.constant 0 : i32
      %dma_start3A_105 = tpu.memref_slice %arg21[%add3A_18, %dma_start3A_104] : memref<10000x16xf32, #tpu.memory_space<vmem_shared>> -> memref<128x16xf32, #tpu.memory_space<vmem_shared>>
      %dma_start3A_106 = arith.constant 0 : i32
      %dma_start3A_107 = tpu.memref_slice %arg21[%add3A_18, %dma_start3A_106] : memref<10000x16xf32, #tpu.memory_space<vmem_shared>> -> memref<128x16xf32, #tpu.memory_space<vmem_shared>>
      tpu.enqueue_dma source(%arg17 : memref<128x16xf32, #tpu.memory_space<vmem>>) target(%dma_start3A_107 : memref<128x16xf32, #tpu.memory_space<vmem_shared>>) target_semaphore(%run_scoped3A : memref<!tpu.dma_semaphore, #tpu.memory_space<semaphore_mem>>)
      %dma_wait3A_108 = arith.constant 0 : i32
      %dma_wait3A_109 = tpu.memref_slice %arg21[%add3A_18, %dma_wait3A_108] : memref<10000x16xf32, #tpu.memory_space<vmem_shared>> -> memref<128x16xf32, #tpu.memory_space<vmem_shared>>
      %dma_wait3A_110 = arith.constant 0 : i32
      %dma_wait3A_111 = tpu.memref_slice %arg21[%add3A_18, %dma_wait3A_110] : memref<10000x16xf32, #tpu.memory_space<vmem_shared>> -> memref<128x16xf32, #tpu.memory_space<vmem_shared>>
      tpu.wait_dma2 semaphore(%run_scoped3A : memref<!tpu.dma_semaphore, #tpu.memory_space<semaphore_mem>>) src(%arg17 : memref<128x16xf32, #tpu.memory_space<vmem>>) dst(%dma_wait3A_111 : memref<128x16xf32, #tpu.memory_space<vmem_shared>>)
      tpu.yield
    }) : () -> ()
    %add3A_19 = arith.constant 128 : i32
    %add3A_20 = arith.addi %mul3A_12, %add3A_19 : i32
    "tpu.region"() ({
      %run_scoped3A = tpu.sem_alloc : memref<!tpu.dma_semaphore, #tpu.memory_space<semaphore_mem>>
      %dma_start3A_104 = arith.constant 0 : i32
      %dma_start3A_105 = tpu.memref_slice %arg22[%add3A_20, %dma_start3A_104] : memref<10000x16xf32, #tpu.memory_space<vmem_shared>> -> memref<128x16xf32, #tpu.memory_space<vmem_shared>>
      %dma_start3A_106 = arith.constant 0 : i32
      %dma_start3A_107 = tpu.memref_slice %arg22[%add3A_20, %dma_start3A_106] : memref<10000x16xf32, #tpu.memory_space<vmem_shared>> -> memref<128x16xf32, #tpu.memory_space<vmem_shared>>
      tpu.enqueue_dma source(%arg17 : memref<128x16xf32, #tpu.memory_space<vmem>>) target(%dma_start3A_107 : memref<128x16xf32, #tpu.memory_space<vmem_shared>>) target_semaphore(%run_scoped3A : memref<!tpu.dma_semaphore, #tpu.memory_space<semaphore_mem>>)
      %dma_wait3A_108 = arith.constant 0 : i32
      %dma_wait3A_109 = tpu.memref_slice %arg22[%add3A_20, %dma_wait3A_108] : memref<10000x16xf32, #tpu.memory_space<vmem_shared>> -> memref<128x16xf32, #tpu.memory_space<vmem_shared>>
      %dma_wait3A_110 = arith.constant 0 : i32
      %dma_wait3A_111 = tpu.memref_slice %arg22[%add3A_20, %dma_wait3A_110] : memref<10000x16xf32, #tpu.memory_space<vmem_shared>> -> memref<128x16xf32, #tpu.memory_space<vmem_shared>>
      tpu.wait_dma2 semaphore(%run_scoped3A : memref<!tpu.dma_semaphore, #tpu.memory_space<semaphore_mem>>) src(%arg17 : memref<128x16xf32, #tpu.memory_space<vmem>>) dst(%dma_wait3A_111 : memref<128x16xf32, #tpu.memory_space<vmem_shared>>)
      tpu.yield
    }) : () -> ()
    %add3A_21 = arith.constant 256 : i32
    %add3A_22 = arith.addi %mul3A_12, %add3A_21 : i32
    "tpu.region"() ({
      %run_scoped3A = tpu.sem_alloc : memref<!tpu.dma_semaphore, #tpu.memory_space<semaphore_mem>>
      %dma_start3A_104 = arith.constant 0 : i32
      %dma_start3A_105 = tpu.memref_slice %arg21[%add3A_22, %dma_start3A_104] : memref<10000x16xf32, #tpu.memory_space<vmem_shared>> -> memref<128x16xf32, #tpu.memory_space<vmem_shared>>
      %dma_start3A_106 = arith.constant 0 : i32
      %dma_start3A_107 = tpu.memref_slice %arg21[%add3A_22, %dma_start3A_106] : memref<10000x16xf32, #tpu.memory_space<vmem_shared>> -> memref<128x16xf32, #tpu.memory_space<vmem_shared>>
      tpu.enqueue_dma source(%arg17 : memref<128x16xf32, #tpu.memory_space<vmem>>) target(%dma_start3A_107 : memref<128x16xf32, #tpu.memory_space<vmem_shared>>) target_semaphore(%run_scoped3A : memref<!tpu.dma_semaphore, #tpu.memory_space<semaphore_mem>>)
      %dma_wait3A_108 = arith.constant 0 : i32
      %dma_wait3A_109 = tpu.memref_slice %arg21[%add3A_22, %dma_wait3A_108] : memref<10000x16xf32, #tpu.memory_space<vmem_shared>> -> memref<128x16xf32, #tpu.memory_space<vmem_shared>>
      %dma_wait3A_110 = arith.constant 0 : i32
      %dma_wait3A_111 = tpu.memref_slice %arg21[%add3A_22, %dma_wait3A_110] : memref<10000x16xf32, #tpu.memory_space<vmem_shared>> -> memref<128x16xf32, #tpu.memory_space<vmem_shared>>
      tpu.wait_dma2 semaphore(%run_scoped3A : memref<!tpu.dma_semaphore, #tpu.memory_space<semaphore_mem>>) src(%arg17 : memref<128x16xf32, #tpu.memory_space<vmem>>) dst(%dma_wait3A_111 : memref<128x16xf32, #tpu.memory_space<vmem_shared>>)
      tpu.yield
    }) : () -> ()
    %add3A_23 = arith.constant 256 : i32
    %add3A_24 = arith.addi %mul3A_12, %add3A_23 : i32
    "tpu.region"() ({
      %run_scoped3A = tpu.sem_alloc : memref<!tpu.dma_semaphore, #tpu.memory_space<semaphore_mem>>
      %dma_start3A_104 = arith.constant 0 : i32
      %dma_start3A_105 = tpu.memref_slice %arg22[%add3A_24, %dma_start3A_104] : memref<10000x16xf32, #tpu.memory_space<vmem_shared>> -> memref<128x16xf32, #tpu.memory_space<vmem_shared>>
      %dma_start3A_106 = arith.constant 0 : i32
      %dma_start3A_107 = tpu.memref_slice %arg22[%add3A_24, %dma_start3A_106] : memref<10000x16xf32, #tpu.memory_space<vmem_shared>> -> memref<128x16xf32, #tpu.memory_space<vmem_shared>>
      tpu.enqueue_dma source(%arg17 : memref<128x16xf32, #tpu.memory_space<vmem>>) target(%dma_start3A_107 : memref<128x16xf32, #tpu.memory_space<vmem_shared>>) target_semaphore(%run_scoped3A : memref<!tpu.dma_semaphore, #tpu.memory_space<semaphore_mem>>)
      %dma_wait3A_108 = arith.constant 0 : i32
      %dma_wait3A_109 = tpu.memref_slice %arg22[%add3A_24, %dma_wait3A_108] : memref<10000x16xf32, #tpu.memory_space<vmem_shared>> -> memref<128x16xf32, #tpu.memory_space<vmem_shared>>
      %dma_wait3A_110 = arith.constant 0 : i32
      %dma_wait3A_111 = tpu.memref_slice %arg22[%add3A_24, %dma_wait3A_110] : memref<10000x16xf32, #tpu.memory_space<vmem_shared>> -> memref<128x16xf32, #tpu.memory_space<vmem_shared>>
      tpu.wait_dma2 semaphore(%run_scoped3A : memref<!tpu.dma_semaphore, #tpu.memory_space<semaphore_mem>>) src(%arg17 : memref<128x16xf32, #tpu.memory_space<vmem>>) dst(%dma_wait3A_111 : memref<128x16xf32, #tpu.memory_space<vmem_shared>>)
      tpu.yield
    }) : () -> ()
    %add3A_25 = arith.constant 384 : i32
    %add3A_26 = arith.addi %mul3A_12, %add3A_25 : i32
    "tpu.region"() ({
      %run_scoped3A = tpu.sem_alloc : memref<!tpu.dma_semaphore, #tpu.memory_space<semaphore_mem>>
      %dma_start3A_104 = arith.constant 0 : i32
      %dma_start3A_105 = tpu.memref_slice %arg21[%add3A_26, %dma_start3A_104] : memref<10000x16xf32, #tpu.memory_space<vmem_shared>> -> memref<128x16xf32, #tpu.memory_space<vmem_shared>>
      %dma_start3A_106 = arith.constant 0 : i32
      %dma_start3A_107 = tpu.memref_slice %arg21[%add3A_26, %dma_start3A_106] : memref<10000x16xf32, #tpu.memory_space<vmem_shared>> -> memref<128x16xf32, #tpu.memory_space<vmem_shared>>
      tpu.enqueue_dma source(%arg17 : memref<128x16xf32, #tpu.memory_space<vmem>>) target(%dma_start3A_107 : memref<128x16xf32, #tpu.memory_space<vmem_shared>>) target_semaphore(%run_scoped3A : memref<!tpu.dma_semaphore, #tpu.memory_space<semaphore_mem>>)
      %dma_wait3A_108 = arith.constant 0 : i32
      %dma_wait3A_109 = tpu.memref_slice %arg21[%add3A_26, %dma_wait3A_108] : memref<10000x16xf32, #tpu.memory_space<vmem_shared>> -> memref<128x16xf32, #tpu.memory_space<vmem_shared>>
      %dma_wait3A_110 = arith.constant 0 : i32
      %dma_wait3A_111 = tpu.memref_slice %arg21[%add3A_26, %dma_wait3A_110] : memref<10000x16xf32, #tpu.memory_space<vmem_shared>> -> memref<128x16xf32, #tpu.memory_space<vmem_shared>>
      tpu.wait_dma2 semaphore(%run_scoped3A : memref<!tpu.dma_semaphore, #tpu.memory_space<semaphore_mem>>) src(%arg17 : memref<128x16xf32, #tpu.memory_space<vmem>>) dst(%dma_wait3A_111 : memref<128x16xf32, #tpu.memory_space<vmem_shared>>)
      tpu.yield
    }) : () -> ()
    %add3A_27 = arith.constant 384 : i32
    %add3A_28 = arith.addi %mul3A_12, %add3A_27 : i32
    "tpu.region"() ({
      %run_scoped3A = tpu.sem_alloc : memref<!tpu.dma_semaphore, #tpu.memory_space<semaphore_mem>>
      %dma_start3A_104 = arith.constant 0 : i32
      %dma_start3A_105 = tpu.memref_slice %arg22[%add3A_28, %dma_start3A_104] : memref<10000x16xf32, #tpu.memory_space<vmem_shared>> -> memref<128x16xf32, #tpu.memory_space<vmem_shared>>
      %dma_start3A_106 = arith.constant 0 : i32
      %dma_start3A_107 = tpu.memref_slice %arg22[%add3A_28, %dma_start3A_106] : memref<10000x16xf32, #tpu.memory_space<vmem_shared>> -> memref<128x16xf32, #tpu.memory_space<vmem_shared>>
      tpu.enqueue_dma source(%arg17 : memref<128x16xf32, #tpu.memory_space<vmem>>) target(%dma_start3A_107 : memref<128x16xf32, #tpu.memory_space<vmem_shared>>) target_semaphore(%run_scoped3A : memref<!tpu.dma_semaphore, #tpu.memory_space<semaphore_mem>>)
      %dma_wait3A_108 = arith.constant 0 : i32
      %dma_wait3A_109 = tpu.memref_slice %arg22[%add3A_28, %dma_wait3A_108] : memref<10000x16xf32, #tpu.memory_space<vmem_shared>> -> memref<128x16xf32, #tpu.memory_space<vmem_shared>>
      %dma_wait3A_110 = arith.constant 0 : i32
      %dma_wait3A_111 = tpu.memref_slice %arg22[%add3A_28, %dma_wait3A_110] : memref<10000x16xf32, #tpu.memory_space<vmem_shared>> -> memref<128x16xf32, #tpu.memory_space<vmem_shared>>
      tpu.wait_dma2 semaphore(%run_scoped3A : memref<!tpu.dma_semaphore, #tpu.memory_space<semaphore_mem>>) src(%arg17 : memref<128x16xf32, #tpu.memory_space<vmem>>) dst(%dma_wait3A_111 : memref<128x16xf32, #tpu.memory_space<vmem_shared>>)
      tpu.yield
    }) : () -> ()
    %add3A_29 = arith.constant 512 : i32
    %add3A_30 = arith.addi %mul3A_12, %add3A_29 : i32
    "tpu.region"() ({
      %run_scoped3A = tpu.sem_alloc : memref<!tpu.dma_semaphore, #tpu.memory_space<semaphore_mem>>
      %dma_start3A_104 = arith.constant 0 : i32
      %dma_start3A_105 = arith.constant 0 : i32
      %dma_start3A_106 = tpu.memref_slice %arg17[%dma_start3A_104, %dma_start3A_105] : memref<128x16xf32, #tpu.memory_space<vmem>> -> memref<112x16xf32, #tpu.memory_space<vmem>>
      %dma_start3A_107 = arith.constant 0 : i32
      %dma_start3A_108 = tpu.memref_slice %arg21[%add3A_30, %dma_start3A_107] : memref<10000x16xf32, #tpu.memory_space<vmem_shared>> -> memref<112x16xf32, #tpu.memory_space<vmem_shared>>
      %dma_start3A_109 = arith.constant 0 : i32
      %dma_start3A_110 = tpu.memref_slice %arg21[%add3A_30, %dma_start3A_109] : memref<10000x16xf32, #tpu.memory_space<vmem_shared>> -> memref<112x16xf32, #tpu.memory_space<vmem_shared>>
      %dma_start3A_111 = arith.constant 0 : i32
      %dma_start3A_112 = arith.constant 0 : i32
      %dma_start3A_113 = tpu.memref_slice %arg17[%dma_start3A_111, %dma_start3A_112] : memref<128x16xf32, #tpu.memory_space<vmem>> -> memref<112x16xf32, #tpu.memory_space<vmem>>
      tpu.enqueue_dma source(%dma_start3A_113 : memref<112x16xf32, #tpu.memory_space<vmem>>) target(%dma_start3A_110 : memref<112x16xf32, #tpu.memory_space<vmem_shared>>) target_semaphore(%run_scoped3A : memref<!tpu.dma_semaphore, #tpu.memory_space<semaphore_mem>>)
      %dma_wait3A_114 = arith.constant 0 : i32
      %dma_wait3A_115 = arith.constant 0 : i32
      %dma_wait3A_116 = tpu.memref_slice %arg17[%dma_wait3A_114, %dma_wait3A_115] : memref<128x16xf32, #tpu.memory_space<vmem>> -> memref<112x16xf32, #tpu.memory_space<vmem>>
      %dma_wait3A_117 = arith.constant 0 : i32
      %dma_wait3A_118 = tpu.memref_slice %arg21[%add3A_30, %dma_wait3A_117] : memref<10000x16xf32, #tpu.memory_space<vmem_shared>> -> memref<112x16xf32, #tpu.memory_space<vmem_shared>>
      %dma_wait3A_119 = arith.constant 0 : i32
      %dma_wait3A_120 = tpu.memref_slice %arg21[%add3A_30, %dma_wait3A_119] : memref<10000x16xf32, #tpu.memory_space<vmem_shared>> -> memref<112x16xf32, #tpu.memory_space<vmem_shared>>
      %dma_wait3A_121 = arith.constant 0 : i32
      %dma_wait3A_122 = arith.constant 0 : i32
      %dma_wait3A_123 = tpu.memref_slice %arg17[%dma_wait3A_121, %dma_wait3A_122] : memref<128x16xf32, #tpu.memory_space<vmem>> -> memref<112x16xf32, #tpu.memory_space<vmem>>
      tpu.wait_dma2 semaphore(%run_scoped3A : memref<!tpu.dma_semaphore, #tpu.memory_space<semaphore_mem>>) src(%dma_wait3A_123 : memref<112x16xf32, #tpu.memory_space<vmem>>) dst(%dma_wait3A_120 : memref<112x16xf32, #tpu.memory_space<vmem_shared>>)
      tpu.yield
    }) : () -> ()
    %add3A_31 = arith.constant 512 : i32
    %add3A_32 = arith.addi %mul3A_12, %add3A_31 : i32
    "tpu.region"() ({
      %run_scoped3A = tpu.sem_alloc : memref<!tpu.dma_semaphore, #tpu.memory_space<semaphore_mem>>
      %dma_start3A_104 = arith.constant 0 : i32
      %dma_start3A_105 = arith.constant 0 : i32
      %dma_start3A_106 = tpu.memref_slice %arg17[%dma_start3A_104, %dma_start3A_105] : memref<128x16xf32, #tpu.memory_space<vmem>> -> memref<112x16xf32, #tpu.memory_space<vmem>>
      %dma_start3A_107 = arith.constant 0 : i32
      %dma_start3A_108 = tpu.memref_slice %arg22[%add3A_32, %dma_start3A_107] : memref<10000x16xf32, #tpu.memory_space<vmem_shared>> -> memref<112x16xf32, #tpu.memory_space<vmem_shared>>
      %dma_start3A_109 = arith.constant 0 : i32
      %dma_start3A_110 = tpu.memref_slice %arg22[%add3A_32, %dma_start3A_109] : memref<10000x16xf32, #tpu.memory_space<vmem_shared>> -> memref<112x16xf32, #tpu.memory_space<vmem_shared>>
      %dma_start3A_111 = arith.constant 0 : i32
      %dma_start3A_112 = arith.constant 0 : i32
      %dma_start3A_113 = tpu.memref_slice %arg17[%dma_start3A_111, %dma_start3A_112] : memref<128x16xf32, #tpu.memory_space<vmem>> -> memref<112x16xf32, #tpu.memory_space<vmem>>
      tpu.enqueue_dma source(%dma_start3A_113 : memref<112x16xf32, #tpu.memory_space<vmem>>) target(%dma_start3A_110 : memref<112x16xf32, #tpu.memory_space<vmem_shared>>) target_semaphore(%run_scoped3A : memref<!tpu.dma_semaphore, #tpu.memory_space<semaphore_mem>>)
      %dma_wait3A_114 = arith.constant 0 : i32
      %dma_wait3A_115 = arith.constant 0 : i32
      %dma_wait3A_116 = tpu.memref_slice %arg17[%dma_wait3A_114, %dma_wait3A_115] : memref<128x16xf32, #tpu.memory_space<vmem>> -> memref<112x16xf32, #tpu.memory_space<vmem>>
      %dma_wait3A_117 = arith.constant 0 : i32
      %dma_wait3A_118 = tpu.memref_slice %arg22[%add3A_32, %dma_wait3A_117] : memref<10000x16xf32, #tpu.memory_space<vmem_shared>> -> memref<112x16xf32, #tpu.memory_space<vmem_shared>>
      %dma_wait3A_119 = arith.constant 0 : i32
      %dma_wait3A_120 = tpu.memref_slice %arg22[%add3A_32, %dma_wait3A_119] : memref<10000x16xf32, #tpu.memory_space<vmem_shared>> -> memref<112x16xf32, #tpu.memory_space<vmem_shared>>
      %dma_wait3A_121 = arith.constant 0 : i32
      %dma_wait3A_122 = arith.constant 0 : i32
      %dma_wait3A_123 = tpu.memref_slice %arg17[%dma_wait3A_121, %dma_wait3A_122] : memref<128x16xf32, #tpu.memory_space<vmem>> -> memref<112x16xf32, #tpu.memory_space<vmem>>
      tpu.wait_dma2 semaphore(%run_scoped3A : memref<!tpu.dma_semaphore, #tpu.memory_space<semaphore_mem>>) src(%dma_wait3A_123 : memref<112x16xf32, #tpu.memory_space<vmem>>) dst(%dma_wait3A_120 : memref<112x16xf32, #tpu.memory_space<vmem_shared>>)
      tpu.yield
    }) : () -> ()
    %eq3A = arith.constant 15 : i32
    %eq3A_33 = arith.cmpi eq, %arg1, %eq3A : i32
    %convert_element_type3A = arith.extui %eq3A_33 : i1 to i32
    %cond3A = arith.constant 0 : i32
    %cond3A_34 = arith.cmpi ne, %convert_element_type3A, %cond3A : i32
    scf.if %cond3A_34 {
      "tpu.region"() ({
        %run_scoped3A = tpu.sem_alloc : memref<!tpu.dma_semaphore, #tpu.memory_space<semaphore_mem>>
        %dma_start3A_104 = arith.constant 0 : i32
        %dma_start3A_105 = arith.constant 0 : i32
        %dma_start3A_106 = tpu.memref_slice %arg17[%dma_start3A_104, %dma_start3A_105] : memref<128x16xf32, #tpu.memory_space<vmem>> -> memref<16x16xf32, #tpu.memory_space<vmem>>
        %dma_start3A_107 = arith.constant 9984 : i32
        %dma_start3A_108 = arith.constant 0 : i32
        %dma_start3A_109 = tpu.memref_slice %arg21[%dma_start3A_107, %dma_start3A_108] : memref<10000x16xf32, #tpu.memory_space<vmem_shared>> -> memref<16x16xf32, #tpu.memory_space<vmem_shared>>
        %dma_start3A_110 = arith.constant 9984 : i32
        %dma_start3A_111 = arith.constant 0 : i32
        %dma_start3A_112 = tpu.memref_slice %arg21[%dma_start3A_110, %dma_start3A_111] : memref<10000x16xf32, #tpu.memory_space<vmem_shared>> -> memref<16x16xf32, #tpu.memory_space<vmem_shared>>
        %dma_start3A_113 = arith.constant 0 : i32
        %dma_start3A_114 = arith.constant 0 : i32
        %dma_start3A_115 = tpu.memref_slice %arg17[%dma_start3A_113, %dma_start3A_114] : memref<128x16xf32, #tpu.memory_space<vmem>> -> memref<16x16xf32, #tpu.memory_space<vmem>>
        tpu.enqueue_dma source(%dma_start3A_115 : memref<16x16xf32, #tpu.memory_space<vmem>>) target(%dma_start3A_112 : memref<16x16xf32, #tpu.memory_space<vmem_shared>>) target_semaphore(%run_scoped3A : memref<!tpu.dma_semaphore, #tpu.memory_space<semaphore_mem>>)
        %dma_wait3A_116 = arith.constant 0 : i32
        %dma_wait3A_117 = arith.constant 0 : i32
        %dma_wait3A_118 = tpu.memref_slice %arg17[%dma_wait3A_116, %dma_wait3A_117] : memref<128x16xf32, #tpu.memory_space<vmem>> -> memref<16x16xf32, #tpu.memory_space<vmem>>
        %dma_wait3A_119 = arith.constant 9984 : i32
        %dma_wait3A_120 = arith.constant 0 : i32
        %dma_wait3A_121 = tpu.memref_slice %arg21[%dma_wait3A_119, %dma_wait3A_120] : memref<10000x16xf32, #tpu.memory_space<vmem_shared>> -> memref<16x16xf32, #tpu.memory_space<vmem_shared>>
        %dma_wait3A_122 = arith.constant 9984 : i32
        %dma_wait3A_123 = arith.constant 0 : i32
        %dma_wait3A_124 = tpu.memref_slice %arg21[%dma_wait3A_122, %dma_wait3A_123] : memref<10000x16xf32, #tpu.memory_space<vmem_shared>> -> memref<16x16xf32, #tpu.memory_space<vmem_shared>>
        %dma_wait3A_125 = arith.constant 0 : i32
        %dma_wait3A_126 = arith.constant 0 : i32
        %dma_wait3A_127 = tpu.memref_slice %arg17[%dma_wait3A_125, %dma_wait3A_126] : memref<128x16xf32, #tpu.memory_space<vmem>> -> memref<16x16xf32, #tpu.memory_space<vmem>>
        tpu.wait_dma2 semaphore(%run_scoped3A : memref<!tpu.dma_semaphore, #tpu.memory_space<semaphore_mem>>) src(%dma_wait3A_127 : memref<16x16xf32, #tpu.memory_space<vmem>>) dst(%dma_wait3A_124 : memref<16x16xf32, #tpu.memory_space<vmem_shared>>)
        tpu.yield
      }) : () -> ()
      "tpu.region"() ({
        %run_scoped3A = tpu.sem_alloc : memref<!tpu.dma_semaphore, #tpu.memory_space<semaphore_mem>>
        %dma_start3A_104 = arith.constant 0 : i32
        %dma_start3A_105 = arith.constant 0 : i32
        %dma_start3A_106 = tpu.memref_slice %arg17[%dma_start3A_104, %dma_start3A_105] : memref<128x16xf32, #tpu.memory_space<vmem>> -> memref<16x16xf32, #tpu.memory_space<vmem>>
        %dma_start3A_107 = arith.constant 9984 : i32
        %dma_start3A_108 = arith.constant 0 : i32
        %dma_start3A_109 = tpu.memref_slice %arg22[%dma_start3A_107, %dma_start3A_108] : memref<10000x16xf32, #tpu.memory_space<vmem_shared>> -> memref<16x16xf32, #tpu.memory_space<vmem_shared>>
        %dma_start3A_110 = arith.constant 9984 : i32
        %dma_start3A_111 = arith.constant 0 : i32
        %dma_start3A_112 = tpu.memref_slice %arg22[%dma_start3A_110, %dma_start3A_111] : memref<10000x16xf32, #tpu.memory_space<vmem_shared>> -> memref<16x16xf32, #tpu.memory_space<vmem_shared>>
        %dma_start3A_113 = arith.constant 0 : i32
        %dma_start3A_114 = arith.constant 0 : i32
        %dma_start3A_115 = tpu.memref_slice %arg17[%dma_start3A_113, %dma_start3A_114] : memref<128x16xf32, #tpu.memory_space<vmem>> -> memref<16x16xf32, #tpu.memory_space<vmem>>
        tpu.enqueue_dma source(%dma_start3A_115 : memref<16x16xf32, #tpu.memory_space<vmem>>) target(%dma_start3A_112 : memref<16x16xf32, #tpu.memory_space<vmem_shared>>) target_semaphore(%run_scoped3A : memref<!tpu.dma_semaphore, #tpu.memory_space<semaphore_mem>>)
        %dma_wait3A_116 = arith.constant 0 : i32
        %dma_wait3A_117 = arith.constant 0 : i32
        %dma_wait3A_118 = tpu.memref_slice %arg17[%dma_wait3A_116, %dma_wait3A_117] : memref<128x16xf32, #tpu.memory_space<vmem>> -> memref<16x16xf32, #tpu.memory_space<vmem>>
        %dma_wait3A_119 = arith.constant 9984 : i32
        %dma_wait3A_120 = arith.constant 0 : i32
        %dma_wait3A_121 = tpu.memref_slice %arg22[%dma_wait3A_119, %dma_wait3A_120] : memref<10000x16xf32, #tpu.memory_space<vmem_shared>> -> memref<16x16xf32, #tpu.memory_space<vmem_shared>>
        %dma_wait3A_122 = arith.constant 9984 : i32
        %dma_wait3A_123 = arith.constant 0 : i32
        %dma_wait3A_124 = tpu.memref_slice %arg22[%dma_wait3A_122, %dma_wait3A_123] : memref<10000x16xf32, #tpu.memory_space<vmem_shared>> -> memref<16x16xf32, #tpu.memory_space<vmem_shared>>
        %dma_wait3A_125 = arith.constant 0 : i32
        %dma_wait3A_126 = arith.constant 0 : i32
        %dma_wait3A_127 = tpu.memref_slice %arg17[%dma_wait3A_125, %dma_wait3A_126] : memref<128x16xf32, #tpu.memory_space<vmem>> -> memref<16x16xf32, #tpu.memory_space<vmem>>
        tpu.wait_dma2 semaphore(%run_scoped3A : memref<!tpu.dma_semaphore, #tpu.memory_space<semaphore_mem>>) src(%dma_wait3A_127 : memref<16x16xf32, #tpu.memory_space<vmem>>) dst(%dma_wait3A_124 : memref<16x16xf32, #tpu.memory_space<vmem_shared>>)
        tpu.yield
      }) : () -> ()
    } else {
    }
    %barrier3A = arith.constant 0 : index
    tpu.barrier barrier_id(%barrier3A)
    %scan3A_35 = arith.constant 0 : i32
    %scan3A_36 = arith.constant 0 : i32
    %scan3A_37 = arith.constant 78 : i32
    %scan3A_38 = arith.addi %scan3A_36, %scan3A_37 : i32
    %scan3A_39 = arith.constant 1 : i32
    scf.for %scan3A_104 = %scan3A_36 to %scan3A_38 step %scan3A_39  : i32 {
      %mul3A_105 = arith.constant 128 : i32
      %mul3A_106 = arith.muli %scan3A_104, %mul3A_105 : i32
      %add3A_107 = arith.addi %mul3A_2, %mul3A_106 : i32
      "tpu.region"() ({
        %run_scoped3A = tpu.sem_alloc : memref<!tpu.dma_semaphore, #tpu.memory_space<semaphore_mem>>
        %dma_start3A_140 = tpu.memref_slice %arg2[%add3A_107] : memref<320000xi32, #tpu.memory_space<hbm>> -> memref<128xi32, #tpu.memory_space<hbm>>
        %dma_start3A_141 = tpu.memref_slice %arg2[%add3A_107] : memref<320000xi32, #tpu.memory_space<hbm>> -> memref<128xi32, #tpu.memory_space<hbm>>
        tpu.enqueue_dma source(%dma_start3A_141 : memref<128xi32, #tpu.memory_space<hbm>>) target(%arg12 : memref<128xi32, #tpu.memory_space<vmem>>) target_semaphore(%run_scoped3A : memref<!tpu.dma_semaphore, #tpu.memory_space<semaphore_mem>>)
        %dma_wait3A_142 = tpu.memref_slice %arg2[%add3A_107] : memref<320000xi32, #tpu.memory_space<hbm>> -> memref<128xi32, #tpu.memory_space<hbm>>
        %dma_wait3A_143 = tpu.memref_slice %arg2[%add3A_107] : memref<320000xi32, #tpu.memory_space<hbm>> -> memref<128xi32, #tpu.memory_space<hbm>>
        tpu.wait_dma2 semaphore(%run_scoped3A : memref<!tpu.dma_semaphore, #tpu.memory_space<semaphore_mem>>) src(%dma_wait3A_143 : memref<128xi32, #tpu.memory_space<hbm>>) dst(%arg12 : memref<128xi32, #tpu.memory_space<vmem>>)
        tpu.yield
      }) : () -> ()
      "tpu.region"() ({
        %run_scoped3A = tpu.sem_alloc : memref<!tpu.dma_semaphore, #tpu.memory_space<semaphore_mem>>
        %dma_start3A_140 = tpu.memref_slice %arg3[%add3A_107] : memref<320000xi32, #tpu.memory_space<hbm>> -> memref<128xi32, #tpu.memory_space<hbm>>
        %dma_start3A_141 = tpu.memref_slice %arg3[%add3A_107] : memref<320000xi32, #tpu.memory_space<hbm>> -> memref<128xi32, #tpu.memory_space<hbm>>
        tpu.enqueue_dma source(%dma_start3A_141 : memref<128xi32, #tpu.memory_space<hbm>>) target(%arg13 : memref<128xi32, #tpu.memory_space<vmem>>) target_semaphore(%run_scoped3A : memref<!tpu.dma_semaphore, #tpu.memory_space<semaphore_mem>>)
        %dma_wait3A_142 = tpu.memref_slice %arg3[%add3A_107] : memref<320000xi32, #tpu.memory_space<hbm>> -> memref<128xi32, #tpu.memory_space<hbm>>
        %dma_wait3A_143 = tpu.memref_slice %arg3[%add3A_107] : memref<320000xi32, #tpu.memory_space<hbm>> -> memref<128xi32, #tpu.memory_space<hbm>>
        tpu.wait_dma2 semaphore(%run_scoped3A : memref<!tpu.dma_semaphore, #tpu.memory_space<semaphore_mem>>) src(%dma_wait3A_143 : memref<128xi32, #tpu.memory_space<hbm>>) dst(%arg13 : memref<128xi32, #tpu.memory_space<vmem>>)
        tpu.yield
      }) : () -> ()
      %dma_start3A_108 = arith.constant 0 : i32
      %dma_start3A_109 = arith.constant 0 : i32
      %dma_start3A_110 = tpu.memref_slice %arg4[%dma_start3A_108, %dma_start3A_109] : memref<10000x16xf32, #tpu.memory_space<hbm>> -> memref<10000x16xf32, #tpu.memory_space<hbm>>
      tpu.enqueue_indirect_dma source(%dma_start3A_110 : memref<10000x16xf32, #tpu.memory_space<hbm>>) target(%arg14 : memref<128x16xf32, #tpu.memory_space<vmem>>) offsets(%arg12 : memref<128xi32, #tpu.memory_space<vmem>>) semaphore(%arg23 : memref<!tpu.dma_semaphore, #tpu.memory_space<semaphore_mem>>)
      %dma_start3A_111 = arith.constant 0 : i32
      %dma_start3A_112 = arith.constant 0 : i32
      %dma_start3A_113 = tpu.memref_slice %arg5[%dma_start3A_111, %dma_start3A_112] : memref<10000x16xf32, #tpu.memory_space<hbm>> -> memref<10000x16xf32, #tpu.memory_space<hbm>>
      tpu.enqueue_indirect_dma source(%dma_start3A_113 : memref<10000x16xf32, #tpu.memory_space<hbm>>) target(%arg15 : memref<128x16xf32, #tpu.memory_space<vmem>>) offsets(%arg13 : memref<128xi32, #tpu.memory_space<vmem>>) semaphore(%arg24 : memref<!tpu.dma_semaphore, #tpu.memory_space<semaphore_mem>>)
      %dma_start3A_114 = arith.constant 0 : i32
      %dma_start3A_115 = tpu.memref_slice %arg6[%add3A_107, %dma_start3A_114] : memref<320000x16xf32, #tpu.memory_space<hbm>> -> memref<128x16xf32, #tpu.memory_space<hbm>>
      %dma_start3A_116 = arith.constant 0 : i32
      %dma_start3A_117 = tpu.memref_slice %arg6[%add3A_107, %dma_start3A_116] : memref<320000x16xf32, #tpu.memory_space<hbm>> -> memref<128x16xf32, #tpu.memory_space<hbm>>
      tpu.enqueue_dma source(%dma_start3A_117 : memref<128x16xf32, #tpu.memory_space<hbm>>) target(%arg16 : memref<128x16xf32, #tpu.memory_space<vmem>>) target_semaphore(%arg25 : memref<!tpu.dma_semaphore, #tpu.memory_space<semaphore_mem>>)
      %dma_wait3A_118 = arith.constant 0 : i32
      %dma_wait3A_119 = arith.constant 0 : i32
      %dma_wait3A_120 = tpu.memref_slice %arg4[%dma_wait3A_118, %dma_wait3A_119] : memref<10000x16xf32, #tpu.memory_space<hbm>> -> memref<10000x16xf32, #tpu.memory_space<hbm>>
      tpu.wait_indirect_dma semaphore(%arg23 : memref<!tpu.dma_semaphore, #tpu.memory_space<semaphore_mem>>) src(%dma_wait3A_120 : memref<10000x16xf32, #tpu.memory_space<hbm>>) dst(%arg14 : memref<128x16xf32, #tpu.memory_space<vmem>>)
      %dma_wait3A_121 = arith.constant 0 : i32
      %dma_wait3A_122 = arith.constant 0 : i32
      %dma_wait3A_123 = tpu.memref_slice %arg5[%dma_wait3A_121, %dma_wait3A_122] : memref<10000x16xf32, #tpu.memory_space<hbm>> -> memref<10000x16xf32, #tpu.memory_space<hbm>>
      tpu.wait_indirect_dma semaphore(%arg24 : memref<!tpu.dma_semaphore, #tpu.memory_space<semaphore_mem>>) src(%dma_wait3A_123 : memref<10000x16xf32, #tpu.memory_space<hbm>>) dst(%arg15 : memref<128x16xf32, #tpu.memory_space<vmem>>)
      %dma_wait3A_124 = arith.constant 0 : i32
      %dma_wait3A_125 = tpu.memref_slice %arg6[%add3A_107, %dma_wait3A_124] : memref<320000x16xf32, #tpu.memory_space<hbm>> -> memref<128x16xf32, #tpu.memory_space<hbm>>
      %dma_wait3A_126 = arith.constant 0 : i32
      %dma_wait3A_127 = tpu.memref_slice %arg6[%add3A_107, %dma_wait3A_126] : memref<320000x16xf32, #tpu.memory_space<hbm>> -> memref<128x16xf32, #tpu.memory_space<hbm>>
      tpu.wait_dma2 semaphore(%arg25 : memref<!tpu.dma_semaphore, #tpu.memory_space<semaphore_mem>>) src(%dma_wait3A_127 : memref<128x16xf32, #tpu.memory_space<hbm>>) dst(%arg16 : memref<128x16xf32, #tpu.memory_space<vmem>>)
      %get3A_128 = arith.constant 0 : index
      %get3A_129 = tpu.vector_load %arg19[%get3A_128] {strides = array<i32>} : memref<16xf32, #tpu.memory_space<vmem>>, vector<16xf32>,
      %get3A_130 = vector.shape_cast %get3A_129 : vector<16xf32> to vector<16xf32>
      %get3A_131 = arith.constant 0 : index
      %get3A_132 = tpu.vector_load %arg20[%get3A_131] {strides = array<i32>} : memref<16xf32, #tpu.memory_space<vmem>>, vector<16xf32>,
      %get3A_133 = vector.shape_cast %get3A_132 : vector<16xf32> to vector<16xf32>
      %scan3A_134 = arith.constant 0 : i32
      %scan3A_135 = arith.constant 0 : i32
      %scan3A_136 = arith.constant 32 : i32
      %scan3A_137 = arith.addi %scan3A_135, %scan3A_136 : i32
      %scan3A_138 = arith.constant 1 : i32
      scf.for %scan3A_140 = %scan3A_135 to %scan3A_137 step %scan3A_138  : i32 {
        %mul3A_141 = arith.constant 4 : i32
        %mul3A_142 = arith.muli %scan3A_140, %mul3A_141 : i32
        %add3A_143 = arith.constant 0 : i32
        %add3A_144 = arith.addi %mul3A_142, %add3A_143 : i32
        %get3A_145 = arith.index_cast %add3A_144 : i32 to index
        %get3A_146 = arith.constant 0 : index
        %get3A_147 = tpu.vector_load %arg16[%get3A_145, %get3A_146] {strides = array<i32>} : memref<128x16xf32, #tpu.memory_space<vmem>>, vector<1x16xf32>,
        %get3A_148 = vector.shape_cast %get3A_147 : vector<1x16xf32> to vector<16xf32>
        %get3A_149 = arith.index_cast %add3A_144 : i32 to index
        %get3A_150 = arith.constant 0 : index
        %get3A_151 = tpu.vector_load %arg14[%get3A_149, %get3A_150] {strides = array<i32>} : memref<128x16xf32, #tpu.memory_space<vmem>>, vector<1x16xf32>,
        %get3A_152 = vector.shape_cast %get3A_151 : vector<1x16xf32> to vector<16xf32>
        %add3A_153 = arith.addf %get3A_148, %get3A_152 : vector<16xf32>
        %get3A_154 = arith.index_cast %add3A_144 : i32 to index
        %get3A_155 = arith.constant 0 : index
        %get3A_156 = tpu.vector_load %arg15[%get3A_154, %get3A_155] {strides = array<i32>} : memref<128x16xf32, #tpu.memory_space<vmem>>, vector<1x16xf32>,
        %get3A_157 = vector.shape_cast %get3A_156 : vector<1x16xf32> to vector<16xf32>
        %add3A_158 = arith.addf %add3A_153, %get3A_157 : vector<16xf32>
        %iota3A = tpu.iota {dimensions = array<i32: 0>} : vector<16xi32>
        %xor3A = arith.constant 1 : i32
        %xor3A_159 = vector.broadcast %xor3A : i32 to vector<16xi32>
        %xor3A_160 = arith.xori %iota3A, %xor3A_159 : vector<16xi32>
        %broadcast_in_dim3A_161 = vector.shape_cast %xor3A_160 : vector<16xi32> to vector<16x1xi32>
        %gather3A = vector.shape_cast %broadcast_in_dim3A_161 : vector<16x1xi32> to vector<16xi32>
        %gather3A_162 = tpu.dynamic_gather %add3A_158[%gather3A] in [0] : vector<16xf32>, vector<16xi32> -> vector<16xf32>
        %add3A_163 = arith.addf %add3A_158, %gather3A_162 : vector<16xf32>
        %xor3A_164 = arith.constant 2 : i32
        %xor3A_165 = vector.broadcast %xor3A_164 : i32 to vector<16xi32>
        %xor3A_166 = arith.xori %iota3A, %xor3A_165 : vector<16xi32>
        %broadcast_in_dim3A_167 = vector.shape_cast %xor3A_166 : vector<16xi32> to vector<16x1xi32>
        %gather3A_168 = vector.shape_cast %broadcast_in_dim3A_167 : vector<16x1xi32> to vector<16xi32>
        %gather3A_169 = tpu.dynamic_gather %add3A_163[%gather3A_168] in [0] : vector<16xf32>, vector<16xi32> -> vector<16xf32>
        %add3A_170 = arith.addf %add3A_163, %gather3A_169 : vector<16xf32>
        %xor3A_171 = arith.constant 4 : i32
        %xor3A_172 = vector.broadcast %xor3A_171 : i32 to vector<16xi32>
        %xor3A_173 = arith.xori %iota3A, %xor3A_172 : vector<16xi32>
        %broadcast_in_dim3A_174 = vector.shape_cast %xor3A_173 : vector<16xi32> to vector<16x1xi32>
        %gather3A_175 = vector.shape_cast %broadcast_in_dim3A_174 : vector<16x1xi32> to vector<16xi32>
        %gather3A_176 = tpu.dynamic_gather %add3A_170[%gather3A_175] in [0] : vector<16xf32>, vector<16xi32> -> vector<16xf32>
        %add3A_177 = arith.addf %add3A_170, %gather3A_176 : vector<16xf32>
        %xor3A_178 = arith.constant 8 : i32
        %xor3A_179 = vector.broadcast %xor3A_178 : i32 to vector<16xi32>
        %xor3A_180 = arith.xori %iota3A, %xor3A_179 : vector<16xi32>
        %broadcast_in_dim3A_181 = vector.shape_cast %xor3A_180 : vector<16xi32> to vector<16x1xi32>
        %gather3A_182 = vector.shape_cast %broadcast_in_dim3A_181 : vector<16x1xi32> to vector<16xi32>
        %gather3A_183 = tpu.dynamic_gather %add3A_177[%gather3A_182] in [0] : vector<16xf32>, vector<16xi32> -> vector<16xf32>
        %add3A_184 = arith.addf %add3A_177, %gather3A_183 : vector<16xf32>
        %mul3A_185 = arith.constant 6.250000e-02 : f32
        %mul3A_186 = vector.broadcast %mul3A_185 : f32 to vector<16xf32>
        %mul3A_187 = arith.mulf %add3A_184, %mul3A_186 : vector<16xf32>
        %sub3A = arith.subf %add3A_158, %mul3A_187 : vector<16xf32>
        %mul3A_188 = arith.mulf %sub3A, %sub3A : vector<16xf32>
        %iota3A_189 = tpu.iota {dimensions = array<i32: 0>} : vector<16xi32>
        %xor3A_190 = arith.constant 1 : i32
        %xor3A_191 = vector.broadcast %xor3A_190 : i32 to vector<16xi32>
        %xor3A_192 = arith.xori %iota3A_189, %xor3A_191 : vector<16xi32>
        %broadcast_in_dim3A_193 = vector.shape_cast %xor3A_192 : vector<16xi32> to vector<16x1xi32>
        %gather3A_194 = vector.shape_cast %broadcast_in_dim3A_193 : vector<16x1xi32> to vector<16xi32>
        %gather3A_195 = tpu.dynamic_gather %mul3A_188[%gather3A_194] in [0] : vector<16xf32>, vector<16xi32> -> vector<16xf32>
        %add3A_196 = arith.addf %mul3A_188, %gather3A_195 : vector<16xf32>
        %xor3A_197 = arith.constant 2 : i32
        %xor3A_198 = vector.broadcast %xor3A_197 : i32 to vector<16xi32>
        %xor3A_199 = arith.xori %iota3A_189, %xor3A_198 : vector<16xi32>
        %broadcast_in_dim3A_200 = vector.shape_cast %xor3A_199 : vector<16xi32> to vector<16x1xi32>
        %gather3A_201 = vector.shape_cast %broadcast_in_dim3A_200 : vector<16x1xi32> to vector<16xi32>
        %gather3A_202 = tpu.dynamic_gather %add3A_196[%gather3A_201] in [0] : vector<16xf32>, vector<16xi32> -> vector<16xf32>
        %add3A_203 = arith.addf %add3A_196, %gather3A_202 : vector<16xf32>
        %xor3A_204 = arith.constant 4 : i32
        %xor3A_205 = vector.broadcast %xor3A_204 : i32 to vector<16xi32>
        %xor3A_206 = arith.xori %iota3A_189, %xor3A_205 : vector<16xi32>
        %broadcast_in_dim3A_207 = vector.shape_cast %xor3A_206 : vector<16xi32> to vector<16x1xi32>
        %gather3A_208 = vector.shape_cast %broadcast_in_dim3A_207 : vector<16x1xi32> to vector<16xi32>
        %gather3A_209 = tpu.dynamic_gather %add3A_203[%gather3A_208] in [0] : vector<16xf32>, vector<16xi32> -> vector<16xf32>
        %add3A_210 = arith.addf %add3A_203, %gather3A_209 : vector<16xf32>
        %xor3A_211 = arith.constant 8 : i32
        %xor3A_212 = vector.broadcast %xor3A_211 : i32 to vector<16xi32>
        %xor3A_213 = arith.xori %iota3A_189, %xor3A_212 : vector<16xi32>
        %broadcast_in_dim3A_214 = vector.shape_cast %xor3A_213 : vector<16xi32> to vector<16x1xi32>
        %gather3A_215 = vector.shape_cast %broadcast_in_dim3A_214 : vector<16x1xi32> to vector<16xi32>
        %gather3A_216 = tpu.dynamic_gather %add3A_210[%gather3A_215] in [0] : vector<16xf32>, vector<16xi32> -> vector<16xf32>
        %add3A_217 = arith.addf %add3A_210, %gather3A_216 : vector<16xf32>
        %mul3A_218 = arith.constant 6.250000e-02 : f32
        %mul3A_219 = vector.broadcast %mul3A_218 : f32 to vector<16xf32>
        %mul3A_220 = arith.mulf %add3A_217, %mul3A_219 : vector<16xf32>
        %add3A_221 = arith.constant 9.99999974E-6 : f32
        %add3A_222 = vector.broadcast %add3A_221 : f32 to vector<16xf32>
        %add3A_223 = arith.addf %mul3A_220, %add3A_222 : vector<16xf32>
        %bitcast_convert_type3A = tpu.bitcast %add3A_223 : vector<16xf32> -> vector<16xi32>
        %shift_right_arithmetic3A = arith.constant 1 : i32
        %shift_right_arithmetic3A_224 = vector.broadcast %shift_right_arithmetic3A : i32 to vector<16xi32>
        %shift_right_arithmetic3A_225 = arith.shrsi %bitcast_convert_type3A, %shift_right_arithmetic3A_224 : vector<16xi32>
        %sub3A_226 = arith.constant 1597463007 : i32
        %sub3A_227 = vector.broadcast %sub3A_226 : i32 to vector<16xi32>
        %sub3A_228 = arith.subi %sub3A_227, %shift_right_arithmetic3A_225 : vector<16xi32>
        %bitcast_convert_type3A_229 = tpu.bitcast %sub3A_228 : vector<16xi32> -> vector<16xf32>
        %mul3A_230 = arith.constant 5.000000e-01 : f32
        %mul3A_231 = vector.broadcast %mul3A_230 : f32 to vector<16xf32>
        %mul3A_232 = arith.mulf %mul3A_231, %add3A_223 : vector<16xf32>
        %mul3A_233 = arith.mulf %mul3A_232, %bitcast_convert_type3A_229 : vector<16xf32>
        %mul3A_234 = arith.mulf %mul3A_233, %bitcast_convert_type3A_229 : vector<16xf32>
        %sub3A_235 = arith.constant 1.500000e+00 : f32
        %sub3A_236 = vector.broadcast %sub3A_235 : f32 to vector<16xf32>
        %sub3A_237 = arith.subf %sub3A_236, %mul3A_234 : vector<16xf32>
        %mul3A_238 = arith.mulf %bitcast_convert_type3A_229, %sub3A_237 : vector<16xf32>
        %mul3A_239 = arith.constant 5.000000e-01 : f32
        %mul3A_240 = vector.broadcast %mul3A_239 : f32 to vector<16xf32>
        %mul3A_241 = arith.mulf %mul3A_240, %add3A_223 : vector<16xf32>
        %mul3A_242 = arith.mulf %mul3A_241, %mul3A_238 : vector<16xf32>
        %mul3A_243 = arith.mulf %mul3A_242, %mul3A_238 : vector<16xf32>
        %sub3A_244 = arith.constant 1.500000e+00 : f32
        %sub3A_245 = vector.broadcast %sub3A_244 : f32 to vector<16xf32>
        %sub3A_246 = arith.subf %sub3A_245, %mul3A_243 : vector<16xf32>
        %mul3A_247 = arith.mulf %mul3A_238, %sub3A_246 : vector<16xf32>
        %mul3A_248 = arith.constant 5.000000e-01 : f32
        %mul3A_249 = vector.broadcast %mul3A_248 : f32 to vector<16xf32>
        %mul3A_250 = arith.mulf %mul3A_249, %add3A_223 : vector<16xf32>
        %mul3A_251 = arith.mulf %mul3A_250, %mul3A_247 : vector<16xf32>
        %mul3A_252 = arith.mulf %mul3A_251, %mul3A_247 : vector<16xf32>
        %sub3A_253 = arith.constant 1.500000e+00 : f32
        %sub3A_254 = vector.broadcast %sub3A_253 : f32 to vector<16xf32>
        %sub3A_255 = arith.subf %sub3A_254, %mul3A_252 : vector<16xf32>
        %mul3A_256 = arith.mulf %mul3A_247, %sub3A_255 : vector<16xf32>
        %mul3A_257 = arith.mulf %sub3A, %mul3A_256 : vector<16xf32>
        %mul3A_258 = arith.mulf %mul3A_257, %get3A_130 : vector<16xf32>
        %add3A_259 = arith.addf %mul3A_258, %get3A_133 : vector<16xf32>
        %swap3A = arith.index_cast %add3A_144 : i32 to index
        %swap3A_260 = arith.constant 0 : index
        %swap3A_261 = tpu.vector_load %arg17[%swap3A, %swap3A_260] {strides = array<i32>} : memref<128x16xf32, #tpu.memory_space<vmem>>, vector<1x16xf32>,
        %swap3A_262 = vector.shape_cast %swap3A_261 : vector<1x16xf32> to vector<16xf32>
        %swap3A_263 = vector.shape_cast %add3A_259 : vector<16xf32> to vector<1x16xf32>
        tpu.vector_store %arg17[%swap3A, %swap3A_260], %swap3A_263 {strides = array<i32>} : memref<128x16xf32, #tpu.memory_space<vmem>>, vector<1x16xf32>,
        %mul3A_264 = arith.constant 4 : i32
        %mul3A_265 = arith.muli %scan3A_140, %mul3A_264 : i32
        %add3A_266 = arith.constant 1 : i32
        %add3A_267 = arith.addi %mul3A_265, %add3A_266 : i32
        %get3A_268 = arith.index_cast %add3A_267 : i32 to index
        %get3A_269 = arith.constant 0 : index
        %get3A_270 = tpu.vector_load %arg16[%get3A_268, %get3A_269] {strides = array<i32>} : memref<128x16xf32, #tpu.memory_space<vmem>>, vector<1x16xf32>,
        %get3A_271 = vector.shape_cast %get3A_270 : vector<1x16xf32> to vector<16xf32>
        %get3A_272 = arith.index_cast %add3A_267 : i32 to index
        %get3A_273 = arith.constant 0 : index
        %get3A_274 = tpu.vector_load %arg14[%get3A_272, %get3A_273] {strides = array<i32>} : memref<128x16xf32, #tpu.memory_space<vmem>>, vector<1x16xf32>,
        %get3A_275 = vector.shape_cast %get3A_274 : vector<1x16xf32> to vector<16xf32>
        %add3A_276 = arith.addf %get3A_271, %get3A_275 : vector<16xf32>
        %get3A_277 = arith.index_cast %add3A_267 : i32 to index
        %get3A_278 = arith.constant 0 : index
        %get3A_279 = tpu.vector_load %arg15[%get3A_277, %get3A_278] {strides = array<i32>} : memref<128x16xf32, #tpu.memory_space<vmem>>, vector<1x16xf32>,
        %get3A_280 = vector.shape_cast %get3A_279 : vector<1x16xf32> to vector<16xf32>
        %add3A_281 = arith.addf %add3A_276, %get3A_280 : vector<16xf32>
        %iota3A_282 = tpu.iota {dimensions = array<i32: 0>} : vector<16xi32>
        %xor3A_283 = arith.constant 1 : i32
        %xor3A_284 = vector.broadcast %xor3A_283 : i32 to vector<16xi32>
        %xor3A_285 = arith.xori %iota3A_282, %xor3A_284 : vector<16xi32>
        %broadcast_in_dim3A_286 = vector.shape_cast %xor3A_285 : vector<16xi32> to vector<16x1xi32>
        %gather3A_287 = vector.shape_cast %broadcast_in_dim3A_286 : vector<16x1xi32> to vector<16xi32>
        %gather3A_288 = tpu.dynamic_gather %add3A_281[%gather3A_287] in [0] : vector<16xf32>, vector<16xi32> -> vector<16xf32>
        %add3A_289 = arith.addf %add3A_281, %gather3A_288 : vector<16xf32>
        %xor3A_290 = arith.constant 2 : i32
        %xor3A_291 = vector.broadcast %xor3A_290 : i32 to vector<16xi32>
        %xor3A_292 = arith.xori %iota3A_282, %xor3A_291 : vector<16xi32>
        %broadcast_in_dim3A_293 = vector.shape_cast %xor3A_292 : vector<16xi32> to vector<16x1xi32>
        %gather3A_294 = vector.shape_cast %broadcast_in_dim3A_293 : vector<16x1xi32> to vector<16xi32>
        %gather3A_295 = tpu.dynamic_gather %add3A_289[%gather3A_294] in [0] : vector<16xf32>, vector<16xi32> -> vector<16xf32>
        %add3A_296 = arith.addf %add3A_289, %gather3A_295 : vector<16xf32>
        %xor3A_297 = arith.constant 4 : i32
        %xor3A_298 = vector.broadcast %xor3A_297 : i32 to vector<16xi32>
        %xor3A_299 = arith.xori %iota3A_282, %xor3A_298 : vector<16xi32>
        %broadcast_in_dim3A_300 = vector.shape_cast %xor3A_299 : vector<16xi32> to vector<16x1xi32>
        %gather3A_301 = vector.shape_cast %broadcast_in_dim3A_300 : vector<16x1xi32> to vector<16xi32>
        %gather3A_302 = tpu.dynamic_gather %add3A_296[%gather3A_301] in [0] : vector<16xf32>, vector<16xi32> -> vector<16xf32>
        %add3A_303 = arith.addf %add3A_296, %gather3A_302 : vector<16xf32>
        %xor3A_304 = arith.constant 8 : i32
        %xor3A_305 = vector.broadcast %xor3A_304 : i32 to vector<16xi32>
        %xor3A_306 = arith.xori %iota3A_282, %xor3A_305 : vector<16xi32>
        %broadcast_in_dim3A_307 = vector.shape_cast %xor3A_306 : vector<16xi32> to vector<16x1xi32>
        %gather3A_308 = vector.shape_cast %broadcast_in_dim3A_307 : vector<16x1xi32> to vector<16xi32>
        %gather3A_309 = tpu.dynamic_gather %add3A_303[%gather3A_308] in [0] : vector<16xf32>, vector<16xi32> -> vector<16xf32>
        %add3A_310 = arith.addf %add3A_303, %gather3A_309 : vector<16xf32>
        %mul3A_311 = arith.constant 6.250000e-02 : f32
        %mul3A_312 = vector.broadcast %mul3A_311 : f32 to vector<16xf32>
        %mul3A_313 = arith.mulf %add3A_310, %mul3A_312 : vector<16xf32>
        %sub3A_314 = arith.subf %add3A_281, %mul3A_313 : vector<16xf32>
        %mul3A_315 = arith.mulf %sub3A_314, %sub3A_314 : vector<16xf32>
        %iota3A_316 = tpu.iota {dimensions = array<i32: 0>} : vector<16xi32>
        %xor3A_317 = arith.constant 1 : i32
        %xor3A_318 = vector.broadcast %xor3A_317 : i32 to vector<16xi32>
        %xor3A_319 = arith.xori %iota3A_316, %xor3A_318 : vector<16xi32>
        %broadcast_in_dim3A_320 = vector.shape_cast %xor3A_319 : vector<16xi32> to vector<16x1xi32>
        %gather3A_321 = vector.shape_cast %broadcast_in_dim3A_320 : vector<16x1xi32> to vector<16xi32>
        %gather3A_322 = tpu.dynamic_gather %mul3A_315[%gather3A_321] in [0] : vector<16xf32>, vector<16xi32> -> vector<16xf32>
        %add3A_323 = arith.addf %mul3A_315, %gather3A_322 : vector<16xf32>
        %xor3A_324 = arith.constant 2 : i32
        %xor3A_325 = vector.broadcast %xor3A_324 : i32 to vector<16xi32>
        %xor3A_326 = arith.xori %iota3A_316, %xor3A_325 : vector<16xi32>
        %broadcast_in_dim3A_327 = vector.shape_cast %xor3A_326 : vector<16xi32> to vector<16x1xi32>
        %gather3A_328 = vector.shape_cast %broadcast_in_dim3A_327 : vector<16x1xi32> to vector<16xi32>
        %gather3A_329 = tpu.dynamic_gather %add3A_323[%gather3A_328] in [0] : vector<16xf32>, vector<16xi32> -> vector<16xf32>
        %add3A_330 = arith.addf %add3A_323, %gather3A_329 : vector<16xf32>
        %xor3A_331 = arith.constant 4 : i32
        %xor3A_332 = vector.broadcast %xor3A_331 : i32 to vector<16xi32>
        %xor3A_333 = arith.xori %iota3A_316, %xor3A_332 : vector<16xi32>
        %broadcast_in_dim3A_334 = vector.shape_cast %xor3A_333 : vector<16xi32> to vector<16x1xi32>
        %gather3A_335 = vector.shape_cast %broadcast_in_dim3A_334 : vector<16x1xi32> to vector<16xi32>
        %gather3A_336 = tpu.dynamic_gather %add3A_330[%gather3A_335] in [0] : vector<16xf32>, vector<16xi32> -> vector<16xf32>
        %add3A_337 = arith.addf %add3A_330, %gather3A_336 : vector<16xf32>
        %xor3A_338 = arith.constant 8 : i32
        %xor3A_339 = vector.broadcast %xor3A_338 : i32 to vector<16xi32>
        %xor3A_340 = arith.xori %iota3A_316, %xor3A_339 : vector<16xi32>
        %broadcast_in_dim3A_341 = vector.shape_cast %xor3A_340 : vector<16xi32> to vector<16x1xi32>
        %gather3A_342 = vector.shape_cast %broadcast_in_dim3A_341 : vector<16x1xi32> to vector<16xi32>
        %gather3A_343 = tpu.dynamic_gather %add3A_337[%gather3A_342] in [0] : vector<16xf32>, vector<16xi32> -> vector<16xf32>
        %add3A_344 = arith.addf %add3A_337, %gather3A_343 : vector<16xf32>
        %mul3A_345 = arith.constant 6.250000e-02 : f32
        %mul3A_346 = vector.broadcast %mul3A_345 : f32 to vector<16xf32>
        %mul3A_347 = arith.mulf %add3A_344, %mul3A_346 : vector<16xf32>
        %add3A_348 = arith.constant 9.99999974E-6 : f32
        %add3A_349 = vector.broadcast %add3A_348 : f32 to vector<16xf32>
        %add3A_350 = arith.addf %mul3A_347, %add3A_349 : vector<16xf32>
        %bitcast_convert_type3A_351 = tpu.bitcast %add3A_350 : vector<16xf32> -> vector<16xi32>
        %shift_right_arithmetic3A_352 = arith.constant 1 : i32
        %shift_right_arithmetic3A_353 = vector.broadcast %shift_right_arithmetic3A_352 : i32 to vector<16xi32>
        %shift_right_arithmetic3A_354 = arith.shrsi %bitcast_convert_type3A_351, %shift_right_arithmetic3A_353 : vector<16xi32>
        %sub3A_355 = arith.constant 1597463007 : i32
        %sub3A_356 = vector.broadcast %sub3A_355 : i32 to vector<16xi32>
        %sub3A_357 = arith.subi %sub3A_356, %shift_right_arithmetic3A_354 : vector<16xi32>
        %bitcast_convert_type3A_358 = tpu.bitcast %sub3A_357 : vector<16xi32> -> vector<16xf32>
        %mul3A_359 = arith.constant 5.000000e-01 : f32
        %mul3A_360 = vector.broadcast %mul3A_359 : f32 to vector<16xf32>
        %mul3A_361 = arith.mulf %mul3A_360, %add3A_350 : vector<16xf32>
        %mul3A_362 = arith.mulf %mul3A_361, %bitcast_convert_type3A_358 : vector<16xf32>
        %mul3A_363 = arith.mulf %mul3A_362, %bitcast_convert_type3A_358 : vector<16xf32>
        %sub3A_364 = arith.constant 1.500000e+00 : f32
        %sub3A_365 = vector.broadcast %sub3A_364 : f32 to vector<16xf32>
        %sub3A_366 = arith.subf %sub3A_365, %mul3A_363 : vector<16xf32>
        %mul3A_367 = arith.mulf %bitcast_convert_type3A_358, %sub3A_366 : vector<16xf32>
        %mul3A_368 = arith.constant 5.000000e-01 : f32
        %mul3A_369 = vector.broadcast %mul3A_368 : f32 to vector<16xf32>
        %mul3A_370 = arith.mulf %mul3A_369, %add3A_350 : vector<16xf32>
        %mul3A_371 = arith.mulf %mul3A_370, %mul3A_367 : vector<16xf32>
        %mul3A_372 = arith.mulf %mul3A_371, %mul3A_367 : vector<16xf32>
        %sub3A_373 = arith.constant 1.500000e+00 : f32
        %sub3A_374 = vector.broadcast %sub3A_373 : f32 to vector<16xf32>
        %sub3A_375 = arith.subf %sub3A_374, %mul3A_372 : vector<16xf32>
        %mul3A_376 = arith.mulf %mul3A_367, %sub3A_375 : vector<16xf32>
        %mul3A_377 = arith.constant 5.000000e-01 : f32
        %mul3A_378 = vector.broadcast %mul3A_377 : f32 to vector<16xf32>
        %mul3A_379 = arith.mulf %mul3A_378, %add3A_350 : vector<16xf32>
        %mul3A_380 = arith.mulf %mul3A_379, %mul3A_376 : vector<16xf32>
        %mul3A_381 = arith.mulf %mul3A_380, %mul3A_376 : vector<16xf32>
        %sub3A_382 = arith.constant 1.500000e+00 : f32
        %sub3A_383 = vector.broadcast %sub3A_382 : f32 to vector<16xf32>
        %sub3A_384 = arith.subf %sub3A_383, %mul3A_381 : vector<16xf32>
        %mul3A_385 = arith.mulf %mul3A_376, %sub3A_384 : vector<16xf32>
        %mul3A_386 = arith.mulf %sub3A_314, %mul3A_385 : vector<16xf32>
        %mul3A_387 = arith.mulf %mul3A_386, %get3A_130 : vector<16xf32>
        %add3A_388 = arith.addf %mul3A_387, %get3A_133 : vector<16xf32>
        %swap3A_389 = arith.index_cast %add3A_267 : i32 to index
        %swap3A_390 = arith.constant 0 : index
        %swap3A_391 = tpu.vector_load %arg17[%swap3A_389, %swap3A_390] {strides = array<i32>} : memref<128x16xf32, #tpu.memory_space<vmem>>, vector<1x16xf32>,
        %swap3A_392 = vector.shape_cast %swap3A_391 : vector<1x16xf32> to vector<16xf32>
        %swap3A_393 = vector.shape_cast %add3A_388 : vector<16xf32> to vector<1x16xf32>
        tpu.vector_store %arg17[%swap3A_389, %swap3A_390], %swap3A_393 {strides = array<i32>} : memref<128x16xf32, #tpu.memory_space<vmem>>, vector<1x16xf32>,
        %mul3A_394 = arith.constant 4 : i32
        %mul3A_395 = arith.muli %scan3A_140, %mul3A_394 : i32
        %add3A_396 = arith.constant 2 : i32
        %add3A_397 = arith.addi %mul3A_395, %add3A_396 : i32
        %get3A_398 = arith.index_cast %add3A_397 : i32 to index
        %get3A_399 = arith.constant 0 : index
        %get3A_400 = tpu.vector_load %arg16[%get3A_398, %get3A_399] {strides = array<i32>} : memref<128x16xf32, #tpu.memory_space<vmem>>, vector<1x16xf32>,
        %get3A_401 = vector.shape_cast %get3A_400 : vector<1x16xf32> to vector<16xf32>
        %get3A_402 = arith.index_cast %add3A_397 : i32 to index
        %get3A_403 = arith.constant 0 : index
        %get3A_404 = tpu.vector_load %arg14[%get3A_402, %get3A_403] {strides = array<i32>} : memref<128x16xf32, #tpu.memory_space<vmem>>, vector<1x16xf32>,
        %get3A_405 = vector.shape_cast %get3A_404 : vector<1x16xf32> to vector<16xf32>
        %add3A_406 = arith.addf %get3A_401, %get3A_405 : vector<16xf32>
        %get3A_407 = arith.index_cast %add3A_397 : i32 to index
        %get3A_408 = arith.constant 0 : index
        %get3A_409 = tpu.vector_load %arg15[%get3A_407, %get3A_408] {strides = array<i32>} : memref<128x16xf32, #tpu.memory_space<vmem>>, vector<1x16xf32>,
        %get3A_410 = vector.shape_cast %get3A_409 : vector<1x16xf32> to vector<16xf32>
        %add3A_411 = arith.addf %add3A_406, %get3A_410 : vector<16xf32>
        %iota3A_412 = tpu.iota {dimensions = array<i32: 0>} : vector<16xi32>
        %xor3A_413 = arith.constant 1 : i32
        %xor3A_414 = vector.broadcast %xor3A_413 : i32 to vector<16xi32>
        %xor3A_415 = arith.xori %iota3A_412, %xor3A_414 : vector<16xi32>
        %broadcast_in_dim3A_416 = vector.shape_cast %xor3A_415 : vector<16xi32> to vector<16x1xi32>
        %gather3A_417 = vector.shape_cast %broadcast_in_dim3A_416 : vector<16x1xi32> to vector<16xi32>
        %gather3A_418 = tpu.dynamic_gather %add3A_411[%gather3A_417] in [0] : vector<16xf32>, vector<16xi32> -> vector<16xf32>
        %add3A_419 = arith.addf %add3A_411, %gather3A_418 : vector<16xf32>
        %xor3A_420 = arith.constant 2 : i32
        %xor3A_421 = vector.broadcast %xor3A_420 : i32 to vector<16xi32>
        %xor3A_422 = arith.xori %iota3A_412, %xor3A_421 : vector<16xi32>
        %broadcast_in_dim3A_423 = vector.shape_cast %xor3A_422 : vector<16xi32> to vector<16x1xi32>
        %gather3A_424 = vector.shape_cast %broadcast_in_dim3A_423 : vector<16x1xi32> to vector<16xi32>
        %gather3A_425 = tpu.dynamic_gather %add3A_419[%gather3A_424] in [0] : vector<16xf32>, vector<16xi32> -> vector<16xf32>
        %add3A_426 = arith.addf %add3A_419, %gather3A_425 : vector<16xf32>
        %xor3A_427 = arith.constant 4 : i32
        %xor3A_428 = vector.broadcast %xor3A_427 : i32 to vector<16xi32>
        %xor3A_429 = arith.xori %iota3A_412, %xor3A_428 : vector<16xi32>
        %broadcast_in_dim3A_430 = vector.shape_cast %xor3A_429 : vector<16xi32> to vector<16x1xi32>
        %gather3A_431 = vector.shape_cast %broadcast_in_dim3A_430 : vector<16x1xi32> to vector<16xi32>
        %gather3A_432 = tpu.dynamic_gather %add3A_426[%gather3A_431] in [0] : vector<16xf32>, vector<16xi32> -> vector<16xf32>
        %add3A_433 = arith.addf %add3A_426, %gather3A_432 : vector<16xf32>
        %xor3A_434 = arith.constant 8 : i32
        %xor3A_435 = vector.broadcast %xor3A_434 : i32 to vector<16xi32>
        %xor3A_436 = arith.xori %iota3A_412, %xor3A_435 : vector<16xi32>
        %broadcast_in_dim3A_437 = vector.shape_cast %xor3A_436 : vector<16xi32> to vector<16x1xi32>
        %gather3A_438 = vector.shape_cast %broadcast_in_dim3A_437 : vector<16x1xi32> to vector<16xi32>
        %gather3A_439 = tpu.dynamic_gather %add3A_433[%gather3A_438] in [0] : vector<16xf32>, vector<16xi32> -> vector<16xf32>
        %add3A_440 = arith.addf %add3A_433, %gather3A_439 : vector<16xf32>
        %mul3A_441 = arith.constant 6.250000e-02 : f32
        %mul3A_442 = vector.broadcast %mul3A_441 : f32 to vector<16xf32>
        %mul3A_443 = arith.mulf %add3A_440, %mul3A_442 : vector<16xf32>
        %sub3A_444 = arith.subf %add3A_411, %mul3A_443 : vector<16xf32>
        %mul3A_445 = arith.mulf %sub3A_444, %sub3A_444 : vector<16xf32>
        %iota3A_446 = tpu.iota {dimensions = array<i32: 0>} : vector<16xi32>
        %xor3A_447 = arith.constant 1 : i32
        %xor3A_448 = vector.broadcast %xor3A_447 : i32 to vector<16xi32>
        %xor3A_449 = arith.xori %iota3A_446, %xor3A_448 : vector<16xi32>
        %broadcast_in_dim3A_450 = vector.shape_cast %xor3A_449 : vector<16xi32> to vector<16x1xi32>
        %gather3A_451 = vector.shape_cast %broadcast_in_dim3A_450 : vector<16x1xi32> to vector<16xi32>
        %gather3A_452 = tpu.dynamic_gather %mul3A_445[%gather3A_451] in [0] : vector<16xf32>, vector<16xi32> -> vector<16xf32>
        %add3A_453 = arith.addf %mul3A_445, %gather3A_452 : vector<16xf32>
        %xor3A_454 = arith.constant 2 : i32
        %xor3A_455 = vector.broadcast %xor3A_454 : i32 to vector<16xi32>
        %xor3A_456 = arith.xori %iota3A_446, %xor3A_455 : vector<16xi32>
        %broadcast_in_dim3A_457 = vector.shape_cast %xor3A_456 : vector<16xi32> to vector<16x1xi32>
        %gather3A_458 = vector.shape_cast %broadcast_in_dim3A_457 : vector<16x1xi32> to vector<16xi32>
        %gather3A_459 = tpu.dynamic_gather %add3A_453[%gather3A_458] in [0] : vector<16xf32>, vector<16xi32> -> vector<16xf32>
        %add3A_460 = arith.addf %add3A_453, %gather3A_459 : vector<16xf32>
        %xor3A_461 = arith.constant 4 : i32
        %xor3A_462 = vector.broadcast %xor3A_461 : i32 to vector<16xi32>
        %xor3A_463 = arith.xori %iota3A_446, %xor3A_462 : vector<16xi32>
        %broadcast_in_dim3A_464 = vector.shape_cast %xor3A_463 : vector<16xi32> to vector<16x1xi32>
        %gather3A_465 = vector.shape_cast %broadcast_in_dim3A_464 : vector<16x1xi32> to vector<16xi32>
        %gather3A_466 = tpu.dynamic_gather %add3A_460[%gather3A_465] in [0] : vector<16xf32>, vector<16xi32> -> vector<16xf32>
        %add3A_467 = arith.addf %add3A_460, %gather3A_466 : vector<16xf32>
        %xor3A_468 = arith.constant 8 : i32
        %xor3A_469 = vector.broadcast %xor3A_468 : i32 to vector<16xi32>
        %xor3A_470 = arith.xori %iota3A_446, %xor3A_469 : vector<16xi32>
        %broadcast_in_dim3A_471 = vector.shape_cast %xor3A_470 : vector<16xi32> to vector<16x1xi32>
        %gather3A_472 = vector.shape_cast %broadcast_in_dim3A_471 : vector<16x1xi32> to vector<16xi32>
        %gather3A_473 = tpu.dynamic_gather %add3A_467[%gather3A_472] in [0] : vector<16xf32>, vector<16xi32> -> vector<16xf32>
        %add3A_474 = arith.addf %add3A_467, %gather3A_473 : vector<16xf32>
        %mul3A_475 = arith.constant 6.250000e-02 : f32
        %mul3A_476 = vector.broadcast %mul3A_475 : f32 to vector<16xf32>
        %mul3A_477 = arith.mulf %add3A_474, %mul3A_476 : vector<16xf32>
        %add3A_478 = arith.constant 9.99999974E-6 : f32
        %add3A_479 = vector.broadcast %add3A_478 : f32 to vector<16xf32>
        %add3A_480 = arith.addf %mul3A_477, %add3A_479 : vector<16xf32>
        %bitcast_convert_type3A_481 = tpu.bitcast %add3A_480 : vector<16xf32> -> vector<16xi32>
        %shift_right_arithmetic3A_482 = arith.constant 1 : i32
        %shift_right_arithmetic3A_483 = vector.broadcast %shift_right_arithmetic3A_482 : i32 to vector<16xi32>
        %shift_right_arithmetic3A_484 = arith.shrsi %bitcast_convert_type3A_481, %shift_right_arithmetic3A_483 : vector<16xi32>
        %sub3A_485 = arith.constant 1597463007 : i32
        %sub3A_486 = vector.broadcast %sub3A_485 : i32 to vector<16xi32>
        %sub3A_487 = arith.subi %sub3A_486, %shift_right_arithmetic3A_484 : vector<16xi32>
        %bitcast_convert_type3A_488 = tpu.bitcast %sub3A_487 : vector<16xi32> -> vector<16xf32>
        %mul3A_489 = arith.constant 5.000000e-01 : f32
        %mul3A_490 = vector.broadcast %mul3A_489 : f32 to vector<16xf32>
        %mul3A_491 = arith.mulf %mul3A_490, %add3A_480 : vector<16xf32>
        %mul3A_492 = arith.mulf %mul3A_491, %bitcast_convert_type3A_488 : vector<16xf32>
        %mul3A_493 = arith.mulf %mul3A_492, %bitcast_convert_type3A_488 : vector<16xf32>
        %sub3A_494 = arith.constant 1.500000e+00 : f32
        %sub3A_495 = vector.broadcast %sub3A_494 : f32 to vector<16xf32>
        %sub3A_496 = arith.subf %sub3A_495, %mul3A_493 : vector<16xf32>
        %mul3A_497 = arith.mulf %bitcast_convert_type3A_488, %sub3A_496 : vector<16xf32>
        %mul3A_498 = arith.constant 5.000000e-01 : f32
        %mul3A_499 = vector.broadcast %mul3A_498 : f32 to vector<16xf32>
        %mul3A_500 = arith.mulf %mul3A_499, %add3A_480 : vector<16xf32>
        %mul3A_501 = arith.mulf %mul3A_500, %mul3A_497 : vector<16xf32>
        %mul3A_502 = arith.mulf %mul3A_501, %mul3A_497 : vector<16xf32>
        %sub3A_503 = arith.constant 1.500000e+00 : f32
        %sub3A_504 = vector.broadcast %sub3A_503 : f32 to vector<16xf32>
        %sub3A_505 = arith.subf %sub3A_504, %mul3A_502 : vector<16xf32>
        %mul3A_506 = arith.mulf %mul3A_497, %sub3A_505 : vector<16xf32>
        %mul3A_507 = arith.constant 5.000000e-01 : f32
        %mul3A_508 = vector.broadcast %mul3A_507 : f32 to vector<16xf32>
        %mul3A_509 = arith.mulf %mul3A_508, %add3A_480 : vector<16xf32>
        %mul3A_510 = arith.mulf %mul3A_509, %mul3A_506 : vector<16xf32>
        %mul3A_511 = arith.mulf %mul3A_510, %mul3A_506 : vector<16xf32>
        %sub3A_512 = arith.constant 1.500000e+00 : f32
        %sub3A_513 = vector.broadcast %sub3A_512 : f32 to vector<16xf32>
        %sub3A_514 = arith.subf %sub3A_513, %mul3A_511 : vector<16xf32>
        %mul3A_515 = arith.mulf %mul3A_506, %sub3A_514 : vector<16xf32>
        %mul3A_516 = arith.mulf %sub3A_444, %mul3A_515 : vector<16xf32>
        %mul3A_517 = arith.mulf %mul3A_516, %get3A_130 : vector<16xf32>
        %add3A_518 = arith.addf %mul3A_517, %get3A_133 : vector<16xf32>
        %swap3A_519 = arith.index_cast %add3A_397 : i32 to index
        %swap3A_520 = arith.constant 0 : index
        %swap3A_521 = tpu.vector_load %arg17[%swap3A_519, %swap3A_520] {strides = array<i32>} : memref<128x16xf32, #tpu.memory_space<vmem>>, vector<1x16xf32>,
        %swap3A_522 = vector.shape_cast %swap3A_521 : vector<1x16xf32> to vector<16xf32>
        %swap3A_523 = vector.shape_cast %add3A_518 : vector<16xf32> to vector<1x16xf32>
        tpu.vector_store %arg17[%swap3A_519, %swap3A_520], %swap3A_523 {strides = array<i32>} : memref<128x16xf32, #tpu.memory_space<vmem>>, vector<1x16xf32>,
        %mul3A_524 = arith.constant 4 : i32
        %mul3A_525 = arith.muli %scan3A_140, %mul3A_524 : i32
        %add3A_526 = arith.constant 3 : i32
        %add3A_527 = arith.addi %mul3A_525, %add3A_526 : i32
        %get3A_528 = arith.index_cast %add3A_527 : i32 to index
        %get3A_529 = arith.constant 0 : index
        %get3A_530 = tpu.vector_load %arg16[%get3A_528, %get3A_529] {strides = array<i32>} : memref<128x16xf32, #tpu.memory_space<vmem>>, vector<1x16xf32>,
        %get3A_531 = vector.shape_cast %get3A_530 : vector<1x16xf32> to vector<16xf32>
        %get3A_532 = arith.index_cast %add3A_527 : i32 to index
        %get3A_533 = arith.constant 0 : index
        %get3A_534 = tpu.vector_load %arg14[%get3A_532, %get3A_533] {strides = array<i32>} : memref<128x16xf32, #tpu.memory_space<vmem>>, vector<1x16xf32>,
        %get3A_535 = vector.shape_cast %get3A_534 : vector<1x16xf32> to vector<16xf32>
        %add3A_536 = arith.addf %get3A_531, %get3A_535 : vector<16xf32>
        %get3A_537 = arith.index_cast %add3A_527 : i32 to index
        %get3A_538 = arith.constant 0 : index
        %get3A_539 = tpu.vector_load %arg15[%get3A_537, %get3A_538] {strides = array<i32>} : memref<128x16xf32, #tpu.memory_space<vmem>>, vector<1x16xf32>,
        %get3A_540 = vector.shape_cast %get3A_539 : vector<1x16xf32> to vector<16xf32>
        %add3A_541 = arith.addf %add3A_536, %get3A_540 : vector<16xf32>
        %iota3A_542 = tpu.iota {dimensions = array<i32: 0>} : vector<16xi32>
        %xor3A_543 = arith.constant 1 : i32
        %xor3A_544 = vector.broadcast %xor3A_543 : i32 to vector<16xi32>
        %xor3A_545 = arith.xori %iota3A_542, %xor3A_544 : vector<16xi32>
        %broadcast_in_dim3A_546 = vector.shape_cast %xor3A_545 : vector<16xi32> to vector<16x1xi32>
        %gather3A_547 = vector.shape_cast %broadcast_in_dim3A_546 : vector<16x1xi32> to vector<16xi32>
        %gather3A_548 = tpu.dynamic_gather %add3A_541[%gather3A_547] in [0] : vector<16xf32>, vector<16xi32> -> vector<16xf32>
        %add3A_549 = arith.addf %add3A_541, %gather3A_548 : vector<16xf32>
        %xor3A_550 = arith.constant 2 : i32
        %xor3A_551 = vector.broadcast %xor3A_550 : i32 to vector<16xi32>
        %xor3A_552 = arith.xori %iota3A_542, %xor3A_551 : vector<16xi32>
        %broadcast_in_dim3A_553 = vector.shape_cast %xor3A_552 : vector<16xi32> to vector<16x1xi32>
        %gather3A_554 = vector.shape_cast %broadcast_in_dim3A_553 : vector<16x1xi32> to vector<16xi32>
        %gather3A_555 = tpu.dynamic_gather %add3A_549[%gather3A_554] in [0] : vector<16xf32>, vector<16xi32> -> vector<16xf32>
        %add3A_556 = arith.addf %add3A_549, %gather3A_555 : vector<16xf32>
        %xor3A_557 = arith.constant 4 : i32
        %xor3A_558 = vector.broadcast %xor3A_557 : i32 to vector<16xi32>
        %xor3A_559 = arith.xori %iota3A_542, %xor3A_558 : vector<16xi32>
        %broadcast_in_dim3A_560 = vector.shape_cast %xor3A_559 : vector<16xi32> to vector<16x1xi32>
        %gather3A_561 = vector.shape_cast %broadcast_in_dim3A_560 : vector<16x1xi32> to vector<16xi32>
        %gather3A_562 = tpu.dynamic_gather %add3A_556[%gather3A_561] in [0] : vector<16xf32>, vector<16xi32> -> vector<16xf32>
        %add3A_563 = arith.addf %add3A_556, %gather3A_562 : vector<16xf32>
        %xor3A_564 = arith.constant 8 : i32
        %xor3A_565 = vector.broadcast %xor3A_564 : i32 to vector<16xi32>
        %xor3A_566 = arith.xori %iota3A_542, %xor3A_565 : vector<16xi32>
        %broadcast_in_dim3A_567 = vector.shape_cast %xor3A_566 : vector<16xi32> to vector<16x1xi32>
        %gather3A_568 = vector.shape_cast %broadcast_in_dim3A_567 : vector<16x1xi32> to vector<16xi32>
        %gather3A_569 = tpu.dynamic_gather %add3A_563[%gather3A_568] in [0] : vector<16xf32>, vector<16xi32> -> vector<16xf32>
        %add3A_570 = arith.addf %add3A_563, %gather3A_569 : vector<16xf32>
        %mul3A_571 = arith.constant 6.250000e-02 : f32
        %mul3A_572 = vector.broadcast %mul3A_571 : f32 to vector<16xf32>
        %mul3A_573 = arith.mulf %add3A_570, %mul3A_572 : vector<16xf32>
        %sub3A_574 = arith.subf %add3A_541, %mul3A_573 : vector<16xf32>
        %mul3A_575 = arith.mulf %sub3A_574, %sub3A_574 : vector<16xf32>
        %iota3A_576 = tpu.iota {dimensions = array<i32: 0>} : vector<16xi32>
        %xor3A_577 = arith.constant 1 : i32
        %xor3A_578 = vector.broadcast %xor3A_577 : i32 to vector<16xi32>
        %xor3A_579 = arith.xori %iota3A_576, %xor3A_578 : vector<16xi32>
        %broadcast_in_dim3A_580 = vector.shape_cast %xor3A_579 : vector<16xi32> to vector<16x1xi32>
        %gather3A_581 = vector.shape_cast %broadcast_in_dim3A_580 : vector<16x1xi32> to vector<16xi32>
        %gather3A_582 = tpu.dynamic_gather %mul3A_575[%gather3A_581] in [0] : vector<16xf32>, vector<16xi32> -> vector<16xf32>
        %add3A_583 = arith.addf %mul3A_575, %gather3A_582 : vector<16xf32>
        %xor3A_584 = arith.constant 2 : i32
        %xor3A_585 = vector.broadcast %xor3A_584 : i32 to vector<16xi32>
        %xor3A_586 = arith.xori %iota3A_576, %xor3A_585 : vector<16xi32>
        %broadcast_in_dim3A_587 = vector.shape_cast %xor3A_586 : vector<16xi32> to vector<16x1xi32>
        %gather3A_588 = vector.shape_cast %broadcast_in_dim3A_587 : vector<16x1xi32> to vector<16xi32>
        %gather3A_589 = tpu.dynamic_gather %add3A_583[%gather3A_588] in [0] : vector<16xf32>, vector<16xi32> -> vector<16xf32>
        %add3A_590 = arith.addf %add3A_583, %gather3A_589 : vector<16xf32>
        %xor3A_591 = arith.constant 4 : i32
        %xor3A_592 = vector.broadcast %xor3A_591 : i32 to vector<16xi32>
        %xor3A_593 = arith.xori %iota3A_576, %xor3A_592 : vector<16xi32>
        %broadcast_in_dim3A_594 = vector.shape_cast %xor3A_593 : vector<16xi32> to vector<16x1xi32>
        %gather3A_595 = vector.shape_cast %broadcast_in_dim3A_594 : vector<16x1xi32> to vector<16xi32>
        %gather3A_596 = tpu.dynamic_gather %add3A_590[%gather3A_595] in [0] : vector<16xf32>, vector<16xi32> -> vector<16xf32>
        %add3A_597 = arith.addf %add3A_590, %gather3A_596 : vector<16xf32>
        %xor3A_598 = arith.constant 8 : i32
        %xor3A_599 = vector.broadcast %xor3A_598 : i32 to vector<16xi32>
        %xor3A_600 = arith.xori %iota3A_576, %xor3A_599 : vector<16xi32>
        %broadcast_in_dim3A_601 = vector.shape_cast %xor3A_600 : vector<16xi32> to vector<16x1xi32>
        %gather3A_602 = vector.shape_cast %broadcast_in_dim3A_601 : vector<16x1xi32> to vector<16xi32>
        %gather3A_603 = tpu.dynamic_gather %add3A_597[%gather3A_602] in [0] : vector<16xf32>, vector<16xi32> -> vector<16xf32>
        %add3A_604 = arith.addf %add3A_597, %gather3A_603 : vector<16xf32>
        %mul3A_605 = arith.constant 6.250000e-02 : f32
        %mul3A_606 = vector.broadcast %mul3A_605 : f32 to vector<16xf32>
        %mul3A_607 = arith.mulf %add3A_604, %mul3A_606 : vector<16xf32>
        %add3A_608 = arith.constant 9.99999974E-6 : f32
        %add3A_609 = vector.broadcast %add3A_608 : f32 to vector<16xf32>
        %add3A_610 = arith.addf %mul3A_607, %add3A_609 : vector<16xf32>
        %bitcast_convert_type3A_611 = tpu.bitcast %add3A_610 : vector<16xf32> -> vector<16xi32>
        %shift_right_arithmetic3A_612 = arith.constant 1 : i32
        %shift_right_arithmetic3A_613 = vector.broadcast %shift_right_arithmetic3A_612 : i32 to vector<16xi32>
        %shift_right_arithmetic3A_614 = arith.shrsi %bitcast_convert_type3A_611, %shift_right_arithmetic3A_613 : vector<16xi32>
        %sub3A_615 = arith.constant 1597463007 : i32
        %sub3A_616 = vector.broadcast %sub3A_615 : i32 to vector<16xi32>
        %sub3A_617 = arith.subi %sub3A_616, %shift_right_arithmetic3A_614 : vector<16xi32>
        %bitcast_convert_type3A_618 = tpu.bitcast %sub3A_617 : vector<16xi32> -> vector<16xf32>
        %mul3A_619 = arith.constant 5.000000e-01 : f32
        %mul3A_620 = vector.broadcast %mul3A_619 : f32 to vector<16xf32>
        %mul3A_621 = arith.mulf %mul3A_620, %add3A_610 : vector<16xf32>
        %mul3A_622 = arith.mulf %mul3A_621, %bitcast_convert_type3A_618 : vector<16xf32>
        %mul3A_623 = arith.mulf %mul3A_622, %bitcast_convert_type3A_618 : vector<16xf32>
        %sub3A_624 = arith.constant 1.500000e+00 : f32
        %sub3A_625 = vector.broadcast %sub3A_624 : f32 to vector<16xf32>
        %sub3A_626 = arith.subf %sub3A_625, %mul3A_623 : vector<16xf32>
        %mul3A_627 = arith.mulf %bitcast_convert_type3A_618, %sub3A_626 : vector<16xf32>
        %mul3A_628 = arith.constant 5.000000e-01 : f32
        %mul3A_629 = vector.broadcast %mul3A_628 : f32 to vector<16xf32>
        %mul3A_630 = arith.mulf %mul3A_629, %add3A_610 : vector<16xf32>
        %mul3A_631 = arith.mulf %mul3A_630, %mul3A_627 : vector<16xf32>
        %mul3A_632 = arith.mulf %mul3A_631, %mul3A_627 : vector<16xf32>
        %sub3A_633 = arith.constant 1.500000e+00 : f32
        %sub3A_634 = vector.broadcast %sub3A_633 : f32 to vector<16xf32>
        %sub3A_635 = arith.subf %sub3A_634, %mul3A_632 : vector<16xf32>
        %mul3A_636 = arith.mulf %mul3A_627, %sub3A_635 : vector<16xf32>
        %mul3A_637 = arith.constant 5.000000e-01 : f32
        %mul3A_638 = vector.broadcast %mul3A_637 : f32 to vector<16xf32>
        %mul3A_639 = arith.mulf %mul3A_638, %add3A_610 : vector<16xf32>
        %mul3A_640 = arith.mulf %mul3A_639, %mul3A_636 : vector<16xf32>
        %mul3A_641 = arith.mulf %mul3A_640, %mul3A_636 : vector<16xf32>
        %sub3A_642 = arith.constant 1.500000e+00 : f32
        %sub3A_643 = vector.broadcast %sub3A_642 : f32 to vector<16xf32>
        %sub3A_644 = arith.subf %sub3A_643, %mul3A_641 : vector<16xf32>
        %mul3A_645 = arith.mulf %mul3A_636, %sub3A_644 : vector<16xf32>
        %mul3A_646 = arith.mulf %sub3A_574, %mul3A_645 : vector<16xf32>
        %mul3A_647 = arith.mulf %mul3A_646, %get3A_130 : vector<16xf32>
        %add3A_648 = arith.addf %mul3A_647, %get3A_133 : vector<16xf32>
        %swap3A_649 = arith.index_cast %add3A_527 : i32 to index
        %swap3A_650 = arith.constant 0 : index
        %swap3A_651 = tpu.vector_load %arg17[%swap3A_649, %swap3A_650] {strides = array<i32>} : memref<128x16xf32, #tpu.memory_space<vmem>>, vector<1x16xf32>,
        %swap3A_652 = vector.shape_cast %swap3A_651 : vector<1x16xf32> to vector<16xf32>
        %swap3A_653 = vector.shape_cast %add3A_648 : vector<16xf32> to vector<1x16xf32>
        tpu.vector_store %arg17[%swap3A_649, %swap3A_650], %swap3A_653 {strides = array<i32>} : memref<128x16xf32, #tpu.memory_space<vmem>>, vector<1x16xf32>,
      }
      %scan3A_139 = arith.constant 32 : i32
      "tpu.region"() ({
        %run_scoped3A = tpu.sem_alloc : memref<!tpu.dma_semaphore, #tpu.memory_space<semaphore_mem>>
        %dma_start3A_140 = arith.constant 0 : i32
        %dma_start3A_141 = tpu.memref_slice %arg9[%add3A_107, %dma_start3A_140] : memref<320000x16xf32, #tpu.memory_space<hbm>> -> memref<128x16xf32, #tpu.memory_space<hbm>>
        %dma_start3A_142 = arith.constant 0 : i32
        %dma_start3A_143 = tpu.memref_slice %arg9[%add3A_107, %dma_start3A_142] : memref<320000x16xf32, #tpu.memory_space<hbm>> -> memref<128x16xf32, #tpu.memory_space<hbm>>
        tpu.enqueue_dma source(%arg17 : memref<128x16xf32, #tpu.memory_space<vmem>>) target(%dma_start3A_143 : memref<128x16xf32, #tpu.memory_space<hbm>>) target_semaphore(%run_scoped3A : memref<!tpu.dma_semaphore, #tpu.memory_space<semaphore_mem>>)
        %dma_wait3A_144 = arith.constant 0 : i32
        %dma_wait3A_145 = tpu.memref_slice %arg9[%add3A_107, %dma_wait3A_144] : memref<320000x16xf32, #tpu.memory_space<hbm>> -> memref<128x16xf32, #tpu.memory_space<hbm>>
        %dma_wait3A_146 = arith.constant 0 : i32
        %dma_wait3A_147 = tpu.memref_slice %arg9[%add3A_107, %dma_wait3A_146] : memref<320000x16xf32, #tpu.memory_space<hbm>> -> memref<128x16xf32, #tpu.memory_space<hbm>>
        tpu.wait_dma2 semaphore(%run_scoped3A : memref<!tpu.dma_semaphore, #tpu.memory_space<semaphore_mem>>) src(%arg17 : memref<128x16xf32, #tpu.memory_space<vmem>>) dst(%dma_wait3A_147 : memref<128x16xf32, #tpu.memory_space<hbm>>)
        tpu.yield
      }) : () -> ()
      "tpu.region"() ({
        %run_scoped3A = tpu.sem_alloc : memref<!tpu.dma_semaphore, #tpu.memory_space<semaphore_mem>>
        %dma_start3A_140 = arith.constant 0 : i32
        %dma_start3A_141 = arith.constant 0 : i32
        %dma_start3A_142 = tpu.memref_slice %arg21[%dma_start3A_140, %dma_start3A_141] : memref<10000x16xf32, #tpu.memory_space<vmem_shared>> -> memref<10000x16xf32, #tpu.memory_space<vmem_shared>>
        tpu.enqueue_indirect_dma source(%arg17 : memref<128x16xf32, #tpu.memory_space<vmem>>) target(%dma_start3A_142 : memref<10000x16xf32, #tpu.memory_space<vmem_shared>>) offsets(%arg13 : memref<128xi32, #tpu.memory_space<vmem>>) semaphore(%run_scoped3A : memref<!tpu.dma_semaphore, #tpu.memory_space<semaphore_mem>>) {add = true}
        %dma_wait3A_143 = arith.constant 0 : i32
        %dma_wait3A_144 = arith.constant 0 : i32
        %dma_wait3A_145 = tpu.memref_slice %arg21[%dma_wait3A_143, %dma_wait3A_144] : memref<10000x16xf32, #tpu.memory_space<vmem_shared>> -> memref<10000x16xf32, #tpu.memory_space<vmem_shared>>
        tpu.wait_indirect_dma semaphore(%run_scoped3A : memref<!tpu.dma_semaphore, #tpu.memory_space<semaphore_mem>>) src(%arg17 : memref<128x16xf32, #tpu.memory_space<vmem>>) dst(%dma_wait3A_145 : memref<10000x16xf32, #tpu.memory_space<vmem_shared>>)
        tpu.yield
      }) : () -> ()
      "tpu.region"() ({
        %run_scoped3A = tpu.sem_alloc : memref<!tpu.dma_semaphore, #tpu.memory_space<semaphore_mem>>
        %dma_start3A_140 = arith.constant 0 : i32
        %dma_start3A_141 = arith.constant 0 : i32
        %dma_start3A_142 = tpu.memref_slice %arg22[%dma_start3A_140, %dma_start3A_141] : memref<10000x16xf32, #tpu.memory_space<vmem_shared>> -> memref<10000x16xf32, #tpu.memory_space<vmem_shared>>
        tpu.enqueue_indirect_dma source(%arg18 : memref<128x16xf32, #tpu.memory_space<vmem>>) target(%dma_start3A_142 : memref<10000x16xf32, #tpu.memory_space<vmem_shared>>) offsets(%arg13 : memref<128xi32, #tpu.memory_space<vmem>>) semaphore(%run_scoped3A : memref<!tpu.dma_semaphore, #tpu.memory_space<semaphore_mem>>) {add = true}
        %dma_wait3A_143 = arith.constant 0 : i32
        %dma_wait3A_144 = arith.constant 0 : i32
        %dma_wait3A_145 = tpu.memref_slice %arg22[%dma_wait3A_143, %dma_wait3A_144] : memref<10000x16xf32, #tpu.memory_space<vmem_shared>> -> memref<10000x16xf32, #tpu.memory_space<vmem_shared>>
        tpu.wait_indirect_dma semaphore(%run_scoped3A : memref<!tpu.dma_semaphore, #tpu.memory_space<semaphore_mem>>) src(%arg18 : memref<128x16xf32, #tpu.memory_space<vmem>>) dst(%dma_wait3A_145 : memref<10000x16xf32, #tpu.memory_space<vmem_shared>>)
        tpu.yield
      }) : () -> ()
    }
    %scan3A_40 = arith.constant 78 : i32
    %add3A_41 = arith.constant 9984 : i32
    %add3A_42 = arith.addi %mul3A_2, %add3A_41 : i32
    "tpu.region"() ({
      %run_scoped3A = tpu.sem_alloc : memref<!tpu.dma_semaphore, #tpu.memory_space<semaphore_mem>>
      %dma_start3A_104 = tpu.memref_slice %arg2[%add3A_42] : memref<320000xi32, #tpu.memory_space<hbm>> -> memref<16xi32, #tpu.memory_space<hbm>>
      %dma_start3A_105 = tpu.memref_slice %arg2[%add3A_42] : memref<320000xi32, #tpu.memory_space<hbm>> -> memref<16xi32, #tpu.memory_space<hbm>>
      tpu.enqueue_dma source(%dma_start3A_105 : memref<16xi32, #tpu.memory_space<hbm>>) target(%arg26 : memref<16xi32, #tpu.memory_space<vmem>>) target_semaphore(%run_scoped3A : memref<!tpu.dma_semaphore, #tpu.memory_space<semaphore_mem>>)
      %dma_wait3A_106 = tpu.memref_slice %arg2[%add3A_42] : memref<320000xi32, #tpu.memory_space<hbm>> -> memref<16xi32, #tpu.memory_space<hbm>>
      %dma_wait3A_107 = tpu.memref_slice %arg2[%add3A_42] : memref<320000xi32, #tpu.memory_space<hbm>> -> memref<16xi32, #tpu.memory_space<hbm>>
      tpu.wait_dma2 semaphore(%run_scoped3A : memref<!tpu.dma_semaphore, #tpu.memory_space<semaphore_mem>>) src(%dma_wait3A_107 : memref<16xi32, #tpu.memory_space<hbm>>) dst(%arg26 : memref<16xi32, #tpu.memory_space<vmem>>)
      tpu.yield
    }) : () -> ()
    "tpu.region"() ({
      %run_scoped3A = tpu.sem_alloc : memref<!tpu.dma_semaphore, #tpu.memory_space<semaphore_mem>>
      %dma_start3A_104 = tpu.memref_slice %arg3[%add3A_42] : memref<320000xi32, #tpu.memory_space<hbm>> -> memref<16xi32, #tpu.memory_space<hbm>>
      %dma_start3A_105 = tpu.memref_slice %arg3[%add3A_42] : memref<320000xi32, #tpu.memory_space<hbm>> -> memref<16xi32, #tpu.memory_space<hbm>>
      tpu.enqueue_dma source(%dma_start3A_105 : memref<16xi32, #tpu.memory_space<hbm>>) target(%arg27 : memref<16xi32, #tpu.memory_space<vmem>>) target_semaphore(%run_scoped3A : memref<!tpu.dma_semaphore, #tpu.memory_space<semaphore_mem>>)
      %dma_wait3A_106 = tpu.memref_slice %arg3[%add3A_42] : memref<320000xi32, #tpu.memory_space<hbm>> -> memref<16xi32, #tpu.memory_space<hbm>>
      %dma_wait3A_107 = tpu.memref_slice %arg3[%add3A_42] : memref<320000xi32, #tpu.memory_space<hbm>> -> memref<16xi32, #tpu.memory_space<hbm>>
      tpu.wait_dma2 semaphore(%run_scoped3A : memref<!tpu.dma_semaphore, #tpu.memory_space<semaphore_mem>>) src(%dma_wait3A_107 : memref<16xi32, #tpu.memory_space<hbm>>) dst(%arg27 : memref<16xi32, #tpu.memory_space<vmem>>)
      tpu.yield
    }) : () -> ()
    %dma_start3A = arith.constant 0 : i32
    %dma_start3A_43 = arith.constant 0 : i32
    %dma_start3A_44 = tpu.memref_slice %arg14[%dma_start3A, %dma_start3A_43] : memref<128x16xf32, #tpu.memory_space<vmem>> -> memref<16x16xf32, #tpu.memory_space<vmem>>
    %dma_start3A_45 = arith.constant 0 : i32
    %dma_start3A_46 = arith.constant 0 : i32
    %dma_start3A_47 = tpu.memref_slice %arg4[%dma_start3A_45, %dma_start3A_46] : memref<10000x16xf32, #tpu.memory_space<hbm>> -> memref<10000x16xf32, #tpu.memory_space<hbm>>
    tpu.enqueue_indirect_dma source(%dma_start3A_47 : memref<10000x16xf32, #tpu.memory_space<hbm>>) target(%dma_start3A_44 : memref<16x16xf32, #tpu.memory_space<vmem>>) offsets(%arg26 : memref<16xi32, #tpu.memory_space<vmem>>) semaphore(%arg23 : memref<!tpu.dma_semaphore, #tpu.memory_space<semaphore_mem>>)
    %dma_start3A_48 = arith.constant 0 : i32
    %dma_start3A_49 = arith.constant 0 : i32
    %dma_start3A_50 = tpu.memref_slice %arg15[%dma_start3A_48, %dma_start3A_49] : memref<128x16xf32, #tpu.memory_space<vmem>> -> memref<16x16xf32, #tpu.memory_space<vmem>>
    %dma_start3A_51 = arith.constant 0 : i32
    %dma_start3A_52 = arith.constant 0 : i32
    %dma_start3A_53 = tpu.memref_slice %arg5[%dma_start3A_51, %dma_start3A_52] : memref<10000x16xf32, #tpu.memory_space<hbm>> -> memref<10000x16xf32, #tpu.memory_space<hbm>>
    tpu.enqueue_indirect_dma source(%dma_start3A_53 : memref<10000x16xf32, #tpu.memory_space<hbm>>) target(%dma_start3A_50 : memref<16x16xf32, #tpu.memory_space<vmem>>) offsets(%arg27 : memref<16xi32, #tpu.memory_space<vmem>>) semaphore(%arg24 : memref<!tpu.dma_semaphore, #tpu.memory_space<semaphore_mem>>)
    %dma_start3A_54 = arith.constant 0 : i32
    %dma_start3A_55 = arith.constant 0 : i32
    %dma_start3A_56 = tpu.memref_slice %arg16[%dma_start3A_54, %dma_start3A_55] : memref<128x16xf32, #tpu.memory_space<vmem>> -> memref<16x16xf32, #tpu.memory_space<vmem>>
    %dma_start3A_57 = arith.constant 0 : i32
    %dma_start3A_58 = tpu.memref_slice %arg6[%add3A_42, %dma_start3A_57] : memref<320000x16xf32, #tpu.memory_space<hbm>> -> memref<16x16xf32, #tpu.memory_space<hbm>>
    %dma_start3A_59 = arith.constant 0 : i32
    %dma_start3A_60 = arith.constant 0 : i32
    %dma_start3A_61 = tpu.memref_slice %arg16[%dma_start3A_59, %dma_start3A_60] : memref<128x16xf32, #tpu.memory_space<vmem>> -> memref<16x16xf32, #tpu.memory_space<vmem>>
    %dma_start3A_62 = arith.constant 0 : i32
    %dma_start3A_63 = tpu.memref_slice %arg6[%add3A_42, %dma_start3A_62] : memref<320000x16xf32, #tpu.memory_space<hbm>> -> memref<16x16xf32, #tpu.memory_space<hbm>>
    tpu.enqueue_dma source(%dma_start3A_63 : memref<16x16xf32, #tpu.memory_space<hbm>>) target(%dma_start3A_61 : memref<16x16xf32, #tpu.memory_space<vmem>>) target_semaphore(%arg25 : memref<!tpu.dma_semaphore, #tpu.memory_space<semaphore_mem>>)
    %dma_wait3A = arith.constant 0 : i32
    %dma_wait3A_64 = arith.constant 0 : i32
    %dma_wait3A_65 = tpu.memref_slice %arg14[%dma_wait3A, %dma_wait3A_64] : memref<128x16xf32, #tpu.memory_space<vmem>> -> memref<16x16xf32, #tpu.memory_space<vmem>>
    %dma_wait3A_66 = arith.constant 0 : i32
    %dma_wait3A_67 = arith.constant 0 : i32
    %dma_wait3A_68 = tpu.memref_slice %arg4[%dma_wait3A_66, %dma_wait3A_67] : memref<10000x16xf32, #tpu.memory_space<hbm>> -> memref<10000x16xf32, #tpu.memory_space<hbm>>
    tpu.wait_indirect_dma semaphore(%arg23 : memref<!tpu.dma_semaphore, #tpu.memory_space<semaphore_mem>>) src(%dma_wait3A_68 : memref<10000x16xf32, #tpu.memory_space<hbm>>) dst(%dma_wait3A_65 : memref<16x16xf32, #tpu.memory_space<vmem>>)
    %dma_wait3A_69 = arith.constant 0 : i32
    %dma_wait3A_70 = arith.constant 0 : i32
    %dma_wait3A_71 = tpu.memref_slice %arg15[%dma_wait3A_69, %dma_wait3A_70] : memref<128x16xf32, #tpu.memory_space<vmem>> -> memref<16x16xf32, #tpu.memory_space<vmem>>
    %dma_wait3A_72 = arith.constant 0 : i32
    %dma_wait3A_73 = arith.constant 0 : i32
    %dma_wait3A_74 = tpu.memref_slice %arg5[%dma_wait3A_72, %dma_wait3A_73] : memref<10000x16xf32, #tpu.memory_space<hbm>> -> memref<10000x16xf32, #tpu.memory_space<hbm>>
    tpu.wait_indirect_dma semaphore(%arg24 : memref<!tpu.dma_semaphore, #tpu.memory_space<semaphore_mem>>) src(%dma_wait3A_74 : memref<10000x16xf32, #tpu.memory_space<hbm>>) dst(%dma_wait3A_71 : memref<16x16xf32, #tpu.memory_space<vmem>>)
    %dma_wait3A_75 = arith.constant 0 : i32
    %dma_wait3A_76 = arith.constant 0 : i32
    %dma_wait3A_77 = tpu.memref_slice %arg16[%dma_wait3A_75, %dma_wait3A_76] : memref<128x16xf32, #tpu.memory_space<vmem>> -> memref<16x16xf32, #tpu.memory_space<vmem>>
    %dma_wait3A_78 = arith.constant 0 : i32
    %dma_wait3A_79 = tpu.memref_slice %arg6[%add3A_42, %dma_wait3A_78] : memref<320000x16xf32, #tpu.memory_space<hbm>> -> memref<16x16xf32, #tpu.memory_space<hbm>>
    %dma_wait3A_80 = arith.constant 0 : i32
    %dma_wait3A_81 = arith.constant 0 : i32
    %dma_wait3A_82 = tpu.memref_slice %arg16[%dma_wait3A_80, %dma_wait3A_81] : memref<128x16xf32, #tpu.memory_space<vmem>> -> memref<16x16xf32, #tpu.memory_space<vmem>>
    %dma_wait3A_83 = arith.constant 0 : i32
    %dma_wait3A_84 = tpu.memref_slice %arg6[%add3A_42, %dma_wait3A_83] : memref<320000x16xf32, #tpu.memory_space<hbm>> -> memref<16x16xf32, #tpu.memory_space<hbm>>
    tpu.wait_dma2 semaphore(%arg25 : memref<!tpu.dma_semaphore, #tpu.memory_space<semaphore_mem>>) src(%dma_wait3A_84 : memref<16x16xf32, #tpu.memory_space<hbm>>) dst(%dma_wait3A_82 : memref<16x16xf32, #tpu.memory_space<vmem>>)
    %get3A = arith.constant 0 : index
    %get3A_85 = tpu.vector_load %arg19[%get3A] {strides = array<i32>} : memref<16xf32, #tpu.memory_space<vmem>>, vector<16xf32>,
    %get3A_86 = vector.shape_cast %get3A_85 : vector<16xf32> to vector<16xf32>
    %get3A_87 = arith.constant 0 : index
    %get3A_88 = tpu.vector_load %arg20[%get3A_87] {strides = array<i32>} : memref<16xf32, #tpu.memory_space<vmem>>, vector<16xf32>,
    %get3A_89 = vector.shape_cast %get3A_88 : vector<16xf32> to vector<16xf32>
    %scan3A_90 = arith.constant 0 : i32
    %scan3A_91 = arith.constant 0 : i32
    %scan3A_92 = arith.constant 4 : i32
    %scan3A_93 = arith.addi %scan3A_91, %scan3A_92 : i32
    %scan3A_94 = arith.constant 1 : i32
    scf.for %scan3A_104 = %scan3A_91 to %scan3A_93 step %scan3A_94  : i32 {
      %mul3A_105 = arith.constant 4 : i32
      %mul3A_106 = arith.muli %scan3A_104, %mul3A_105 : i32
      %add3A_107 = arith.constant 0 : i32
      %add3A_108 = arith.addi %mul3A_106, %add3A_107 : i32
      %get3A_109 = arith.index_cast %add3A_108 : i32 to index
      %get3A_110 = arith.constant 0 : index
      %get3A_111 = tpu.vector_load %arg16[%get3A_109, %get3A_110] {strides = array<i32>} : memref<128x16xf32, #tpu.memory_space<vmem>>, vector<1x16xf32>,
      %get3A_112 = vector.shape_cast %get3A_111 : vector<1x16xf32> to vector<16xf32>
      %get3A_113 = arith.index_cast %add3A_108 : i32 to index
      %get3A_114 = arith.constant 0 : index
      %get3A_115 = tpu.vector_load %arg14[%get3A_113, %get3A_114] {strides = array<i32>} : memref<128x16xf32, #tpu.memory_space<vmem>>, vector<1x16xf32>,
      %get3A_116 = vector.shape_cast %get3A_115 : vector<1x16xf32> to vector<16xf32>
      %add3A_117 = arith.addf %get3A_112, %get3A_116 : vector<16xf32>
      %get3A_118 = arith.index_cast %add3A_108 : i32 to index
      %get3A_119 = arith.constant 0 : index
      %get3A_120 = tpu.vector_load %arg15[%get3A_118, %get3A_119] {strides = array<i32>} : memref<128x16xf32, #tpu.memory_space<vmem>>, vector<1x16xf32>,
      %get3A_121 = vector.shape_cast %get3A_120 : vector<1x16xf32> to vector<16xf32>
      %add3A_122 = arith.addf %add3A_117, %get3A_121 : vector<16xf32>
      %iota3A = tpu.iota {dimensions = array<i32: 0>} : vector<16xi32>
      %xor3A = arith.constant 1 : i32
      %xor3A_123 = vector.broadcast %xor3A : i32 to vector<16xi32>
      %xor3A_124 = arith.xori %iota3A, %xor3A_123 : vector<16xi32>
      %broadcast_in_dim3A_125 = vector.shape_cast %xor3A_124 : vector<16xi32> to vector<16x1xi32>
      %gather3A = vector.shape_cast %broadcast_in_dim3A_125 : vector<16x1xi32> to vector<16xi32>
      %gather3A_126 = tpu.dynamic_gather %add3A_122[%gather3A] in [0] : vector<16xf32>, vector<16xi32> -> vector<16xf32>
      %add3A_127 = arith.addf %add3A_122, %gather3A_126 : vector<16xf32>
      %xor3A_128 = arith.constant 2 : i32
      %xor3A_129 = vector.broadcast %xor3A_128 : i32 to vector<16xi32>
      %xor3A_130 = arith.xori %iota3A, %xor3A_129 : vector<16xi32>
      %broadcast_in_dim3A_131 = vector.shape_cast %xor3A_130 : vector<16xi32> to vector<16x1xi32>
      %gather3A_132 = vector.shape_cast %broadcast_in_dim3A_131 : vector<16x1xi32> to vector<16xi32>
      %gather3A_133 = tpu.dynamic_gather %add3A_127[%gather3A_132] in [0] : vector<16xf32>, vector<16xi32> -> vector<16xf32>
      %add3A_134 = arith.addf %add3A_127, %gather3A_133 : vector<16xf32>
      %xor3A_135 = arith.constant 4 : i32
      %xor3A_136 = vector.broadcast %xor3A_135 : i32 to vector<16xi32>
      %xor3A_137 = arith.xori %iota3A, %xor3A_136 : vector<16xi32>
      %broadcast_in_dim3A_138 = vector.shape_cast %xor3A_137 : vector<16xi32> to vector<16x1xi32>
      %gather3A_139 = vector.shape_cast %broadcast_in_dim3A_138 : vector<16x1xi32> to vector<16xi32>
      %gather3A_140 = tpu.dynamic_gather %add3A_134[%gather3A_139] in [0] : vector<16xf32>, vector<16xi32> -> vector<16xf32>
      %add3A_141 = arith.addf %add3A_134, %gather3A_140 : vector<16xf32>
      %xor3A_142 = arith.constant 8 : i32
      %xor3A_143 = vector.broadcast %xor3A_142 : i32 to vector<16xi32>
      %xor3A_144 = arith.xori %iota3A, %xor3A_143 : vector<16xi32>
      %broadcast_in_dim3A_145 = vector.shape_cast %xor3A_144 : vector<16xi32> to vector<16x1xi32>
      %gather3A_146 = vector.shape_cast %broadcast_in_dim3A_145 : vector<16x1xi32> to vector<16xi32>
      %gather3A_147 = tpu.dynamic_gather %add3A_141[%gather3A_146] in [0] : vector<16xf32>, vector<16xi32> -> vector<16xf32>
      %add3A_148 = arith.addf %add3A_141, %gather3A_147 : vector<16xf32>
      %mul3A_149 = arith.constant 6.250000e-02 : f32
      %mul3A_150 = vector.broadcast %mul3A_149 : f32 to vector<16xf32>
      %mul3A_151 = arith.mulf %add3A_148, %mul3A_150 : vector<16xf32>
      %sub3A = arith.subf %add3A_122, %mul3A_151 : vector<16xf32>
      %mul3A_152 = arith.mulf %sub3A, %sub3A : vector<16xf32>
      %iota3A_153 = tpu.iota {dimensions = array<i32: 0>} : vector<16xi32>
      %xor3A_154 = arith.constant 1 : i32
      %xor3A_155 = vector.broadcast %xor3A_154 : i32 to vector<16xi32>
      %xor3A_156 = arith.xori %iota3A_153, %xor3A_155 : vector<16xi32>
      %broadcast_in_dim3A_157 = vector.shape_cast %xor3A_156 : vector<16xi32> to vector<16x1xi32>
      %gather3A_158 = vector.shape_cast %broadcast_in_dim3A_157 : vector<16x1xi32> to vector<16xi32>
      %gather3A_159 = tpu.dynamic_gather %mul3A_152[%gather3A_158] in [0] : vector<16xf32>, vector<16xi32> -> vector<16xf32>
      %add3A_160 = arith.addf %mul3A_152, %gather3A_159 : vector<16xf32>
      %xor3A_161 = arith.constant 2 : i32
      %xor3A_162 = vector.broadcast %xor3A_161 : i32 to vector<16xi32>
      %xor3A_163 = arith.xori %iota3A_153, %xor3A_162 : vector<16xi32>
      %broadcast_in_dim3A_164 = vector.shape_cast %xor3A_163 : vector<16xi32> to vector<16x1xi32>
      %gather3A_165 = vector.shape_cast %broadcast_in_dim3A_164 : vector<16x1xi32> to vector<16xi32>
      %gather3A_166 = tpu.dynamic_gather %add3A_160[%gather3A_165] in [0] : vector<16xf32>, vector<16xi32> -> vector<16xf32>
      %add3A_167 = arith.addf %add3A_160, %gather3A_166 : vector<16xf32>
      %xor3A_168 = arith.constant 4 : i32
      %xor3A_169 = vector.broadcast %xor3A_168 : i32 to vector<16xi32>
      %xor3A_170 = arith.xori %iota3A_153, %xor3A_169 : vector<16xi32>
      %broadcast_in_dim3A_171 = vector.shape_cast %xor3A_170 : vector<16xi32> to vector<16x1xi32>
      %gather3A_172 = vector.shape_cast %broadcast_in_dim3A_171 : vector<16x1xi32> to vector<16xi32>
      %gather3A_173 = tpu.dynamic_gather %add3A_167[%gather3A_172] in [0] : vector<16xf32>, vector<16xi32> -> vector<16xf32>
      %add3A_174 = arith.addf %add3A_167, %gather3A_173 : vector<16xf32>
      %xor3A_175 = arith.constant 8 : i32
      %xor3A_176 = vector.broadcast %xor3A_175 : i32 to vector<16xi32>
      %xor3A_177 = arith.xori %iota3A_153, %xor3A_176 : vector<16xi32>
      %broadcast_in_dim3A_178 = vector.shape_cast %xor3A_177 : vector<16xi32> to vector<16x1xi32>
      %gather3A_179 = vector.shape_cast %broadcast_in_dim3A_178 : vector<16x1xi32> to vector<16xi32>
      %gather3A_180 = tpu.dynamic_gather %add3A_174[%gather3A_179] in [0] : vector<16xf32>, vector<16xi32> -> vector<16xf32>
      %add3A_181 = arith.addf %add3A_174, %gather3A_180 : vector<16xf32>
      %mul3A_182 = arith.constant 6.250000e-02 : f32
      %mul3A_183 = vector.broadcast %mul3A_182 : f32 to vector<16xf32>
      %mul3A_184 = arith.mulf %add3A_181, %mul3A_183 : vector<16xf32>
      %add3A_185 = arith.constant 9.99999974E-6 : f32
      %add3A_186 = vector.broadcast %add3A_185 : f32 to vector<16xf32>
      %add3A_187 = arith.addf %mul3A_184, %add3A_186 : vector<16xf32>
      %bitcast_convert_type3A = tpu.bitcast %add3A_187 : vector<16xf32> -> vector<16xi32>
      %shift_right_arithmetic3A = arith.constant 1 : i32
      %shift_right_arithmetic3A_188 = vector.broadcast %shift_right_arithmetic3A : i32 to vector<16xi32>
      %shift_right_arithmetic3A_189 = arith.shrsi %bitcast_convert_type3A, %shift_right_arithmetic3A_188 : vector<16xi32>
      %sub3A_190 = arith.constant 1597463007 : i32
      %sub3A_191 = vector.broadcast %sub3A_190 : i32 to vector<16xi32>
      %sub3A_192 = arith.subi %sub3A_191, %shift_right_arithmetic3A_189 : vector<16xi32>
      %bitcast_convert_type3A_193 = tpu.bitcast %sub3A_192 : vector<16xi32> -> vector<16xf32>
      %mul3A_194 = arith.constant 5.000000e-01 : f32
      %mul3A_195 = vector.broadcast %mul3A_194 : f32 to vector<16xf32>
      %mul3A_196 = arith.mulf %mul3A_195, %add3A_187 : vector<16xf32>
      %mul3A_197 = arith.mulf %mul3A_196, %bitcast_convert_type3A_193 : vector<16xf32>
      %mul3A_198 = arith.mulf %mul3A_197, %bitcast_convert_type3A_193 : vector<16xf32>
      %sub3A_199 = arith.constant 1.500000e+00 : f32
      %sub3A_200 = vector.broadcast %sub3A_199 : f32 to vector<16xf32>
      %sub3A_201 = arith.subf %sub3A_200, %mul3A_198 : vector<16xf32>
      %mul3A_202 = arith.mulf %bitcast_convert_type3A_193, %sub3A_201 : vector<16xf32>
      %mul3A_203 = arith.constant 5.000000e-01 : f32
      %mul3A_204 = vector.broadcast %mul3A_203 : f32 to vector<16xf32>
      %mul3A_205 = arith.mulf %mul3A_204, %add3A_187 : vector<16xf32>
      %mul3A_206 = arith.mulf %mul3A_205, %mul3A_202 : vector<16xf32>
      %mul3A_207 = arith.mulf %mul3A_206, %mul3A_202 : vector<16xf32>
      %sub3A_208 = arith.constant 1.500000e+00 : f32
      %sub3A_209 = vector.broadcast %sub3A_208 : f32 to vector<16xf32>
      %sub3A_210 = arith.subf %sub3A_209, %mul3A_207 : vector<16xf32>
      %mul3A_211 = arith.mulf %mul3A_202, %sub3A_210 : vector<16xf32>
      %mul3A_212 = arith.constant 5.000000e-01 : f32
      %mul3A_213 = vector.broadcast %mul3A_212 : f32 to vector<16xf32>
      %mul3A_214 = arith.mulf %mul3A_213, %add3A_187 : vector<16xf32>
      %mul3A_215 = arith.mulf %mul3A_214, %mul3A_211 : vector<16xf32>
      %mul3A_216 = arith.mulf %mul3A_215, %mul3A_211 : vector<16xf32>
      %sub3A_217 = arith.constant 1.500000e+00 : f32
      %sub3A_218 = vector.broadcast %sub3A_217 : f32 to vector<16xf32>
      %sub3A_219 = arith.subf %sub3A_218, %mul3A_216 : vector<16xf32>
      %mul3A_220 = arith.mulf %mul3A_211, %sub3A_219 : vector<16xf32>
      %mul3A_221 = arith.mulf %sub3A, %mul3A_220 : vector<16xf32>
      %mul3A_222 = arith.mulf %mul3A_221, %get3A_86 : vector<16xf32>
      %add3A_223 = arith.addf %mul3A_222, %get3A_89 : vector<16xf32>
      %swap3A = arith.index_cast %add3A_108 : i32 to index
      %swap3A_224 = arith.constant 0 : index
      %swap3A_225 = tpu.vector_load %arg17[%swap3A, %swap3A_224] {strides = array<i32>} : memref<128x16xf32, #tpu.memory_space<vmem>>, vector<1x16xf32>,
      %swap3A_226 = vector.shape_cast %swap3A_225 : vector<1x16xf32> to vector<16xf32>
      %swap3A_227 = vector.shape_cast %add3A_223 : vector<16xf32> to vector<1x16xf32>
      tpu.vector_store %arg17[%swap3A, %swap3A_224], %swap3A_227 {strides = array<i32>} : memref<128x16xf32, #tpu.memory_space<vmem>>, vector<1x16xf32>,
      %mul3A_228 = arith.constant 4 : i32
      %mul3A_229 = arith.muli %scan3A_104, %mul3A_228 : i32
      %add3A_230 = arith.constant 1 : i32
      %add3A_231 = arith.addi %mul3A_229, %add3A_230 : i32
      %get3A_232 = arith.index_cast %add3A_231 : i32 to index
      %get3A_233 = arith.constant 0 : index
      %get3A_234 = tpu.vector_load %arg16[%get3A_232, %get3A_233] {strides = array<i32>} : memref<128x16xf32, #tpu.memory_space<vmem>>, vector<1x16xf32>,
      %get3A_235 = vector.shape_cast %get3A_234 : vector<1x16xf32> to vector<16xf32>
      %get3A_236 = arith.index_cast %add3A_231 : i32 to index
      %get3A_237 = arith.constant 0 : index
      %get3A_238 = tpu.vector_load %arg14[%get3A_236, %get3A_237] {strides = array<i32>} : memref<128x16xf32, #tpu.memory_space<vmem>>, vector<1x16xf32>,
      %get3A_239 = vector.shape_cast %get3A_238 : vector<1x16xf32> to vector<16xf32>
      %add3A_240 = arith.addf %get3A_235, %get3A_239 : vector<16xf32>
      %get3A_241 = arith.index_cast %add3A_231 : i32 to index
      %get3A_242 = arith.constant 0 : index
      %get3A_243 = tpu.vector_load %arg15[%get3A_241, %get3A_242] {strides = array<i32>} : memref<128x16xf32, #tpu.memory_space<vmem>>, vector<1x16xf32>,
      %get3A_244 = vector.shape_cast %get3A_243 : vector<1x16xf32> to vector<16xf32>
      %add3A_245 = arith.addf %add3A_240, %get3A_244 : vector<16xf32>
      %iota3A_246 = tpu.iota {dimensions = array<i32: 0>} : vector<16xi32>
      %xor3A_247 = arith.constant 1 : i32
      %xor3A_248 = vector.broadcast %xor3A_247 : i32 to vector<16xi32>
      %xor3A_249 = arith.xori %iota3A_246, %xor3A_248 : vector<16xi32>
      %broadcast_in_dim3A_250 = vector.shape_cast %xor3A_249 : vector<16xi32> to vector<16x1xi32>
      %gather3A_251 = vector.shape_cast %broadcast_in_dim3A_250 : vector<16x1xi32> to vector<16xi32>
      %gather3A_252 = tpu.dynamic_gather %add3A_245[%gather3A_251] in [0] : vector<16xf32>, vector<16xi32> -> vector<16xf32>
      %add3A_253 = arith.addf %add3A_245, %gather3A_252 : vector<16xf32>
      %xor3A_254 = arith.constant 2 : i32
      %xor3A_255 = vector.broadcast %xor3A_254 : i32 to vector<16xi32>
      %xor3A_256 = arith.xori %iota3A_246, %xor3A_255 : vector<16xi32>
      %broadcast_in_dim3A_257 = vector.shape_cast %xor3A_256 : vector<16xi32> to vector<16x1xi32>
      %gather3A_258 = vector.shape_cast %broadcast_in_dim3A_257 : vector<16x1xi32> to vector<16xi32>
      %gather3A_259 = tpu.dynamic_gather %add3A_253[%gather3A_258] in [0] : vector<16xf32>, vector<16xi32> -> vector<16xf32>
      %add3A_260 = arith.addf %add3A_253, %gather3A_259 : vector<16xf32>
      %xor3A_261 = arith.constant 4 : i32
      %xor3A_262 = vector.broadcast %xor3A_261 : i32 to vector<16xi32>
      %xor3A_263 = arith.xori %iota3A_246, %xor3A_262 : vector<16xi32>
      %broadcast_in_dim3A_264 = vector.shape_cast %xor3A_263 : vector<16xi32> to vector<16x1xi32>
      %gather3A_265 = vector.shape_cast %broadcast_in_dim3A_264 : vector<16x1xi32> to vector<16xi32>
      %gather3A_266 = tpu.dynamic_gather %add3A_260[%gather3A_265] in [0] : vector<16xf32>, vector<16xi32> -> vector<16xf32>
      %add3A_267 = arith.addf %add3A_260, %gather3A_266 : vector<16xf32>
      %xor3A_268 = arith.constant 8 : i32
      %xor3A_269 = vector.broadcast %xor3A_268 : i32 to vector<16xi32>
      %xor3A_270 = arith.xori %iota3A_246, %xor3A_269 : vector<16xi32>
      %broadcast_in_dim3A_271 = vector.shape_cast %xor3A_270 : vector<16xi32> to vector<16x1xi32>
      %gather3A_272 = vector.shape_cast %broadcast_in_dim3A_271 : vector<16x1xi32> to vector<16xi32>
      %gather3A_273 = tpu.dynamic_gather %add3A_267[%gather3A_272] in [0] : vector<16xf32>, vector<16xi32> -> vector<16xf32>
      %add3A_274 = arith.addf %add3A_267, %gather3A_273 : vector<16xf32>
      %mul3A_275 = arith.constant 6.250000e-02 : f32
      %mul3A_276 = vector.broadcast %mul3A_275 : f32 to vector<16xf32>
      %mul3A_277 = arith.mulf %add3A_274, %mul3A_276 : vector<16xf32>
      %sub3A_278 = arith.subf %add3A_245, %mul3A_277 : vector<16xf32>
      %mul3A_279 = arith.mulf %sub3A_278, %sub3A_278 : vector<16xf32>
      %iota3A_280 = tpu.iota {dimensions = array<i32: 0>} : vector<16xi32>
      %xor3A_281 = arith.constant 1 : i32
      %xor3A_282 = vector.broadcast %xor3A_281 : i32 to vector<16xi32>
      %xor3A_283 = arith.xori %iota3A_280, %xor3A_282 : vector<16xi32>
      %broadcast_in_dim3A_284 = vector.shape_cast %xor3A_283 : vector<16xi32> to vector<16x1xi32>
      %gather3A_285 = vector.shape_cast %broadcast_in_dim3A_284 : vector<16x1xi32> to vector<16xi32>
      %gather3A_286 = tpu.dynamic_gather %mul3A_279[%gather3A_285] in [0] : vector<16xf32>, vector<16xi32> -> vector<16xf32>
      %add3A_287 = arith.addf %mul3A_279, %gather3A_286 : vector<16xf32>
      %xor3A_288 = arith.constant 2 : i32
      %xor3A_289 = vector.broadcast %xor3A_288 : i32 to vector<16xi32>
      %xor3A_290 = arith.xori %iota3A_280, %xor3A_289 : vector<16xi32>
      %broadcast_in_dim3A_291 = vector.shape_cast %xor3A_290 : vector<16xi32> to vector<16x1xi32>
      %gather3A_292 = vector.shape_cast %broadcast_in_dim3A_291 : vector<16x1xi32> to vector<16xi32>
      %gather3A_293 = tpu.dynamic_gather %add3A_287[%gather3A_292] in [0] : vector<16xf32>, vector<16xi32> -> vector<16xf32>
      %add3A_294 = arith.addf %add3A_287, %gather3A_293 : vector<16xf32>
      %xor3A_295 = arith.constant 4 : i32
      %xor3A_296 = vector.broadcast %xor3A_295 : i32 to vector<16xi32>
      %xor3A_297 = arith.xori %iota3A_280, %xor3A_296 : vector<16xi32>
      %broadcast_in_dim3A_298 = vector.shape_cast %xor3A_297 : vector<16xi32> to vector<16x1xi32>
      %gather3A_299 = vector.shape_cast %broadcast_in_dim3A_298 : vector<16x1xi32> to vector<16xi32>
      %gather3A_300 = tpu.dynamic_gather %add3A_294[%gather3A_299] in [0] : vector<16xf32>, vector<16xi32> -> vector<16xf32>
      %add3A_301 = arith.addf %add3A_294, %gather3A_300 : vector<16xf32>
      %xor3A_302 = arith.constant 8 : i32
      %xor3A_303 = vector.broadcast %xor3A_302 : i32 to vector<16xi32>
      %xor3A_304 = arith.xori %iota3A_280, %xor3A_303 : vector<16xi32>
      %broadcast_in_dim3A_305 = vector.shape_cast %xor3A_304 : vector<16xi32> to vector<16x1xi32>
      %gather3A_306 = vector.shape_cast %broadcast_in_dim3A_305 : vector<16x1xi32> to vector<16xi32>
      %gather3A_307 = tpu.dynamic_gather %add3A_301[%gather3A_306] in [0] : vector<16xf32>, vector<16xi32> -> vector<16xf32>
      %add3A_308 = arith.addf %add3A_301, %gather3A_307 : vector<16xf32>
      %mul3A_309 = arith.constant 6.250000e-02 : f32
      %mul3A_310 = vector.broadcast %mul3A_309 : f32 to vector<16xf32>
      %mul3A_311 = arith.mulf %add3A_308, %mul3A_310 : vector<16xf32>
      %add3A_312 = arith.constant 9.99999974E-6 : f32
      %add3A_313 = vector.broadcast %add3A_312 : f32 to vector<16xf32>
      %add3A_314 = arith.addf %mul3A_311, %add3A_313 : vector<16xf32>
      %bitcast_convert_type3A_315 = tpu.bitcast %add3A_314 : vector<16xf32> -> vector<16xi32>
      %shift_right_arithmetic3A_316 = arith.constant 1 : i32
      %shift_right_arithmetic3A_317 = vector.broadcast %shift_right_arithmetic3A_316 : i32 to vector<16xi32>
      %shift_right_arithmetic3A_318 = arith.shrsi %bitcast_convert_type3A_315, %shift_right_arithmetic3A_317 : vector<16xi32>
      %sub3A_319 = arith.constant 1597463007 : i32
      %sub3A_320 = vector.broadcast %sub3A_319 : i32 to vector<16xi32>
      %sub3A_321 = arith.subi %sub3A_320, %shift_right_arithmetic3A_318 : vector<16xi32>
      %bitcast_convert_type3A_322 = tpu.bitcast %sub3A_321 : vector<16xi32> -> vector<16xf32>
      %mul3A_323 = arith.constant 5.000000e-01 : f32
      %mul3A_324 = vector.broadcast %mul3A_323 : f32 to vector<16xf32>
      %mul3A_325 = arith.mulf %mul3A_324, %add3A_314 : vector<16xf32>
      %mul3A_326 = arith.mulf %mul3A_325, %bitcast_convert_type3A_322 : vector<16xf32>
      %mul3A_327 = arith.mulf %mul3A_326, %bitcast_convert_type3A_322 : vector<16xf32>
      %sub3A_328 = arith.constant 1.500000e+00 : f32
      %sub3A_329 = vector.broadcast %sub3A_328 : f32 to vector<16xf32>
      %sub3A_330 = arith.subf %sub3A_329, %mul3A_327 : vector<16xf32>
      %mul3A_331 = arith.mulf %bitcast_convert_type3A_322, %sub3A_330 : vector<16xf32>
      %mul3A_332 = arith.constant 5.000000e-01 : f32
      %mul3A_333 = vector.broadcast %mul3A_332 : f32 to vector<16xf32>
      %mul3A_334 = arith.mulf %mul3A_333, %add3A_314 : vector<16xf32>
      %mul3A_335 = arith.mulf %mul3A_334, %mul3A_331 : vector<16xf32>
      %mul3A_336 = arith.mulf %mul3A_335, %mul3A_331 : vector<16xf32>
      %sub3A_337 = arith.constant 1.500000e+00 : f32
      %sub3A_338 = vector.broadcast %sub3A_337 : f32 to vector<16xf32>
      %sub3A_339 = arith.subf %sub3A_338, %mul3A_336 : vector<16xf32>
      %mul3A_340 = arith.mulf %mul3A_331, %sub3A_339 : vector<16xf32>
      %mul3A_341 = arith.constant 5.000000e-01 : f32
      %mul3A_342 = vector.broadcast %mul3A_341 : f32 to vector<16xf32>
      %mul3A_343 = arith.mulf %mul3A_342, %add3A_314 : vector<16xf32>
      %mul3A_344 = arith.mulf %mul3A_343, %mul3A_340 : vector<16xf32>
      %mul3A_345 = arith.mulf %mul3A_344, %mul3A_340 : vector<16xf32>
      %sub3A_346 = arith.constant 1.500000e+00 : f32
      %sub3A_347 = vector.broadcast %sub3A_346 : f32 to vector<16xf32>
      %sub3A_348 = arith.subf %sub3A_347, %mul3A_345 : vector<16xf32>
      %mul3A_349 = arith.mulf %mul3A_340, %sub3A_348 : vector<16xf32>
      %mul3A_350 = arith.mulf %sub3A_278, %mul3A_349 : vector<16xf32>
      %mul3A_351 = arith.mulf %mul3A_350, %get3A_86 : vector<16xf32>
      %add3A_352 = arith.addf %mul3A_351, %get3A_89 : vector<16xf32>
      %swap3A_353 = arith.index_cast %add3A_231 : i32 to index
      %swap3A_354 = arith.constant 0 : index
      %swap3A_355 = tpu.vector_load %arg17[%swap3A_353, %swap3A_354] {strides = array<i32>} : memref<128x16xf32, #tpu.memory_space<vmem>>, vector<1x16xf32>,
      %swap3A_356 = vector.shape_cast %swap3A_355 : vector<1x16xf32> to vector<16xf32>
      %swap3A_357 = vector.shape_cast %add3A_352 : vector<16xf32> to vector<1x16xf32>
      tpu.vector_store %arg17[%swap3A_353, %swap3A_354], %swap3A_357 {strides = array<i32>} : memref<128x16xf32, #tpu.memory_space<vmem>>, vector<1x16xf32>,
      %mul3A_358 = arith.constant 4 : i32
      %mul3A_359 = arith.muli %scan3A_104, %mul3A_358 : i32
      %add3A_360 = arith.constant 2 : i32
      %add3A_361 = arith.addi %mul3A_359, %add3A_360 : i32
      %get3A_362 = arith.index_cast %add3A_361 : i32 to index
      %get3A_363 = arith.constant 0 : index
      %get3A_364 = tpu.vector_load %arg16[%get3A_362, %get3A_363] {strides = array<i32>} : memref<128x16xf32, #tpu.memory_space<vmem>>, vector<1x16xf32>,
      %get3A_365 = vector.shape_cast %get3A_364 : vector<1x16xf32> to vector<16xf32>
      %get3A_366 = arith.index_cast %add3A_361 : i32 to index
      %get3A_367 = arith.constant 0 : index
      %get3A_368 = tpu.vector_load %arg14[%get3A_366, %get3A_367] {strides = array<i32>} : memref<128x16xf32, #tpu.memory_space<vmem>>, vector<1x16xf32>,
      %get3A_369 = vector.shape_cast %get3A_368 : vector<1x16xf32> to vector<16xf32>
      %add3A_370 = arith.addf %get3A_365, %get3A_369 : vector<16xf32>
      %get3A_371 = arith.index_cast %add3A_361 : i32 to index
      %get3A_372 = arith.constant 0 : index
      %get3A_373 = tpu.vector_load %arg15[%get3A_371, %get3A_372] {strides = array<i32>} : memref<128x16xf32, #tpu.memory_space<vmem>>, vector<1x16xf32>,
      %get3A_374 = vector.shape_cast %get3A_373 : vector<1x16xf32> to vector<16xf32>
      %add3A_375 = arith.addf %add3A_370, %get3A_374 : vector<16xf32>
      %iota3A_376 = tpu.iota {dimensions = array<i32: 0>} : vector<16xi32>
      %xor3A_377 = arith.constant 1 : i32
      %xor3A_378 = vector.broadcast %xor3A_377 : i32 to vector<16xi32>
      %xor3A_379 = arith.xori %iota3A_376, %xor3A_378 : vector<16xi32>
      %broadcast_in_dim3A_380 = vector.shape_cast %xor3A_379 : vector<16xi32> to vector<16x1xi32>
      %gather3A_381 = vector.shape_cast %broadcast_in_dim3A_380 : vector<16x1xi32> to vector<16xi32>
      %gather3A_382 = tpu.dynamic_gather %add3A_375[%gather3A_381] in [0] : vector<16xf32>, vector<16xi32> -> vector<16xf32>
      %add3A_383 = arith.addf %add3A_375, %gather3A_382 : vector<16xf32>
      %xor3A_384 = arith.constant 2 : i32
      %xor3A_385 = vector.broadcast %xor3A_384 : i32 to vector<16xi32>
      %xor3A_386 = arith.xori %iota3A_376, %xor3A_385 : vector<16xi32>
      %broadcast_in_dim3A_387 = vector.shape_cast %xor3A_386 : vector<16xi32> to vector<16x1xi32>
      %gather3A_388 = vector.shape_cast %broadcast_in_dim3A_387 : vector<16x1xi32> to vector<16xi32>
      %gather3A_389 = tpu.dynamic_gather %add3A_383[%gather3A_388] in [0] : vector<16xf32>, vector<16xi32> -> vector<16xf32>
      %add3A_390 = arith.addf %add3A_383, %gather3A_389 : vector<16xf32>
      %xor3A_391 = arith.constant 4 : i32
      %xor3A_392 = vector.broadcast %xor3A_391 : i32 to vector<16xi32>
      %xor3A_393 = arith.xori %iota3A_376, %xor3A_392 : vector<16xi32>
      %broadcast_in_dim3A_394 = vector.shape_cast %xor3A_393 : vector<16xi32> to vector<16x1xi32>
      %gather3A_395 = vector.shape_cast %broadcast_in_dim3A_394 : vector<16x1xi32> to vector<16xi32>
      %gather3A_396 = tpu.dynamic_gather %add3A_390[%gather3A_395] in [0] : vector<16xf32>, vector<16xi32> -> vector<16xf32>
      %add3A_397 = arith.addf %add3A_390, %gather3A_396 : vector<16xf32>
      %xor3A_398 = arith.constant 8 : i32
      %xor3A_399 = vector.broadcast %xor3A_398 : i32 to vector<16xi32>
      %xor3A_400 = arith.xori %iota3A_376, %xor3A_399 : vector<16xi32>
      %broadcast_in_dim3A_401 = vector.shape_cast %xor3A_400 : vector<16xi32> to vector<16x1xi32>
      %gather3A_402 = vector.shape_cast %broadcast_in_dim3A_401 : vector<16x1xi32> to vector<16xi32>
      %gather3A_403 = tpu.dynamic_gather %add3A_397[%gather3A_402] in [0] : vector<16xf32>, vector<16xi32> -> vector<16xf32>
      %add3A_404 = arith.addf %add3A_397, %gather3A_403 : vector<16xf32>
      %mul3A_405 = arith.constant 6.250000e-02 : f32
      %mul3A_406 = vector.broadcast %mul3A_405 : f32 to vector<16xf32>
      %mul3A_407 = arith.mulf %add3A_404, %mul3A_406 : vector<16xf32>
      %sub3A_408 = arith.subf %add3A_375, %mul3A_407 : vector<16xf32>
      %mul3A_409 = arith.mulf %sub3A_408, %sub3A_408 : vector<16xf32>
      %iota3A_410 = tpu.iota {dimensions = array<i32: 0>} : vector<16xi32>
      %xor3A_411 = arith.constant 1 : i32
      %xor3A_412 = vector.broadcast %xor3A_411 : i32 to vector<16xi32>
      %xor3A_413 = arith.xori %iota3A_410, %xor3A_412 : vector<16xi32>
      %broadcast_in_dim3A_414 = vector.shape_cast %xor3A_413 : vector<16xi32> to vector<16x1xi32>
      %gather3A_415 = vector.shape_cast %broadcast_in_dim3A_414 : vector<16x1xi32> to vector<16xi32>
      %gather3A_416 = tpu.dynamic_gather %mul3A_409[%gather3A_415] in [0] : vector<16xf32>, vector<16xi32> -> vector<16xf32>
      %add3A_417 = arith.addf %mul3A_409, %gather3A_416 : vector<16xf32>
      %xor3A_418 = arith.constant 2 : i32
      %xor3A_419 = vector.broadcast %xor3A_418 : i32 to vector<16xi32>
      %xor3A_420 = arith.xori %iota3A_410, %xor3A_419 : vector<16xi32>
      %broadcast_in_dim3A_421 = vector.shape_cast %xor3A_420 : vector<16xi32> to vector<16x1xi32>
      %gather3A_422 = vector.shape_cast %broadcast_in_dim3A_421 : vector<16x1xi32> to vector<16xi32>
      %gather3A_423 = tpu.dynamic_gather %add3A_417[%gather3A_422] in [0] : vector<16xf32>, vector<16xi32> -> vector<16xf32>
      %add3A_424 = arith.addf %add3A_417, %gather3A_423 : vector<16xf32>
      %xor3A_425 = arith.constant 4 : i32
      %xor3A_426 = vector.broadcast %xor3A_425 : i32 to vector<16xi32>
      %xor3A_427 = arith.xori %iota3A_410, %xor3A_426 : vector<16xi32>
      %broadcast_in_dim3A_428 = vector.shape_cast %xor3A_427 : vector<16xi32> to vector<16x1xi32>
      %gather3A_429 = vector.shape_cast %broadcast_in_dim3A_428 : vector<16x1xi32> to vector<16xi32>
      %gather3A_430 = tpu.dynamic_gather %add3A_424[%gather3A_429] in [0] : vector<16xf32>, vector<16xi32> -> vector<16xf32>
      %add3A_431 = arith.addf %add3A_424, %gather3A_430 : vector<16xf32>
      %xor3A_432 = arith.constant 8 : i32
      %xor3A_433 = vector.broadcast %xor3A_432 : i32 to vector<16xi32>
      %xor3A_434 = arith.xori %iota3A_410, %xor3A_433 : vector<16xi32>
      %broadcast_in_dim3A_435 = vector.shape_cast %xor3A_434 : vector<16xi32> to vector<16x1xi32>
      %gather3A_436 = vector.shape_cast %broadcast_in_dim3A_435 : vector<16x1xi32> to vector<16xi32>
      %gather3A_437 = tpu.dynamic_gather %add3A_431[%gather3A_436] in [0] : vector<16xf32>, vector<16xi32> -> vector<16xf32>
      %add3A_438 = arith.addf %add3A_431, %gather3A_437 : vector<16xf32>
      %mul3A_439 = arith.constant 6.250000e-02 : f32
      %mul3A_440 = vector.broadcast %mul3A_439 : f32 to vector<16xf32>
      %mul3A_441 = arith.mulf %add3A_438, %mul3A_440 : vector<16xf32>
      %add3A_442 = arith.constant 9.99999974E-6 : f32
      %add3A_443 = vector.broadcast %add3A_442 : f32 to vector<16xf32>
      %add3A_444 = arith.addf %mul3A_441, %add3A_443 : vector<16xf32>
      %bitcast_convert_type3A_445 = tpu.bitcast %add3A_444 : vector<16xf32> -> vector<16xi32>
      %shift_right_arithmetic3A_446 = arith.constant 1 : i32
      %shift_right_arithmetic3A_447 = vector.broadcast %shift_right_arithmetic3A_446 : i32 to vector<16xi32>
      %shift_right_arithmetic3A_448 = arith.shrsi %bitcast_convert_type3A_445, %shift_right_arithmetic3A_447 : vector<16xi32>
      %sub3A_449 = arith.constant 1597463007 : i32
      %sub3A_450 = vector.broadcast %sub3A_449 : i32 to vector<16xi32>
      %sub3A_451 = arith.subi %sub3A_450, %shift_right_arithmetic3A_448 : vector<16xi32>
      %bitcast_convert_type3A_452 = tpu.bitcast %sub3A_451 : vector<16xi32> -> vector<16xf32>
      %mul3A_453 = arith.constant 5.000000e-01 : f32
      %mul3A_454 = vector.broadcast %mul3A_453 : f32 to vector<16xf32>
      %mul3A_455 = arith.mulf %mul3A_454, %add3A_444 : vector<16xf32>
      %mul3A_456 = arith.mulf %mul3A_455, %bitcast_convert_type3A_452 : vector<16xf32>
      %mul3A_457 = arith.mulf %mul3A_456, %bitcast_convert_type3A_452 : vector<16xf32>
      %sub3A_458 = arith.constant 1.500000e+00 : f32
      %sub3A_459 = vector.broadcast %sub3A_458 : f32 to vector<16xf32>
      %sub3A_460 = arith.subf %sub3A_459, %mul3A_457 : vector<16xf32>
      %mul3A_461 = arith.mulf %bitcast_convert_type3A_452, %sub3A_460 : vector<16xf32>
      %mul3A_462 = arith.constant 5.000000e-01 : f32
      %mul3A_463 = vector.broadcast %mul3A_462 : f32 to vector<16xf32>
      %mul3A_464 = arith.mulf %mul3A_463, %add3A_444 : vector<16xf32>
      %mul3A_465 = arith.mulf %mul3A_464, %mul3A_461 : vector<16xf32>
      %mul3A_466 = arith.mulf %mul3A_465, %mul3A_461 : vector<16xf32>
      %sub3A_467 = arith.constant 1.500000e+00 : f32
      %sub3A_468 = vector.broadcast %sub3A_467 : f32 to vector<16xf32>
      %sub3A_469 = arith.subf %sub3A_468, %mul3A_466 : vector<16xf32>
      %mul3A_470 = arith.mulf %mul3A_461, %sub3A_469 : vector<16xf32>
      %mul3A_471 = arith.constant 5.000000e-01 : f32
      %mul3A_472 = vector.broadcast %mul3A_471 : f32 to vector<16xf32>
      %mul3A_473 = arith.mulf %mul3A_472, %add3A_444 : vector<16xf32>
      %mul3A_474 = arith.mulf %mul3A_473, %mul3A_470 : vector<16xf32>
      %mul3A_475 = arith.mulf %mul3A_474, %mul3A_470 : vector<16xf32>
      %sub3A_476 = arith.constant 1.500000e+00 : f32
      %sub3A_477 = vector.broadcast %sub3A_476 : f32 to vector<16xf32>
      %sub3A_478 = arith.subf %sub3A_477, %mul3A_475 : vector<16xf32>
      %mul3A_479 = arith.mulf %mul3A_470, %sub3A_478 : vector<16xf32>
      %mul3A_480 = arith.mulf %sub3A_408, %mul3A_479 : vector<16xf32>
      %mul3A_481 = arith.mulf %mul3A_480, %get3A_86 : vector<16xf32>
      %add3A_482 = arith.addf %mul3A_481, %get3A_89 : vector<16xf32>
      %swap3A_483 = arith.index_cast %add3A_361 : i32 to index
      %swap3A_484 = arith.constant 0 : index
      %swap3A_485 = tpu.vector_load %arg17[%swap3A_483, %swap3A_484] {strides = array<i32>} : memref<128x16xf32, #tpu.memory_space<vmem>>, vector<1x16xf32>,
      %swap3A_486 = vector.shape_cast %swap3A_485 : vector<1x16xf32> to vector<16xf32>
      %swap3A_487 = vector.shape_cast %add3A_482 : vector<16xf32> to vector<1x16xf32>
      tpu.vector_store %arg17[%swap3A_483, %swap3A_484], %swap3A_487 {strides = array<i32>} : memref<128x16xf32, #tpu.memory_space<vmem>>, vector<1x16xf32>,
      %mul3A_488 = arith.constant 4 : i32
      %mul3A_489 = arith.muli %scan3A_104, %mul3A_488 : i32
      %add3A_490 = arith.constant 3 : i32
      %add3A_491 = arith.addi %mul3A_489, %add3A_490 : i32
      %get3A_492 = arith.index_cast %add3A_491 : i32 to index
      %get3A_493 = arith.constant 0 : index
      %get3A_494 = tpu.vector_load %arg16[%get3A_492, %get3A_493] {strides = array<i32>} : memref<128x16xf32, #tpu.memory_space<vmem>>, vector<1x16xf32>,
      %get3A_495 = vector.shape_cast %get3A_494 : vector<1x16xf32> to vector<16xf32>
      %get3A_496 = arith.index_cast %add3A_491 : i32 to index
      %get3A_497 = arith.constant 0 : index
      %get3A_498 = tpu.vector_load %arg14[%get3A_496, %get3A_497] {strides = array<i32>} : memref<128x16xf32, #tpu.memory_space<vmem>>, vector<1x16xf32>,
      %get3A_499 = vector.shape_cast %get3A_498 : vector<1x16xf32> to vector<16xf32>
      %add3A_500 = arith.addf %get3A_495, %get3A_499 : vector<16xf32>
      %get3A_501 = arith.index_cast %add3A_491 : i32 to index
      %get3A_502 = arith.constant 0 : index
      %get3A_503 = tpu.vector_load %arg15[%get3A_501, %get3A_502] {strides = array<i32>} : memref<128x16xf32, #tpu.memory_space<vmem>>, vector<1x16xf32>,
      %get3A_504 = vector.shape_cast %get3A_503 : vector<1x16xf32> to vector<16xf32>
      %add3A_505 = arith.addf %add3A_500, %get3A_504 : vector<16xf32>
      %iota3A_506 = tpu.iota {dimensions = array<i32: 0>} : vector<16xi32>
      %xor3A_507 = arith.constant 1 : i32
      %xor3A_508 = vector.broadcast %xor3A_507 : i32 to vector<16xi32>
      %xor3A_509 = arith.xori %iota3A_506, %xor3A_508 : vector<16xi32>
      %broadcast_in_dim3A_510 = vector.shape_cast %xor3A_509 : vector<16xi32> to vector<16x1xi32>
      %gather3A_511 = vector.shape_cast %broadcast_in_dim3A_510 : vector<16x1xi32> to vector<16xi32>
      %gather3A_512 = tpu.dynamic_gather %add3A_505[%gather3A_511] in [0] : vector<16xf32>, vector<16xi32> -> vector<16xf32>
      %add3A_513 = arith.addf %add3A_505, %gather3A_512 : vector<16xf32>
      %xor3A_514 = arith.constant 2 : i32
      %xor3A_515 = vector.broadcast %xor3A_514 : i32 to vector<16xi32>
      %xor3A_516 = arith.xori %iota3A_506, %xor3A_515 : vector<16xi32>
      %broadcast_in_dim3A_517 = vector.shape_cast %xor3A_516 : vector<16xi32> to vector<16x1xi32>
      %gather3A_518 = vector.shape_cast %broadcast_in_dim3A_517 : vector<16x1xi32> to vector<16xi32>
      %gather3A_519 = tpu.dynamic_gather %add3A_513[%gather3A_518] in [0] : vector<16xf32>, vector<16xi32> -> vector<16xf32>
      %add3A_520 = arith.addf %add3A_513, %gather3A_519 : vector<16xf32>
      %xor3A_521 = arith.constant 4 : i32
      %xor3A_522 = vector.broadcast %xor3A_521 : i32 to vector<16xi32>
      %xor3A_523 = arith.xori %iota3A_506, %xor3A_522 : vector<16xi32>
      %broadcast_in_dim3A_524 = vector.shape_cast %xor3A_523 : vector<16xi32> to vector<16x1xi32>
      %gather3A_525 = vector.shape_cast %broadcast_in_dim3A_524 : vector<16x1xi32> to vector<16xi32>
      %gather3A_526 = tpu.dynamic_gather %add3A_520[%gather3A_525] in [0] : vector<16xf32>, vector<16xi32> -> vector<16xf32>
      %add3A_527 = arith.addf %add3A_520, %gather3A_526 : vector<16xf32>
      %xor3A_528 = arith.constant 8 : i32
      %xor3A_529 = vector.broadcast %xor3A_528 : i32 to vector<16xi32>
      %xor3A_530 = arith.xori %iota3A_506, %xor3A_529 : vector<16xi32>
      %broadcast_in_dim3A_531 = vector.shape_cast %xor3A_530 : vector<16xi32> to vector<16x1xi32>
      %gather3A_532 = vector.shape_cast %broadcast_in_dim3A_531 : vector<16x1xi32> to vector<16xi32>
      %gather3A_533 = tpu.dynamic_gather %add3A_527[%gather3A_532] in [0] : vector<16xf32>, vector<16xi32> -> vector<16xf32>
      %add3A_534 = arith.addf %add3A_527, %gather3A_533 : vector<16xf32>
      %mul3A_535 = arith.constant 6.250000e-02 : f32
      %mul3A_536 = vector.broadcast %mul3A_535 : f32 to vector<16xf32>
      %mul3A_537 = arith.mulf %add3A_534, %mul3A_536 : vector<16xf32>
      %sub3A_538 = arith.subf %add3A_505, %mul3A_537 : vector<16xf32>
      %mul3A_539 = arith.mulf %sub3A_538, %sub3A_538 : vector<16xf32>
      %iota3A_540 = tpu.iota {dimensions = array<i32: 0>} : vector<16xi32>
      %xor3A_541 = arith.constant 1 : i32
      %xor3A_542 = vector.broadcast %xor3A_541 : i32 to vector<16xi32>
      %xor3A_543 = arith.xori %iota3A_540, %xor3A_542 : vector<16xi32>
      %broadcast_in_dim3A_544 = vector.shape_cast %xor3A_543 : vector<16xi32> to vector<16x1xi32>
      %gather3A_545 = vector.shape_cast %broadcast_in_dim3A_544 : vector<16x1xi32> to vector<16xi32>
      %gather3A_546 = tpu.dynamic_gather %mul3A_539[%gather3A_545] in [0] : vector<16xf32>, vector<16xi32> -> vector<16xf32>
      %add3A_547 = arith.addf %mul3A_539, %gather3A_546 : vector<16xf32>
      %xor3A_548 = arith.constant 2 : i32
      %xor3A_549 = vector.broadcast %xor3A_548 : i32 to vector<16xi32>
      %xor3A_550 = arith.xori %iota3A_540, %xor3A_549 : vector<16xi32>
      %broadcast_in_dim3A_551 = vector.shape_cast %xor3A_550 : vector<16xi32> to vector<16x1xi32>
      %gather3A_552 = vector.shape_cast %broadcast_in_dim3A_551 : vector<16x1xi32> to vector<16xi32>
      %gather3A_553 = tpu.dynamic_gather %add3A_547[%gather3A_552] in [0] : vector<16xf32>, vector<16xi32> -> vector<16xf32>
      %add3A_554 = arith.addf %add3A_547, %gather3A_553 : vector<16xf32>
      %xor3A_555 = arith.constant 4 : i32
      %xor3A_556 = vector.broadcast %xor3A_555 : i32 to vector<16xi32>
      %xor3A_557 = arith.xori %iota3A_540, %xor3A_556 : vector<16xi32>
      %broadcast_in_dim3A_558 = vector.shape_cast %xor3A_557 : vector<16xi32> to vector<16x1xi32>
      %gather3A_559 = vector.shape_cast %broadcast_in_dim3A_558 : vector<16x1xi32> to vector<16xi32>
      %gather3A_560 = tpu.dynamic_gather %add3A_554[%gather3A_559] in [0] : vector<16xf32>, vector<16xi32> -> vector<16xf32>
      %add3A_561 = arith.addf %add3A_554, %gather3A_560 : vector<16xf32>
      %xor3A_562 = arith.constant 8 : i32
      %xor3A_563 = vector.broadcast %xor3A_562 : i32 to vector<16xi32>
      %xor3A_564 = arith.xori %iota3A_540, %xor3A_563 : vector<16xi32>
      %broadcast_in_dim3A_565 = vector.shape_cast %xor3A_564 : vector<16xi32> to vector<16x1xi32>
      %gather3A_566 = vector.shape_cast %broadcast_in_dim3A_565 : vector<16x1xi32> to vector<16xi32>
      %gather3A_567 = tpu.dynamic_gather %add3A_561[%gather3A_566] in [0] : vector<16xf32>, vector<16xi32> -> vector<16xf32>
      %add3A_568 = arith.addf %add3A_561, %gather3A_567 : vector<16xf32>
      %mul3A_569 = arith.constant 6.250000e-02 : f32
      %mul3A_570 = vector.broadcast %mul3A_569 : f32 to vector<16xf32>
      %mul3A_571 = arith.mulf %add3A_568, %mul3A_570 : vector<16xf32>
      %add3A_572 = arith.constant 9.99999974E-6 : f32
      %add3A_573 = vector.broadcast %add3A_572 : f32 to vector<16xf32>
      %add3A_574 = arith.addf %mul3A_571, %add3A_573 : vector<16xf32>
      %bitcast_convert_type3A_575 = tpu.bitcast %add3A_574 : vector<16xf32> -> vector<16xi32>
      %shift_right_arithmetic3A_576 = arith.constant 1 : i32
      %shift_right_arithmetic3A_577 = vector.broadcast %shift_right_arithmetic3A_576 : i32 to vector<16xi32>
      %shift_right_arithmetic3A_578 = arith.shrsi %bitcast_convert_type3A_575, %shift_right_arithmetic3A_577 : vector<16xi32>
      %sub3A_579 = arith.constant 1597463007 : i32
      %sub3A_580 = vector.broadcast %sub3A_579 : i32 to vector<16xi32>
      %sub3A_581 = arith.subi %sub3A_580, %shift_right_arithmetic3A_578 : vector<16xi32>
      %bitcast_convert_type3A_582 = tpu.bitcast %sub3A_581 : vector<16xi32> -> vector<16xf32>
      %mul3A_583 = arith.constant 5.000000e-01 : f32
      %mul3A_584 = vector.broadcast %mul3A_583 : f32 to vector<16xf32>
      %mul3A_585 = arith.mulf %mul3A_584, %add3A_574 : vector<16xf32>
      %mul3A_586 = arith.mulf %mul3A_585, %bitcast_convert_type3A_582 : vector<16xf32>
      %mul3A_587 = arith.mulf %mul3A_586, %bitcast_convert_type3A_582 : vector<16xf32>
      %sub3A_588 = arith.constant 1.500000e+00 : f32
      %sub3A_589 = vector.broadcast %sub3A_588 : f32 to vector<16xf32>
      %sub3A_590 = arith.subf %sub3A_589, %mul3A_587 : vector<16xf32>
      %mul3A_591 = arith.mulf %bitcast_convert_type3A_582, %sub3A_590 : vector<16xf32>
      %mul3A_592 = arith.constant 5.000000e-01 : f32
      %mul3A_593 = vector.broadcast %mul3A_592 : f32 to vector<16xf32>
      %mul3A_594 = arith.mulf %mul3A_593, %add3A_574 : vector<16xf32>
      %mul3A_595 = arith.mulf %mul3A_594, %mul3A_591 : vector<16xf32>
      %mul3A_596 = arith.mulf %mul3A_595, %mul3A_591 : vector<16xf32>
      %sub3A_597 = arith.constant 1.500000e+00 : f32
      %sub3A_598 = vector.broadcast %sub3A_597 : f32 to vector<16xf32>
      %sub3A_599 = arith.subf %sub3A_598, %mul3A_596 : vector<16xf32>
      %mul3A_600 = arith.mulf %mul3A_591, %sub3A_599 : vector<16xf32>
      %mul3A_601 = arith.constant 5.000000e-01 : f32
      %mul3A_602 = vector.broadcast %mul3A_601 : f32 to vector<16xf32>
      %mul3A_603 = arith.mulf %mul3A_602, %add3A_574 : vector<16xf32>
      %mul3A_604 = arith.mulf %mul3A_603, %mul3A_600 : vector<16xf32>
      %mul3A_605 = arith.mulf %mul3A_604, %mul3A_600 : vector<16xf32>
      %sub3A_606 = arith.constant 1.500000e+00 : f32
      %sub3A_607 = vector.broadcast %sub3A_606 : f32 to vector<16xf32>
      %sub3A_608 = arith.subf %sub3A_607, %mul3A_605 : vector<16xf32>
      %mul3A_609 = arith.mulf %mul3A_600, %sub3A_608 : vector<16xf32>
      %mul3A_610 = arith.mulf %sub3A_538, %mul3A_609 : vector<16xf32>
      %mul3A_611 = arith.mulf %mul3A_610, %get3A_86 : vector<16xf32>
      %add3A_612 = arith.addf %mul3A_611, %get3A_89 : vector<16xf32>
      %swap3A_613 = arith.index_cast %add3A_491 : i32 to index
      %swap3A_614 = arith.constant 0 : index
      %swap3A_615 = tpu.vector_load %arg17[%swap3A_613, %swap3A_614] {strides = array<i32>} : memref<128x16xf32, #tpu.memory_space<vmem>>, vector<1x16xf32>,
      %swap3A_616 = vector.shape_cast %swap3A_615 : vector<1x16xf32> to vector<16xf32>
      %swap3A_617 = vector.shape_cast %add3A_612 : vector<16xf32> to vector<1x16xf32>
      tpu.vector_store %arg17[%swap3A_613, %swap3A_614], %swap3A_617 {strides = array<i32>} : memref<128x16xf32, #tpu.memory_space<vmem>>, vector<1x16xf32>,
    }
    %scan3A_95 = arith.constant 4 : i32
    "tpu.region"() ({
      %run_scoped3A = tpu.sem_alloc : memref<!tpu.dma_semaphore, #tpu.memory_space<semaphore_mem>>
      %dma_start3A_104 = arith.constant 0 : i32
      %dma_start3A_105 = arith.constant 0 : i32
      %dma_start3A_106 = tpu.memref_slice %arg17[%dma_start3A_104, %dma_start3A_105] : memref<128x16xf32, #tpu.memory_space<vmem>> -> memref<16x16xf32, #tpu.memory_space<vmem>>
      %dma_start3A_107 = arith.constant 0 : i32
      %dma_start3A_108 = tpu.memref_slice %arg9[%add3A_42, %dma_start3A_107] : memref<320000x16xf32, #tpu.memory_space<hbm>> -> memref<16x16xf32, #tpu.memory_space<hbm>>
      %dma_start3A_109 = arith.constant 0 : i32
      %dma_start3A_110 = tpu.memref_slice %arg9[%add3A_42, %dma_start3A_109] : memref<320000x16xf32, #tpu.memory_space<hbm>> -> memref<16x16xf32, #tpu.memory_space<hbm>>
      %dma_start3A_111 = arith.constant 0 : i32
      %dma_start3A_112 = arith.constant 0 : i32
      %dma_start3A_113 = tpu.memref_slice %arg17[%dma_start3A_111, %dma_start3A_112] : memref<128x16xf32, #tpu.memory_space<vmem>> -> memref<16x16xf32, #tpu.memory_space<vmem>>
      tpu.enqueue_dma source(%dma_start3A_113 : memref<16x16xf32, #tpu.memory_space<vmem>>) target(%dma_start3A_110 : memref<16x16xf32, #tpu.memory_space<hbm>>) target_semaphore(%run_scoped3A : memref<!tpu.dma_semaphore, #tpu.memory_space<semaphore_mem>>)
      %dma_wait3A_114 = arith.constant 0 : i32
      %dma_wait3A_115 = arith.constant 0 : i32
      %dma_wait3A_116 = tpu.memref_slice %arg17[%dma_wait3A_114, %dma_wait3A_115] : memref<128x16xf32, #tpu.memory_space<vmem>> -> memref<16x16xf32, #tpu.memory_space<vmem>>
      %dma_wait3A_117 = arith.constant 0 : i32
      %dma_wait3A_118 = tpu.memref_slice %arg9[%add3A_42, %dma_wait3A_117] : memref<320000x16xf32, #tpu.memory_space<hbm>> -> memref<16x16xf32, #tpu.memory_space<hbm>>
      %dma_wait3A_119 = arith.constant 0 : i32
      %dma_wait3A_120 = tpu.memref_slice %arg9[%add3A_42, %dma_wait3A_119] : memref<320000x16xf32, #tpu.memory_space<hbm>> -> memref<16x16xf32, #tpu.memory_space<hbm>>
      %dma_wait3A_121 = arith.constant 0 : i32
      %dma_wait3A_122 = arith.constant 0 : i32
      %dma_wait3A_123 = tpu.memref_slice %arg17[%dma_wait3A_121, %dma_wait3A_122] : memref<128x16xf32, #tpu.memory_space<vmem>> -> memref<16x16xf32, #tpu.memory_space<vmem>>
      tpu.wait_dma2 semaphore(%run_scoped3A : memref<!tpu.dma_semaphore, #tpu.memory_space<semaphore_mem>>) src(%dma_wait3A_123 : memref<16x16xf32, #tpu.memory_space<vmem>>) dst(%dma_wait3A_120 : memref<16x16xf32, #tpu.memory_space<hbm>>)
      tpu.yield
    }) : () -> ()
    "tpu.region"() ({
      %run_scoped3A = tpu.sem_alloc : memref<!tpu.dma_semaphore, #tpu.memory_space<semaphore_mem>>
      %dma_start3A_104 = arith.constant 0 : i32
      %dma_start3A_105 = arith.constant 0 : i32
      %dma_start3A_106 = tpu.memref_slice %arg17[%dma_start3A_104, %dma_start3A_105] : memref<128x16xf32, #tpu.memory_space<vmem>> -> memref<16x16xf32, #tpu.memory_space<vmem>>
      %dma_start3A_107 = arith.constant 0 : i32
      %dma_start3A_108 = arith.constant 0 : i32
      %dma_start3A_109 = tpu.memref_slice %arg21[%dma_start3A_107, %dma_start3A_108] : memref<10000x16xf32, #tpu.memory_space<vmem_shared>> -> memref<10000x16xf32, #tpu.memory_space<vmem_shared>>
      tpu.enqueue_indirect_dma source(%dma_start3A_106 : memref<16x16xf32, #tpu.memory_space<vmem>>) target(%dma_start3A_109 : memref<10000x16xf32, #tpu.memory_space<vmem_shared>>) offsets(%arg27 : memref<16xi32, #tpu.memory_space<vmem>>) semaphore(%run_scoped3A : memref<!tpu.dma_semaphore, #tpu.memory_space<semaphore_mem>>) {add = true}
      %dma_wait3A_110 = arith.constant 0 : i32
      %dma_wait3A_111 = arith.constant 0 : i32
      %dma_wait3A_112 = tpu.memref_slice %arg17[%dma_wait3A_110, %dma_wait3A_111] : memref<128x16xf32, #tpu.memory_space<vmem>> -> memref<16x16xf32, #tpu.memory_space<vmem>>
      %dma_wait3A_113 = arith.constant 0 : i32
      %dma_wait3A_114 = arith.constant 0 : i32
      %dma_wait3A_115 = tpu.memref_slice %arg21[%dma_wait3A_113, %dma_wait3A_114] : memref<10000x16xf32, #tpu.memory_space<vmem_shared>> -> memref<10000x16xf32, #tpu.memory_space<vmem_shared>>
      tpu.wait_indirect_dma semaphore(%run_scoped3A : memref<!tpu.dma_semaphore, #tpu.memory_space<semaphore_mem>>) src(%dma_wait3A_112 : memref<16x16xf32, #tpu.memory_space<vmem>>) dst(%dma_wait3A_115 : memref<10000x16xf32, #tpu.memory_space<vmem_shared>>)
      tpu.yield
    }) : () -> ()
    "tpu.region"() ({
      %run_scoped3A = tpu.sem_alloc : memref<!tpu.dma_semaphore, #tpu.memory_space<semaphore_mem>>
      %dma_start3A_104 = arith.constant 0 : i32
      %dma_start3A_105 = arith.constant 0 : i32
      %dma_start3A_106 = tpu.memref_slice %arg18[%dma_start3A_104, %dma_start3A_105] : memref<128x16xf32, #tpu.memory_space<vmem>> -> memref<16x16xf32, #tpu.memory_space<vmem>>
      %dma_start3A_107 = arith.constant 0 : i32
      %dma_start3A_108 = arith.constant 0 : i32
      %dma_start3A_109 = tpu.memref_slice %arg22[%dma_start3A_107, %dma_start3A_108] : memref<10000x16xf32, #tpu.memory_space<vmem_shared>> -> memref<10000x16xf32, #tpu.memory_space<vmem_shared>>
      tpu.enqueue_indirect_dma source(%dma_start3A_106 : memref<16x16xf32, #tpu.memory_space<vmem>>) target(%dma_start3A_109 : memref<10000x16xf32, #tpu.memory_space<vmem_shared>>) offsets(%arg27 : memref<16xi32, #tpu.memory_space<vmem>>) semaphore(%run_scoped3A : memref<!tpu.dma_semaphore, #tpu.memory_space<semaphore_mem>>) {add = true}
      %dma_wait3A_110 = arith.constant 0 : i32
      %dma_wait3A_111 = arith.constant 0 : i32
      %dma_wait3A_112 = tpu.memref_slice %arg18[%dma_wait3A_110, %dma_wait3A_111] : memref<128x16xf32, #tpu.memory_space<vmem>> -> memref<16x16xf32, #tpu.memory_space<vmem>>
      %dma_wait3A_113 = arith.constant 0 : i32
      %dma_wait3A_114 = arith.constant 0 : i32
      %dma_wait3A_115 = tpu.memref_slice %arg22[%dma_wait3A_113, %dma_wait3A_114] : memref<10000x16xf32, #tpu.memory_space<vmem_shared>> -> memref<10000x16xf32, #tpu.memory_space<vmem_shared>>
      tpu.wait_indirect_dma semaphore(%run_scoped3A : memref<!tpu.dma_semaphore, #tpu.memory_space<semaphore_mem>>) src(%dma_wait3A_112 : memref<16x16xf32, #tpu.memory_space<vmem>>) dst(%dma_wait3A_115 : memref<10000x16xf32, #tpu.memory_space<vmem_shared>>)
      tpu.yield
    }) : () -> ()
    %barrier3A_96 = arith.constant 0 : index
    tpu.barrier barrier_id(%barrier3A_96)
    %mul3A_97 = arith.constant 624 : i32
    %mul3A_98 = arith.muli %arg1, %mul3A_97 : i32
    "tpu.region"() ({
      %run_scoped3A = tpu.sem_alloc : memref<!tpu.dma_semaphore, #tpu.memory_space<semaphore_mem>>
      %dma_start3A_104 = arith.constant 0 : i32
      %dma_start3A_105 = tpu.memref_slice %arg10[%arg0, %mul3A_98, %dma_start3A_104] : memref<2x10000x16xf32, #tpu.memory_space<hbm>> -> memref<1x624x16xf32, #tpu.memory_space<hbm>>
      %dma_start3A_106 = tpu.memref_squeeze %dma_start3A_105 : memref<1x624x16xf32, #tpu.memory_space<hbm>> -> memref<624x16xf32, #tpu.memory_space<hbm>>
      %dma_start3A_107 = arith.constant 0 : i32
      %dma_start3A_108 = tpu.memref_slice %arg21[%mul3A_98, %dma_start3A_107] : memref<10000x16xf32, #tpu.memory_space<vmem_shared>> -> memref<624x16xf32, #tpu.memory_space<vmem_shared>>
      tpu.enqueue_dma source(%dma_start3A_108 : memref<624x16xf32, #tpu.memory_space<vmem_shared>>) target(%dma_start3A_106 : memref<624x16xf32, #tpu.memory_space<hbm>>) target_semaphore(%run_scoped3A : memref<!tpu.dma_semaphore, #tpu.memory_space<semaphore_mem>>)
      %dma_wait3A_109 = arith.constant 0 : i32
      %dma_wait3A_110 = tpu.memref_slice %arg10[%arg0, %mul3A_98, %dma_wait3A_109] : memref<2x10000x16xf32, #tpu.memory_space<hbm>> -> memref<1x624x16xf32, #tpu.memory_space<hbm>>
      %dma_wait3A_111 = tpu.memref_squeeze %dma_wait3A_110 : memref<1x624x16xf32, #tpu.memory_space<hbm>> -> memref<624x16xf32, #tpu.memory_space<hbm>>
      %dma_wait3A_112 = arith.constant 0 : i32
      %dma_wait3A_113 = tpu.memref_slice %arg21[%mul3A_98, %dma_wait3A_112] : memref<10000x16xf32, #tpu.memory_space<vmem_shared>> -> memref<624x16xf32, #tpu.memory_space<vmem_shared>>
      tpu.wait_dma2 semaphore(%run_scoped3A : memref<!tpu.dma_semaphore, #tpu.memory_space<semaphore_mem>>) src(%dma_wait3A_113 : memref<624x16xf32, #tpu.memory_space<vmem_shared>>) dst(%dma_wait3A_111 : memref<624x16xf32, #tpu.memory_space<hbm>>)
      tpu.yield
    }) : () -> ()
    "tpu.region"() ({
      %run_scoped3A = tpu.sem_alloc : memref<!tpu.dma_semaphore, #tpu.memory_space<semaphore_mem>>
      %dma_start3A_104 = arith.constant 0 : i32
      %dma_start3A_105 = tpu.memref_slice %arg11[%arg0, %mul3A_98, %dma_start3A_104] : memref<2x10000x16xf32, #tpu.memory_space<hbm>> -> memref<1x624x16xf32, #tpu.memory_space<hbm>>
      %dma_start3A_106 = tpu.memref_squeeze %dma_start3A_105 : memref<1x624x16xf32, #tpu.memory_space<hbm>> -> memref<624x16xf32, #tpu.memory_space<hbm>>
      %dma_start3A_107 = arith.constant 0 : i32
      %dma_start3A_108 = tpu.memref_slice %arg22[%mul3A_98, %dma_start3A_107] : memref<10000x16xf32, #tpu.memory_space<vmem_shared>> -> memref<624x16xf32, #tpu.memory_space<vmem_shared>>
      tpu.enqueue_dma source(%dma_start3A_108 : memref<624x16xf32, #tpu.memory_space<vmem_shared>>) target(%dma_start3A_106 : memref<624x16xf32, #tpu.memory_space<hbm>>) target_semaphore(%run_scoped3A : memref<!tpu.dma_semaphore, #tpu.memory_space<semaphore_mem>>)
      %dma_wait3A_109 = arith.constant 0 : i32
      %dma_wait3A_110 = tpu.memref_slice %arg11[%arg0, %mul3A_98, %dma_wait3A_109] : memref<2x10000x16xf32, #tpu.memory_space<hbm>> -> memref<1x624x16xf32, #tpu.memory_space<hbm>>
      %dma_wait3A_111 = tpu.memref_squeeze %dma_wait3A_110 : memref<1x624x16xf32, #tpu.memory_space<hbm>> -> memref<624x16xf32, #tpu.memory_space<hbm>>
      %dma_wait3A_112 = arith.constant 0 : i32
      %dma_wait3A_113 = tpu.memref_slice %arg22[%mul3A_98, %dma_wait3A_112] : memref<10000x16xf32, #tpu.memory_space<vmem_shared>> -> memref<624x16xf32, #tpu.memory_space<vmem_shared>>
      tpu.wait_dma2 semaphore(%run_scoped3A : memref<!tpu.dma_semaphore, #tpu.memory_space<semaphore_mem>>) src(%dma_wait3A_113 : memref<624x16xf32, #tpu.memory_space<vmem_shared>>) dst(%dma_wait3A_111 : memref<624x16xf32, #tpu.memory_space<hbm>>)
      tpu.yield
    }) : () -> ()
    %eq3A_99 = arith.constant 15 : i32
    %eq3A_100 = arith.cmpi eq, %arg1, %eq3A_99 : i32
    %convert_element_type3A_101 = arith.extui %eq3A_100 : i1 to i32
    %cond3A_102 = arith.constant 0 : i32
    %cond3A_103 = arith.cmpi ne, %convert_element_type3A_101, %cond3A_102 : i32
    scf.if %cond3A_103 {
      "tpu.region"() ({
        %run_scoped3A = tpu.sem_alloc : memref<!tpu.dma_semaphore, #tpu.memory_space<semaphore_mem>>
        %dma_start3A_104 = arith.constant 9984 : i32
        %dma_start3A_105 = arith.constant 0 : i32
        %dma_start3A_106 = tpu.memref_slice %arg10[%arg0, %dma_start3A_104, %dma_start3A_105] : memref<2x10000x16xf32, #tpu.memory_space<hbm>> -> memref<1x16x16xf32, #tpu.memory_space<hbm>>
        %dma_start3A_107 = tpu.memref_squeeze %dma_start3A_106 : memref<1x16x16xf32, #tpu.memory_space<hbm>> -> memref<16x16xf32, #tpu.memory_space<hbm>>
        %dma_start3A_108 = arith.constant 9984 : i32
        %dma_start3A_109 = arith.constant 0 : i32
        %dma_start3A_110 = tpu.memref_slice %arg21[%dma_start3A_108, %dma_start3A_109] : memref<10000x16xf32, #tpu.memory_space<vmem_shared>> -> memref<16x16xf32, #tpu.memory_space<vmem_shared>>
        tpu.enqueue_dma source(%dma_start3A_110 : memref<16x16xf32, #tpu.memory_space<vmem_shared>>) target(%dma_start3A_107 : memref<16x16xf32, #tpu.memory_space<hbm>>) target_semaphore(%run_scoped3A : memref<!tpu.dma_semaphore, #tpu.memory_space<semaphore_mem>>)
        %dma_wait3A_111 = arith.constant 9984 : i32
        %dma_wait3A_112 = arith.constant 0 : i32
        %dma_wait3A_113 = tpu.memref_slice %arg10[%arg0, %dma_wait3A_111, %dma_wait3A_112] : memref<2x10000x16xf32, #tpu.memory_space<hbm>> -> memref<1x16x16xf32, #tpu.memory_space<hbm>>
        %dma_wait3A_114 = tpu.memref_squeeze %dma_wait3A_113 : memref<1x16x16xf32, #tpu.memory_space<hbm>> -> memref<16x16xf32, #tpu.memory_space<hbm>>
        %dma_wait3A_115 = arith.constant 9984 : i32
        %dma_wait3A_116 = arith.constant 0 : i32
        %dma_wait3A_117 = tpu.memref_slice %arg21[%dma_wait3A_115, %dma_wait3A_116] : memref<10000x16xf32, #tpu.memory_space<vmem_shared>> -> memref<16x16xf32, #tpu.memory_space<vmem_shared>>
        tpu.wait_dma2 semaphore(%run_scoped3A : memref<!tpu.dma_semaphore, #tpu.memory_space<semaphore_mem>>) src(%dma_wait3A_117 : memref<16x16xf32, #tpu.memory_space<vmem_shared>>) dst(%dma_wait3A_114 : memref<16x16xf32, #tpu.memory_space<hbm>>)
        tpu.yield
      }) : () -> ()
      "tpu.region"() ({
        %run_scoped3A = tpu.sem_alloc : memref<!tpu.dma_semaphore, #tpu.memory_space<semaphore_mem>>
        %dma_start3A_104 = arith.constant 9984 : i32
        %dma_start3A_105 = arith.constant 0 : i32
        %dma_start3A_106 = tpu.memref_slice %arg11[%arg0, %dma_start3A_104, %dma_start3A_105] : memref<2x10000x16xf32, #tpu.memory_space<hbm>> -> memref<1x16x16xf32, #tpu.memory_space<hbm>>
        %dma_start3A_107 = tpu.memref_squeeze %dma_start3A_106 : memref<1x16x16xf32, #tpu.memory_space<hbm>> -> memref<16x16xf32, #tpu.memory_space<hbm>>
        %dma_start3A_108 = arith.constant 9984 : i32
        %dma_start3A_109 = arith.constant 0 : i32
        %dma_start3A_110 = tpu.memref_slice %arg22[%dma_start3A_108, %dma_start3A_109] : memref<10000x16xf32, #tpu.memory_space<vmem_shared>> -> memref<16x16xf32, #tpu.memory_space<vmem_shared>>
        tpu.enqueue_dma source(%dma_start3A_110 : memref<16x16xf32, #tpu.memory_space<vmem_shared>>) target(%dma_start3A_107 : memref<16x16xf32, #tpu.memory_space<hbm>>) target_semaphore(%run_scoped3A : memref<!tpu.dma_semaphore, #tpu.memory_space<semaphore_mem>>)
        %dma_wait3A_111 = arith.constant 9984 : i32
        %dma_wait3A_112 = arith.constant 0 : i32
        %dma_wait3A_113 = tpu.memref_slice %arg11[%arg0, %dma_wait3A_111, %dma_wait3A_112] : memref<2x10000x16xf32, #tpu.memory_space<hbm>> -> memref<1x16x16xf32, #tpu.memory_space<hbm>>
        %dma_wait3A_114 = tpu.memref_squeeze %dma_wait3A_113 : memref<1x16x16xf32, #tpu.memory_space<hbm>> -> memref<16x16xf32, #tpu.memory_space<hbm>>
        %dma_wait3A_115 = arith.constant 9984 : i32
        %dma_wait3A_116 = arith.constant 0 : i32
        %dma_wait3A_117 = tpu.memref_slice %arg22[%dma_wait3A_115, %dma_wait3A_116] : memref<10000x16xf32, #tpu.memory_space<vmem_shared>> -> memref<16x16xf32, #tpu.memory_space<vmem_shared>>
        tpu.wait_dma2 semaphore(%run_scoped3A : memref<!tpu.dma_semaphore, #tpu.memory_space<semaphore_mem>>) src(%dma_wait3A_117 : memref<16x16xf32, #tpu.memory_space<vmem_shared>>) dst(%dma_wait3A_114 : memref<16x16xf32, #tpu.memory_space<hbm>>)
        tpu.yield
      }) : () -> ()
    } else {
    }
    return
  }
}

module attributes {stable_mosaic.version = 14 : i64} {
  func.func @_proj(%arg0: i32, %arg1: memref<2000x128xf32, #tpu.memory_space<vmem>>, %arg2: memref<128x16xf32, #tpu.memory_space<vmem>>, %arg3: memref<128x16xf32, #tpu.memory_space<vmem>>, %arg4: memref<128x128xf32, #tpu.memory_space<vmem>>, %arg5: memref<128x128xf32, #tpu.memory_space<vmem>>, %arg6: memref<2000x16xf32, #tpu.memory_space<vmem>>, %arg7: memref<2000x16xf32, #tpu.memory_space<vmem>>, %arg8: memref<2000x128xf32, #tpu.memory_space<vmem>>, %arg9: memref<2000x128xf32, #tpu.memory_space<vmem>>) attributes {dimension_semantics = [#tpu.dimension_semantics<arbitrary>], iteration_bounds = array<i64: 5>, scalar_prefetch = 0 : i64, scratch_operands = 0 : i64, tpu.core_type = #tpu.core_type<tc>, window_params = [{transform_indices = @transform_0, window_bounds = array<i64: 2000, 128>}, {pipeline_mode = #tpu.pipeline_mode<synchronous>, transform_indices = @transform_1, window_bounds = array<i64: 128, 16>}, {pipeline_mode = #tpu.pipeline_mode<synchronous>, transform_indices = @transform_2, window_bounds = array<i64: 128, 16>}, {pipeline_mode = #tpu.pipeline_mode<synchronous>, transform_indices = @transform_3, window_bounds = array<i64: 128, 128>}, {pipeline_mode = #tpu.pipeline_mode<synchronous>, transform_indices = @transform_4, window_bounds = array<i64: 128, 128>}, {transform_indices = @transform_5, window_bounds = array<i64: 2000, 16>}, {transform_indices = @transform_6, window_bounds = array<i64: 2000, 16>}, {transform_indices = @transform_7, window_bounds = array<i64: 2000, 128>}, {transform_indices = @transform_8, window_bounds = array<i64: 2000, 128>}]} {
    %get3A = arith.constant 0 : index
    %get3A_0 = arith.constant 0 : index
    %get3A_1 = vector.load %arg1[%get3A, %get3A_0] : memref<2000x128xf32, #tpu.memory_space<vmem>>, vector<2000x128xf32>
    %get3A_2 = arith.constant 0 : index
    %get3A_3 = arith.constant 0 : index
    %get3A_4 = vector.load %arg2[%get3A_2, %get3A_3] : memref<128x16xf32, #tpu.memory_space<vmem>>, vector<128x16xf32>
    %dot_general3A = arith.constant dense<0.000000e+00> : vector<2000x16xf32>
    %dot_general3A_5 = tpu.matmul %get3A_1, %get3A_4, %dot_general3A {dimension_numbers = #tpu.dot_dimension_numbers<[1], [0], [0], [1], [0, 0, 1, 1], [], []>, transpose_lhs_hint = false} : vector<2000x128xf32>, vector<128x16xf32>, vector<2000x16xf32> -> vector<2000x16xf32>
    %swap3A = arith.constant 0 : index
    %swap3A_6 = arith.constant 0 : index
    %swap3A_7 = vector.load %arg6[%swap3A, %swap3A_6] : memref<2000x16xf32, #tpu.memory_space<vmem>>, vector<2000x16xf32>
    tpu.vector_store %arg6[%swap3A, %swap3A_6], %dot_general3A_5 {strides = array<i32>} : memref<2000x16xf32, #tpu.memory_space<vmem>>, vector<2000x16xf32>,
    %get3A_8 = arith.constant 0 : index
    %get3A_9 = arith.constant 0 : index
    %get3A_10 = vector.load %arg3[%get3A_8, %get3A_9] : memref<128x16xf32, #tpu.memory_space<vmem>>, vector<128x16xf32>
    %dot_general3A_11 = arith.constant dense<0.000000e+00> : vector<2000x16xf32>
    %dot_general3A_12 = tpu.matmul %get3A_1, %get3A_10, %dot_general3A_11 {dimension_numbers = #tpu.dot_dimension_numbers<[1], [0], [0], [1], [0, 0, 1, 1], [], []>, transpose_lhs_hint = false} : vector<2000x128xf32>, vector<128x16xf32>, vector<2000x16xf32> -> vector<2000x16xf32>
    %swap3A_13 = arith.constant 0 : index
    %swap3A_14 = arith.constant 0 : index
    %swap3A_15 = vector.load %arg7[%swap3A_13, %swap3A_14] : memref<2000x16xf32, #tpu.memory_space<vmem>>, vector<2000x16xf32>
    tpu.vector_store %arg7[%swap3A_13, %swap3A_14], %dot_general3A_12 {strides = array<i32>} : memref<2000x16xf32, #tpu.memory_space<vmem>>, vector<2000x16xf32>,
    %get3A_16 = arith.constant 0 : index
    %get3A_17 = arith.constant 0 : index
    %get3A_18 = vector.load %arg4[%get3A_16, %get3A_17] : memref<128x128xf32, #tpu.memory_space<vmem>>, vector<128x128xf32>
    %dot_general3A_19 = arith.constant dense<0.000000e+00> : vector<2000x128xf32>
    %dot_general3A_20 = tpu.matmul %get3A_1, %get3A_18, %dot_general3A_19 {dimension_numbers = #tpu.dot_dimension_numbers<[1], [0], [0], [1], [0, 0, 1, 1], [], []>, transpose_lhs_hint = false} : vector<2000x128xf32>, vector<128x128xf32>, vector<2000x128xf32> -> vector<2000x128xf32>
    %swap3A_21 = arith.constant 0 : index
    %swap3A_22 = arith.constant 0 : index
    %swap3A_23 = vector.load %arg8[%swap3A_21, %swap3A_22] : memref<2000x128xf32, #tpu.memory_space<vmem>>, vector<2000x128xf32>
    tpu.vector_store %arg8[%swap3A_21, %swap3A_22], %dot_general3A_20 {strides = array<i32>} : memref<2000x128xf32, #tpu.memory_space<vmem>>, vector<2000x128xf32>,
    %get3A_24 = arith.constant 0 : index
    %get3A_25 = arith.constant 0 : index
    %get3A_26 = vector.load %arg5[%get3A_24, %get3A_25] : memref<128x128xf32, #tpu.memory_space<vmem>>, vector<128x128xf32>
    %dot_general3A_27 = arith.constant dense<0.000000e+00> : vector<2000x128xf32>
    %dot_general3A_28 = tpu.matmul %get3A_1, %get3A_26, %dot_general3A_27 {dimension_numbers = #tpu.dot_dimension_numbers<[1], [0], [0], [1], [0, 0, 1, 1], [], []>, transpose_lhs_hint = false} : vector<2000x128xf32>, vector<128x128xf32>, vector<2000x128xf32> -> vector<2000x128xf32>
    %swap3A_29 = arith.constant 0 : index
    %swap3A_30 = arith.constant 0 : index
    %swap3A_31 = vector.load %arg9[%swap3A_29, %swap3A_30] : memref<2000x128xf32, #tpu.memory_space<vmem>>, vector<2000x128xf32>
    tpu.vector_store %arg9[%swap3A_29, %swap3A_30], %dot_general3A_28 {strides = array<i32>} : memref<2000x128xf32, #tpu.memory_space<vmem>>, vector<2000x128xf32>,
    return
  }
  func.func @transform_0(%arg0: i32) -> (i32, i32) {
    %c0_i32 = arith.constant 0 : i32
    %c0_i32_0 = arith.constant 0 : i32
    return %arg0, %c0_i32 : i32, i32
  }
  func.func @transform_1(%arg0: i32) -> (i32, i32) {
    %c0_i32 = arith.constant 0 : i32
    %c0_i32_0 = arith.constant 0 : i32
    %c0_i32_1 = arith.constant 0 : i32
    return %c0_i32, %c0_i32_0 : i32, i32
  }
  func.func @transform_2(%arg0: i32) -> (i32, i32) {
    %c0_i32 = arith.constant 0 : i32
    %c0_i32_0 = arith.constant 0 : i32
    %c0_i32_1 = arith.constant 0 : i32
    return %c0_i32, %c0_i32_0 : i32, i32
  }
  func.func @transform_3(%arg0: i32) -> (i32, i32) {
    %c0_i32 = arith.constant 0 : i32
    %c0_i32_0 = arith.constant 0 : i32
    %c0_i32_1 = arith.constant 0 : i32
    return %c0_i32, %c0_i32_0 : i32, i32
  }
  func.func @transform_4(%arg0: i32) -> (i32, i32) {
    %c0_i32 = arith.constant 0 : i32
    %c0_i32_0 = arith.constant 0 : i32
    %c0_i32_1 = arith.constant 0 : i32
    return %c0_i32, %c0_i32_0 : i32, i32
  }
  func.func @transform_5(%arg0: i32) -> (i32, i32) {
    %c0_i32 = arith.constant 0 : i32
    %c0_i32_0 = arith.constant 0 : i32
    return %arg0, %c0_i32 : i32, i32
  }
  func.func @transform_6(%arg0: i32) -> (i32, i32) {
    %c0_i32 = arith.constant 0 : i32
    %c0_i32_0 = arith.constant 0 : i32
    return %arg0, %c0_i32 : i32, i32
  }
  func.func @transform_7(%arg0: i32) -> (i32, i32) {
    %c0_i32 = arith.constant 0 : i32
    %c0_i32_0 = arith.constant 0 : i32
    return %arg0, %c0_i32 : i32, i32
  }
  func.func @transform_8(%arg0: i32) -> (i32, i32) {
    %c0_i32 = arith.constant 0 : i32
    %c0_i32_0 = arith.constant 0 : i32
    return %arg0, %c0_i32 : i32, i32
  }
}

module attributes {stable_mosaic.version = 14 : i64} {
  func.func @_cker(%arg0: i32, %arg1: memref<16000x16xf32, #tpu.memory_space<vmem>>, %arg2: memref<16x16xf32, #tpu.memory_space<vmem>>, %arg3: memref<1x16xf32, #tpu.memory_space<vmem>>, %arg4: memref<16000x16xf32, #tpu.memory_space<vmem>>) attributes {dimension_semantics = [#tpu.dimension_semantics<arbitrary>], iteration_bounds = array<i64: 20>, scalar_prefetch = 0 : i64, scratch_operands = 0 : i64, tpu.core_type = #tpu.core_type<tc>, window_params = [{transform_indices = @transform_0, window_bounds = array<i64: 16000, 16>}, {pipeline_mode = #tpu.pipeline_mode<synchronous>, transform_indices = @transform_1, window_bounds = array<i64: 16, 16>}, {pipeline_mode = #tpu.pipeline_mode<synchronous>, transform_indices = @transform_2, window_bounds = array<i64: 1, 16>}, {transform_indices = @transform_3, window_bounds = array<i64: 16000, 16>}]} {
    %get3A = arith.constant 0 : index
    %get3A_0 = arith.constant 0 : index
    %get3A_1 = vector.load %arg1[%get3A, %get3A_0] : memref<16000x16xf32, #tpu.memory_space<vmem>>, vector<16000x16xf32>
    %get3A_2 = arith.constant 0 : index
    %get3A_3 = arith.constant 0 : index
    %get3A_4 = vector.load %arg2[%get3A_2, %get3A_3] : memref<16x16xf32, #tpu.memory_space<vmem>>, vector<16x16xf32>
    %dot_general3A = arith.constant dense<0.000000e+00> : vector<16000x16xf32>
    %dot_general3A_5 = tpu.matmul %get3A_1, %get3A_4, %dot_general3A {dimension_numbers = #tpu.dot_dimension_numbers<[1], [0], [0], [1], [0, 0, 1, 1], [], []>, transpose_lhs_hint = false} : vector<16000x16xf32>, vector<16x16xf32>, vector<16000x16xf32> -> vector<16000x16xf32>
    %add3A = arith.addf %get3A_1, %dot_general3A_5 : vector<16000x16xf32>
    %get3A_6 = arith.constant 0 : index
    %get3A_7 = arith.constant 0 : index
    %get3A_8 = vector.load %arg3[%get3A_6, %get3A_7] : memref<1x16xf32, #tpu.memory_space<vmem>>, vector<1x16xf32>
    %add3A_9 = vector.broadcast %get3A_8 : vector<1x16xf32> to vector<16000x16xf32>
    %add3A_10 = arith.addf %add3A, %add3A_9 : vector<16000x16xf32>
    %swap3A = arith.constant 0 : index
    %swap3A_11 = arith.constant 0 : index
    %swap3A_12 = vector.load %arg4[%swap3A, %swap3A_11] : memref<16000x16xf32, #tpu.memory_space<vmem>>, vector<16000x16xf32>
    tpu.vector_store %arg4[%swap3A, %swap3A_11], %add3A_10 {strides = array<i32>} : memref<16000x16xf32, #tpu.memory_space<vmem>>, vector<16000x16xf32>,
    return
  }
  func.func @transform_0(%arg0: i32) -> (i32, i32) {
    %c0_i32 = arith.constant 0 : i32
    %c0_i32_0 = arith.constant 0 : i32
    return %arg0, %c0_i32 : i32, i32
  }
  func.func @transform_1(%arg0: i32) -> (i32, i32) {
    %c0_i32 = arith.constant 0 : i32
    %c0_i32_0 = arith.constant 0 : i32
    %c0_i32_1 = arith.constant 0 : i32
    return %c0_i32, %c0_i32_0 : i32, i32
  }
  func.func @transform_2(%arg0: i32) -> (i32, i32) {
    %c0_i32 = arith.constant 0 : i32
    %c0_i32_0 = arith.constant 0 : i32
    %c0_i32_1 = arith.constant 0 : i32
    return %c0_i32, %c0_i32_0 : i32, i32
  }
  func.func @transform_3(%arg0: i32) -> (i32, i32) {
    %c0_i32 = arith.constant 0 : i32
    %c0_i32_0 = arith.constant 0 : i32
    return %arg0, %c0_i32 : i32, i32
  }
}

module attributes {stable_mosaic.version = 14 : i64} {
  func.func @_fin(%arg0: i32, %arg1: memref<2000x128xf32, #tpu.memory_space<vmem>>, %arg2: memref<2x2000x128xf32, #tpu.memory_space<vmem>>, %arg3: memref<2x2000x16xf32, #tpu.memory_space<vmem>>, %arg4: memref<2x2000x16xf32, #tpu.memory_space<vmem>>, %arg5: memref<2000x128xf32, #tpu.memory_space<vmem>>, %arg6: memref<16x128xf32, #tpu.memory_space<vmem>>, %arg7: memref<1x128xf32, #tpu.memory_space<vmem>>, %arg8: memref<1x128xf32, #tpu.memory_space<vmem>>, %arg9: memref<1x128xf32, #tpu.memory_space<vmem>>, %arg10: memref<2000x128xf32, #tpu.memory_space<vmem>>) attributes {dimension_semantics = [#tpu.dimension_semantics<arbitrary>], iteration_bounds = array<i64: 5>, scalar_prefetch = 0 : i64, scratch_operands = 0 : i64, tpu.core_type = #tpu.core_type<tc>, window_params = [{transform_indices = @transform_0, window_bounds = array<i64: 2000, 128>}, {transform_indices = @transform_1, window_bounds = array<i64: 2, 2000, 128>}, {transform_indices = @transform_2, window_bounds = array<i64: 2, 2000, 16>}, {transform_indices = @transform_3, window_bounds = array<i64: 2, 2000, 16>}, {transform_indices = @transform_4, window_bounds = array<i64: 2000, 128>}, {pipeline_mode = #tpu.pipeline_mode<synchronous>, transform_indices = @transform_5, window_bounds = array<i64: 16, 128>}, {pipeline_mode = #tpu.pipeline_mode<synchronous>, transform_indices = @transform_6, window_bounds = array<i64: 1, 128>}, {pipeline_mode = #tpu.pipeline_mode<synchronous>, transform_indices = @transform_7, window_bounds = array<i64: 1, 128>}, {pipeline_mode = #tpu.pipeline_mode<synchronous>, transform_indices = @transform_8, window_bounds = array<i64: 1, 128>}, {transform_indices = @transform_9, window_bounds = array<i64: 2000, 128>}]} {
    %get3A = arith.constant 0 : index
    %get3A_0 = arith.constant 0 : index
    %get3A_1 = arith.constant 0 : index
    %get3A_2 = vector.load %arg2[%get3A, %get3A_0, %get3A_1] : memref<2x2000x128xf32, #tpu.memory_space<vmem>>, vector<1x2000x128xf32>
    %get3A_3 = vector.shape_cast %get3A_2 : vector<1x2000x128xf32> to vector<2000x128xf32>
    %get3A_4 = arith.constant 1 : index
    %get3A_5 = arith.constant 0 : index
    %get3A_6 = arith.constant 0 : index
    %get3A_7 = vector.load %arg2[%get3A_4, %get3A_5, %get3A_6] : memref<2x2000x128xf32, #tpu.memory_space<vmem>>, vector<1x2000x128xf32>
    %get3A_8 = vector.shape_cast %get3A_7 : vector<1x2000x128xf32> to vector<2000x128xf32>
    %add3A = arith.addf %get3A_3, %get3A_8 : vector<2000x128xf32>
    %get3A_9 = arith.constant 0 : index
    %get3A_10 = arith.constant 0 : index
    %get3A_11 = arith.constant 0 : index
    %get3A_12 = vector.load %arg3[%get3A_9, %get3A_10, %get3A_11] : memref<2x2000x16xf32, #tpu.memory_space<vmem>>, vector<1x2000x16xf32>
    %get3A_13 = vector.shape_cast %get3A_12 : vector<1x2000x16xf32> to vector<2000x16xf32>
    %get3A_14 = arith.constant 1 : index
    %get3A_15 = arith.constant 0 : index
    %get3A_16 = arith.constant 0 : index
    %get3A_17 = vector.load %arg3[%get3A_14, %get3A_15, %get3A_16] : memref<2x2000x16xf32, #tpu.memory_space<vmem>>, vector<1x2000x16xf32>
    %get3A_18 = vector.shape_cast %get3A_17 : vector<1x2000x16xf32> to vector<2000x16xf32>
    %add3A_19 = arith.addf %get3A_13, %get3A_18 : vector<2000x16xf32>
    %get3A_20 = arith.constant 0 : index
    %get3A_21 = arith.constant 0 : index
    %get3A_22 = arith.constant 0 : index
    %get3A_23 = vector.load %arg4[%get3A_20, %get3A_21, %get3A_22] : memref<2x2000x16xf32, #tpu.memory_space<vmem>>, vector<1x2000x16xf32>
    %get3A_24 = vector.shape_cast %get3A_23 : vector<1x2000x16xf32> to vector<2000x16xf32>
    %get3A_25 = arith.constant 1 : index
    %get3A_26 = arith.constant 0 : index
    %get3A_27 = arith.constant 0 : index
    %get3A_28 = vector.load %arg4[%get3A_25, %get3A_26, %get3A_27] : memref<2x2000x16xf32, #tpu.memory_space<vmem>>, vector<1x2000x16xf32>
    %get3A_29 = vector.shape_cast %get3A_28 : vector<1x2000x16xf32> to vector<2000x16xf32>
    %add3A_30 = arith.addf %get3A_24, %get3A_29 : vector<2000x16xf32>
    %slice3A = vector.extract_strided_slice %add3A_30 {offsets = [0, 0], sizes = [2000, 1], strides = [1, 1]} : vector<2000x16xf32> to vector<2000x1xf32>
    %get3A_31 = arith.constant 0 : index
    %get3A_32 = arith.constant 0 : index
    %get3A_33 = vector.load %arg6[%get3A_31, %get3A_32] : memref<16x128xf32, #tpu.memory_space<vmem>>, vector<16x128xf32>
    %dot_general3A = arith.constant dense<0.000000e+00> : vector<2000x128xf32>
    %dot_general3A_34 = tpu.matmul %add3A_19, %get3A_33, %dot_general3A {dimension_numbers = #tpu.dot_dimension_numbers<[1], [0], [0], [1], [0, 0, 1, 1], [], []>, transpose_lhs_hint = false} : vector<2000x16xf32>, vector<16x128xf32>, vector<2000x128xf32> -> vector<2000x128xf32>
    %add3A_35 = arith.addf %add3A, %dot_general3A_34 : vector<2000x128xf32>
    %get3A_36 = arith.constant 0 : index
    %get3A_37 = arith.constant 0 : index
    %get3A_38 = vector.load %arg5[%get3A_36, %get3A_37] : memref<2000x128xf32, #tpu.memory_space<vmem>>, vector<2000x128xf32>
    %get3A_39 = arith.constant 0 : index
    %get3A_40 = arith.constant 0 : index
    %get3A_41 = vector.load %arg7[%get3A_39, %get3A_40] : memref<1x128xf32, #tpu.memory_space<vmem>>, vector<1x128xf32>
    %add3A_42 = vector.broadcast %get3A_41 : vector<1x128xf32> to vector<2000x128xf32>
    %add3A_43 = arith.addf %get3A_38, %add3A_42 : vector<2000x128xf32>
    %mul3A = vector.broadcast %slice3A : vector<2000x1xf32> to vector<2000x128xf32>
    %mul3A_44 = arith.mulf %mul3A, %add3A_43 : vector<2000x128xf32>
    %add3A_45 = arith.addf %add3A_35, %mul3A_44 : vector<2000x128xf32>
    %max3A = arith.constant 1.000000e+00 : f32
    %max3A_46 = vector.broadcast %max3A : f32 to vector<2000x1xf32>
    %max3A_47 = arith.maximumf %slice3A, %max3A_46 : vector<2000x1xf32>
    %div3A = vector.broadcast %max3A_47 : vector<2000x1xf32> to vector<2000x128xf32>
    %div3A_48 = arith.divf %add3A_45, %div3A : vector<2000x128xf32>
    %get3A_49 = arith.constant 0 : index
    %get3A_50 = arith.constant 0 : index
    %get3A_51 = vector.load %arg1[%get3A_49, %get3A_50] : memref<2000x128xf32, #tpu.memory_space<vmem>>, vector<2000x128xf32>
    %add3A_52 = arith.addf %get3A_51, %div3A_48 : vector<2000x128xf32>
    %reduce_sum3A = arith.constant dense<0.000000e+00> : vector<2000xf32>
    %reduce_sum3A_53 = vector.multi_reduction <add>, %add3A_52, %reduce_sum3A [1] : vector<2000x128xf32> to vector<2000xf32>
    %broadcast_in_dim3A = vector.shape_cast %reduce_sum3A_53 : vector<2000xf32> to vector<2000x1xf32>
    %div3A_54 = arith.constant 1.280000e+02 : f32
    %div3A_55 = vector.broadcast %div3A_54 : f32 to vector<2000x1xf32>
    %div3A_56 = arith.divf %broadcast_in_dim3A, %div3A_55 : vector<2000x1xf32>
    %sub3A = vector.broadcast %div3A_56 : vector<2000x1xf32> to vector<2000x128xf32>
    %sub3A_57 = arith.subf %add3A_52, %sub3A : vector<2000x128xf32>
    %integer_pow3A = arith.mulf %sub3A_57, %sub3A_57 : vector<2000x128xf32>
    %reduce_sum3A_58 = arith.constant dense<0.000000e+00> : vector<2000xf32>
    %reduce_sum3A_59 = vector.multi_reduction <add>, %integer_pow3A, %reduce_sum3A_58 [1] : vector<2000x128xf32> to vector<2000xf32>
    %broadcast_in_dim3A_60 = vector.shape_cast %reduce_sum3A_59 : vector<2000xf32> to vector<2000x1xf32>
    %div3A_61 = arith.constant 1.280000e+02 : f32
    %div3A_62 = vector.broadcast %div3A_61 : f32 to vector<2000x1xf32>
    %div3A_63 = arith.divf %broadcast_in_dim3A_60, %div3A_62 : vector<2000x1xf32>
    %sub3A_64 = vector.broadcast %div3A_56 : vector<2000x1xf32> to vector<2000x128xf32>
    %sub3A_65 = arith.subf %add3A_52, %sub3A_64 : vector<2000x128xf32>
    %add3A_66 = arith.constant 9.99999974E-6 : f32
    %add3A_67 = vector.broadcast %add3A_66 : f32 to vector<2000x1xf32>
    %add3A_68 = arith.addf %div3A_63, %add3A_67 : vector<2000x1xf32>
    %sqrt3A = math.sqrt %add3A_68 : vector<2000x1xf32>
    %div3A_69 = vector.broadcast %sqrt3A : vector<2000x1xf32> to vector<2000x128xf32>
    %div3A_70 = arith.divf %sub3A_65, %div3A_69 : vector<2000x128xf32>
    %get3A_71 = arith.constant 0 : index
    %get3A_72 = arith.constant 0 : index
    %get3A_73 = vector.load %arg8[%get3A_71, %get3A_72] : memref<1x128xf32, #tpu.memory_space<vmem>>, vector<1x128xf32>
    %mul3A_74 = vector.broadcast %get3A_73 : vector<1x128xf32> to vector<2000x128xf32>
    %mul3A_75 = arith.mulf %div3A_70, %mul3A_74 : vector<2000x128xf32>
    %get3A_76 = arith.constant 0 : index
    %get3A_77 = arith.constant 0 : index
    %get3A_78 = vector.load %arg9[%get3A_76, %get3A_77] : memref<1x128xf32, #tpu.memory_space<vmem>>, vector<1x128xf32>
    %add3A_79 = vector.broadcast %get3A_78 : vector<1x128xf32> to vector<2000x128xf32>
    %add3A_80 = arith.addf %mul3A_75, %add3A_79 : vector<2000x128xf32>
    %swap3A = arith.constant 0 : index
    %swap3A_81 = arith.constant 0 : index
    %swap3A_82 = vector.load %arg10[%swap3A, %swap3A_81] : memref<2000x128xf32, #tpu.memory_space<vmem>>, vector<2000x128xf32>
    tpu.vector_store %arg10[%swap3A, %swap3A_81], %add3A_80 {strides = array<i32>} : memref<2000x128xf32, #tpu.memory_space<vmem>>, vector<2000x128xf32>,
    return
  }
  func.func @transform_0(%arg0: i32) -> (i32, i32) {
    %c0_i32 = arith.constant 0 : i32
    %c0_i32_0 = arith.constant 0 : i32
    return %arg0, %c0_i32 : i32, i32
  }
  func.func @transform_1(%arg0: i32) -> (i32, i32, i32) {
    %c0_i32 = arith.constant 0 : i32
    %c0_i32_0 = arith.constant 0 : i32
    %c0_i32_1 = arith.constant 0 : i32
    return %c0_i32, %arg0, %c0_i32_0 : i32, i32, i32
  }
  func.func @transform_2(%arg0: i32) -> (i32, i32, i32) {
    %c0_i32 = arith.constant 0 : i32
    %c0_i32_0 = arith.constant 0 : i32
    %c0_i32_1 = arith.constant 0 : i32
    return %c0_i32, %arg0, %c0_i32_0 : i32, i32, i32
  }
  func.func @transform_3(%arg0: i32) -> (i32, i32, i32) {
    %c0_i32 = arith.constant 0 : i32
    %c0_i32_0 = arith.constant 0 : i32
    %c0_i32_1 = arith.constant 0 : i32
    return %c0_i32, %arg0, %c0_i32_0 : i32, i32, i32
  }
  func.func @transform_4(%arg0: i32) -> (i32, i32) {
    %c0_i32 = arith.constant 0 : i32
    %c0_i32_0 = arith.constant 0 : i32
    return %arg0, %c0_i32 : i32, i32
  }
  func.func @transform_5(%arg0: i32) -> (i32, i32) {
    %c0_i32 = arith.constant 0 : i32
    %c0_i32_0 = arith.constant 0 : i32
    %c0_i32_1 = arith.constant 0 : i32
    return %c0_i32, %c0_i32_0 : i32, i32
  }
  func.func @transform_6(%arg0: i32) -> (i32, i32) {
    %c0_i32 = arith.constant 0 : i32
    %c0_i32_0 = arith.constant 0 : i32
    %c0_i32_1 = arith.constant 0 : i32
    return %c0_i32, %c0_i32_0 : i32, i32
  }
  func.func @transform_7(%arg0: i32) -> (i32, i32) {
    %c0_i32 = arith.constant 0 : i32
    %c0_i32_0 = arith.constant 0 : i32
    %c0_i32_1 = arith.constant 0 : i32
    return %c0_i32, %c0_i32_0 : i32, i32
  }
  func.func @transform_8(%arg0: i32) -> (i32, i32) {
    %c0_i32 = arith.constant 0 : i32
    %c0_i32_0 = arith.constant 0 : i32
    %c0_i32_1 = arith.constant 0 : i32
    return %c0_i32, %c0_i32_0 : i32, i32
  }
  func.func @transform_9(%arg0: i32) -> (i32, i32) {
    %c0_i32 = arith.constant 0 : i32
    %c0_i32_0 = arith.constant 0 : i32
    return %arg0, %c0_i32 : i32, i32
  }
}

</mosaic_0001>

<sc_bundles>
// kernel: kernel.10.cloned.1.call-start
scs
__scs_entry_jumppad:
0x0: {  	(pc) =	sbr.rel $0x88, $3  }
0x1: {  	(tag) =	ssettag $0x0;
	lr =	simm.s32 $0x1  }
0x2: {  	[smem:$0x3F96] =	sst lr;
	_ =	strace $0xD0000000  }
0x3: {  	_ = 	snop  }
0x4: {  	_ = 	snop  }
0x5: {  	_ = 	snop  }
0x6: {  	_ = 	snop  }
0x7: {  	_ = 	snop  }
__scs_overlays_trampoline_lowered:
0x8: {  	[smem:$0x3FA5] =	sst s0  }
0x9: {  	[smem:$0x3FA6] =	sst s1  }
0xa: {  	[smem:$0x3FA7] =	sst s2  }
0xb: {  	[smem:$0x3FA8] =	sst s3  }
0xc: {  	[smem:$0x3FA9] =	sst s4  }
0xd: {  	[smem:$0x3FAA] =	sst s5  }
0xe: {  	[smem:$0x3FAB] =	sst s6  }
0xf: {  	[smem:$0x3FAC] =	sst s7  }
0x10: {  	[smem:$0x3FAD] =	sst s8  }
0x11: {  	[smem:$0x3FAE] =	sst s9;
	s0 =	simm.s32 @!p0 $0x0  }
0x12: {  	s1 =	sld [smem:$0x3F94];
	s0 =	simm.s32 @p0 $0x1  }
0x13: {  	[smem:$0x3FAF] =	sst s0;
	s0 =	simm.s32 @!p1 $0x0  }
0x14: {  	s2 =	sld [smem:$0x3F93];
	s0 =	simm.s32 @p1 $0x1  }
0x15: {  	[smem:$0x3FB0] =	sst s0;
	s0 =	simm.s32 @!p2 $0x0  }
0x16: {  	s3 =	sld [smem:$0x3FDB];
	s0 =	simm.s32 @p2 $0x1  }
0x17: {  	s4 =	simm.s32 $0x1BF5;
	[smem:$0x3FB2] =	sst s0  }
0x18: {  	s0 =	sld [smem:$0x3F95];
	_ =	swait.ge [sflag:s4], $0x0  }
0x19: {  	s7 =	sld [smem:$0x3F96]  }
0x1a: {  	s8 =	sadd.s32 $0xFFFFE003, lr  }
0x1b: {  	s9 =	sadd.s32 $0xFFFFFEF7, lr;
	s5 =	simm.s32 $0xFFFFFFFF;
	p2 =	slt.u32 s8, $0xFFFFF086  }
0x1c: {  	p1 =	slt.u32 s9, $0xF7A;
	s5 =	simm.s32 @!p2 $0x0  }
0x1d: {  	s5 =	simm.s32 @p1 $0x1;
	p0 =	seq.s32 s7, s2  }
0x1e: {  	s7 =	smul.u32 @!p0 $0xF7A, s2;
	p2 =	seq.s32 @!p0 s5, $0x0  }
0x1f: {  	s9 =	smul.u32 $0xF7A, s1;
	s8 =	simm.s32 @!p0 $0x1BF5;
	p2 =	por !p2, p0  }
0x20: {  	[sflag:s8] =	ssyncset.s32 @!p0 $0xFFFFF086;
	s6 =	sadd.s32 @!p0 s3, s7;
	s7 =	simm.s32 @!p0 $0x108  }
0x21: {  	s3 =	sadd.s32 s3, s9;
	s6 =	sadd.s32 @!p0 $0x88, s6;
	s7 =	simm.s32 @p2 $0x1082  }
0x22: {  	[simem:s7], [sflag:s8] =	dma.local @!p0 [hbm:s6], $0xF7A  }
0x23: {  	s9 =	sor.u32 $0xD0000000, s2;
	s6 =	simm.s32 $0x108;
	_ =	swait.ge @!p0 [sflag:s8], $0x0  }
0x24: {  	s3 =	sadd.s32 $0x88, s3;
	s6 =	simm.s32 @!p1 $0x1082;
	[sflag:s4] =	ssyncset.s32 $0xFFFFF086  }
0x25: {  	[simem:s6], [sflag:s4] =	dma.local [hbm:s3], $0xF7A  }
0x26: {  	[smem:$0x3F96] =	sst s1;
	(tag) =	ssettag s2;
	_ =	strace s9  }
0x27: {  	s1 =	sld [smem:$0x3FA6]  }
0x28: {  	s2 =	sld [smem:$0x3FA7]  }
0x29: {  	s4 =	sld [smem:$0x3FA9]  }
0x2a: {  	p0 =	seq.s32 s5, $0x0;
	s5 =	sld [smem:$0x3FAA]  }
0x2b: {  	s6 =	sld [smem:$0x3FAB]  }
0x2c: {  	s7 =	sld [smem:$0x3FAC]  }
0x2d: {  	s3 =	simm.s32 $0x108;
	s8 =	sld [smem:$0x3FAD]  }
0x2e: {  	s3 =	simm.s32 @!p0 $0x1082;
	s9 =	sld [smem:$0x3FAE]  }
0x2f: {  	lr =	sadd.s32 s0, s3;
	s0 =	sld [smem:$0x3FA5]  }
0x30: {  	s3 =	sld [smem:$0x3FA8]  }
0x31: {  	[smem:$0x3FB1] =	sst s10  }
0x32: {  	s10 =	sld [smem:$0x3FAF];
	_ =	sdelay $0x3  }
0x33: {  	p0 =	seq.s32 s10, $0x1;
	s10 =	sld [smem:$0x3FB1];
	_ =	sdelay $0x3  }
0x34: {  	[smem:$0x3FB1] =	sst s10  }
0x35: {  	s10 =	sld [smem:$0x3FB0];
	_ =	sdelay $0x3  }
0x36: {  	p1 =	seq.s32 s10, $0x1;
	s10 =	sld [smem:$0x3FB1];
	_ =	sdelay $0x3  }
0x37: {  	[smem:$0x3FB1] =	sst s10  }
0x38: {  	s10 =	sld [smem:$0x3FB2]  }
0x39: {  	_ = 	snop;
	(pc) =	sbr.ind lr, $3  }
0x3a: {  	_ = 	snop  }
0x3b: {  	_ = 	snop  }
0x3c: {  	p2 =	seq.s32 s10, $0x1;
	s10 =	sld [smem:$0x3FB1]  }
0x3d: {  	_ =	shalt  }
0x3e: {  	_ =	shalt  }
0x3f: {  	_ =	shalt  }
0x40: {  	_ =	shalt  }
0x41: {  	_ =	shalt  }
0x42: {  	_ =	shalt  }
0x43: {  	_ =	shalt  }
0x44: {  	_ =	shalt  }
0x45: {  	_ =	shalt  }
0x46: {  	_ =	shalt  }
0x47: {  	_ =	shalt  }
0x48: {  	_ =	shalt  }
0x49: {  	_ =	shalt  }
0x4a: {  	_ =	shalt  }
0x4b: {  	_ =	shalt  }
0x4c: {  	_ =	shalt  }
0x4d: {  	_ =	shalt  }
0x4e: {  	_ =	shalt  }
0x4f: {  	_ =	shalt  }
0x50: {  	_ =	shalt  }
0x51: {  	_ =	shalt  }
0x52: {  	_ =	shalt  }
0x53: {  	_ =	shalt  }
0x54: {  	_ =	shalt  }
0x55: {  	_ =	shalt  }
0x56: {  	_ =	shalt  }
0x57: {  	_ =	shalt  }
0x58: {  	_ =	shalt  }
0x59: {  	_ =	shalt  }
0x5a: {  	_ =	shalt  }
0x5b: {  	_ =	shalt  }
0x5c: {  	_ =	shalt  }
0x5d: {  	_ =	shalt  }
0x5e: {  	_ =	shalt  }
0x5f: {  	_ =	shalt  }
0x60: {  	_ =	shalt  }
0x61: {  	_ =	shalt  }
0x62: {  	_ =	shalt  }
0x63: {  	_ =	shalt  }
0x64: {  	_ =	shalt  }
0x65: {  	_ =	shalt  }
0x66: {  	_ =	shalt  }
0x67: {  	_ =	shalt  }
0x68: {  	_ =	shalt  }
0x69: {  	_ =	shalt  }
0x6a: {  	_ =	shalt  }
0x6b: {  	_ =	shalt  }
0x6c: {  	_ =	shalt  }
0x6d: {  	_ =	shalt  }
0x6e: {  	_ =	shalt  }
0x6f: {  	_ =	shalt  }
0x70: {  	_ =	shalt  }
0x71: {  	_ =	shalt  }
0x72: {  	_ =	shalt  }
0x73: {  	_ =	shalt  }
0x74: {  	_ =	shalt  }
0x75: {  	_ =	shalt  }
0x76: {  	_ =	shalt  }
0x77: {  	_ =	shalt  }
0x78: {  	_ =	shalt  }
0x79: {  	_ =	shalt  }
0x7a: {  	_ =	shalt  }
0x7b: {  	_ =	shalt  }
0x7c: {  	_ =	shalt  }
0x7d: {  	_ =	shalt  }
0x7e: {  	_ =	shalt  }
0x7f: {  	_ =	shalt  }
0x80: {  	_ =	shalt  }
0x81: {  	_ =	shalt  }
0x82: {  	_ =	shalt  }
0x83: {  	_ =	shalt  }
0x84: {  	_ =	shalt  }
0x85: {  	_ =	shalt  }
0x86: {  	_ =	shalt  }
0x87: {  	_ =	shalt  }
.Lfunc_end0:
.L_simem_size_0:
called_computation.1_lowered:
.L_overlay_start_0:
0x88: {  	s2 =	sld [smem:$0x3FD9]  }
0x89: {  	s3 =	sld [smem:$0x3FFE];
	_ =	sdelay $0x1  }
0x8a: {  	s1 =	srdreg.scid  }
0x8b: {  	s0 =	sand.u32 $0x1, s1  }
0x8c: {  	s15 =	sshll.u32 s0, $0xA;
	s2 =	sadd.s32 s3, s2  }
0x8d: {  	s2 =	sadd.s32 s2, s15  }
0x8e: {  	[smem:$0x3FBD] =	sst s2  }
0x8f: {  	_ = 	snop  }
0x90: {  	s2 =	sld [smem:$0x3FD0];
	_ =	sdelay $0x2  }
0x91: {  	s16 =	simm.s32 $0xB;
	s4 =	simm.s32 $0x10  }
0x92: {  	[smem:s4], [sflag:s16] =	dma.local [hbm:s2], $0x1  }
0x93: {  	_ =	swait.eq [sflag:s16], $0x1  }
0x94: {  	[sflag:s16] =	ssyncset.done $0x0  }
0x95: {  	[sflag:s16] =	ssyncadd.s32 $0xFFFFFFFF  }
0x96: {  	s17 =	sld [smem:$0x10];
	(tm) =	ssettm $0x1  }
0x97: {  	s18 =	sld [smem:$0x3FFB];
	_ =	sdelay $0x3  }
0x98: {  	_ =	strace s18  }
0x99: {  	s2 =	sld [smem:$0x3FFC];
	_ =	sdelay $0x3  }
0x9a: {  	_ =	strace s2  }
0x9b: {  	s2 =	sld [smem:$0x3FFD];
	_ =	sdelay $0x3  }
0x9c: {  	_ =	strace s2  }
0x9d: {  	_ =	strace $0x8FFFFFFF  }
0x9e: {  	s19 =	sld [smem:$0x3FDB];
	_ =	sdelay $0x1  }
0x9f: {  	s20 =	simm.s32 $_scs_section_size  }
0xa0: {  	s5 =	simm.s32 $_size__tile_overlayer_lowered;
	s6 =	simm.s32 $_tile_overlayer_lowered  }
0xa1: {  	s7 =	simm.s32 $0x1BFF;
	s21 =	sshll.u32 s6, $0x1;
	s4 =	sadd.s32 s20, s19  }
0xa2: {  	s22 =	simm.s32 $0x0;
	s5 =	sshll.u32 s5, $0x1;
	s6 =	sadd.s32 s21, s4  }
0xa3: {  	[timem:s22], [sflag:s7] =	dma.local [hbm:s6], s5  }
0xa4: {  	_ =	swait.ge [sflag:s7], s5  }
0xa5: {  	s5 =	ssub.s32 $0x0, s5;
	[sflag:s7] =	ssyncset.done $0x0  }
0xa6: {  	[sflag:s7] =	ssyncadd.s32 s5;
	_ =	sdelay $0x1  }
0xa7: {  	s23 =	simm.s32 $0x1B8B  }
0xa8: {  	_ =	swait.ge [sflag:s23], $0x1  }
0xa9: {  	[sflag:s23] =	ssyncset.done $0x0  }
0xaa: {  	[sflag:s23] =	ssyncadd.s32 $0xFFFFFFFF  }
0xab: {  	s5 =	sld [smem:$0x0]  }
0xac: {  	s6 =	sand.u32 $0xFFFFFFFE, s1  }
0xad: {  	p0 =	sne.s32 s1, s6  }
0xae: {  	s6 =	sshll.u32 @p0 s6, $0xE  }
0xaf: {  	s6 =	sadd.s32 @p0 $0x11B8D, s6;
	s7 =	sshll.u32 @p0 s5, $0x11  }
0xb0: {  	s6 =	sor.u32 @p0 s7, s6  }
0xb1: {  	[sflag:s6] =	ssyncadd.remote.s32 @p0 $0x1;
	_ =	sdelay $0x1  }
0xb2: {  	s6 =	simm.s32 @p0 $0x1B8D  }
0xb3: {  	_ =	swait.eq @p0 [sflag:s6], $0x1  }
0xb4: {  	[sflag:s6] =	ssyncadd.s32 @p0 $0xFFFFFFFF  }
0xb5: {  	s7 =	sshll.u32 @!p0 s1, $0xE  }
0xb6: {  	s7 =	sor.u32 @!p0 $0x4000, s7;
	s6 =	simm.s32 @!p0 $0x1B8D  }
0xb7: {  	s5 =	sshll.u32 @!p0 s5, $0x11;
	s7 =	sadd.s32 @!p0 $0x11B8D, s7;
	_ =	swait.eq @!p0 [sflag:s6], $0x1  }
0xb8: {  	s5 =	sor.u32 @!p0 s5, s7;
	[sflag:s6] =	ssyncadd.s32 @!p0 $0xFFFFFFFF  }
0xb9: {  	s25 =	simm.s32 $0x1B8E;
	s24 =	sld [smem:$0x3FFE];
	[sflag:s5] =	ssyncadd.remote.s32 @!p0 $0x1  }
0xba: {  	s26 =	simm.s32 $execute0_lowered;
	[smem:$0x3FD2] =	sst s25  }
0xbb: {  	s6 =	sshll.u32 s26, $0x1;
	_ =	strace $0x80000049;
	[dreg:$0x1] =	wrdreg $0xFFFFFFFF  }
0xbc: {  	s28 =	simm.s32 $_size_execute0_lowered;
	s4 =	sadd.s32 s4, s6;
	[dreg:$0x0] =	wrdreg $0x0  }
0xbd: {  	s6 =	sshll.u32 s28, $0x1;
	[dreg:$0x2] =	wrdreg s4  }
0xbe: {  	[dreg:$0x3] =	wrdreg s6  }
0xbf: {  	[dreg:$0x4] =	wrdreg $0xC0  }
0xc0: {  	_ =	task [dreg:s22], $0x5FFFF  }
0xc1: {  	[dreg:$0x1] =	wrdreg $0xFFFFFFFF  }
0xc2: {  	[dreg:$0x0] =	wrdreg $0x60  }
0xc3: {  	[dreg:$0x2] =	wrdreg s24  }
0xc4: {  	[dreg:$0x3] =	wrdreg s17  }
0xc5: {  	[dreg:$0x4] =	wrdreg $0x41000  }
0xc6: {  	[dreg:$0x5] =	wrdreg $0xA  }
0xc7: {  	_ =	task.clear_ibuf [dreg:s22], $0x6FFFF;
	_ =	strace $0x90000049  }
0xc8: {  	s29 =	simm.s32 $0xA;
	_ =	strace $0x8000004B  }
0xc9: {  	_ =	swait.ge [sflag:s29], $0x1  }
0xca: {  	[sflag:s29] =	ssyncadd.s32 $0xFFFFFFFF  }
0xcb: {  	_ =	strace $0x9000004B  }
0xcc: {  	_ =	sfence  }
0xcd: {  	s30 =	sld [smem:$0x0];
	_ =	sdelay $0x2  }
0xce: {  	s31 =	sshll.u32 s1, $0xD;
	s1 =	sshrl.u32 s1, $0x2  }
0xcf: {  	s4 =	sand.u32 $0x4000, s31;
	s1 =	sadd.s32 s1, s30  }
0xd0: {  	s0 =	sor.u32 s4, s0;
	s1 =	sshll.u32 s1, $0x11  }
0xd1: {  	s0 =	sor.u32 s1, s0  }
0xd2: {  	s0 =	sadd.s32 $0x8F2B, s0  }
0xd3: {  	[sflag:s0] =	ssyncadd.remote.s32 $0x1  }
0xd4: {  	_ =	sfence.sel $0xFFFF  }
0xd5: {  	[dreg:$0x0] =	wrdreg $0xFFFFFFFF;
	(pc) =	sbr.abs _section_cstart, $3  }
0xd6: {  	[dreg:$0x1] =	wrdreg $0xFFFFFFFF  }
0xd7: {  	_ =	task.clear_ibuf [dreg:s22], $0x2FFFF;
	_ =	strace $0x9FFFFFFF  }
0xd8: {  	(tm) =	ssettm $0x7FFFFFFF  }
0xd9: {  	_ =	shalt  }
tec
execute0_lowered:
.L_overlay_start_1:
0x0: {  	(tag) =	ssettag $0x1  }
0x1: {  	s5 =	rddreg [dreg:$0x0]  }
0x2: {  	s1 =	rddreg [dreg:$0x1]  }
0x3: {  	s2 =	rddreg [dreg:$0x2]  }
0x4: {  	s0 =	rddreg [dreg:$0x3]  }
0x5: {  	s3 =	simm.s32 $0x0;
	s6 =	srdreg.scid;
	s4 =	stileid.u32  }
0x6: {  	s22 =	simm.s32 $0x17980;
	s23 =	simm.s32 $0x17A00;
	s24 =	simm.s32 $0x10  }
0x7: {  	s25 =	simm.s32 $0x0;
	[smem:$0x7FF] =	sst s3;
	s17 =	sadd.s32 $0x3E000, s5  }
0x8: {  	s16 =	sadd.s32 $0x34200, s5;
	s12 =	sand.u32 $0x1, s6;
	s28 =	smul.u32 $0x4E000, s4  }
0x9: {  	s13 =	sadd.s32 $0xF7E00, s5;
	s7 =	sshll.u32 s4, $0x1;
	s18 =	smul.u32 $0x13800, s4  }
0xa: {  	s20 =	smul.u32 $0x4E20, s4;
	p0 =	sne.s32 s4, $0xF;
	_ =	strace $0x8000004A  }
0xb: {  	s29 =	ssub.s32 $0x2, s12;
	s7 =	sor.u32 s12, s7;
	s14 =	smul.u32 $0x138800, s12  }
0xc: {  	s21 =	smul.u32 $0x2710, s12;
	s8 =	sshrl.u32 s29, $0x1;
	s6 =	sshrl.u32 s28, $0x2  }
0xd: {  	s9 =	smul.u32 $0x2710, s7;
	s15 =	ssub.s32 s29, s8;
	s5 =	sadd.s32 s6, s2  }
0xe: {  	s18 =	sadd.s32 s18, s14;
	s14 =	sshrl.u32 s14, $0x3;
	s30 =	sadd.s32 s21, s20  }
0xf: {  	s20 =	simm.s32 $0x80;
	s21 =	simm.s32 $0x1;
	s6 =	sadd.s32 $0x4000, s5  }
0x10: {  	s7 =	sadd.s32 $0x8000, s5;
	s8 =	sadd.s32 $0xC000, s5;
	s10 =	sshrl.u32 s9, $0x3  }
0x11: {  	s9 =	sadd.s32 $0x10000, s5;
	s18 =	sshrl.u32 s18, $0x3;
	s14 =	sadd.s32 s13, s14  }
0x12: {  	s31 =	sshrl.u32 s30, $0x3;
	s15 =	smax.u32 s15, $0x1;
	s19 =	sadd.s32 $0x4E0, s10  }
0x13: {  	s10 =	sadd.s32 $0x138000, s2;
	s13 =	sadd.s32 s13, s18;
	s14 =	sadd.s32 $0x27000, s14  }
0x14: {  	s18 =	simm.s32 $0x100;
	s11 =	sadd.s32 s17, s19;
	s12 =	sadd.s32 s16, s19  }
0x15: {  	v0 =	vimm.f32 $0.0e+00;
	s16 =	sadd.s32 s31, s16;
	s17 =	sadd.s32 s31, s17;
	s19 =	simm.s32 $0x2  }
.LBB2_1:
0x16: {  	s26 =	simm.s32 $0x0;
	s28 =	simm.s32 $0x200  }
.LBB2_2:
0x17: {  	p1 =	sne.s32 s28, $0xFE00;
	[tilespmem:s26+$0x170] =	vst v0  }
0x18: {  	[tilespmem:s26+$0x100] =	vst v0  }
0x19: {  	[tilespmem:s26+$0x110] =	vst v0  }
.Ltmp0:
0x1a: {  	[tilespmem:s26+$0x120] =	vst v0;
	(pc) =	sbr.rel @p1 .LBB2_2-.Ltmp0, $4  }
0x1b: {  	[tilespmem:s26+$0x130] =	vst v0  }
0x1c: {  	[tilespmem:s26+$0x140] =	vst v0  }
0x1d: {  	[tilespmem:s26+$0x150] =	vst v0  }
0x1e: {  	[tilespmem:s26+$0x160] =	vst v0;
	s26 =	sshra.s32 s28, $0x2;
	s28 =	sadd.s32 $0x200, s28  }
0x1f: {  	[tilespmem:s26+$0x170] =	vst v0  }
0x20: {  	[tilespmem:s26+$0x100] =	vst v0  }
0x21: {  	[tilespmem:s26+$0x110] =	vst v0  }
0x22: {  	[tilespmem:s26+$0x120] =	vst v0  }
0x23: {  	[tilespmem:s26+$0x130] =	vst v0  }
0x24: {  	[tilespmem:s26+$0x140] =	vst v0  }
0x25: {  	[tilespmem:s26+$0x150] =	vst v0  }
0x26: {  	[tilespmem:s26+$0x160] =	vst v0  }
0x27: {  	[spmem:s5] =	stream.linear.scatter [tilespmem:s18], [sflag:$0x2], $0x4000, $0x38;
	[tilespmem:$0x17A80] =	vst v63  }
0x28: {  	_ =	swait.ge [sflag:s19], $0x4000  }
0x29: {  	[sflag:s19] =	ssyncset.done $0x0  }
0x2a: {  	[sflag:s19] =	ssyncadd.s32 $0xFFFFC000  }
0x2b: {  	[spmem:s6] =	stream.linear.scatter [tilespmem:s18], [sflag:$0x2], $0x4000, $0x38;
	[tilespmem:$0x17A80] =	vst v63  }
0x2c: {  	_ =	swait.ge [sflag:s19], $0x4000  }
0x2d: {  	[sflag:s19] =	ssyncset.done $0x0  }
0x2e: {  	[sflag:s19] =	ssyncadd.s32 $0xFFFFC000  }
0x2f: {  	[spmem:s7] =	stream.linear.scatter [tilespmem:s18], [sflag:$0x2], $0x4000, $0x38;
	[tilespmem:$0x17A80] =	vst v63  }
0x30: {  	_ =	swait.ge [sflag:s19], $0x4000  }
0x31: {  	[sflag:s19] =	ssyncset.done $0x0  }
0x32: {  	[sflag:s19] =	ssyncadd.s32 $0xFFFFC000  }
0x33: {  	[spmem:s8] =	stream.linear.scatter [tilespmem:s18], [sflag:$0x2], $0x4000, $0x38;
	[tilespmem:$0x17A80] =	vst v63  }
0x34: {  	_ =	swait.ge [sflag:s19], $0x4000  }
0x35: {  	[sflag:s19] =	ssyncset.done $0x0  }
0x36: {  	[sflag:s19] =	ssyncadd.s32 $0xFFFFC000  }
0x37: {  	[spmem:s9] =	stream.linear.scatter [tilespmem:s18], [sflag:$0x2], $0x3800, $0x38;
	[tilespmem:$0x17A80] =	vst v63  }
0x38: {  	_ =	swait.ge [sflag:s19], $0x3800  }
0x39: {  	[sflag:s19] =	ssyncset.done $0x0  }
0x3a: {  	s26 =	simm.s32 @!p0 $0x100;
	[sflag:s19] =	ssyncadd.s32 $0xFFFFC800  }
0x3b: {  	[spmem:s10] =	stream.linear.scatter @!p0 [tilespmem:s26], [sflag:$0x2], $0x800, $0x38;
	[tilespmem:$0x17A80] =	vst v63  }
0x3c: {  	s26 =	simm.s32 @!p0 $0x2  }
0x3d: {  	_ =	swait.ge @!p0 [sflag:s26], $0x800  }
0x3e: {  	[sflag:s26] =	ssyncset.done @!p0 $0x0  }
0x3f: {  	[sflag:s26] =	ssyncadd.s32 @!p0 $0xFFFFF800  }
0x40: {  	s30 =	sadd.s32 $0x0, s17;
	[bflag:$0x0] =	sbarrier.arrive $0xFFFF  }
0x41: {  	[tilespmem:s3], [sflag:$0x2] =	stream.linear.gather [hbm4b:s30+s3], $0x80, $0x38;
	[tilespmem:$0x17A80] =	vst v63  }
0x42: {  	_ =	swait.ge [sflag:s19], $0x80  }
0x43: {  	[sflag:s19] =	ssyncset.done $0x0  }
0x44: {  	s31 =	sadd.s32 $0x0, s16;
	[sflag:s19] =	ssyncadd.s32 $0xFFFFFF80  }
0x45: {  	[tilespmem:s20], [sflag:$0x2] =	stream.linear.gather [hbm4b:s31+s3], $0x80, $0x38;
	[tilespmem:$0x17A80] =	vst v63  }
0x46: {  	_ =	swait.ge [sflag:s19], $0x80  }
0x47: {  	[sflag:s19] =	ssyncset.done $0x0  }
0x48: {  	[sflag:s19] =	ssyncadd.s32 $0xFFFFFF80  }
0x49: {  	[tilespmem:s18], [sflag:$0x1] =	stream.indirect.gather [hbm4b:s1+s20], $0x80, s3, s20, $0xb8;
	[tilespmem:$0x17A80] =	vst v63  }
0x4a: {  	_ =	swait.ge [sflag:s21], $0x4000  }
0x4b: {  	[sflag:s21] =	ssyncset.done $0x0  }
0x4c: {  	[sflag:s21] =	ssyncadd.s32 $0xFFFFC000  }
0x4d: {  	[spmem:s2] =	stream.indirect.scatter.add.f32 [tilespmem:s18], [sflag:$0x2], $0x80, s20, s20, $0xb8;
	[tilespmem:$0x17A80] =	vst v63  }
0x4e: {  	_ =	swait.ge [sflag:s19], $0x4000  }
0x4f: {  	s28 =	simm.s32 $0x20;
	s26 =	simm.s32 $0x10;
	[sflag:s19] =	ssyncset.done $0x0  }
.LBB2_4:
0x50: {  	s29 =	sadd.s32 s26, s17  }
0x51: {  	[sflag:s19] =	ssyncadd.s32 $0xFFFFC000;
	s30 =	smov.u32 s28;
	s31 =	sadd.s32 $0x10, s28  }
0x52: {  	[tilespmem:s3], [sflag:$0x2] =	stream.linear.gather [hbm4b:s29+s3], $0x80, $0x38;
	[tilespmem:$0x17A80] =	vst v63  }
0x53: {  	p1 =	sne.s32 s28, $0x4D0;
	_ =	swait.ge [sflag:s19], $0x80  }
0x54: {  	[sflag:s19] =	ssyncset.done $0x0  }
0x55: {  	s28 =	sadd.s32 s26, s16;
	s26 =	smov.u32 s30;
	[sflag:s19] =	ssyncadd.s32 $0xFFFFFF80  }
0x56: {  	[tilespmem:s20], [sflag:$0x2] =	stream.linear.gather [hbm4b:s28+s3], $0x80, $0x38;
	[tilespmem:$0x17A80] =	vst v63  }
0x57: {  	_ =	swait.ge [sflag:s19], $0x80  }
0x58: {  	[sflag:s19] =	ssyncset.done $0x0  }
0x59: {  	[sflag:s19] =	ssyncadd.s32 $0xFFFFFF80  }
0x5a: {  	[tilespmem:s18], [sflag:$0x1] =	stream.indirect.gather [hbm4b:s1+s20], $0x80, s3, s20, $0xb8;
	[tilespmem:$0x17A80] =	vst v63  }
0x5b: {  	_ =	swait.ge [sflag:s21], $0x4000  }
.Ltmp1:
0x5c: {  	[sflag:s21] =	ssyncset.done $0x0;
	(pc) =	sbr.rel @p1 .LBB2_4-.Ltmp1, $4  }
0x5d: {  	[sflag:s21] =	ssyncadd.s32 $0xFFFFC000  }
0x5e: {  	[spmem:s2] =	stream.indirect.scatter.add.f32 [tilespmem:s18], [sflag:$0x2], $0x80, s20, s20, $0xb8;
	[tilespmem:$0x17A80] =	vst v63  }
0x5f: {  	_ =	swait.ge [sflag:s19], $0x4000  }
0x60: {  	s28 =	smov.u32 s31;
	[sflag:s19] =	ssyncset.done $0x0  }
0x61: {  	s28 =	sadd.s32 s26, s17;
	[sflag:s19] =	ssyncadd.s32 $0xFFFFC000  }
0x62: {  	[tilespmem:s3], [sflag:$0x2] =	stream.linear.gather [hbm4b:s28+s3], $0x80, $0x38;
	[tilespmem:$0x17A80] =	vst v63  }
0x63: {  	_ =	swait.ge [sflag:s19], $0x80  }
0x64: {  	[sflag:s19] =	ssyncset.done $0x0  }
0x65: {  	s29 =	sadd.s32 s26, s16;
	[sflag:s19] =	ssyncadd.s32 $0xFFFFFF80  }
0x66: {  	[tilespmem:s20], [sflag:$0x2] =	stream.linear.gather [hbm4b:s29+s3], $0x80, $0x38;
	[tilespmem:$0x17A80] =	vst v63  }
0x67: {  	_ =	swait.ge [sflag:s19], $0x80  }
0x68: {  	[sflag:s19] =	ssyncset.done $0x0  }
0x69: {  	[sflag:s19] =	ssyncadd.s32 $0xFFFFFF80  }
0x6a: {  	[tilespmem:s18], [sflag:$0x1] =	stream.indirect.gather [hbm4b:s1+s20], $0x80, s3, s20, $0xb8;
	[tilespmem:$0x17A80] =	vst v63  }
0x6b: {  	_ =	swait.ge [sflag:s21], $0x4000  }
0x6c: {  	[sflag:s21] =	ssyncset.done $0x0  }
0x6d: {  	[sflag:s21] =	ssyncadd.s32 $0xFFFFC000  }
0x6e: {  	[spmem:s2] =	stream.indirect.scatter.add.f32 [tilespmem:s18], [sflag:$0x2], $0x80, s20, s20, $0xb8;
	[tilespmem:$0x17A80] =	vst v63  }
0x6f: {  	_ =	swait.ge [sflag:s19], $0x4000  }
0x70: {  	[sflag:s19] =	ssyncset.done $0x0  }
0x71: {  	[sflag:s19] =	ssyncadd.s32 $0xFFFFC000  }
0x72: {  	[tilespmem:s22], [sflag:$0x2] =	stream.linear.gather [hbm4b:s11+s3], $0x10, $0x38;
	[tilespmem:$0x17A80] =	vst v63  }
0x73: {  	_ =	swait.ge [sflag:s19], $0x10  }
0x74: {  	[sflag:s19] =	ssyncset.done $0x0  }
0x75: {  	[sflag:s19] =	ssyncadd.s32 $0xFFFFFFF0  }
0x76: {  	[tilespmem:s23], [sflag:$0x2] =	stream.linear.gather [hbm4b:s12+s3], $0x10, $0x38;
	[tilespmem:$0x17A80] =	vst v63  }
0x77: {  	_ =	swait.ge [sflag:s19], $0x10  }
0x78: {  	[sflag:s19] =	ssyncset.done $0x0  }
0x79: {  	[sflag:s19] =	ssyncadd.s32 $0xFFFFFFF0  }
0x7a: {  	[tilespmem:s18], [sflag:$0x1] =	stream.indirect.gather [hbm4b:s1+s24], $0x80, s22, s24, $0xb8;
	[tilespmem:$0x17A80] =	vst v63  }
0x7b: {  	_ =	swait.ge [sflag:s21], $0x800  }
0x7c: {  	[sflag:s21] =	ssyncset.done $0x0  }
0x7d: {  	[sflag:s21] =	ssyncadd.s32 $0xFFFFF800  }
0x7e: {  	[spmem:s2] =	stream.indirect.scatter.add.f32 [tilespmem:s18], [sflag:$0x2], $0x80, s23, s24, $0xb8;
	[tilespmem:$0x17A80] =	vst v63  }
0x7f: {  	_ =	swait.ge [sflag:s19], $0x800  }
0x80: {  	[sflag:s19] =	ssyncset.done $0x0  }
0x81: {  	s30 =	sshll.u32 s4, $0x6;
	[sflag:s19] =	ssyncadd.s32 $0xFFFFF800  }
0x82: {  	s31 =	sshrl.u32 s5, $0x3;
	s26 =	sor.u32 $0x1C02, s30;
	[bflag:$0x0] =	sbarrier.arrive $0xFFFF  }
0x83: {  	[hbm:s13], [sflag:s26] =	dma.local [spmem:s31], $0x2700  }
0x84: {  	_ =	swait.ge [sflag:s19], $0x2700  }
0x85: {  	s25 =	sadd.s32 $0x1, s25;
	[sflag:s19] =	ssyncset.done $0x0  }
0x86: {  	s28 =	sshrl.u32 @!p0 s10, $0x3;
	p1 =	sne.s32 s25, s15;
	[sflag:s19] =	ssyncadd.s32 $0xFFFFD900  }
0x87: {  	[hbm:s14], [sflag:s26] =	dma.local @!p0 [spmem:s28], $0x100  }
.Ltmp2:
0x88: {  	_ = 	snop;
	(pc) =	sbr.rel @p1 .LBB2_1-.Ltmp2, $4  }
0x89: {  	s26 =	simm.s32 @!p0 $0x2  }
0x8a: {  	_ =	swait.ge @!p0 [sflag:s26], $0x100  }
0x8b: {  	[sflag:s26] =	ssyncset.done @!p0 $0x0  }
0x8c: {  	[sflag:s26] =	ssyncadd.s32 @!p0 $0xFFFFFF00  }
0x8d: {  	_ =	sfence.sel $0x180000  }
0x8e: {  	[bflag:$0x0] =	sbarrier.arrive $0xFFFF  }
0x8f: {  	p0 =	sne.s32 s4, $0x0;
	_ =	strace $0x9000004A  }
0x90: {  	s0 =	sadd.s32 @!p0 $0x100000, s0;
	[bflag:$0x2] =	sbarrier.arrive $0xFFFF  }
0x91: {  	[sflag:s0] =	ssyncadd.tile.s32 @!p0 $0x1;
	_ =	shalt  }
.Lfunc_end2:
_tile_overlayer_lowered:
.L_overlay_start_2:
0x92: {  	(tag) =	ssettag $0x2  }
0x93: {  	s0 =	rddreg [dreg:$0x0];
	s2 =	stileid.u32  }
0x94: {  	s1 =	rddreg [dreg:$0x1];
	p0 =	sne.s32 s2, $0x0  }
0x95: {  	s3 =	rddreg [dreg:$0x2];
	[bflag:$0x3] =	sbarrier.arrive $0xFFFF;
	s2 =	simm.s32 @!p0 $0x1C02  }
0x96: {  	[timem:s3], [sflag:s2] =	dma.local @!p0 [hbm:s0], s1  }
0x97: {  	s0 =	simm.s32 @!p0 $0x2  }
0x98: {  	_ =	swait.ge @!p0 [sflag:s0], s1  }
0x99: {  	s1 =	ssub.s32 @!p0 $0x0, s1;
	[sflag:s0] =	ssyncset.done @!p0 $0x0  }
0x9a: {  	[sflag:s0] =	ssyncadd.s32 @!p0 s1  }
0x9b: {  	[bflag:$0x3] =	sbarrier.arrive $0xFFFF  }
0x9c: {  	_ =	shalt  }

// kernel: kernel.7.cloned.1.call-start
scs
__scs_entry_jumppad:
0x0: {  	(pc) =	sbr.rel $0x88, $3  }
0x1: {  	(tag) =	ssettag $0x0;
	lr =	simm.s32 $0x1  }
0x2: {  	[smem:$0x3F96] =	sst lr;
	_ =	strace $0xD0000000  }
0x3: {  	_ = 	snop  }
0x4: {  	_ = 	snop  }
0x5: {  	_ = 	snop  }
0x6: {  	_ = 	snop  }
0x7: {  	_ = 	snop  }
__scs_overlays_trampoline_lowered:
0x8: {  	[smem:$0x3FA5] =	sst s0  }
0x9: {  	[smem:$0x3FA6] =	sst s1  }
0xa: {  	[smem:$0x3FA7] =	sst s2  }
0xb: {  	[smem:$0x3FA8] =	sst s3  }
0xc: {  	[smem:$0x3FA9] =	sst s4  }
0xd: {  	[smem:$0x3FAA] =	sst s5  }
0xe: {  	[smem:$0x3FAB] =	sst s6  }
0xf: {  	[smem:$0x3FAC] =	sst s7  }
0x10: {  	[smem:$0x3FAD] =	sst s8  }
0x11: {  	[smem:$0x3FAE] =	sst s9;
	s0 =	simm.s32 @!p0 $0x0  }
0x12: {  	s1 =	sld [smem:$0x3F94];
	s0 =	simm.s32 @p0 $0x1  }
0x13: {  	[smem:$0x3FAF] =	sst s0;
	s0 =	simm.s32 @!p1 $0x0  }
0x14: {  	s2 =	sld [smem:$0x3F93];
	s0 =	simm.s32 @p1 $0x1  }
0x15: {  	[smem:$0x3FB0] =	sst s0;
	s0 =	simm.s32 @!p2 $0x0  }
0x16: {  	s3 =	sld [smem:$0x3FDB];
	s0 =	simm.s32 @p2 $0x1  }
0x17: {  	s4 =	simm.s32 $0x1BF5;
	[smem:$0x3FB2] =	sst s0  }
0x18: {  	s0 =	sld [smem:$0x3F95];
	_ =	swait.ge [sflag:s4], $0x0  }
0x19: {  	s7 =	sld [smem:$0x3F96]  }
0x1a: {  	s8 =	sadd.s32 $0xFFFFE003, lr  }
0x1b: {  	s9 =	sadd.s32 $0xFFFFFEF7, lr;
	s5 =	simm.s32 $0xFFFFFFFF;
	p2 =	slt.u32 s8, $0xFFFFF086  }
0x1c: {  	p1 =	slt.u32 s9, $0xF7A;
	s5 =	simm.s32 @!p2 $0x0  }
0x1d: {  	s5 =	simm.s32 @p1 $0x1;
	p0 =	seq.s32 s7, s2  }
0x1e: {  	s7 =	smul.u32 @!p0 $0xF7A, s2;
	p2 =	seq.s32 @!p0 s5, $0x0  }
0x1f: {  	s9 =	smul.u32 $0xF7A, s1;
	s8 =	simm.s32 @!p0 $0x1BF5;
	p2 =	por !p2, p0  }
0x20: {  	[sflag:s8] =	ssyncset.s32 @!p0 $0xFFFFF086;
	s6 =	sadd.s32 @!p0 s3, s7;
	s7 =	simm.s32 @!p0 $0x108  }
0x21: {  	s3 =	sadd.s32 s3, s9;
	s6 =	sadd.s32 @!p0 $0x88, s6;
	s7 =	simm.s32 @p2 $0x1082  }
0x22: {  	[simem:s7], [sflag:s8] =	dma.local @!p0 [hbm:s6], $0xF7A  }
0x23: {  	s9 =	sor.u32 $0xD0000000, s2;
	s6 =	simm.s32 $0x108;
	_ =	swait.ge @!p0 [sflag:s8], $0x0  }
0x24: {  	s3 =	sadd.s32 $0x88, s3;
	s6 =	simm.s32 @!p1 $0x1082;
	[sflag:s4] =	ssyncset.s32 $0xFFFFF086  }
0x25: {  	[simem:s6], [sflag:s4] =	dma.local [hbm:s3], $0xF7A  }
0x26: {  	[smem:$0x3F96] =	sst s1;
	(tag) =	ssettag s2;
	_ =	strace s9  }
0x27: {  	s1 =	sld [smem:$0x3FA6]  }
0x28: {  	s2 =	sld [smem:$0x3FA7]  }
0x29: {  	s4 =	sld [smem:$0x3FA9]  }
0x2a: {  	p0 =	seq.s32 s5, $0x0;
	s5 =	sld [smem:$0x3FAA]  }
0x2b: {  	s6 =	sld [smem:$0x3FAB]  }
0x2c: {  	s7 =	sld [smem:$0x3FAC]  }
0x2d: {  	s3 =	simm.s32 $0x108;
	s8 =	sld [smem:$0x3FAD]  }
0x2e: {  	s3 =	simm.s32 @!p0 $0x1082;
	s9 =	sld [smem:$0x3FAE]  }
0x2f: {  	lr =	sadd.s32 s0, s3;
	s0 =	sld [smem:$0x3FA5]  }
0x30: {  	s3 =	sld [smem:$0x3FA8]  }
0x31: {  	[smem:$0x3FB1] =	sst s10  }
0x32: {  	s10 =	sld [smem:$0x3FAF];
	_ =	sdelay $0x3  }
0x33: {  	p0 =	seq.s32 s10, $0x1;
	s10 =	sld [smem:$0x3FB1];
	_ =	sdelay $0x3  }
0x34: {  	[smem:$0x3FB1] =	sst s10  }
0x35: {  	s10 =	sld [smem:$0x3FB0];
	_ =	sdelay $0x3  }
0x36: {  	p1 =	seq.s32 s10, $0x1;
	s10 =	sld [smem:$0x3FB1];
	_ =	sdelay $0x3  }
0x37: {  	[smem:$0x3FB1] =	sst s10  }
0x38: {  	s10 =	sld [smem:$0x3FB2]  }
0x39: {  	_ = 	snop;
	(pc) =	sbr.ind lr, $3  }
0x3a: {  	_ = 	snop  }
0x3b: {  	_ = 	snop  }
0x3c: {  	p2 =	seq.s32 s10, $0x1;
	s10 =	sld [smem:$0x3FB1]  }
0x3d: {  	_ =	shalt  }
0x3e: {  	_ =	shalt  }
0x3f: {  	_ =	shalt  }
0x40: {  	_ =	shalt  }
0x41: {  	_ =	shalt  }
0x42: {  	_ =	shalt  }
0x43: {  	_ =	shalt  }
0x44: {  	_ =	shalt  }
0x45: {  	_ =	shalt  }
0x46: {  	_ =	shalt  }
0x47: {  	_ =	shalt  }
0x48: {  	_ =	shalt  }
0x49: {  	_ =	shalt  }
0x4a: {  	_ =	shalt  }
0x4b: {  	_ =	shalt  }
0x4c: {  	_ =	shalt  }
0x4d: {  	_ =	shalt  }
0x4e: {  	_ =	shalt  }
0x4f: {  	_ =	shalt  }
0x50: {  	_ =	shalt  }
0x51: {  	_ =	shalt  }
0x52: {  	_ =	shalt  }
0x53: {  	_ =	shalt  }
0x54: {  	_ =	shalt  }
0x55: {  	_ =	shalt  }
0x56: {  	_ =	shalt  }
0x57: {  	_ =	shalt  }
0x58: {  	_ =	shalt  }
0x59: {  	_ =	shalt  }
0x5a: {  	_ =	shalt  }
0x5b: {  	_ =	shalt  }
0x5c: {  	_ =	shalt  }
0x5d: {  	_ =	shalt  }
0x5e: {  	_ =	shalt  }
0x5f: {  	_ =	shalt  }
0x60: {  	_ =	shalt  }
0x61: {  	_ =	shalt  }
0x62: {  	_ =	shalt  }
0x63: {  	_ =	shalt  }
0x64: {  	_ =	shalt  }
0x65: {  	_ =	shalt  }
0x66: {  	_ =	shalt  }
0x67: {  	_ =	shalt  }
0x68: {  	_ =	shalt  }
0x69: {  	_ =	shalt  }
0x6a: {  	_ =	shalt  }
0x6b: {  	_ =	shalt  }
0x6c: {  	_ =	shalt  }
0x6d: {  	_ =	shalt  }
0x6e: {  	_ =	shalt  }
0x6f: {  	_ =	shalt  }
0x70: {  	_ =	shalt  }
0x71: {  	_ =	shalt  }
0x72: {  	_ =	shalt  }
0x73: {  	_ =	shalt  }
0x74: {  	_ =	shalt  }
0x75: {  	_ =	shalt  }
0x76: {  	_ =	shalt  }
0x77: {  	_ =	shalt  }
0x78: {  	_ =	shalt  }
0x79: {  	_ =	shalt  }
0x7a: {  	_ =	shalt  }
0x7b: {  	_ =	shalt  }
0x7c: {  	_ =	shalt  }
0x7d: {  	_ =	shalt  }
0x7e: {  	_ =	shalt  }
0x7f: {  	_ =	shalt  }
0x80: {  	_ =	shalt  }
0x81: {  	_ =	shalt  }
0x82: {  	_ =	shalt  }
0x83: {  	_ =	shalt  }
0x84: {  	_ =	shalt  }
0x85: {  	_ =	shalt  }
0x86: {  	_ =	shalt  }
0x87: {  	_ =	shalt  }
.Lfunc_end0:
.L_simem_size_0:
called_computation_lowered:
.L_overlay_start_0:
0x88: {  	s2 =	sld [smem:$0x3FD9]  }
0x89: {  	s3 =	sld [smem:$0x3FFE];
	_ =	sdelay $0x1  }
0x8a: {  	s1 =	srdreg.scid  }
0x8b: {  	s0 =	sand.u32 $0x1, s1  }
0x8c: {  	s14 =	sshll.u32 s0, $0xA;
	s2 =	sadd.s32 s3, s2  }
0x8d: {  	s2 =	sadd.s32 s2, s14  }
0x8e: {  	[smem:$0x3FBD] =	sst s2  }
0x8f: {  	_ = 	snop  }
0x90: {  	s2 =	sld [smem:$0x3FD0];
	_ =	sdelay $0x1  }
0x91: {  	s15 =	sld [smem:$0x3FC0]  }
0x92: {  	s5 =	simm.s32 $0xB;
	s6 =	simm.s32 $0x10;
	s4 =	sld [smem:$0x3FBF]  }
0x93: {  	[smem:s6], [sflag:s5] =	dma.local [hbm:s2], $0x1  }
0x94: {  	_ =	swait.eq [sflag:s5], $0x1  }
0x95: {  	[sflag:s5] =	ssyncset.done $0x0  }
0x96: {  	[sflag:s5] =	ssyncadd.s32 $0xFFFFFFFF  }
0x97: {  	s16 =	sld [smem:$0x11];
	(tm) =	ssettm $0x1  }
0x98: {  	s17 =	sld [smem:$0x3FFB];
	_ =	sdelay $0x3  }
0x99: {  	_ =	strace s17  }
0x9a: {  	s5 =	sld [smem:$0x3FFC];
	_ =	sdelay $0x3  }
0x9b: {  	_ =	strace s5  }
0x9c: {  	s5 =	sld [smem:$0x3FFD];
	_ =	sdelay $0x3  }
0x9d: {  	_ =	strace s5  }
0x9e: {  	_ =	strace $0x8FFFFFFF  }
0x9f: {  	s18 =	sld [smem:$0x3FDB];
	_ =	sdelay $0x1  }
0xa0: {  	s19 =	simm.s32 $_scs_section_size  }
0xa1: {  	s7 =	simm.s32 $_size__tile_overlayer_lowered;
	s8 =	simm.s32 $_tile_overlayer_lowered  }
0xa2: {  	s22 =	simm.s32 $0x1BFF;
	s21 =	sshll.u32 s8, $0x1;
	s5 =	sadd.s32 s19, s18  }
0xa3: {  	s9 =	simm.s32 $0x0;
	s20 =	sshll.u32 s7, $0x1;
	s7 =	sadd.s32 s21, s5  }
0xa4: {  	[timem:s9], [sflag:s22] =	dma.local [hbm:s7], s20  }
0xa5: {  	_ =	swait.ge [sflag:s22], s20  }
0xa6: {  	s6 =	ssub.s32 $0x0, s20;
	[sflag:s22] =	ssyncset.done $0x0  }
0xa7: {  	[sflag:s22] =	ssyncadd.s32 s6;
	_ =	sdelay $0x1  }
0xa8: {  	s23 =	simm.s32 $0x1B8B  }
0xa9: {  	_ =	swait.ge [sflag:s23], $0x1  }
0xaa: {  	[sflag:s23] =	ssyncset.done $0x0  }
0xab: {  	s25 =	simm.s32 $0x1B8E;
	s24 =	sld [smem:$0x3FFE];
	[sflag:s23] =	ssyncadd.s32 $0xFFFFFFFF  }
0xac: {  	s26 =	simm.s32 $execute0_lowered;
	[smem:$0x3FD2] =	sst s25  }
0xad: {  	s7 =	sshll.u32 s26, $0x1;
	_ =	strace $0x80000046;
	[dreg:$0x1] =	wrdreg $0xFFFFFFFF  }
0xae: {  	s28 =	simm.s32 $_size_execute0_lowered;
	s5 =	sadd.s32 s5, s7;
	[dreg:$0x0] =	wrdreg $0x0  }
0xaf: {  	s7 =	sshll.u32 s28, $0x1;
	[dreg:$0x2] =	wrdreg s5  }
0xb0: {  	[dreg:$0x3] =	wrdreg s7  }
0xb1: {  	[dreg:$0x4] =	wrdreg $0xC0  }
0xb2: {  	_ =	task [dreg:s9], $0x5FFFF  }
0xb3: {  	[dreg:$0x1] =	wrdreg $0xFFFFFFFF  }
0xb4: {  	[dreg:$0x0] =	wrdreg $0x60  }
0xb5: {  	[dreg:$0x2] =	wrdreg s24  }
0xb6: {  	[dreg:$0x3] =	wrdreg s16  }
0xb7: {  	[dreg:$0x4] =	wrdreg s15  }
0xb8: {  	[dreg:$0x5] =	wrdreg s4  }
0xb9: {  	[dreg:$0x6] =	wrdreg $0x29200  }
0xba: {  	[dreg:$0x7] =	wrdreg $0x50300  }
0xbb: {  	[dreg:$0x8] =	wrdreg $0x9  }
0xbc: {  	_ =	task.clear_ibuf [dreg:s9], $0x9FFFF;
	_ =	strace $0x90000046  }
0xbd: {  	s29 =	simm.s32 $0x9;
	_ =	strace $0x80000048  }
0xbe: {  	_ =	swait.ge [sflag:s29], $0x1  }
0xbf: {  	[sflag:s29] =	ssyncadd.s32 $0xFFFFFFFF  }
0xc0: {  	_ =	strace $0x90000048  }
0xc1: {  	_ =	sfence  }
0xc2: {  	s30 =	sld [smem:$0x0];
	_ =	sdelay $0x2  }
0xc3: {  	s31 =	sshll.u32 s1, $0xD;
	s1 =	sshrl.u32 s1, $0x2  }
0xc4: {  	s3 =	sand.u32 $0x4000, s31;
	s1 =	sadd.s32 s1, s30  }
0xc5: {  	s0 =	sor.u32 s3, s0;
	s1 =	sshll.u32 s1, $0x11  }
0xc6: {  	s0 =	sor.u32 s1, s0  }
0xc7: {  	s0 =	sadd.s32 $0x8F2B, s0  }
0xc8: {  	[sflag:s0] =	ssyncadd.remote.s32 $0x1  }
0xc9: {  	_ =	sfence.sel $0xFFFF  }
0xca: {  	[dreg:$0x0] =	wrdreg $0xFFFFFFFF;
	(pc) =	sbr.abs _section_cstart, $3  }
0xcb: {  	[dreg:$0x1] =	wrdreg $0xFFFFFFFF  }
0xcc: {  	_ =	task.clear_ibuf [dreg:s9], $0x2FFFF;
	_ =	strace $0x9FFFFFFF  }
0xcd: {  	(tm) =	ssettm $0x7FFFFFFF  }
tec
execute0_lowered:
.L_overlay_start_1:
0x0: {  	(tag) =	ssettag $0x1  }
0x1: {  	s0 =	rddreg [dreg:$0x0]  }
0x2: {  	s1 =	rddreg [dreg:$0x1]  }
0x3: {  	s4 =	rddreg [dreg:$0x4]  }
0x4: {  	s5 =	rddreg [dreg:$0x5]  }
0x5: {  	s6 =	simm.s32 $0x0;
	s2 =	srdreg.scid;
	s17 =	stileid.u32  }
0x6: {  	s30 =	simm.s32 $0x0;
	[smem:$0x7FF] =	sst s6;
	s7 =	sadd.s32 $0x3E000, s0  }
0x7: {  	s8 =	sadd.s32 $0x34200, s0;
	s10 =	sadd.s32 $0x2F200, s0;
	s11 =	sadd.s32 $0x2A200, s0  }
0x8: {  	s12 =	sadd.s32 $0x5BA00, s0;
	s3 =	sadd.s32 $0x51C00, s0;
	s2 =	sand.u32 $0x1, s2  }
0x9: {  	s9 =	sshll.u32 s17, $0x1;
	s15 =	smul.u32 $0x2700, s17;
	s0 =	sadd.s32 $0x47E00, s0  }
0xa: {  	p0 =	sne.s32 s17, $0xF;
	s31 =	sadd.s32 $0x27000, s5;
	s17 =	simm.s32 $0x80  }
0xb: {  	s14 =	ssub.s32 $0x2, s2;
	s9 =	sor.u32 s2, s9;
	s2 =	smul.u32 $0x27100, s2  }
0xc: {  	_ =	strace $0x80000047;
	s16 =	sshrl.u32 s14, $0x1;
	s13 =	smul.u32 $0x2710, s9  }
0xd: {  	s24 =	sadd.s32 $0x800, s15;
	s23 =	sadd.s32 s15, s4;
	s26 =	sadd.s32 $0x1000, s15  }
0xe: {  	s19 =	sadd.s32 $0x1800, s15;
	s25 =	sadd.s32 s24, s4;
	[dreg:$0x19] =	wrdreg s23  }
0xf: {  	s9 =	ssub.s32 s14, s16;
	s14 =	sadd.s32 s24, s5;
	[dreg:$0x7] =	wrdreg s25  }
0x10: {  	s20 =	sadd.s32 $0x2000, s15;
	s28 =	sadd.s32 s26, s4;
	[dreg:$0x8] =	wrdreg s14  }
0x11: {  	s29 =	sadd.s32 s15, s2;
	s16 =	sadd.s32 s26, s5;
	[dreg:$0x9] =	wrdreg s28  }
0x12: {  	s2 =	sshrl.u32 s2, $0x3;
	s21 =	sadd.s32 s19, s4;
	[dreg:$0xa] =	wrdreg s16  }
0x13: {  	s22 =	sadd.s32 s20, s4;
	s14 =	sshrl.u32 s29, $0x3;
	[dreg:$0xf] =	wrdreg s21  }
0x14: {  	s2 =	sadd.s32 $0x4E00, s2;
	[dreg:$0x11] =	wrdreg s22;
	s29 =	smax.u32 s9, $0x1  }
0x15: {  	v0 =	vimm.s32 $0xEFCDAB89;
	v1 =	vimm.s32 $0x67452301;
	s24 =	sadd.s32 $0x2700, s13;
	s18 =	sadd.s32 s3, s14;
	[dreg:$0x17] =	wrdreg s29  }
0x16: {  	v2 =	vimm.s32 $0xDCFE98BA;
	v3 =	vimm.s32 $0x54761032;
	s16 =	simm.s32 $0x1900;
	s14 =	sadd.s32 s0, s14;
	[dreg:$0xb] =	wrdreg s18  }
0x17: {  	v4 =	vimm.s32 $0xBA98FEDC;
	v5 =	vimm.s32 $0x32107654;
	v6 =	vimm.s32 $0xFEDCBA98;
	s21 =	simm.s32 $0x1;
	s3 =	sadd.s32 s3, s2;
	[dreg:$0xc] =	wrdreg s14  }
0x18: {  	v7 =	vimm.s32 $0x76543210;
	v0 =	vunpack.c.l.s4.s8 v0;
	v1 =	vunpack.c.l.s4.s8 v1;
	s22 =	simm.s32 $0x2;
	s0 =	sadd.s32 s0, s2;
	[dreg:$0xd] =	wrdreg s3  }
0x19: {  	v2 =	vunpack.c.l.s4.s8 v2;
	v3 =	vunpack.c.l.s4.s8 v3;
	v4 =	vunpack.c.l.s4.s8 v4;
	s2 =	sadd.s32 s20, s5;
	s25 =	sshrl.u32 s24, $0x3;
	[dreg:$0xe] =	wrdreg s0  }
0x1a: {  	v5 =	vunpack.c.l.s4.s8 v5;
	v6 =	vunpack.c.l.s4.s8 v6;
	v0 =	vunpack.c.0.s8.s32 v0;
	s20 =	simm.s32 $0x1100;
	s0 =	sadd.s32 s19, s5;
	[dreg:$0x12] =	wrdreg s2  }
0x1b: {  	v1 =	vunpack.c.0.s8.s32 v1;
	v2 =	vunpack.c.0.s8.s32 v2;
	v3 =	vunpack.c.0.s8.s32 v3;
	s14 =	sadd.s32 s15, s5;
	s26 =	sadd.s32 s7, s25;
	[dreg:$0x10] =	wrdreg s0  }
0x1c: {  	v7 =	vunpack.c.l.s4.s8 v7;
	v4 =	vunpack.c.0.s8.s32 v4;
	v5 =	vunpack.c.0.s8.s32 v5;
	s2 =	sadd.s32 s8, s25;
	s15 =	simm.s32 $0x4;
	[dreg:$0x13] =	wrdreg s26  }
0x1d: {  	v6 =	vunpack.c.0.s8.s32 v6;
	v8 =	vcombine.low v1, v0;
	v3 =	vcombine.low v3, v2;
	s18 =	simm.s32 $0x100;
	s0 =	sshll.u32 s24, $0x1;
	[dreg:$0x14] =	wrdreg s2  }
0x1e: {  	v0 =	vimm.f32 $0.0e+00;
	v4 =	vcombine.low v5, v4;
	v5 =	vunpack.c.0.s8.s32 v7;
	s19 =	simm.s32 $0x900;
	[dreg:$0x18] =	wrdreg s14;
	s28 =	sadd.s32 s1, s0  }
0x1f: {  	v1 =	vimm.f32 $1.000000000e+00;
	v6 =	vand.u32 $0xF, v6;
	v2 =	vand.u32 $0xF, v8;
	s25 =	simm.s32 $0x2100;
	s0 =	sadd.s32 s12, s0;
	[dreg:$0x15] =	wrdreg s28  }
0x20: {  	v3 =	vand.u32 $0xF, v3;
	v4 =	vand.u32 $0xF, v4;
	v5 =	vcombine.low v6, v5;
	s26 =	sadd.s32 $0x27000, s4;
	s24 =	simm.s32 $0x3;
	[dreg:$0x16] =	wrdreg s0  }
.LBB2_1:
0x21: {  	s0 =	simm.s32 $0x40;
	s2 =	simm.s32 $0x0  }
.LBB2_2:
0x22: {  	p1 =	sne.s32 s0, $0x1FC0;
	[tilespmem:s2+$0x1900] =	vst v0;
	s3 =	smov.u32 s0;
	s0 =	sadd.s32 $0x40, s0  }
.Ltmp0:
0x23: {  	[tilespmem:s2+$0x2100] =	vst v1;
	(pc) =	sbr.rel @p1 .LBB2_2-.Ltmp0, $2  }
0x24: {  	_ =	sdelay $0x2  }
0x25: {  	s2 =	sshra.s32 s3, $0x2  }
0x26: {  	[tilespmem:s2+$0x1900] =	vst v0  }
0x27: {  	[tilespmem:s2+$0x2100] =	vst v1;
	s0 =	rddreg [dreg:$0x2];
	s9 =	simm.s32 $0x2900  }
0x28: {  	[tilespmem:s9], [sflag:$0x4] =	stream.linear.gather [hbm4b:s0+s6], $0x10, $0x38;
	[tilespmem:$0x7760] =	vst v63  }
0x29: {  	_ =	swait.ge [sflag:s15], $0x10  }
0x2a: {  	[sflag:s15] =	ssyncset.done $0x0  }
0x2b: {  	[sflag:s15] =	ssyncadd.s32 $0xFFFFFFF0  }
0x2c: {  	s3 =	simm.s32 $0x2910;
	s2 =	rddreg [dreg:$0x3]  }
0x2d: {  	[tilespmem:s3], [sflag:$0x4] =	stream.linear.gather [hbm4b:s2+s6], $0x10, $0x38;
	[tilespmem:$0x7760] =	vst v63  }
0x2e: {  	_ =	swait.ge [sflag:s15], $0x10  }
0x2f: {  	[sflag:s15] =	ssyncset.done $0x0  }
0x30: {  	[sflag:s15] =	ssyncadd.s32 $0xFFFFFFF0  }
0x31: {  	[spmem:s23] =	stream.linear.scatter [tilespmem:s16], [sflag:$0x4], $0x800, $0x38;
	[tilespmem:$0x7760] =	vst v63  }
0x32: {  	_ =	swait.ge [sflag:s15], $0x800  }
0x33: {  	[sflag:s15] =	ssyncset.done $0x0  }
0x34: {  	[sflag:s15] =	ssyncadd.s32 $0xFFFFF800  }
0x35: {  	[spmem:s14] =	stream.linear.scatter [tilespmem:s16], [sflag:$0x4], $0x800, $0x38;
	[tilespmem:$0x7760] =	vst v63  }
0x36: {  	_ =	swait.ge [sflag:s15], $0x800  }
0x37: {  	[sflag:s15] =	ssyncset.done $0x0  }
0x38: {  	s9 =	rddreg [dreg:$0x7];
	[sflag:s15] =	ssyncadd.s32 $0xFFFFF800  }
0x39: {  	[spmem:s9] =	stream.linear.scatter [tilespmem:s16], [sflag:$0x4], $0x800, $0x38;
	[tilespmem:$0x7760] =	vst v63  }
0x3a: {  	_ =	swait.ge [sflag:s15], $0x800  }
0x3b: {  	[sflag:s15] =	ssyncset.done $0x0  }
0x3c: {  	s14 =	rddreg [dreg:$0x8];
	[sflag:s15] =	ssyncadd.s32 $0xFFFFF800  }
0x3d: {  	[spmem:s14] =	stream.linear.scatter [tilespmem:s16], [sflag:$0x4], $0x800, $0x38;
	[tilespmem:$0x7760] =	vst v63  }
0x3e: {  	_ =	swait.ge [sflag:s15], $0x800  }
0x3f: {  	[sflag:s15] =	ssyncset.done $0x0  }
0x40: {  	s23 =	rddreg [dreg:$0x9];
	[sflag:s15] =	ssyncadd.s32 $0xFFFFF800  }
0x41: {  	[spmem:s23] =	stream.linear.scatter [tilespmem:s16], [sflag:$0x4], $0x800, $0x38;
	[tilespmem:$0x7760] =	vst v63  }
0x42: {  	_ =	swait.ge [sflag:s15], $0x800  }
0x43: {  	[sflag:s15] =	ssyncset.done $0x0  }
0x44: {  	s2 =	rddreg [dreg:$0xa];
	[sflag:s15] =	ssyncadd.s32 $0xFFFFF800  }
0x45: {  	[spmem:s2] =	stream.linear.scatter [tilespmem:s16], [sflag:$0x4], $0x800, $0x38;
	[tilespmem:$0x7760] =	vst v63  }
0x46: {  	_ =	swait.ge [sflag:s15], $0x800  }
0x47: {  	[sflag:s15] =	ssyncset.done $0x0  }
0x48: {  	s3 =	rddreg [dreg:$0xf];
	[sflag:s15] =	ssyncadd.s32 $0xFFFFF800  }
0x49: {  	[spmem:s3] =	stream.linear.scatter [tilespmem:s16], [sflag:$0x4], $0x800, $0x38;
	[tilespmem:$0x7760] =	vst v63  }
0x4a: {  	_ =	swait.ge [sflag:s15], $0x800  }
0x4b: {  	[sflag:s15] =	ssyncset.done $0x0  }
0x4c: {  	s9 =	rddreg [dreg:$0x10];
	[sflag:s15] =	ssyncadd.s32 $0xFFFFF800  }
0x4d: {  	[spmem:s9] =	stream.linear.scatter [tilespmem:s16], [sflag:$0x4], $0x800, $0x38;
	[tilespmem:$0x7760] =	vst v63  }
0x4e: {  	_ =	swait.ge [sflag:s15], $0x800  }
0x4f: {  	[sflag:s15] =	ssyncset.done $0x0  }
0x50: {  	s14 =	rddreg [dreg:$0x11];
	[sflag:s15] =	ssyncadd.s32 $0xFFFFF800  }
0x51: {  	[spmem:s14] =	stream.linear.scatter [tilespmem:s16], [sflag:$0x4], $0x700, $0x38;
	[tilespmem:$0x7760] =	vst v63  }
0x52: {  	_ =	swait.ge [sflag:s15], $0x700  }
0x53: {  	[sflag:s15] =	ssyncset.done $0x0  }
0x54: {  	s23 =	rddreg [dreg:$0x12];
	[sflag:s15] =	ssyncadd.s32 $0xFFFFF900  }
0x55: {  	[spmem:s23] =	stream.linear.scatter [tilespmem:s16], [sflag:$0x4], $0x700, $0x38;
	[tilespmem:$0x7760] =	vst v63  }
0x56: {  	_ =	swait.ge [sflag:s15], $0x700  }
0x57: {  	[sflag:s15] =	ssyncset.done $0x0  }
0x58: {  	s0 =	simm.s32 @!p0 $0x1900;
	s2 =	simm.s32 @!p0 $0x4;
	[sflag:s15] =	ssyncadd.s32 $0xFFFFF900  }
0x59: {  	[spmem:s26] =	stream.linear.scatter @!p0 [tilespmem:s0], [sflag:$0x4], $0x100, $0x38;
	[tilespmem:$0x7760] =	vst v63  }
0x5a: {  	_ =	swait.ge @!p0 [sflag:s2], $0x100  }
0x5b: {  	[sflag:s2] =	ssyncset.done @!p0 $0x0  }
0x5c: {  	[sflag:s2] =	ssyncadd.s32 @!p0 $0xFFFFFF00  }
0x5d: {  	[spmem:s31] =	stream.linear.scatter @!p0 [tilespmem:s0], [sflag:$0x4], $0x100, $0x38;
	[tilespmem:$0x7760] =	vst v63  }
0x5e: {  	_ =	swait.ge @!p0 [sflag:s2], $0x100  }
0x5f: {  	[sflag:s2] =	ssyncset.done @!p0 $0x0  }
0x60: {  	s29 =	smov.u32 s26;
	s28 =	smov.u32 s31;
	[sflag:s2] =	ssyncadd.s32 @!p0 $0xFFFFFF00  }
0x61: {  	s31 =	simm.s32 $0x0;
	s0 =	simm.s32 $0x0;
	[bflag:$0x0] =	sbarrier.arrive $0xFFFF  }
.LBB2_4:
0x62: {  	s2 =	sshll.u32 s0, $0x7  }
0x63: {  	s2 =	sadd.s32 s13, s2  }
0x64: {  	s3 =	sshrl.u32 s2, $0x3  }
0x65: {  	s14 =	sadd.s32 s7, s3  }
0x66: {  	[tilespmem:s31], [sflag:$0x4] =	stream.linear.gather [hbm4b:s14+s31], $0x80, $0x38;
	[tilespmem:$0x7760] =	vst v63  }
0x67: {  	_ =	swait.ge [sflag:s15], $0x80  }
0x68: {  	[sflag:s15] =	ssyncset.done $0x0  }
0x69: {  	s3 =	sadd.s32 s8, s3;
	[sflag:s15] =	ssyncadd.s32 $0xFFFFFF80  }
0x6a: {  	[tilespmem:s17], [sflag:$0x4] =	stream.linear.gather [hbm4b:s3+s31], $0x80, $0x38;
	[tilespmem:$0x7760] =	vst v63  }
0x6b: {  	_ =	swait.ge [sflag:s15], $0x80  }
0x6c: {  	[sflag:s15] =	ssyncset.done $0x0  }
0x6d: {  	[sflag:s15] =	ssyncadd.s32 $0xFFFFFF80  }
0x6e: {  	[tilespmem:s18], [sflag:$0x1] =	stream.indirect.gather [hbm4b:s10+s17], $0x10, s31, s17, $0xb8;
	[tilespmem:$0x7760] =	vst v63  }
0x6f: {  	s2 =	sshll.u32 s2, $0x1  }
0x70: {  	[tilespmem:s19], [sflag:$0x2] =	stream.indirect.gather [hbm4b:s11+s17], $0x10, s17, s17, $0xb8;
	[tilespmem:$0x7760] =	vst v63  }
0x71: {  	s26 =	sadd.s32 s1, s2  }
0x72: {  	[tilespmem:s20], [sflag:$0x3] =	stream.linear.gather [hbm4b:s26+s31], $0x800, $0x38;
	[tilespmem:$0x7760] =	vst v63  }
0x73: {  	_ =	swait.ge [sflag:s21], $0x800  }
0x74: {  	[sflag:s21] =	ssyncset.done $0x0  }
0x75: {  	[sflag:s21] =	ssyncadd.s32 $0xFFFFF800  }
0x76: {  	_ =	swait.ge [sflag:s22], $0x800  }
0x77: {  	[sflag:s22] =	ssyncset.done $0x0  }
0x78: {  	[sflag:s22] =	ssyncadd.s32 $0xFFFFF800  }
0x79: {  	_ =	swait.ge [sflag:s24], $0x800  }
0x7a: {  	[sflag:s24] =	ssyncset.done $0x0  }
0x7b: {  	s26 =	simm.s32 $0x0;
	[sflag:s24] =	ssyncadd.s32 $0xFFFFF800  }
0x7c: {  	v6 =	vld [tilespmem:s26+$0x120]  }
0x7d: {  	v7 =	vld [tilespmem:s26+$0x1120]  }
0x7e: {  	v8 =	vld [tilespmem:s26+$0x920]  }
0x7f: {  	v9 =	vld [tilespmem:s26+$0x100]  }
0x80: {  	v10 =	vld [tilespmem:s26+$0x130]  }
0x81: {  	v11 =	vld [tilespmem:s26+$0x1130]  }
0x82: {  	v6 =	vadd.f32 v6, v7;
	v7 =	vld [tilespmem:s26+$0x1100]  }
0x83: {  	v12 =	vld [tilespmem:s26+$0x930]  }
0x84: {  	v6 =	vadd.f32 v8, v6;
	v8 =	vld [tilespmem:s26+$0x900];
	_ =	sdelay $0x1  }
0x85: {  	v13 =	vperm.xlane v6, v2  }
0x86: {  	v10 =	vadd.f32 v10, v11;
	v7 =	vadd.f32 v9, v7  }
0x87: {  	v9 =	vadd.f32 v13, v6  }
0x88: {  	v10 =	vadd.f32 v12, v10;
	v7 =	vadd.f32 v8, v7  }
0x89: {  	v11 =	vld [tilespmem:s26+$0x1110];
	v8 =	vperm.xlane v9, v3  }
0x8a: {  	v12 =	vperm.xlane v10, v2;
	v13 =	vld [tilespmem:s26+$0x110];
	v14 =	vperm.xlane v7, v2  }
0x8b: {  	v8 =	vadd.f32 v8, v9  }
0x8c: {  	v9 =	vadd.f32 v12, v10;
	v12 =	vld [tilespmem:s26+$0x910];
	v14 =	vadd.f32 v14, v7  }
0x8d: {  	v15 =	vperm.xlane v8, v4  }
0x8e: {  	v16 =	vperm.xlane v9, v3;
	v17 =	vperm.xlane v14, v3  }
0x8f: {  	v11 =	vadd.f32 v13, v11;
	v8 =	vadd.f32 v15, v8  }
0x90: {  	v9 =	vadd.f32 v16, v9;
	v13 =	vadd.f32 v17, v14  }
0x91: {  	v11 =	vadd.f32 v12, v11;
	v14 =	vperm.xlane v8, v5  }
0x92: {  	v12 =	vperm.xlane v9, v4;
	v15 =	vperm.xlane v13, v4  }
0x93: {  	v8 =	vadd.f32 v14, v8;
	v14 =	vperm.xlane v11, v2  }
0x94: {  	v9 =	vadd.f32 v12, v9;
	v12 =	vadd.f32 v15, v13  }
0x95: {  	v8 =	vmul.f32 $6.250000000e-02, v8;
	v13 =	vadd.f32 v14, v11  }
0x96: {  	v14 =	vperm.xlane v9, v5;
	v15 =	vperm.xlane v12, v5  }
0x97: {  	v17 =	vsub.f32 v6, v8;
	v6 =	vperm.xlane v13, v3  }
0x98: {  	v8 =	vadd.f32 v14, v9;
	v9 =	vadd.f32 v15, v12  }
0x99: {  	v12 =	vmul.f32 v17, v17;
	v6 =	vadd.f32 v6, v13  }
0x9a: {  	v8 =	vmul.f32 $6.250000000e-02, v8;
	v9 =	vmul.f32 $6.250000000e-02, v9  }
0x9b: {  	v14 =	vperm.xlane v12, v2;
	v15 =	vperm.xlane v6, v4  }
0x9c: {  	v19 =	vsub.f32 v10, v8;
	v13 =	vsub.f32 v7, v9  }
0x9d: {  	v7 =	vadd.f32 v12, v14;
	v6 =	vadd.f32 v15, v6  }
0x9e: {  	v8 =	vmul.f32 v19, v19;
	v9 =	vmul.f32 v13, v13  }
0x9f: {  	s14 =	simm.s32 $0x40;
	v10 =	vperm.xlane v7, v3;
	v12 =	vperm.xlane v6, v5  }
0xa0: {  	v14 =	vld [tilespmem:s14+$0x120];
	v15 =	vperm.xlane v8, v2;
	v16 =	vperm.xlane v9, v2  }
0xa1: {  	v7 =	vadd.f32 v7, v10;
	v10 =	vld [tilespmem:s14+$0x130];
	v6 =	vadd.f32 v12, v6  }
0xa2: {  	v12 =	vld [tilespmem:s14+$0x1130];
	v8 =	vadd.f32 v8, v15;
	v15 =	vadd.f32 v9, v16  }
0xa3: {  	v16 =	vld [tilespmem:s14+$0x1120];
	v9 =	vperm.xlane v7, v4;
	v6 =	vmul.f32 $6.250000000e-02, v6  }
0xa4: {  	v18 =	vld [tilespmem:s14+$0x930];
	v20 =	vperm.xlane v8, v3;
	v21 =	vperm.xlane v15, v3  }
0xa5: {  	v22 =	vld [tilespmem:s14+$0x920];
	v7 =	vadd.f32 v7, v9;
	v9 =	vsub.f32 v11, v6  }
0xa6: {  	v6 =	vadd.f32 v8, v20;
	v8 =	vadd.f32 v15, v21;
	v15 =	vld [tilespmem:s14+$0x100]  }
0xa7: {  	v21 =	vld [tilespmem:s14+$0x1100];
	v10 =	vadd.f32 v10, v12;
	v11 =	vperm.xlane v7, v5  }
0xa8: {  	v20 =	vmul.f32 v9, v9;
	v12 =	vadd.f32 v14, v16;
	v14 =	vperm.xlane v6, v4  }
0xa9: {  	v16 =	vperm.xlane v8, v4;
	v10 =	vadd.f32 v18, v10;
	v7 =	vadd.f32 v7, v11  }
0xaa: {  	v23 =	vperm.xlane v20, v2;
	v12 =	vadd.f32 v22, v12;
	v6 =	vadd.f32 v6, v14  }
0xab: {  	v11 =	vld [tilespmem:s14+$0x900];
	v8 =	vadd.f32 v8, v16;
	v16 =	vperm.xlane v10, v2;
	v7 =	vmul.f32 $6.250000000e-02, v7  }
0xac: {  	v14 =	vadd.f32 v20, v23;
	v18 =	vperm.xlane v12, v2;
	v15 =	vadd.f32 v15, v21  }
0xad: {  	v22 =	vld [tilespmem:s14+$0x1110];
	v24 =	vperm.xlane v6, v5;
	v20 =	vperm.xlane v8, v5;
	v16 =	vadd.f32 v16, v10  }
0xae: {  	v23 =	vld [tilespmem:s14+$0x110];
	v7 =	vadd.f32 $9.999999740e-06, v7;
	v21 =	vperm.xlane v14, v3;
	v18 =	vadd.f32 v18, v12  }
0xaf: {  	v6 =	vadd.f32 v6, v24;
	v8 =	vadd.f32 v8, v20  }
0xb0: {  	v11 =	vadd.f32 v11, v15;
	v15 =	vld [tilespmem:s14+$0x910];
	v20 =	vperm.xlane v16, v3;
	v14 =	vadd.f32 v14, v21  }
0xb1: {  	v25 =	vperm.xlane v18, v3;
	v26 =	vshra.s32 v7, $0x1;
	v21 =	vmul.f32 $5.000000000e-01, v7  }
0xb2: {  	v7 =	vperm.xlane v11, v2;
	v16 =	vadd.f32 v20, v16;
	v20 =	vsub.s32 $0x5F3759DF, v26  }
0xb3: {  	v22 =	vadd.f32 v23, v22;
	v27 =	vperm.xlane v14, v4;
	v18 =	vadd.f32 v25, v18  }
0xb4: {  	v26 =	vmul.f32 v20, v21;
	v7 =	vadd.f32 v7, v11;
	v23 =	vperm.xlane v16, v4  }
0xb5: {  	v14 =	vadd.f32 v14, v27;
	v25 =	vperm.xlane v18, v4;
	v15 =	vadd.f32 v15, v22  }
0xb6: {  	v22 =	vperm.xlane v7, v3;
	v16 =	vadd.f32 v23, v16;
	v23 =	vmul.f32 v20, v26  }
0xb7: {  	v27 =	vperm.xlane v14, v5;
	v18 =	vadd.f32 v25, v18;
	v25 =	vperm.xlane v15, v2  }
0xb8: {  	v7 =	vadd.f32 v22, v7;
	v22 =	vperm.xlane v16, v5;
	v23 =	vsub.f32 $1.500000000e+00, v23  }
0xb9: {  	v14 =	vadd.f32 v14, v27;
	v26 =	vperm.xlane v18, v5;
	v24 =	vadd.f32 v25, v15  }
0xba: {  	v27 =	vmul.f32 $6.250000000e-02, v8;
	v25 =	vperm.xlane v7, v4;
	v16 =	vadd.f32 v22, v16  }
0xbb: {  	v14 =	vmul.f32 $6.250000000e-02, v14;
	v18 =	vadd.f32 v26, v18;
	v22 =	vperm.xlane v24, v3  }
0xbc: {  	v26 =	vmul.f32 $6.250000000e-02, v6;
	v25 =	vadd.f32 v25, v7;
	v6 =	vmul.f32 $6.250000000e-02, v16  }
0xbd: {  	v16 =	vmul.f32 $6.250000000e-02, v18;
	v14 =	vadd.f32 $9.999999740e-06, v14;
	v18 =	vadd.f32 v22, v24  }
0xbe: {  	v24 =	vmul.f32 v20, v23;
	v8 =	vadd.f32 $9.999999740e-06, v26;
	v22 =	vperm.xlane v25, v5  }
0xbf: {  	v7 =	vsub.f32 v10, v6;
	v6 =	vsub.f32 v12, v16;
	v12 =	vshra.s32 v14, $0x1  }
0xc0: {  	v14 =	vmul.f32 $5.000000000e-01, v14;
	v26 =	vmul.f32 $5.000000000e-01, v8;
	v10 =	vadd.f32 v22, v25  }
0xc1: {  	v16 =	vmul.f32 v7, v7;
	v20 =	vmul.f32 v6, v6  }
0xc2: {  	v34 =	vmul.f32 v24, v21;
	v10 =	vmul.f32 $6.250000000e-02, v10  }
0xc3: {  	v12 =	vsub.s32 $0x5F3759DF, v12;
	v23 =	vperm.xlane v16, v2;
	v25 =	vperm.xlane v20, v2  }
0xc4: {  	v22 =	vshra.s32 v8, $0x1;
	v8 =	vsub.f32 v11, v10;
	v10 =	vmul.f32 v12, v14  }
0xc5: {  	v11 =	vperm.xlane v18, v4;
	v16 =	vadd.f32 v16, v23;
	v20 =	vadd.f32 v20, v25  }
0xc6: {  	v22 =	vsub.s32 $0x5F3759DF, v22;
	v10 =	vmul.f32 v12, v10;
	v23 =	vmul.f32 v8, v8  }
0xc7: {  	v11 =	vadd.f32 v11, v18;
	v18 =	vperm.xlane v16, v3;
	v25 =	vperm.xlane v20, v3  }
0xc8: {  	v28 =	vmul.f32 v22, v26;
	v10 =	vsub.f32 $1.500000000e+00, v10;
	v29 =	vperm.xlane v23, v2  }
0xc9: {  	v30 =	vperm.xlane v11, v5;
	v16 =	vadd.f32 v16, v18;
	v18 =	vadd.f32 v20, v25  }
0xca: {  	v20 =	vadd.f32 $9.999999740e-06, v27;
	v10 =	vmul.f32 v12, v10;
	v12 =	vadd.f32 v23, v29  }
0xcb: {  	v11 =	vadd.f32 v30, v11;
	v23 =	vperm.xlane v16, v4;
	v25 =	vperm.xlane v18, v4  }
0xcc: {  	v27 =	vshra.s32 v20, $0x1;
	v20 =	vmul.f32 $5.000000000e-01, v20;
	v29 =	vmul.f32 v10, v14  }
0xcd: {  	v30 =	vperm.xlane v12, v3;
	v11 =	vmul.f32 $6.250000000e-02, v11;
	v16 =	vadd.f32 v16, v23  }
0xce: {  	v18 =	vadd.f32 v18, v25;
	v25 =	vsub.s32 $0x5F3759DF, v27;
	v23 =	vmul.f32 v29, v10  }
0xcf: {  	v12 =	vadd.f32 v12, v30;
	v11 =	vsub.f32 v15, v11;
	v27 =	vperm.xlane v16, v5  }
0xd0: {  	v30 =	vmul.f32 v25, v20;
	v15 =	vperm.xlane v18, v5;
	v23 =	vsub.f32 $1.500000000e+00, v23  }
0xd1: {  	v29 =	vperm.xlane v12, v4;
	v31 =	vmul.f32 v11, v11  }
0xd2: {  	s23 =	simm.s32 $0x80;
	v15 =	vadd.f32 v18, v15;
	v18 =	vmul.f32 v23, v10;
	v10 =	vmul.f32 v22, v28  }
0xd3: {  	v33 =	vld [tilespmem:s23+$0x120];
	v12 =	vadd.f32 v12, v29;
	v28 =	vmul.f32 v25, v30;
	v30 =	vperm.xlane v31, v2  }
0xd4: {  	v35 =	vld [tilespmem:s23+$0x1110];
	v15 =	vmul.f32 $6.250000000e-02, v15;
	v14 =	vmul.f32 v18, v14  }
0xd5: {  	v54 =	vld [tilespmem:s23+$0x1100];
	v10 =	vsub.f32 $1.500000000e+00, v10;
	v32 =	vperm.xlane v12, v5;
	v30 =	vadd.f32 v31, v30  }
0xd6: {  	v57 =	vld [tilespmem:s23+$0x910];
	v28 =	vsub.f32 $1.500000000e+00, v28;
	v15 =	vadd.f32 $9.999999740e-06, v15;
	v14 =	vmul.f32 v14, v18  }
0xd7: {  	v31 =	vld [tilespmem:s23+$0x110];
	v22 =	vmul.f32 v22, v10;
	v37 =	vperm.xlane v30, v3;
	v12 =	vadd.f32 v12, v32  }
0xd8: {  	v29 =	vld [tilespmem:s23+$0x100];
	v25 =	vmul.f32 v25, v28;
	v36 =	vshra.s32 v15, $0x1;
	v10 =	vmul.f32 $5.000000000e-01, v15  }
0xd9: {  	v28 =	vld [tilespmem:s23+$0x1120];
	v15 =	vmul.f32 v34, v24;
	v36 =	vsub.s32 $0x5F3759DF, v36;
	v39 =	vmul.f32 v22, v26  }
0xda: {  	v53 =	vld [tilespmem:s23+$0x130];
	v30 =	vadd.f32 v30, v37;
	v14 =	vsub.f32 $1.500000000e+00, v14;
	v41 =	vmul.f32 v25, v20  }
0xdb: {  	v43 =	vmul.f32 $6.250000000e-02, v12;
	v38 =	vmul.f32 v36, v10;
	v40 =	vsub.f32 $1.500000000e+00, v15;
	v15 =	vld [tilespmem:s23+$0x1130]  }
0xdc: {  	v42 =	vld [tilespmem:s23+$0x920];
	v31 =	vadd.f32 v31, v35;
	v56 =	vmul.f32 v39, v22;
	v58 =	vperm.xlane v30, v4  }
0xdd: {  	v23 =	vld [tilespmem:s23+$0x930];
	v29 =	vadd.f32 v29, v54;
	v61 =	vmul.f32 v41, v25;
	v14 =	vmul.f32 v14, v18  }
0xde: {  	v60 =	vld [tilespmem:s23+$0x900];
	v55 =	vmul.f32 v36, v38;
	v18 =	vadd.f32 v33, v28;
	v31 =	vadd.f32 v57, v31  }
0xdf: {  	v51 =	vmul.f32 v40, v24;
	v59 =	vsub.f32 $1.500000000e+00, v56;
	v30 =	vadd.f32 v30, v58  }
0xe0: {  	v28 =	vsub.f32 $1.500000000e+00, v61;
	v14 =	vmul.f32 v14, v9;
	v15 =	vadd.f32 v53, v15  }
0xe1: {  	v12 =	vsub.f32 $1.500000000e+00, v55;
	v21 =	vmul.f32 v51, v21;
	v62 =	vmul.f32 v59, v22  }
0xe2: {  	v22 =	vperm.xlane v30, v5;
	v25 =	vmul.f32 v28, v25;
	v63 =	vadd.f32 v23, v15  }
0xe3: {  	v28 =	vadd.f32 v60, v29;
	v23 =	vmul.f32 v62, v26;
	v26 =	vadd.f32 v42, v18  }
0xe4: {  	v22 =	vadd.f32 v30, v22;
	v15 =	vmul.f32 v36, v12;
	v18 =	vperm.xlane v63, v2  }
0xe5: {  	v9 =	vld [tilespmem:$0x2900];
	v12 =	vadd.f32 v16, v27;
	v16 =	vperm.xlane v28, v2;
	v29 =	vperm.xlane v26, v2  }
0xe6: {  	v20 =	vmul.f32 v25, v20;
	v27 =	vperm.xlane v31, v2;
	v18 =	vadd.f32 v18, v63  }
0xe7: {  	v30 =	vmul.f32 v23, v62;
	v16 =	vadd.f32 v16, v28;
	v29 =	vadd.f32 v29, v26  }
0xe8: {  	v42 =	vmul.f32 v20, v25;
	v23 =	vperm.xlane v18, v3  }
0xe9: {  	v20 =	vadd.f32 v27, v31;
	v44 =	vperm.xlane v16, v3;
	v27 =	vperm.xlane v29, v3  }
0xea: {  	v21 =	vmul.f32 v21, v51;
	v45 =	vmul.f32 v14, v9;
	v18 =	vadd.f32 v23, v18  }
0xeb: {  	v14 =	vperm.xlane v20, v3;
	v16 =	vadd.f32 v44, v16;
	v23 =	vadd.f32 v27, v29  }
0xec: {  	v21 =	vsub.f32 $1.500000000e+00, v21;
	v12 =	vmul.f32 $6.250000000e-02, v12;
	v27 =	vperm.xlane v18, v4  }
0xed: {  	v29 =	vadd.f32 v14, v20;
	v20 =	vperm.xlane v16, v4;
	v14 =	vperm.xlane v23, v4  }
0xee: {  	v12 =	vadd.f32 $9.999999740e-06, v12;
	v27 =	vadd.f32 v27, v18  }
0xef: {  	v22 =	vmul.f32 $6.250000000e-02, v22;
	v16 =	vadd.f32 v20, v16;
	v14 =	vadd.f32 v14, v23  }
0xf0: {  	v23 =	vshra.s32 v12, $0x1;
	v18 =	vmul.f32 $5.000000000e-01, v12;
	v12 =	vperm.xlane v27, v5  }
0xf1: {  	v52 =	vadd.f32 $9.999999740e-06, v43;
	v22 =	vadd.f32 $9.999999740e-06, v22;
	v47 =	vperm.xlane v14, v5  }
0xf2: {  	v32 =	vmul.f32 v21, v51;
	v48 =	vperm.xlane v16, v5;
	v27 =	vadd.f32 v12, v27  }
0xf3: {  	v33 =	vsub.f32 $1.500000000e+00, v42;
	v46 =	vshra.s32 v22, $0x1;
	v14 =	vadd.f32 v47, v14  }
0xf4: {  	v22 =	vmul.f32 $5.000000000e-01, v22;
	v16 =	vadd.f32 v48, v16;
	v27 =	vmul.f32 $6.250000000e-02, v27  }
0xf5: {  	v30 =	vsub.f32 $1.500000000e+00, v30;
	v25 =	vmul.f32 v33, v25;
	v50 =	vmul.f32 $6.250000000e-02, v14  }
0xf6: {  	v35 =	vsub.s32 $0x5F3759DF, v46;
	v16 =	vmul.f32 $6.250000000e-02, v16;
	v14 =	vsub.f32 v63, v27  }
0xf7: {  	v25 =	vmul.f32 v25, v13;
	v49 =	vperm.xlane v29, v4;
	v13 =	vsub.f32 v26, v50  }
0xf8: {  	v16 =	vsub.f32 v28, v16;
	v28 =	vmul.f32 v35, v22;
	v26 =	vmul.f32 v14, v14  }
0xf9: {  	v27 =	vmul.f32 v30, v62;
	v30 =	vmul.f32 v13, v13  }
0xfa: {  	v57 =	vshra.s32 v52, $0x1;
	v17 =	vmul.f32 v32, v17;
	v24 =	vperm.xlane v26, v2  }
0xfb: {  	v29 =	vadd.f32 v49, v29;
	v28 =	vmul.f32 v35, v28;
	v53 =	vperm.xlane v30, v2  }
0xfc: {  	v25 =	vmul.f32 v25, v9;
	v55 =	vmul.f32 v16, v16;
	v24 =	vadd.f32 v26, v24  }
0xfd: {  	v54 =	vperm.xlane v29, v5;
	v12 =	vld [tilespmem:$0x2910];
	v26 =	vsub.f32 $1.500000000e+00, v28;
	v30 =	vadd.f32 v30, v53  }
0xfe: {  	v20 =	vsub.s32 $0x5F3759DF, v23;
	v58 =	vperm.xlane v55, v2;
	v56 =	vperm.xlane v24, v3  }
0xff: {  	v28 =	vmul.f32 v35, v26;
	v26 =	vadd.f32 v54, v29;
	v29 =	vperm.xlane v30, v3  }
0x100: {  	v23 =	vmul.f32 v20, v18;
	v27 =	vmul.f32 v27, v19;
	v59 =	vadd.f32 v55, v58  }
0x101: {  	v19 =	vmul.f32 $5.000000000e-01, v52;
	v34 =	vadd.f32 v24, v56;
	v29 =	vadd.f32 v30, v29  }
0x102: {  	v25 =	vadd.f32 v25, v12;
	v38 =	vperm.xlane v59, v3;
	v61 =	vmul.f32 v28, v22  }
0x103: {  	v36 =	vadd.f32 v45, v12;
	v30 =	vperm.xlane v34, v4;
	v60 =	vperm.xlane v29, v4  }
0x104: {  	v24 =	vmul.f32 v27, v9;
	v27 =	vsub.s32 $0x5F3759DF, v57;
	v62 =	vmul.f32 $6.250000000e-02, v26  }
0x105: {  	v63 =	vmul.f32 v61, v28;
	v21 =	vadd.f32 v34, v30;
	v30 =	vadd.f32 v29, v60  }
0x106: {  	[tilespmem:s26+$0x1900] =	vst v25;
	v26 =	vmul.f32 v17, v9;
	v17 =	vsub.f32 v31, v62;
	v29 =	vadd.f32 v59, v38  }
0x107: {  	s3 =	simm.s32 $0x300;
	[tilespmem:s26+$0x1910] =	vst v36;
	v31 =	vsub.f32 $1.500000000e+00, v63;
	v25 =	vperm.xlane v21, v5;
	v32 =	vperm.xlane v30, v5  }
.LBB2_5:
0x108: {  	s9 =	sshra.s32 s3, $0x2;
	p1 =	sne.s32 s3, $0x1F00;
	s3 =	sadd.s32 $0x100, s3;
	v33 =	vperm.xlane v29, v4;
	v34 =	vmul.f32 v27, v19;
	v24 =	vadd.f32 v24, v12  }
0x109: {  	v35 =	vld [tilespmem:s9+$0x930];
	v36 =	vmul.f32 v17, v17;
	v30 =	vadd.f32 v30, v32;
	v28 =	vmul.f32 v31, v28  }
0x10a: {  	v23 =	vmul.f32 v20, v23;
	v31 =	vld [tilespmem:s9+$0x900];
	v29 =	vadd.f32 v29, v33;
	v32 =	vmul.f32 v27, v34;
	[tilespmem:s26+$0x1930] =	vst v24  }
0x10b: {  	v26 =	vadd.f32 v26, v12;
	v33 =	vld [tilespmem:s9+$0x910];
	v24 =	vmul.f32 $6.250000000e-02, v30;
	v22 =	vmul.f32 v28, v22  }
0x10c: {  	v23 =	vsub.f32 $1.500000000e+00, v23;
	v37 =	vperm.xlane v36, v2;
	v30 =	vld [tilespmem:s9+$0x100];
	v34 =	vperm.xlane v29, v5  }
0x10d: {  	v39 =	vmul.f32 v15, v10;
	v38 =	vld [tilespmem:s9+$0x120];
	v24 =	vadd.f32 $9.999999740e-06, v24;
	v22 =	vmul.f32 v22, v28;
	[tilespmem:s26+$0x1920] =	vst v26;
	s26 =	smov.u32 s14;
	s14 =	smov.u32 s23;
	s23 =	smov.u32 s9  }
0x10e: {  	v20 =	vmul.f32 v20, v23;
	v40 =	vld [tilespmem:s23+$0x1110];
	v29 =	vadd.f32 v29, v34;
	v34 =	vadd.f32 v36, v37  }
0x10f: {  	v36 =	vmul.f32 v39, v15;
	v23 =	vld [tilespmem:s23+$0x110];
	v26 =	vshra.s32 v24, $0x1;
	v24 =	vmul.f32 $5.000000000e-01, v24  }
0x110: {  	v32 =	vsub.f32 $1.500000000e+00, v32;
	v37 =	vld [tilespmem:s23+$0x130];
	v39 =	vperm.xlane v34, v3;
	v41 =	vsub.s32 $0x5F3759DF, v26  }
0x111: {  	v26 =	vsub.f32 $1.500000000e+00, v36;
	v36 =	vmul.f32 v20, v18;
	v42 =	vld [tilespmem:s23+$0x1100];
	v43 =	vmul.f32 v41, v24  }
0x112: {  	v27 =	vmul.f32 v27, v32;
	v22 =	vsub.f32 $1.500000000e+00, v22;
	v44 =	vld [tilespmem:s23+$0x1130];
	v34 =	vadd.f32 v34, v39  }
0x113: {  	v36 =	vmul.f32 v36, v20;
	v32 =	vld [tilespmem:s23+$0x1120];
	v39 =	vmul.f32 v41, v43  }
0x114: {  	v43 =	vmul.f32 v27, v19;
	v23 =	vadd.f32 v23, v40;
	v40 =	vperm.xlane v34, v4  }
0x115: {  	v29 =	vmul.f32 $6.250000000e-02, v29;
	v36 =	vsub.f32 $1.500000000e+00, v36;
	v45 =	vld [tilespmem:s23+$0x920];
	v39 =	vsub.f32 $1.500000000e+00, v39  }
0x116: {  	v30 =	vadd.f32 v30, v42;
	v34 =	vadd.f32 v34, v40;
	v40 =	vmul.f32 v43, v27  }
0x117: {  	v22 =	vmul.f32 v22, v28;
	v28 =	vmul.f32 v36, v20;
	v37 =	vadd.f32 v37, v44  }
0x118: {  	v20 =	vadd.f32 v38, v32;
	v32 =	vperm.xlane v34, v5;
	v36 =	vsub.f32 $1.500000000e+00, v40  }
0x119: {  	v22 =	vmul.f32 v22, v11;
	v11 =	vmovc v17;
	v18 =	vmul.f32 v28, v18;
	v35 =	vadd.f32 v35, v37  }
0x11a: {  	v17 =	vadd.f32 v33, v23;
	v33 =	vadd.f32 v45, v20;
	v27 =	vmul.f32 v36, v27  }
0x11b: {  	v30 =	vadd.f32 v31, v30;
	v23 =	vadd.f32 v34, v32;
	v20 =	vperm.xlane v35, v2  }
0x11c: {  	v21 =	vadd.f32 v21, v25;
	v32 =	vmul.f32 v41, v39;
	v31 =	vperm.xlane v33, v2  }
0x11d: {  	v25 =	vperm.xlane v30, v2;
	v19 =	vmul.f32 v27, v19;
	v20 =	vadd.f32 v20, v35  }
0x11e: {  	v34 =	vperm.xlane v17, v2;
	v36 =	vmul.f32 v18, v28;
	v31 =	vadd.f32 v31, v33  }
0x11f: {  	v18 =	vadd.f32 v25, v30;
	v19 =	vmul.f32 v19, v27;
	v25 =	vperm.xlane v20, v3  }
0x120: {  	v34 =	vadd.f32 v34, v17;
	v23 =	vmul.f32 $6.250000000e-02, v23;
	v37 =	vperm.xlane v31, v3  }
0x121: {  	v38 =	vperm.xlane v18, v3;
	v20 =	vadd.f32 v25, v20;
	v25 =	vmul.f32 v22, v9  }
0x122: {  	v21 =	vmul.f32 $6.250000000e-02, v21;
	v22 =	vperm.xlane v34, v3;
	v31 =	vadd.f32 v37, v31  }
0x123: {  	v23 =	vadd.f32 $9.999999740e-06, v23;
	v37 =	vadd.f32 v38, v18;
	v18 =	vperm.xlane v20, v4  }
0x124: {  	v21 =	vadd.f32 $9.999999740e-06, v21;
	v34 =	vadd.f32 v22, v34;
	v22 =	vperm.xlane v31, v4  }
0x125: {  	v40 =	vshra.s32 v23, $0x1;
	v38 =	vperm.xlane v37, v4;
	v39 =	vadd.f32 v18, v20  }
0x126: {  	v20 =	vshra.s32 v21, $0x1;
	v18 =	vmul.f32 $5.000000000e-01, v21;
	v31 =	vadd.f32 v22, v31  }
0x127: {  	v21 =	vadd.f32 v38, v37;
	v22 =	vmul.f32 $5.000000000e-01, v23;
	v37 =	vperm.xlane v39, v5  }
0x128: {  	v19 =	vsub.f32 $1.500000000e+00, v19;
	v20 =	vsub.s32 $0x5F3759DF, v20;
	v38 =	vperm.xlane v31, v5  }
0x129: {  	v23 =	vmul.f32 v20, v18;
	v41 =	vperm.xlane v21, v5;
	v37 =	vadd.f32 v37, v39  }
0x12a: {  	v19 =	vmul.f32 v19, v27;
	v39 =	vperm.xlane v34, v4;
	v31 =	vadd.f32 v38, v31  }
0x12b: {  	v36 =	vsub.f32 $1.500000000e+00, v36;
	v21 =	vadd.f32 v41, v21;
	v27 =	vmul.f32 $6.250000000e-02, v37  }
0x12c: {  	v19 =	vmul.f32 v19, v8;
	v8 =	vmovc v16;
	v37 =	vsub.s32 $0x5F3759DF, v40;
	v31 =	vmul.f32 $6.250000000e-02, v31  }
0x12d: {  	v16 =	vmul.f32 $6.250000000e-02, v21;
	v21 =	vsub.f32 v35, v27;
	v27 =	vmul.f32 v36, v28  }
0x12e: {  	v19 =	vmul.f32 v19, v9;
	v34 =	vadd.f32 v39, v34;
	v31 =	vsub.f32 v33, v31  }
0x12f: {  	v16 =	vsub.f32 v30, v16;
	v30 =	vmul.f32 v37, v22;
	v28 =	vmul.f32 v21, v21  }
0x130: {  	v26 =	vmul.f32 v26, v15;
	v15 =	vmovc v32;
	v19 =	vadd.f32 v19, v12;
	v33 =	vmul.f32 v31, v31  }
0x131: {  	v29 =	vadd.f32 $9.999999740e-06, v29;
	v30 =	vmul.f32 v37, v30;
	v32 =	vperm.xlane v28, v2  }
0x132: {  	v35 =	vperm.xlane v33, v2;
	[tilespmem:s26+$0x1900] =	vst v19;
	v19 =	vadd.f32 v25, v12;
	v25 =	vmul.f32 v26, v10  }
0x133: {  	v36 =	vperm.xlane v34, v5;
	v10 =	vmovc v24;
	v32 =	vadd.f32 v28, v32;
	v28 =	vsub.f32 $1.500000000e+00, v30  }
0x134: {  	v30 =	vmul.f32 v16, v16;
	v24 =	vadd.f32 v33, v35;
	[tilespmem:s26+$0x1910] =	vst v19;
	v19 =	vmul.f32 v25, v26  }
0x135: {  	v33 =	vshra.s32 v29, $0x1;
	v25 =	vperm.xlane v32, v3;
	v28 =	vmul.f32 v37, v28  }
0x136: {  	v34 =	vadd.f32 v36, v34;
	v27 =	vmul.f32 v27, v7;
	v7 =	vmovc v14;
	v35 =	vperm.xlane v24, v3  }
0x137: {  	v14 =	vmovc v21;
	v36 =	vperm.xlane v30, v2;
	v25 =	vadd.f32 v32, v25;
	v32 =	vsub.f32 $1.500000000e+00, v19  }
0x138: {  	v19 =	vmul.f32 $5.000000000e-01, v29;
	v35 =	vadd.f32 v24, v35;
	v24 =	vmul.f32 v27, v9  }
0x139: {  	v29 =	vadd.f32 v30, v36;
	v21 =	vperm.xlane v25, v4;
	v26 =	vmul.f32 v32, v26  }
.Ltmp1:
0x13a: {  	v27 =	vsub.s32 $0x5F3759DF, v33;
	v32 =	vmul.f32 v28, v22;
	v30 =	vperm.xlane v35, v4;
	(pc) =	sbr.rel @p1 .LBB2_5-.Ltmp1, $4  }
0x13b: {  	v33 =	vperm.xlane v29, v3;
	v21 =	vadd.f32 v25, v21;
	v26 =	vmul.f32 v26, v6;
	v6 =	vmovc v13  }
0x13c: {  	v34 =	vmul.f32 $6.250000000e-02, v34;
	v13 =	vmovc v31;
	v30 =	vadd.f32 v35, v30;
	v35 =	vmul.f32 v32, v28  }
0x13d: {  	v29 =	vadd.f32 v29, v33;
	v25 =	vperm.xlane v21, v5;
	v26 =	vmul.f32 v26, v9  }
0x13e: {  	v17 =	vsub.f32 v17, v34;
	v32 =	vperm.xlane v30, v5;
	v31 =	vsub.f32 $1.500000000e+00, v35  }
0x13f: {  	_ = 	snop  }
0x140: {  	v33 =	vmul.f32 v17, v17  }
0x141: {  	v45 =	vmul.f32 v27, v19;
	v46 =	vperm.xlane v29, v4  }
0x142: {  	v23 =	vmul.f32 v20, v23;
	v34 =	vperm.xlane v33, v2  }
0x143: {  	v55 =	vmul.f32 v15, v10;
	v21 =	vadd.f32 v21, v25;
	v30 =	vadd.f32 v30, v32  }
0x144: {  	v28 =	vmul.f32 v31, v28;
	v29 =	vadd.f32 v29, v46;
	v33 =	vadd.f32 v33, v34  }
0x145: {  	v23 =	vsub.f32 $1.500000000e+00, v23;
	v21 =	vmul.f32 $6.250000000e-02, v21;
	v30 =	vmul.f32 $6.250000000e-02, v30  }
0x146: {  	v22 =	vmul.f32 v28, v22;
	v35 =	vperm.xlane v33, v3  }
0x147: {  	v49 =	vperm.xlane v29, v5;
	v51 =	vmul.f32 v20, v23;
	v21 =	vadd.f32 $9.999999740e-06, v21  }
0x148: {  	v34 =	vmul.f32 v27, v45;
	v30 =	vadd.f32 $9.999999740e-06, v30;
	v47 =	vadd.f32 v33, v35  }
0x149: {  	v22 =	vmul.f32 v22, v28;
	v29 =	vadd.f32 v29, v49;
	v53 =	vmul.f32 v51, v18  }
0x14a: {  	v63 =	vshra.s32 v21, $0x1;
	v48 =	vsub.f32 $1.500000000e+00, v34;
	v33 =	vperm.xlane v47, v4  }
0x14b: {  	v21 =	vmul.f32 $5.000000000e-01, v21;
	v31 =	vmul.f32 $5.000000000e-01, v30;
	v30 =	vshra.s32 v30, $0x1  }
0x14c: {  	v37 =	vsub.s32 $0x5F3759DF, v63;
	v50 =	vmul.f32 v27, v48;
	v52 =	vadd.f32 v47, v33  }
0x14d: {  	v22 =	vsub.f32 $1.500000000e+00, v22;
	v29 =	vmul.f32 $6.250000000e-02, v29;
	v39 =	vmul.f32 v37, v21  }
0x14e: {  	v30 =	vsub.s32 $0x5F3759DF, v30;
	v32 =	vmul.f32 v50, v19;
	v54 =	vperm.xlane v52, v5  }
0x14f: {  	v56 =	vmul.f32 v30, v31;
	v35 =	vmul.f32 v55, v15  }
0x150: {  	v22 =	vmul.f32 v22, v28;
	v32 =	vmul.f32 v32, v50;
	v23 =	vadd.f32 v52, v54  }
0x151: {  	v60 =	vadd.f32 $9.999999740e-06, v29;
	v40 =	vmul.f32 v37, v39;
	v34 =	vmul.f32 v30, v56  }
0x152: {  	v11 =	vmul.f32 v22, v11;
	v32 =	vsub.f32 $1.500000000e+00, v32;
	v23 =	vmul.f32 $6.250000000e-02, v23  }
0x153: {  	v35 =	vsub.f32 $1.500000000e+00, v35;
	v29 =	vshra.s32 v60, $0x1;
	v33 =	vmul.f32 v53, v51  }
0x154: {  	v29 =	vsub.s32 $0x5F3759DF, v29;
	v27 =	vmul.f32 v32, v50;
	v59 =	vadd.f32 $9.999999740e-06, v23  }
0x155: {  	v41 =	vmul.f32 v35, v15;
	v33 =	vsub.f32 $1.500000000e+00, v33;
	v23 =	vmul.f32 $5.000000000e-01, v60  }
0x156: {  	v58 =	vmul.f32 v27, v19;
	v62 =	vshra.s32 v59, $0x1;
	v22 =	vmul.f32 $5.000000000e-01, v59  }
0x157: {  	v44 =	vmul.f32 v41, v10;
	v36 =	vmul.f32 v29, v23;
	v28 =	vsub.s32 $0x5F3759DF, v62  }
0x158: {  	v57 =	vsub.f32 $1.500000000e+00, v34;
	v19 =	vmul.f32 v58, v27;
	v38 =	vmul.f32 v28, v22  }
0x159: {  	v20 =	vmul.f32 v33, v51;
	v33 =	vmul.f32 v29, v36  }
0x15a: {  	v25 =	vmul.f32 v30, v57;
	v19 =	vsub.f32 $1.500000000e+00, v19;
	v32 =	vmul.f32 v28, v38  }
0x15b: {  	v11 =	vmul.f32 v11, v9;
	v10 =	vmul.f32 v44, v41;
	v33 =	vsub.f32 $1.500000000e+00, v33  }
0x15c: {  	v47 =	vmul.f32 v25, v31;
	v19 =	vmul.f32 v19, v27;
	v32 =	vsub.f32 $1.500000000e+00, v32  }
0x15d: {  	v42 =	vsub.f32 $1.500000000e+00, v40;
	v61 =	vmul.f32 v20, v18;
	v43 =	vmul.f32 v29, v33  }
0x15e: {  	v8 =	vmul.f32 v19, v8;
	v28 =	vmul.f32 v28, v32  }
0x15f: {  	v19 =	vmul.f32 v37, v42;
	v29 =	vmul.f32 v43, v23  }
0x160: {  	v18 =	vmul.f32 v61, v20;
	v45 =	vmul.f32 v28, v22  }
0x161: {  	v46 =	vmul.f32 v19, v21;
	v29 =	vmul.f32 v29, v43  }
0x162: {  	v10 =	vsub.f32 $1.500000000e+00, v10;
	v49 =	vmul.f32 v47, v25;
	v30 =	vmul.f32 v45, v28  }
0x163: {  	v18 =	vsub.f32 $1.500000000e+00, v18;
	v48 =	vmul.f32 v46, v19;
	v29 =	vsub.f32 $1.500000000e+00, v29  }
0x164: {  	v10 =	vmul.f32 v10, v41;
	v51 =	vsub.f32 $1.500000000e+00, v49;
	v30 =	vsub.f32 $1.500000000e+00, v30  }
0x165: {  	v18 =	vmul.f32 v18, v20;
	v20 =	vsub.f32 $1.500000000e+00, v48;
	v27 =	vmul.f32 v29, v43  }
0x166: {  	v53 =	vmul.f32 v51, v25;
	v50 =	vmul.f32 v30, v28  }
0x167: {  	v19 =	vmul.f32 v20, v19;
	v52 =	vmul.f32 v27, v23  }
0x168: {  	v6 =	vmul.f32 v10, v6;
	v22 =	vmul.f32 v50, v22  }
0x169: {  	v24 =	vadd.f32 v24, v12;
	v21 =	vmul.f32 v19, v21;
	v20 =	vmul.f32 v52, v27  }
0x16a: {  	v54 =	vadd.f32 v26, v12;
	v55 =	vmul.f32 v53, v31;
	v22 =	vmul.f32 v22, v50  }
0x16b: {  	v6 =	vmul.f32 v6, v9;
	v56 =	vmul.f32 v21, v19;
	v20 =	vsub.f32 $1.500000000e+00, v20  }
0x16c: {  	v7 =	vmul.f32 v18, v7;
	v58 =	vmul.f32 v55, v53;
	v57 =	vsub.f32 $1.500000000e+00, v22  }
0x16d: {  	v8 =	vmul.f32 v8, v9;
	v18 =	vsub.f32 $1.500000000e+00, v56;
	v20 =	vmul.f32 v20, v27  }
0x16e: {  	v7 =	vmul.f32 v7, v9;
	v59 =	vsub.f32 $1.500000000e+00, v58;
	v10 =	vmul.f32 v57, v50  }
0x16f: {  	[tilespmem:s26+$0x1930] =	vst v24;
	v11 =	vadd.f32 v11, v12;
	v18 =	vmul.f32 v18, v19;
	v16 =	vmul.f32 v20, v16  }
0x170: {  	[tilespmem:s26+$0x1920] =	vst v54;
	v6 =	vadd.f32 v6, v12;
	v15 =	vmul.f32 v59, v53;
	v10 =	vmul.f32 v10, v17  }
0x171: {  	[tilespmem:s14+$0x1910] =	vst v11;
	v7 =	vadd.f32 v7, v12;
	v14 =	vmul.f32 v18, v14;
	v60 =	vmul.f32 v16, v9  }
0x172: {  	[tilespmem:s14+$0x1920] =	vst v6;
	v8 =	vadd.f32 v8, v12;
	v61 =	vmul.f32 v15, v13;
	v10 =	vmul.f32 v10, v9  }
0x173: {  	[tilespmem:s14+$0x1930] =	vst v7;
	v62 =	vmul.f32 v14, v9;
	v7 =	vadd.f32 v60, v12  }
0x174: {  	[tilespmem:s14+$0x1900] =	vst v8;
	v63 =	vmul.f32 v61, v9;
	v6 =	vadd.f32 v10, v12  }
0x175: {  	[tilespmem:s23+$0x1900] =	vst v7;
	v7 =	vadd.f32 v62, v12  }
0x176: {  	[tilespmem:s23+$0x1910] =	vst v6;
	v6 =	vadd.f32 v63, v12  }
0x177: {  	[tilespmem:s23+$0x1930] =	vst v7  }
0x178: {  	s2 =	sadd.s32 s12, s2;
	[tilespmem:s23+$0x1920] =	vst v6  }
0x179: {  	[hbm4b:s2+s6] =	stream.linear.scatter [tilespmem:s16], [sflag:$0x4], $0x800, $0x38;
	[tilespmem:$0x7760] =	vst v63  }
0x17a: {  	_ =	swait.ge [sflag:s15], $0x800  }
0x17b: {  	[sflag:s15] =	ssyncset.done $0x0  }
0x17c: {  	[sflag:s15] =	ssyncadd.s32 $0xFFFFF800  }
0x17d: {  	[spmem:s4] =	stream.indirect.scatter.add.f32 [tilespmem:s16], [sflag:$0x4], $0x10, s17, s17, $0xb8;
	[tilespmem:$0x7760] =	vst v63  }
0x17e: {  	s0 =	sadd.s32 $0x1, s0;
	_ =	swait.ge [sflag:s15], $0x800  }
0x17f: {  	p1 =	sne.s32 s0, $0x4E;
	[sflag:s15] =	ssyncset.done $0x0  }
.Ltmp2:
0x180: {  	[sflag:s15] =	ssyncadd.s32 $0xFFFFF800;
	(pc) =	sbr.rel @p1 .LBB2_4-.Ltmp2, $4  }
0x181: {  	[spmem:s5] =	stream.indirect.scatter.add.f32 [tilespmem:s25], [sflag:$0x4], $0x10, s17, s17, $0xb8;
	[tilespmem:$0x7760] =	vst v63  }
0x182: {  	_ =	swait.ge [sflag:s15], $0x800  }
0x183: {  	[sflag:s15] =	ssyncset.done $0x0  }
0x184: {  	[sflag:s15] =	ssyncadd.s32 $0xFFFFF800  }
0x185: {  	s0 =	simm.s32 $0x0;
	s2 =	rddreg [dreg:$0x13];
	s3 =	simm.s32 $0x7740  }
0x186: {  	[tilespmem:s3], [sflag:$0x4] =	stream.linear.gather [hbm4b:s2+s0], $0x10, $0x38;
	[tilespmem:$0x7760] =	vst v63  }
0x187: {  	_ =	swait.ge [sflag:s15], $0x10  }
0x188: {  	[sflag:s15] =	ssyncset.done $0x0  }
0x189: {  	s9 =	simm.s32 $0x7750;
	s23 =	rddreg [dreg:$0x14];
	[sflag:s15] =	ssyncadd.s32 $0xFFFFFFF0  }
0x18a: {  	[tilespmem:s9], [sflag:$0x4] =	stream.linear.gather [hbm4b:s23+s0], $0x10, $0x38;
	[tilespmem:$0x7760] =	vst v63  }
0x18b: {  	_ =	swait.ge [sflag:s15], $0x10  }
0x18c: {  	[sflag:s15] =	ssyncset.done $0x0  }
0x18d: {  	s26 =	simm.s32 $0x10;
	[sflag:s15] =	ssyncadd.s32 $0xFFFFFFF0  }
0x18e: {  	[tilespmem:s18], [sflag:$0x1] =	stream.indirect.gather [hbm4b:s10+s26], $0x10, s3, s26, $0xb8;
	[tilespmem:$0x7760] =	vst v63  }
0x18f: {  	_ = 	snop  }
0x190: {  	[tilespmem:s19], [sflag:$0x2] =	stream.indirect.gather [hbm4b:s11+s26], $0x10, s9, s26, $0xb8;
	[tilespmem:$0x7760] =	vst v63  }
0x191: {  	s31 =	rddreg [dreg:$0x15]  }
0x192: {  	[tilespmem:s20], [sflag:$0x3] =	stream.linear.gather [hbm4b:s31+s0], $0x100, $0x38;
	[tilespmem:$0x7760] =	vst v63  }
0x193: {  	_ =	swait.ge [sflag:s21], $0x100  }
0x194: {  	[sflag:s21] =	ssyncset.done $0x0  }
0x195: {  	[sflag:s21] =	ssyncadd.s32 $0xFFFFFF00  }
0x196: {  	_ =	swait.ge [sflag:s22], $0x100  }
0x197: {  	[sflag:s22] =	ssyncset.done $0x0  }
0x198: {  	[sflag:s22] =	ssyncadd.s32 $0xFFFFFF00  }
0x199: {  	_ =	swait.ge [sflag:s24], $0x100  }
0x19a: {  	[sflag:s24] =	ssyncset.done $0x0  }
0x19b: {  	s0 =	simm.s32 $0x0;
	[sflag:s24] =	ssyncadd.s32 $0xFFFFFF00  }
0x19c: {  	v6 =	vld [tilespmem:s0+$0x120]  }
0x19d: {  	v7 =	vld [tilespmem:s0+$0x1120];
	_ =	sdelay $0x1  }
0x19e: {  	v8 =	vld [tilespmem:s0+$0x920];
	_ =	sdelay $0x2  }
0x19f: {  	v6 =	vadd.f32 v6, v7  }
0x1a0: {  	v9 =	vld [tilespmem:s0+$0x1100]  }
0x1a1: {  	v7 =	vld [tilespmem:s0+$0x100];
	v6 =	vadd.f32 v8, v6  }
0x1a2: {  	v11 =	vld [tilespmem:s0+$0x130]  }
0x1a3: {  	v8 =	vld [tilespmem:s0+$0x900];
	v10 =	vperm.xlane v6, v2  }
0x1a4: {  	v12 =	vld [tilespmem:s0+$0x1130]  }
0x1a5: {  	v10 =	vadd.f32 v10, v6  }
0x1a6: {  	v7 =	vadd.f32 v7, v9;
	v9 =	vld [tilespmem:s0+$0x930]  }
0x1a7: {  	v13 =	vperm.xlane v10, v3  }
0x1a8: {  	v8 =	vadd.f32 v8, v7  }
0x1a9: {  	v11 =	vadd.f32 v11, v12;
	v7 =	vadd.f32 v13, v10  }
0x1aa: {  	v10 =	vperm.xlane v8, v2  }
0x1ab: {  	v9 =	vadd.f32 v9, v11;
	v12 =	vperm.xlane v7, v4  }
0x1ac: {  	v10 =	vadd.f32 v10, v8  }
0x1ad: {  	v11 =	vperm.xlane v9, v2;
	v7 =	vadd.f32 v12, v7  }
0x1ae: {  	v15 =	vld [tilespmem:s0+$0x1110];
	v12 =	vperm.xlane v10, v3  }
0x1af: {  	v13 =	vld [tilespmem:s0+$0x110];
	v11 =	vadd.f32 v11, v9;
	v14 =	vperm.xlane v7, v5  }
0x1b0: {  	v10 =	vadd.f32 v12, v10  }
0x1b1: {  	v12 =	vld [tilespmem:s0+$0x910];
	v7 =	vadd.f32 v14, v7;
	v14 =	vperm.xlane v11, v3  }
0x1b2: {  	v16 =	vperm.xlane v10, v4  }
0x1b3: {  	v7 =	vmul.f32 $6.250000000e-02, v7;
	v11 =	vadd.f32 v14, v11  }
0x1b4: {  	v13 =	vadd.f32 v13, v15;
	v10 =	vadd.f32 v16, v10  }
0x1b5: {  	v7 =	vsub.f32 v6, v7;
	v6 =	vperm.xlane v11, v4  }
0x1b6: {  	v12 =	vadd.f32 v12, v13;
	v14 =	vperm.xlane v10, v5  }
0x1b7: {  	v13 =	vmul.f32 v7, v7;
	v6 =	vadd.f32 v6, v11  }
0x1b8: {  	v10 =	vadd.f32 v14, v10;
	v11 =	vperm.xlane v12, v2  }
0x1b9: {  	v14 =	vperm.xlane v13, v2;
	v15 =	vperm.xlane v6, v5  }
0x1ba: {  	v10 =	vmul.f32 $6.250000000e-02, v10;
	v11 =	vadd.f32 v11, v12  }
0x1bb: {  	v13 =	vadd.f32 v13, v14;
	v14 =	vadd.f32 v15, v6  }
0x1bc: {  	v6 =	vsub.f32 v8, v10;
	v8 =	vperm.xlane v11, v3  }
0x1bd: {  	v10 =	vperm.xlane v13, v3;
	v14 =	vmul.f32 $6.250000000e-02, v14  }
0x1be: {  	v15 =	vmul.f32 v6, v6;
	v8 =	vadd.f32 v8, v11  }
0x1bf: {  	v10 =	vadd.f32 v13, v10;
	v9 =	vsub.f32 v9, v14  }
0x1c0: {  	v11 =	vperm.xlane v15, v2;
	v13 =	vperm.xlane v8, v4  }
0x1c1: {  	v14 =	vperm.xlane v10, v4;
	v16 =	vmul.f32 v9, v9  }
0x1c2: {  	v11 =	vadd.f32 v15, v11;
	v8 =	vadd.f32 v13, v8  }
0x1c3: {  	v10 =	vadd.f32 v10, v14;
	v13 =	vperm.xlane v16, v2  }
0x1c4: {  	v14 =	vperm.xlane v11, v3;
	v15 =	vperm.xlane v8, v5  }
0x1c5: {  	s2 =	simm.s32 $0x40;
	v17 =	vperm.xlane v10, v5;
	v13 =	vadd.f32 v16, v13  }
0x1c6: {  	v18 =	vld [tilespmem:s2+$0x100];
	v11 =	vadd.f32 v11, v14;
	v8 =	vadd.f32 v15, v8  }
0x1c7: {  	v20 =	vld [tilespmem:s2+$0x130];
	v10 =	vadd.f32 v10, v17;
	v15 =	vperm.xlane v13, v3  }
0x1c8: {  	v23 =	vld [tilespmem:s2+$0x120];
	v16 =	vperm.xlane v11, v4;
	v8 =	vmul.f32 $6.250000000e-02, v8  }
0x1c9: {  	v25 =	vld [tilespmem:s2+$0x1130];
	v10 =	vmul.f32 $6.250000000e-02, v10;
	v13 =	vadd.f32 v13, v15  }
0x1ca: {  	v11 =	vadd.f32 v11, v16;
	v15 =	vld [tilespmem:s2+$0x1100];
	v8 =	vsub.f32 v12, v8  }
0x1cb: {  	v14 =	vld [tilespmem:s2+$0x900];
	v10 =	vadd.f32 $9.999999740e-06, v10;
	v16 =	vperm.xlane v13, v4  }
0x1cc: {  	v17 =	vld [tilespmem:s2+$0x910];
	v19 =	vperm.xlane v11, v5;
	v22 =	vmul.f32 v8, v8  }
0x1cd: {  	v12 =	vld [tilespmem:s2+$0x110];
	v21 =	vshra.s32 v10, $0x1;
	v10 =	vmul.f32 $5.000000000e-01, v10;
	v13 =	vadd.f32 v13, v16  }
0x1ce: {  	v11 =	vadd.f32 v11, v19;
	v24 =	vperm.xlane v22, v2;
	v16 =	vsub.s32 $0x5F3759DF, v21;
	v21 =	vld [tilespmem:s2+$0x1110]  }
0x1cf: {  	v15 =	vadd.f32 v18, v15;
	v18 =	vld [tilespmem:s2+$0x1120];
	v19 =	vmul.f32 v16, v10;
	v26 =	vperm.xlane v13, v5  }
0x1d0: {  	v11 =	vmul.f32 $6.250000000e-02, v11;
	v22 =	vadd.f32 v22, v24;
	v24 =	vld [tilespmem:s2+$0x930]  }
0x1d1: {  	v20 =	vadd.f32 v20, v25;
	v19 =	vmul.f32 v16, v19;
	v13 =	vadd.f32 v13, v26;
	v26 =	vld [tilespmem:s2+$0x920]  }
0x1d2: {  	v15 =	vadd.f32 v14, v15;
	v11 =	vadd.f32 $9.999999740e-06, v11;
	v14 =	vperm.xlane v22, v3  }
0x1d3: {  	v19 =	vsub.f32 $1.500000000e+00, v19;
	v12 =	vadd.f32 v12, v21  }
0x1d4: {  	v21 =	vadd.f32 v22, v14;
	v18 =	vadd.f32 v23, v18;
	v22 =	vperm.xlane v15, v2  }
0x1d5: {  	v13 =	vmul.f32 $6.250000000e-02, v13;
	v20 =	vadd.f32 v24, v20;
	v14 =	vadd.f32 v17, v12  }
0x1d6: {  	v12 =	vmul.f32 $5.000000000e-01, v11;
	v17 =	vperm.xlane v21, v4;
	v18 =	vadd.f32 v26, v18  }
0x1d7: {  	v11 =	vshra.s32 v11, $0x1;
	v19 =	vmul.f32 v16, v19;
	v24 =	vperm.xlane v20, v2  }
0x1d8: {  	v17 =	vadd.f32 v21, v17;
	v21 =	vadd.f32 v22, v15;
	v22 =	vperm.xlane v18, v2  }
0x1d9: {  	v13 =	vadd.f32 $9.999999740e-06, v13;
	v23 =	vperm.xlane v14, v2;
	v16 =	vadd.f32 v24, v20  }
0x1da: {  	v24 =	vperm.xlane v17, v5;
	v25 =	vperm.xlane v21, v3;
	v22 =	vadd.f32 v22, v18  }
0x1db: {  	v11 =	vsub.s32 $0x5F3759DF, v11;
	v23 =	vadd.f32 v23, v14;
	v27 =	vperm.xlane v16, v3  }
0x1dc: {  	v17 =	vadd.f32 v17, v24;
	v21 =	vadd.f32 v25, v21;
	v24 =	vperm.xlane v22, v3  }
0x1dd: {  	v29 =	vmul.f32 $5.000000000e-01, v13;
	v26 =	vperm.xlane v23, v3;
	v16 =	vadd.f32 v27, v16  }
0x1de: {  	v25 =	vmul.f32 v11, v12;
	v27 =	vperm.xlane v21, v4;
	v22 =	vadd.f32 v24, v22  }
0x1df: {  	v17 =	vmul.f32 $6.250000000e-02, v17;
	v28 =	vperm.xlane v16, v4  }
0x1e0: {  	v25 =	vmul.f32 v11, v25;
	v21 =	vadd.f32 v27, v21;
	v27 =	vperm.xlane v22, v4  }
0x1e1: {  	v24 =	vmul.f32 v19, v10;
	v17 =	vadd.f32 $9.999999740e-06, v17;
	v16 =	vadd.f32 v28, v16  }
0x1e2: {  	v28 =	vshra.s32 v13, $0x1;
	v13 =	vperm.xlane v21, v5;
	v22 =	vadd.f32 v27, v22  }
0x1e3: {  	v25 =	vsub.f32 $1.500000000e+00, v25;
	v31 =	vmul.f32 $5.000000000e-01, v17;
	v30 =	vperm.xlane v16, v5  }
0x1e4: {  	v27 =	vshra.s32 v17, $0x1;
	v13 =	vadd.f32 v13, v21;
	v17 =	vperm.xlane v22, v5  }
0x1e5: {  	v21 =	vsub.s32 $0x5F3759DF, v28;
	v27 =	vsub.s32 $0x5F3759DF, v27;
	v16 =	vadd.f32 v30, v16  }
0x1e6: {  	v28 =	vmul.f32 v21, v29;
	v13 =	vmul.f32 $6.250000000e-02, v13;
	v22 =	vadd.f32 v17, v22  }
0x1e7: {  	v30 =	vmul.f32 v27, v31;
	v16 =	vmul.f32 $6.250000000e-02, v16  }
0x1e8: {  	v17 =	vmul.f32 v11, v25;
	v13 =	vsub.f32 v15, v13;
	v11 =	vmul.f32 $6.250000000e-02, v22  }
0x1e9: {  	v22 =	vmul.f32 v24, v19;
	v15 =	vsub.f32 v20, v16;
	v20 =	vmul.f32 v27, v30  }
0x1ea: {  	v24 =	vmul.f32 v21, v28;
	v16 =	vsub.f32 v18, v11;
	v11 =	vmul.f32 v17, v12  }
0x1eb: {  	v18 =	vmul.f32 v13, v13;
	v25 =	vmul.f32 v15, v15;
	v20 =	vsub.f32 $1.500000000e+00, v20  }
0x1ec: {  	v24 =	vsub.f32 $1.500000000e+00, v24;
	v28 =	vmul.f32 v16, v16;
	v11 =	vmul.f32 v11, v17  }
0x1ed: {  	v22 =	vsub.f32 $1.500000000e+00, v22;
	v30 =	vperm.xlane v25, v2;
	v20 =	vmul.f32 v27, v20  }
0x1ee: {  	v26 =	vadd.f32 v26, v23;
	v27 =	vmul.f32 v21, v24;
	v23 =	vperm.xlane v28, v2  }
0x1ef: {  	v21 =	vmul.f32 v22, v19;
	v19 =	vperm.xlane v18, v2;
	v24 =	vadd.f32 v25, v30  }
0x1f0: {  	v25 =	vmul.f32 v20, v31;
	v22 =	vadd.f32 v28, v23;
	v28 =	vmul.f32 v27, v29  }
0x1f1: {  	v10 =	vmul.f32 v21, v10;
	v23 =	vsub.f32 $1.500000000e+00, v11;
	v11 =	vperm.xlane v24, v3  }
0x1f2: {  	v30 =	vadd.f32 v18, v19;
	v18 =	vperm.xlane v22, v3;
	v19 =	vmul.f32 v28, v27  }
0x1f3: {  	v28 =	vperm.xlane v26, v4;
	v11 =	vadd.f32 v24, v11;
	v24 =	vmul.f32 v25, v20  }
0x1f4: {  	v10 =	vmul.f32 v10, v21;
	v22 =	vadd.f32 v22, v18;
	v18 =	vsub.f32 $1.500000000e+00, v19  }
0x1f5: {  	v25 =	vadd.f32 v28, v26;
	v26 =	vperm.xlane v11, v4;
	v28 =	vsub.f32 $1.500000000e+00, v24  }
0x1f6: {  	v24 =	vsub.f32 $1.500000000e+00, v10;
	v32 =	vperm.xlane v22, v4;
	v19 =	vmul.f32 v18, v27  }
0x1f7: {  	v10 =	vperm.xlane v25, v5;
	v11 =	vadd.f32 v11, v26;
	v18 =	vmul.f32 v28, v20  }
0x1f8: {  	v20 =	vperm.xlane v30, v3;
	v26 =	vadd.f32 v22, v32;
	v22 =	vmul.f32 v19, v29  }
0x1f9: {  	v27 =	vadd.f32 v10, v25;
	v28 =	vperm.xlane v11, v5;
	v29 =	vmul.f32 v18, v31  }
0x1fa: {  	v25 =	vadd.f32 v30, v20;
	v30 =	vperm.xlane v26, v5;
	v31 =	vmul.f32 v22, v19  }
0x1fb: {  	v10 =	vld [tilespmem:$0x2900];
	v27 =	vmul.f32 $6.250000000e-02, v27;
	v20 =	vadd.f32 v11, v28;
	v22 =	vmul.f32 v29, v18  }
0x1fc: {  	s3 =	simm.s32 $0x200;
	v11 =	vld [tilespmem:$0x2910];
	v28 =	vperm.xlane v25, v4;
	v29 =	vadd.f32 v26, v30;
	v26 =	vsub.f32 $1.500000000e+00, v31  }
.LBB2_8:
0x1fd: {  	s14 =	sshra.s32 s3, $0x2;
	p1 =	sne.s32 s3, $0x300;
	s3 =	sadd.s32 $0x100, s3;
	v17 =	vmul.f32 v23, v17;
	v21 =	vmul.f32 v24, v21  }
0x1fe: {  	v23 =	vld [tilespmem:s14+$0x900];
	v24 =	vadd.f32 v25, v28;
	v25 =	vmul.f32 $6.250000000e-02, v29;
	v19 =	vmul.f32 v26, v19  }
0x1ff: {  	v26 =	vld [tilespmem:s14+$0x910];
	v12 =	vmul.f32 v17, v12;
	v21 =	vmul.f32 v21, v7;
	v7 =	vmov v16  }
0x200: {  	v16 =	vld [tilespmem:s14+$0x100];
	v28 =	vperm.xlane v24, v5;
	v25 =	vadd.f32 $9.999999740e-06, v25;
	v29 =	vmul.f32 v19, v9;
	v9 =	vmovc v15  }
0x201: {  	v14 =	vsub.f32 v14, v27;
	v15 =	vld [tilespmem:s14+$0x1100];
	v12 =	vmul.f32 v12, v17;
	v21 =	vmul.f32 v21, v10  }
0x202: {  	v27 =	vld [tilespmem:s14+$0x110];
	v24 =	vadd.f32 v24, v28;
	v28 =	vshra.s32 v25, $0x1;
	v19 =	vmul.f32 $5.000000000e-01, v25  }
0x203: {  	v30 =	vmul.f32 v14, v14;
	v25 =	vld [tilespmem:s14+$0x130];
	v28 =	vsub.s32 $0x5F3759DF, v28;
	v21 =	vadd.f32 v21, v11  }
0x204: {  	v29 =	vmul.f32 v29, v10;
	v12 =	vsub.f32 $1.500000000e+00, v12;
	v31 =	vld [tilespmem:s14+$0x120];
	v32 =	vmul.f32 v28, v19  }
0x205: {  	v22 =	vsub.f32 $1.500000000e+00, v22;
	v34 =	vperm.xlane v30, v2;
	v24 =	vmul.f32 $6.250000000e-02, v24;
	v33 =	vld [tilespmem:s14+$0x1110];
	[tilespmem:s0+$0x1920] =	vst v21  }
0x206: {  	v12 =	vmul.f32 v12, v17;
	v15 =	vadd.f32 v16, v15;
	v16 =	vld [tilespmem:s14+$0x1130];
	v21 =	vmul.f32 v28, v32  }
0x207: {  	v18 =	vmul.f32 v22, v18;
	v30 =	vadd.f32 v30, v34;
	v22 =	vadd.f32 v29, v11;
	v17 =	vld [tilespmem:s14+$0x1120]  }
0x208: {  	v24 =	vadd.f32 $9.999999740e-06, v24;
	v29 =	vmul.f32 v12, v6;
	v6 =	vmovc v13;
	v15 =	vadd.f32 v23, v15;
	v23 =	vld [tilespmem:s14+$0x930]  }
0x209: {  	v18 =	vmul.f32 v18, v8;
	v8 =	vmovc v14;
	v32 =	vperm.xlane v30, v3;
	v21 =	vsub.f32 $1.500000000e+00, v21;
	v13 =	vld [tilespmem:s14+$0x920];
	[tilespmem:s0+$0x1930] =	vst v22  }
0x20a: {  	v22 =	vperm.xlane v15, v2;
	v14 =	vadd.f32 v27, v33;
	v27 =	vshra.s32 v24, $0x1  }
0x20b: {  	v12 =	vmul.f32 $5.000000000e-01, v24;
	v24 =	vadd.f32 v30, v32;
	v16 =	vadd.f32 v25, v16  }
0x20c: {  	v25 =	vsub.s32 $0x5F3759DF, v27;
	v14 =	vadd.f32 v26, v14;
	v17 =	vadd.f32 v31, v17  }
0x20d: {  	v18 =	vmul.f32 v18, v10;
	v16 =	vadd.f32 v23, v16;
	v23 =	vperm.xlane v24, v4  }
0x20e: {  	v21 =	vmul.f32 v28, v21;
	v26 =	vperm.xlane v14, v2;
	v27 =	vadd.f32 v13, v17  }
0x20f: {  	v18 =	vadd.f32 v18, v11;
	v13 =	vperm.xlane v16, v2;
	v17 =	vadd.f32 v24, v23  }
0x210: {  	v22 =	vadd.f32 v22, v15;
	v24 =	vmul.f32 v29, v10;
	v23 =	vperm.xlane v27, v2  }
0x211: {  	v26 =	vadd.f32 v26, v14;
	v13 =	vadd.f32 v13, v16;
	v28 =	vperm.xlane v17, v5;
	[tilespmem:s0+$0x1910] =	vst v18  }
0x212: {  	v18 =	vperm.xlane v22, v3;
	v24 =	vadd.f32 v24, v11;
	v23 =	vadd.f32 v23, v27  }
0x213: {  	v29 =	vperm.xlane v26, v3;
	v30 =	vperm.xlane v13, v3;
	v17 =	vadd.f32 v17, v28  }
0x214: {  	v18 =	vadd.f32 v18, v22;
	v28 =	vmul.f32 v25, v12;
	v22 =	vperm.xlane v23, v3;
	[tilespmem:s0+$0x1900] =	vst v24;
	s0 =	smov.u32 s2;
	s2 =	smov.u32 s14  }
0x215: {  	v20 =	vmul.f32 $6.250000000e-02, v20;
	v13 =	vadd.f32 v30, v13;
	v17 =	vmul.f32 $6.250000000e-02, v17  }
0x216: {  	v24 =	vperm.xlane v18, v4;
	v22 =	vadd.f32 v22, v23;
	v23 =	vmul.f32 v21, v19  }
0x217: {  	v20 =	vadd.f32 $9.999999740e-06, v20;
	v28 =	vmul.f32 v25, v28;
	v30 =	vperm.xlane v13, v4  }
0x218: {  	v18 =	vadd.f32 v24, v18;
	v17 =	vadd.f32 $9.999999740e-06, v17;
	v24 =	vperm.xlane v22, v4  }
0x219: {  	v13 =	vadd.f32 v30, v13;
	v30 =	vshra.s32 v20, $0x1;
	v20 =	vmul.f32 $5.000000000e-01, v20  }
0x21a: {  	v31 =	vperm.xlane v18, v5;
	v22 =	vadd.f32 v24, v22;
	v24 =	vshra.s32 v17, $0x1  }
0x21b: {  	v28 =	vsub.f32 $1.500000000e+00, v28;
	v33 =	vmul.f32 $5.000000000e-01, v17;
	v32 =	vperm.xlane v13, v5  }
0x21c: {  	v30 =	vsub.s32 $0x5F3759DF, v30;
	v17 =	vadd.f32 v31, v18;
	v18 =	vperm.xlane v22, v5  }
0x21d: {  	v24 =	vsub.s32 $0x5F3759DF, v24;
	v31 =	vmul.f32 v30, v20;
	v13 =	vadd.f32 v32, v13  }
0x21e: {  	v32 =	vmul.f32 $6.250000000e-02, v17;
	v18 =	vadd.f32 v18, v22;
	v22 =	vmul.f32 v24, v33  }
0x21f: {  	v26 =	vadd.f32 v29, v26;
	v17 =	vmul.f32 v25, v28;
	v29 =	vmul.f32 $6.250000000e-02, v13  }
0x220: {  	v23 =	vmul.f32 v23, v21;
	v13 =	vsub.f32 v15, v32;
	v18 =	vmul.f32 $6.250000000e-02, v18  }
0x221: {  	v25 =	vmul.f32 v30, v31;
	v22 =	vmul.f32 v24, v22;
	v15 =	vsub.f32 v16, v29  }
0x222: {  	v28 =	vmul.f32 v13, v13;
	v16 =	vsub.f32 v27, v18;
	v18 =	vmul.f32 v17, v12  }
0x223: {  	v29 =	vsub.f32 $1.500000000e+00, v23;
	v22 =	vsub.f32 $1.500000000e+00, v22;
	v27 =	vmul.f32 v15, v15  }
0x224: {  	v25 =	vsub.f32 $1.500000000e+00, v25;
	v31 =	vmul.f32 v16, v16;
	v18 =	vmul.f32 v18, v17  }
0x225: {  	v22 =	vmul.f32 v24, v22;
	v32 =	vperm.xlane v27, v2  }
0x226: {  	v24 =	vperm.xlane v31, v2;
	v23 =	vsub.f32 $1.500000000e+00, v18;
	v18 =	vmul.f32 v30, v25  }
0x227: {  	v21 =	vmul.f32 v29, v21;
	v25 =	vadd.f32 v27, v32;
	v27 =	vmul.f32 v22, v33  }
0x228: {  	v29 =	vperm.xlane v28, v2;
	v24 =	vadd.f32 v31, v24;
	v30 =	vmul.f32 v18, v20  }
0x229: {  	v19 =	vmul.f32 v21, v19;
	v31 =	vperm.xlane v25, v3  }
0x22a: {  	v28 =	vadd.f32 v28, v29;
	v29 =	vperm.xlane v24, v3;
	v30 =	vmul.f32 v30, v18  }
0x22b: {  	v32 =	vperm.xlane v26, v4;
	v27 =	vmul.f32 v27, v22;
	v25 =	vadd.f32 v25, v31  }
0x22c: {  	v19 =	vmul.f32 v19, v21;
	v29 =	vadd.f32 v24, v29;
	v30 =	vsub.f32 $1.500000000e+00, v30  }
0x22d: {  	v26 =	vadd.f32 v32, v26;
	v27 =	vsub.f32 $1.500000000e+00, v27;
	v31 =	vperm.xlane v25, v4  }
0x22e: {  	v24 =	vsub.f32 $1.500000000e+00, v19;
	v32 =	vperm.xlane v29, v4;
	v19 =	vmul.f32 v30, v18  }
0x22f: {  	v30 =	vperm.xlane v26, v5;
	v18 =	vmul.f32 v27, v22;
	v31 =	vadd.f32 v25, v31  }
.Ltmp3:
0x230: {  	v22 =	vperm.xlane v28, v3;
	v29 =	vadd.f32 v29, v32;
	v20 =	vmul.f32 v19, v20;
	(pc) =	sbr.rel @p1 .LBB2_8-.Ltmp3, $4  }
0x231: {  	v26 =	vadd.f32 v30, v26;
	v32 =	vmul.f32 v18, v33;
	v30 =	vperm.xlane v31, v5  }
0x232: {  	v25 =	vadd.f32 v28, v22;
	v33 =	vperm.xlane v29, v5;
	v34 =	vmul.f32 v20, v19  }
0x233: {  	v27 =	vmul.f32 $6.250000000e-02, v26;
	v22 =	vmul.f32 v32, v18;
	v20 =	vadd.f32 v31, v30  }
0x234: {  	v28 =	vperm.xlane v25, v4;
	v29 =	vadd.f32 v29, v33;
	v26 =	vsub.f32 $1.500000000e+00, v34  }
0x235: {  	v14 =	vsub.f32 v14, v27;
	_ =	sdelay $0x1  }
0x236: {  	v27 =	vmul.f32 v14, v14;
	_ =	sdelay $0x1  }
0x237: {  	v30 =	vperm.xlane v27, v2;
	_ =	sdelay $0x1  }
0x238: {  	v27 =	vadd.f32 v27, v30;
	_ =	sdelay $0x1  }
0x239: {  	v30 =	vperm.xlane v27, v3;
	_ =	sdelay $0x1  }
0x23a: {  	v27 =	vadd.f32 v27, v30;
	_ =	sdelay $0x1  }
0x23b: {  	v30 =	vperm.xlane v27, v4  }
0x23c: {  	v25 =	vadd.f32 v25, v28  }
0x23d: {  	v17 =	vmul.f32 v23, v17;
	v27 =	vadd.f32 v27, v30  }
0x23e: {  	v20 =	vmul.f32 $6.250000000e-02, v20;
	v58 =	vperm.xlane v25, v5  }
0x23f: {  	v29 =	vmul.f32 $6.250000000e-02, v29;
	v31 =	vperm.xlane v27, v5  }
0x240: {  	v21 =	vmul.f32 v24, v21;
	v20 =	vadd.f32 $9.999999740e-06, v20;
	v25 =	vadd.f32 v25, v58  }
0x241: {  	v19 =	vmul.f32 v26, v19;
	v57 =	vadd.f32 $9.999999740e-06, v29;
	v27 =	vadd.f32 v27, v31  }
0x242: {  	v12 =	vmul.f32 v17, v12;
	v34 =	vshra.s32 v20, $0x1;
	v25 =	vmul.f32 $6.250000000e-02, v25  }
0x243: {  	v59 =	vshra.s32 v57, $0x1;
	v28 =	vmul.f32 $5.000000000e-01, v57;
	v27 =	vmul.f32 $6.250000000e-02, v27  }
0x244: {  	v20 =	vmul.f32 $5.000000000e-01, v20;
	v60 =	vsub.s32 $0x5F3759DF, v59;
	v62 =	vadd.f32 $9.999999740e-06, v25  }
0x245: {  	v61 =	vmul.f32 v60, v28;
	v63 =	vadd.f32 $9.999999740e-06, v27;
	v27 =	vsub.s32 $0x5F3759DF, v34  }
0x246: {  	v33 =	vshra.s32 v62, $0x1;
	v24 =	vmul.f32 $5.000000000e-01, v62;
	v36 =	vmul.f32 v27, v20  }
0x247: {  	v26 =	vsub.s32 $0x5F3759DF, v33;
	v35 =	vshra.s32 v63, $0x1;
	v25 =	vmul.f32 $5.000000000e-01, v63  }
0x248: {  	v32 =	vmul.f32 v26, v24;
	v30 =	vsub.s32 $0x5F3759DF, v35;
	v31 =	vmul.f32 v27, v36  }
0x249: {  	v22 =	vsub.f32 $1.500000000e+00, v22;
	v23 =	vmul.f32 v60, v61;
	v37 =	vmul.f32 v30, v25  }
0x24a: {  	v7 =	vmul.f32 v21, v7;
	v38 =	vmul.f32 v26, v32;
	v31 =	vsub.f32 $1.500000000e+00, v31  }
0x24b: {  	v18 =	vmul.f32 v22, v18;
	v23 =	vsub.f32 $1.500000000e+00, v23;
	v29 =	vmul.f32 v30, v37  }
0x24c: {  	v9 =	vmul.f32 v19, v9;
	v21 =	vsub.f32 $1.500000000e+00, v38;
	v40 =	vmul.f32 v27, v31  }
0x24d: {  	v12 =	vmul.f32 v12, v17;
	v23 =	vmul.f32 v60, v23;
	v29 =	vsub.f32 $1.500000000e+00, v29  }
0x24e: {  	v21 =	vmul.f32 v26, v21;
	v42 =	vmul.f32 v40, v20  }
0x24f: {  	v39 =	vmul.f32 v23, v28;
	v29 =	vmul.f32 v30, v29  }
0x250: {  	v45 =	vmul.f32 v21, v24;
	v26 =	vmul.f32 v42, v40  }
0x251: {  	v41 =	vmul.f32 v39, v23;
	v44 =	vmul.f32 v29, v25  }
0x252: {  	v7 =	vmul.f32 v7, v10;
	v47 =	vmul.f32 v45, v21;
	v26 =	vsub.f32 $1.500000000e+00, v26  }
0x253: {  	v12 =	vsub.f32 $1.500000000e+00, v12;
	v43 =	vsub.f32 $1.500000000e+00, v41;
	v46 =	vmul.f32 v44, v29  }
0x254: {  	v8 =	vmul.f32 v18, v8;
	v48 =	vsub.f32 $1.500000000e+00, v47;
	v19 =	vmul.f32 v26, v40  }
0x255: {  	v12 =	vmul.f32 v12, v17;
	v17 =	vmul.f32 v43, v23;
	v23 =	vsub.f32 $1.500000000e+00, v46  }
0x256: {  	v21 =	vmul.f32 v48, v21;
	v20 =	vmul.f32 v19, v20  }
0x257: {  	v49 =	vmul.f32 v17, v28;
	v23 =	vmul.f32 v23, v29  }
0x258: {  	v24 =	vmul.f32 v21, v24;
	v20 =	vmul.f32 v20, v19  }
0x259: {  	v50 =	vmul.f32 v49, v17;
	v25 =	vmul.f32 v23, v25  }
0x25a: {  	v9 =	vmul.f32 v9, v10;
	v54 =	vmul.f32 v24, v21;
	v53 =	vsub.f32 $1.500000000e+00, v20  }
0x25b: {  	v6 =	vmul.f32 v12, v6;
	v51 =	vsub.f32 $1.500000000e+00, v50;
	v52 =	vmul.f32 v25, v23  }
0x25c: {  	v8 =	vmul.f32 v8, v10;
	v56 =	vsub.f32 $1.500000000e+00, v54;
	v12 =	vmul.f32 v53, v19  }
0x25d: {  	v6 =	vmul.f32 v6, v10;
	v17 =	vmul.f32 v51, v17;
	v55 =	vsub.f32 $1.500000000e+00, v52  }
0x25e: {  	v7 =	vadd.f32 v7, v11;
	v58 =	vmul.f32 v56, v21;
	v12 =	vmul.f32 v12, v15  }
0x25f: {  	v9 =	vadd.f32 v9, v11;
	v16 =	vmul.f32 v17, v16;
	v57 =	vmul.f32 v55, v23  }
0x260: {  	[tilespmem:s0+$0x1920] =	vst v7;
	v6 =	vadd.f32 v6, v11;
	v61 =	vmul.f32 v58, v13;
	v60 =	vmul.f32 v12, v10  }
0x261: {  	v7 =	vadd.f32 v8, v11;
	[tilespmem:s0+$0x1930] =	vst v9;
	v59 =	vmul.f32 v16, v10;
	v14 =	vmul.f32 v57, v14  }
0x262: {  	[tilespmem:s0+$0x1900] =	vst v6;
	v63 =	vmul.f32 v61, v10;
	v6 =	vadd.f32 v60, v11  }
0x263: {  	[tilespmem:s0+$0x1910] =	vst v7;
	v7 =	vadd.f32 v59, v11;
	v62 =	vmul.f32 v14, v10  }
0x264: {  	[tilespmem:s2+$0x1930] =	vst v6;
	v6 =	vadd.f32 v63, v11  }
0x265: {  	[tilespmem:s2+$0x1920] =	vst v7;
	v7 =	vadd.f32 v62, v11  }
0x266: {  	[tilespmem:s2+$0x1900] =	vst v6  }
0x267: {  	s3 =	rddreg [dreg:$0x16];
	[tilespmem:s2+$0x1910] =	vst v7  }
0x268: {  	[hbm4b:s3+s6] =	stream.linear.scatter [tilespmem:s16], [sflag:$0x4], $0x100, $0x38;
	[tilespmem:$0x7760] =	vst v63  }
0x269: {  	_ =	swait.ge [sflag:s15], $0x100  }
0x26a: {  	[sflag:s15] =	ssyncset.done $0x0  }
0x26b: {  	s9 =	simm.s32 $0x7750;
	s14 =	simm.s32 $0x10;
	[sflag:s15] =	ssyncadd.s32 $0xFFFFFF00  }
0x26c: {  	[spmem:s4] =	stream.indirect.scatter.add.f32 [tilespmem:s16], [sflag:$0x4], $0x10, s9, s14, $0xb8;
	[tilespmem:$0x7760] =	vst v63  }
0x26d: {  	_ =	swait.ge [sflag:s15], $0x100  }
0x26e: {  	[sflag:s15] =	ssyncset.done $0x0  }
0x26f: {  	[sflag:s15] =	ssyncadd.s32 $0xFFFFFF00  }
0x270: {  	[spmem:s5] =	stream.indirect.scatter.add.f32 [tilespmem:s25], [sflag:$0x4], $0x10, s9, s14, $0xb8;
	[tilespmem:$0x7760] =	vst v63  }
0x271: {  	_ =	swait.ge [sflag:s15], $0x100  }
0x272: {  	[sflag:s15] =	ssyncset.done $0x0  }
0x273: {  	[sflag:s15] =	ssyncadd.s32 $0xFFFFFF00  }
0x274: {  	s23 =	stileid.u32;
	[bflag:$0x0] =	sbarrier.arrive $0xFFFF  }
0x275: {  	s0 =	sshll.u32 s23, $0x6;
	s23 =	rddreg [dreg:$0x19]  }
0x276: {  	s0 =	sor.u32 $0x1C04, s0;
	s3 =	rddreg [dreg:$0xb];
	s26 =	sshrl.u32 s23, $0x3  }
0x277: {  	[hbm:s3], [sflag:s0] =	dma.local [spmem:s26], $0x4E0  }
0x278: {  	_ =	swait.ge [sflag:s15], $0x4E0  }
0x279: {  	[sflag:s15] =	ssyncset.done $0x0;
	s14 =	rddreg [dreg:$0x18]  }
0x27a: {  	s26 =	rddreg [dreg:$0xc];
	[sflag:s15] =	ssyncadd.s32 $0xFFFFFB20;
	s9 =	sshrl.u32 s14, $0x3  }
0x27b: {  	[hbm:s26], [sflag:s0] =	dma.local [spmem:s9], $0x4E0  }
0x27c: {  	_ =	swait.ge [sflag:s15], $0x4E0  }
0x27d: {  	[sflag:s15] =	ssyncset.done $0x0  }
0x27e: {  	s2 =	sshrl.u32 @!p0 s29, $0x3;
	s3 =	rddreg [dreg:$0xd];
	[sflag:s15] =	ssyncadd.s32 $0xFFFFFB20  }
0x27f: {  	[hbm:s3], [sflag:s0] =	dma.local @!p0 [spmem:s2], $0x20  }
0x280: {  	s2 =	simm.s32 @!p0 $0x4  }
0x281: {  	_ =	swait.ge @!p0 [sflag:s2], $0x20  }
0x282: {  	[sflag:s2] =	ssyncset.done @!p0 $0x0  }
0x283: {  	s3 =	sshrl.u32 @!p0 s28, $0x3;
	s9 =	rddreg [dreg:$0xe];
	[sflag:s2] =	ssyncadd.s32 @!p0 $0xFFFFFFE0  }
0x284: {  	[hbm:s9], [sflag:s0] =	dma.local @!p0 [spmem:s3], $0x20  }
0x285: {  	_ =	swait.ge @!p0 [sflag:s2], $0x20  }
0x286: {  	s30 =	sadd.s32 $0x1, s30;
	s26 =	smov.u32 s29;
	s29 =	rddreg [dreg:$0x17]  }
0x287: {  	p1 =	sne.s32 s30, s29  }
.Ltmp4:
0x288: {  	_ = 	snop;
	(pc) =	sbr.rel @p1 .LBB2_1-.Ltmp4, $3  }
0x289: {  	_ =	sdelay $0x1  }
0x28a: {  	[sflag:s2] =	ssyncset.done @!p0 $0x0  }
0x28b: {  	s31 =	smov.u32 s28;
	[sflag:s2] =	ssyncadd.s32 @!p0 $0xFFFFFFE0  }
0x28c: {  	_ =	sfence.sel $0x180000  }
0x28d: {  	[bflag:$0x0] =	sbarrier.arrive $0xFFFF  }
0x28e: {  	_ =	strace $0x90000047  }
0x28f: {  	s0 =	stileid.u32;
	[bflag:$0x2] =	sbarrier.arrive $0xFFFF  }
0x290: {  	p0 =	sne.s32 s0, $0x0;
	s0 =	rddreg [dreg:$0x6]  }
0x291: {  	s0 =	sadd.s32 @!p0 $0x100000, s0  }
0x292: {  	[sflag:s0] =	ssyncadd.tile.s32 @!p0 $0x1;
	_ =	shalt  }
.Lfunc_end2:
_tile_overlayer_lowered:
.L_overlay_start_2:
0x293: {  	(tag) =	ssettag $0x2  }
0x294: {  	s0 =	rddreg [dreg:$0x0];
	s2 =	stileid.u32  }
0x295: {  	s1 =	rddreg [dreg:$0x1];
	p0 =	sne.s32 s2, $0x0  }
0x296: {  	s3 =	rddreg [dreg:$0x2];
	[bflag:$0x3] =	sbarrier.arrive $0xFFFF;
	s2 =	simm.s32 @!p0 $0x1C04  }
0x297: {  	[timem:s3], [sflag:s2] =	dma.local @!p0 [hbm:s0], s1  }
0x298: {  	s0 =	simm.s32 @!p0 $0x4  }
0x299: {  	_ =	swait.ge @!p0 [sflag:s0], s1  }
0x29a: {  	s1 =	ssub.s32 @!p0 $0x0, s1;
	[sflag:s0] =	ssyncset.done @!p0 $0x0  }
0x29b: {  	[sflag:s0] =	ssyncadd.s32 @!p0 s1  }
0x29c: {  	[bflag:$0x3] =	sbarrier.arrive $0xFFFF  }
0x29d: {  	_ =	shalt  }

</sc_bundles>
